<compile_context>
chip_gen: v7x
topology: tpu7x:2x2x1
jax: 0.10.2.dev20260603
libtpu: 0.0.44.dev20260713+nightly
codegen_flags: <defaults>
</compile_context>

<pallas_src>
import functools

import jax
import jax.numpy as jnp
from jax import lax
from jax.experimental import pallas as pl
from jax.experimental.pallas import tpu as pltpu
from jax.experimental.pallas import tpu_sc as plsc

N = 10000; E = 320000; B = 64; L = 128; DESC = 80; DM = 32; NH = 4; FF = 128; DF = 128; OUT = 128; EPS = 1e-5

NC = 2
NS = 16
CH = 128
NB = 4
NBS = 2
N_PAD = N + 8
NCHUNK = 2560
E_PAD = NCHUNK * CH
NIT = NCHUNK // NS
SB = 16
NSB = NIT // SB
ZR = 128
NPS = 624
DEGW = 16

def _sc_mesh():
    return plsc.VectorSubcoreMesh(core_axis_name="c", subcore_axis_name="s",
                                  num_cores=NC, num_subcores=NS)


def _node_chunk_copy(s, src_ref, dst_ref):
    nb = s * NPS
    pltpu.sync_copy(src_ref.at[pl.ds(nb, NPS)], dst_ref.at[pl.ds(nb, NPS)])
    @pl.when(s == NS - 1)
    def _():
        pltpu.sync_copy(src_ref.at[pl.ds(NS * NPS, N - NS * NPS)],
                        dst_ref.at[pl.ds(NS * NPS, N - NS * NPS)])


def _sc_deg_body(dst1, dst2, out1, out2, didx, ones, zeros, sem_s, acc):
    c = lax.axis_index("c")
    s = lax.axis_index("s")
    for r in range(CH):
        ones[r] = jnp.full((DEGW,), 1.0, jnp.float32)
    for r in range(ZR):
        zeros[r] = jnp.zeros((DEGW,), jnp.float32)

    def per_graph(dst, out):
        nb = s * NPS
        for t in range(4):
            pltpu.sync_copy(zeros, acc.at[pl.ds(nb + t * ZR, ZR)])
        pltpu.sync_copy(zeros.at[pl.ds(0, NPS - 4 * ZR)],
                        acc.at[pl.ds(nb + 4 * ZR, NPS - 4 * ZR)])
        @pl.when(s == NS - 1)
        def _():
            pltpu.sync_copy(zeros.at[pl.ds(0, N_PAD - NS * NPS)],
                            acc.at[pl.ds(NS * NPS, N_PAD - NS * NPS)])
        plsc.subcore_barrier()

        def blk(jb, carry):
            pltpu.sync_copy(dst.at[pl.ds(s * NIT + jb * SB, SB)], didx)
            for t in range(SB):
                b = t % NB
                if t >= NB:
                    pltpu.make_async_copy(ones, acc.at[didx.at[b]],
                                          sem_s.at[b]).wait()
                pltpu.async_copy(ones, acc.at[didx.at[t]], sem_s.at[b],
                                 add=True)
            for b in range(NB):
                pltpu.make_async_copy(ones, acc.at[didx.at[b]],
                                      sem_s.at[b]).wait()
            return carry

        lax.fori_loop(0, NSB, blk, 0)
        plsc.subcore_barrier()
        _node_chunk_copy(s, acc, out)

    @pl.when(c == 0)
    def _():
        per_graph(dst1, out1)

    @pl.when(c == 1)
    def _():
        per_graph(dst2, out2)


@jax.jit
def _sc_deg(dst1, dst2):
    return pl.kernel(
        _sc_deg_body,
        out_type=[jax.ShapeDtypeStruct((N, DEGW), jnp.float32),
                  jax.ShapeDtypeStruct((N, DEGW), jnp.float32)],
        mesh=_sc_mesh(),
        scratch_types=[
            pltpu.VMEM((SB, CH), jnp.int32),
            pltpu.VMEM((CH, DEGW), jnp.float32),
            pltpu.VMEM((ZR, DEGW), jnp.float32),
            pltpu.SemaphoreType.DMA((NB,)),
            pltpu.VMEM_SHARED((N_PAD, DEGW), jnp.float32),
        ],
    )(dst1, dst2)


def _sc_scatter_body(src1, dst1, src2, dst2, g1, g2, out1, out2,
                     sidx, didx, rows, sem_g, sem_s, acc):
    c = lax.axis_index("c")
    s = lax.axis_index("s")

    def per_graph(src, dst, g, out):
        _node_chunk_copy(s, g, acc)
        @pl.when(s == NS - 1)
        def _():
            pltpu.sync_copy(g.at[pl.ds(N, N_PAD - N)], acc.at[pl.ds(N, N_PAD - N)])
        plsc.subcore_barrier()

        def scat(t):
            b = t % NBS
            pltpu.make_async_copy(g.at[sidx.at[t]], rows.at[b],
                                  sem_g.at[b]).wait()
            pltpu.async_copy(rows.at[b], acc.at[didx.at[t]], sem_s.at[b],
                             add=True)

        def blk(jb, carry):
            pltpu.sync_copy(src.at[pl.ds(s * NIT + jb * SB, SB)], sidx)
            pltpu.sync_copy(dst.at[pl.ds(s * NIT + jb * SB, SB)], didx)
            for t in range(SB):
                b = t % NBS
                if t >= NBS:
                    pltpu.make_async_copy(rows.at[b], acc.at[didx.at[b]],
                                          sem_s.at[b]).wait()
                pltpu.async_copy(g.at[sidx.at[t]], rows.at[b], sem_g.at[b])
                if t >= 1:
                    scat(t - 1)
            scat(SB - 1)
            for b in range(NBS):
                pltpu.make_async_copy(rows.at[b], acc.at[didx.at[b]],
                                      sem_s.at[b]).wait()
            return carry

        lax.fori_loop(0, NSB, blk, 0)
        plsc.subcore_barrier()
        _node_chunk_copy(s, acc, out)

    @pl.when(c == 0)
    def _():
        per_graph(src1, dst1, g1, out1)

    @pl.when(c == 1)
    def _():
        per_graph(src2, dst2, g2, out2)


@jax.jit
def _sc_scatter(src1, dst1, src2, dst2, g1, g2):
    return pl.kernel(
        _sc_scatter_body,
        out_type=[jax.ShapeDtypeStruct((N, DF), jnp.float32),
                  jax.ShapeDtypeStruct((N, DF), jnp.float32)],
        mesh=_sc_mesh(),
        scratch_types=[
            pltpu.VMEM((SB, CH), jnp.int32),
            pltpu.VMEM((SB, CH), jnp.int32),
            pltpu.VMEM((NBS, CH, DF), jnp.float32),
            pltpu.SemaphoreType.DMA((NBS,)),
            pltpu.SemaphoreType.DMA((NBS,)),
            pltpu.VMEM_SHARED((N_PAD, DF), jnp.float32),
        ],
    )(src1, dst1, src2, dst2, g1, g2)


def _pad_edges(ei):
    pad = jnp.full((E_PAD - E,), N, jnp.int32)
    return (jnp.concatenate([ei[0], pad]).reshape(NCHUNK, CH),
            jnp.concatenate([ei[1], pad]).reshape(NCHUNK, CH))


RB = 1000
NRB = N // RB


def _conv_in_body(x1, W1, d1, x2, W2, d2, g1, g2):
    for x, W, d, g in ((x1, W1, d1, g1), (x2, W2, d2, g2)):
        dinv = jax.lax.rsqrt(d[...][:, :1] + 1.0)
        g[...] = (x[...] @ W[...].T) * dinv


@jax.jit
def _conv_in(x1, deg1, x2, deg2, p):
    blk = lambda c: pl.BlockSpec((RB, c), lambda i: (i, 0))
    full = lambda a: pl.BlockSpec(a.shape, lambda i: (0,) * a.ndim)
    return pl.pallas_call(
        _conv_in_body,
        grid=(NRB,),
        in_specs=[blk(DF), full(p['conv1_W']), blk(DEGW),
                  blk(DF), full(p['conv2_W']), blk(DEGW)],
        out_specs=[blk(DF), blk(DF)],
        out_shape=[jax.ShapeDtypeStruct((N, DF), jnp.float32),
                   jax.ShapeDtypeStruct((N, DF), jnp.float32)],
    )(x1, p['conv1_W'], deg1, x2, p['conv2_W'], deg2)


def _pool_body(s1, v1, b1, bat1, fW1, fb1, s2, v2, b2, bat2, fW2, fb2,
               o1, o2, acc1, cnt1, acc2, cnt2):
    i = pl.program_id(0)

    for s, v, b, bat, acc, cnt in ((s1, v1, b1, bat1, acc1, cnt1),
                                   (s2, v2, b2, bat2, acc2, cnt2)):
        y = s[...] * jax.lax.rsqrt(v[...][:, :1] + 1.0) + b[...]
        y = jnp.where(y > 0, y, 0.01 * y)
        onehot = bat[0]
        ps = onehot @ y
        pc = jnp.sum(onehot, axis=1, keepdims=True)
        @pl.when(i == 0)
        def _():
            acc[...] = ps
            cnt[...] = pc
        @pl.when(i > 0)
        def _():
            acc[...] += ps
            cnt[...] += pc

    @pl.when(i == NRB - 1)
    def _():
        for acc, cnt, fW, fb, o in ((acc1, cnt1, fW1, fb1, o1),
                                    (acc2, cnt2, fW2, fb2, o2)):
            pooled = acc[...] / jnp.maximum(cnt[...], 1.0)
            z = pooled @ fW[...].T + fb[...]
            o[...] = jnp.where(z > 0, z, 0.01 * z)


@jax.jit
def _pool_fc(s1, dinv1, bat1, s2, dinv2, bat2, p):
    blk = lambda c: pl.BlockSpec((RB, c), lambda i: (i, 0))
    bspec = pl.BlockSpec((1, B, RB), lambda i: (i, 0, 0))
    full = lambda a: pl.BlockSpec(a.shape, lambda i: (0,) * a.ndim)
    ospec = pl.BlockSpec((B, OUT), lambda i: (0, 0))
    iota_g = jnp.arange(B, dtype=jnp.int32)
    oh = lambda bat: (bat.reshape(NRB, 1, RB) == iota_g[None, :, None]
                      ).astype(jnp.float32)
    bat1_2d = oh(bat1)
    bat2_2d = oh(bat2)
    return pl.pallas_call(
        _pool_body,
        grid=(NRB,),
        in_specs=[blk(DF), blk(DEGW), full(p['conv1_b']), bspec,
                  full(p['fc1_W']), full(p['fc1_b']),
                  blk(DF), blk(DEGW), full(p['conv2_b']), bspec,
                  full(p['fc2_W']), full(p['fc2_b'])],
        out_specs=[ospec, ospec],
        out_shape=[jax.ShapeDtypeStruct((B, OUT), jnp.float32),
                   jax.ShapeDtypeStruct((B, OUT), jnp.float32)],
        scratch_shapes=[pltpu.VMEM((B, DF), jnp.float32),
                        pltpu.VMEM((B, 1), jnp.float32),
                        pltpu.VMEM((B, DF), jnp.float32),
                        pltpu.VMEM((B, 1), jnp.float32)],
    )(s1, dinv1, p['conv1_b'], bat1_2d, p['fc1_W'], p['fc1_b'],
      s2, dinv2, p['conv2_b'], bat2_2d, p['fc2_W'], p['fc2_b'])


def _gcn_pair(x1, ei1, x2, ei2, p):
    src1, dst1 = _pad_edges(ei1)
    src2, dst2 = _pad_edges(ei2)
    d1, d2 = _sc_deg(dst1, dst2)
    g1, g2 = _conv_in(x1, d1, x2, d2, p)
    zpad = jnp.zeros((N_PAD - N, DF), jnp.float32)
    s1, s2 = _sc_scatter(src1, dst1, src2, dst2,
                         jnp.concatenate([g1, zpad]),
                         jnp.concatenate([g2, zpad]))
    return s1, d1, s2, d2


_SEQ = 4 * L
_DH = DM // NH


def _xformer_body(m1s, m1f, m2s, m2f, redW, redb,
                  inW, inb, outW, outb, ln1g, ln1b,
                  ff1W, ff1b, ff2W, ff2b, ln2g, ln2b, o_ref):
    def ln(x, g, b):
        m = jnp.mean(x, axis=-1, keepdims=True)
        d = x - m
        v = jnp.mean(d * d, axis=-1, keepdims=True)
        return d * jax.lax.rsqrt(v + EPS) * g + b

    rw = redW[...]
    rb = redb[...]
    quads = []
    flags = ((1.0, 1.0), (0.0, 1.0), (1.0, 0.0), (0.0, 0.0))
    for mref, (f1, f2) in zip((m1s, m1f, m2s, m2f), flags):
        r = mref[0] @ rw.T + rb
        c1 = jnp.full((L, 1), f1, jnp.float32)
        c2 = jnp.full((L, 1), f2, jnp.float32)
        quads.append(jnp.concatenate([r, c1, c2], axis=1))
    x = jnp.concatenate(quads, axis=0)

    for l in range(2):
        qkv = x @ inW[l].T + inb[l]
        q = qkv[:, :DM]
        k = qkv[:, DM:2 * DM]
        v = qkv[:, 2 * DM:]
        row_head = jax.lax.broadcasted_iota(jnp.int32, (NH * _SEQ, DM), 0) // _SEQ
        col_head = jax.lax.broadcasted_iota(jnp.int32, (NH * _SEQ, DM), 1) // _DH
        mask = (row_head == col_head).astype(jnp.float32)
        qs = jnp.concatenate([q, q, q, q], axis=0) * mask
        s = (qs @ k.T) * (1.0 / (_DH ** 0.5))
        s = s - jnp.max(s, axis=-1, keepdims=True)
        e = jnp.exp(s)
        p = e / jnp.sum(e, axis=-1, keepdims=True)
        ov = p @ v * mask
        att = (ov[:_SEQ] + ov[_SEQ:2 * _SEQ] + ov[2 * _SEQ:3 * _SEQ]
               + ov[3 * _SEQ:])
        a = att @ outW[l].T + outb[l]
        x = ln(x + a, ln1g[l], ln1b[l])
        f = jnp.maximum(x @ ff1W[l].T + ff1b[l], 0.0) @ ff2W[l].T + ff2b[l]
        x = ln(x + f, ln2g[l], ln2b[l])

    o_ref[...] = (jnp.sum(x, axis=0) * (1.0 / _SEQ)).reshape(1, 1, DM)


@jax.jit
def _xformer(m1s, m1f, m2s, m2f, p):
    stk = lambda k: jnp.stack([p['l0_' + k], p['l1_' + k]])
    full = lambda a: pl.BlockSpec(a.shape, lambda b: (0,) * a.ndim)
    mspec = pl.BlockSpec((1, L, DESC), lambda b: (b, 0, 0))
    ws = [stk(k) for k in ('inW', 'inb', 'outW', 'outb', 'ln1g', 'ln1b',
                           'ff1W', 'ff1b', 'ff2W', 'ff2b', 'ln2g', 'ln2b')]
    return pl.pallas_call(
        _xformer_body,
        grid=(B,),
        in_specs=[mspec] * 4 + [full(p['red_W']), full(p['red_b'])]
                 + [full(w) for w in ws],
        out_specs=pl.BlockSpec((1, 1, DM), lambda b: (b, 0, 0)),
        out_shape=jax.ShapeDtypeStruct((B, 1, DM), jnp.float32),
    )(m1s, m1f, m2s, m2f, p['red_W'], p['red_b'], *ws)


def _global_mean_pool(x, batch, num_graphs):
    s = jax.ops.segment_sum(x, batch, num_segments=num_graphs)
    c = jax.ops.segment_sum(jnp.ones((x.shape[0],), x.dtype), batch, num_segments=num_graphs)
    return s / jnp.clip(c, 1.0)[:, None]


def _layer_norm(x, g, b):
    m = x.mean(-1, keepdims=True)
    v = ((x - m) ** 2).mean(-1, keepdims=True)
    return (x - m) / jnp.sqrt(v + EPS) * g + b


def _mha(x, inW, inb, outW, outb):
    S, Bb, d = x.shape
    qkv = x @ inW.T + inb
    q, k, v = jnp.split(qkv, 3, axis=-1)
    dh = d // NH
    def rs(t):
        return t.reshape(S, Bb, NH, dh).transpose(1, 2, 0, 3)
    q = rs(q); k = rs(k); v = rs(v)
    a = jax.nn.softmax(jnp.einsum('bhsd,bhtd->bhst', q, k) / jnp.sqrt(dh), axis=-1)
    o = jnp.einsum('bhst,bhtd->bhsd', a, v)
    o = o.transpose(2, 0, 1, 3).reshape(S, Bb, d)
    return o @ outW.T + outb


def _encoder_layer(x, p, i):
    a = _mha(x, p['l%d_inW' % i], p['l%d_inb' % i], p['l%d_outW' % i], p['l%d_outb' % i])
    x = _layer_norm(x + a, p['l%d_ln1g' % i], p['l%d_ln1b' % i])
    f = jax.nn.relu(x @ p['l%d_ff1W' % i].T + p['l%d_ff1b' % i]) @ p['l%d_ff2W' % i].T + p['l%d_ff2b' % i]
    x = _layer_norm(x + f, p['l%d_ln2g' % i], p['l%d_ln2b' % i])
    return x


def _final_kernel(c_ref, w_ref, b_ref, o_ref):
    prod = c_ref[...] * w_ref[...]
    o_ref[...] = jnp.sum(prod, axis=1) + b_ref[0]


def kernel(pro1_x, pro1_edge_index, pro1_batch, pro2_x, pro2_edge_index, pro2_batch, mas1_straight, mas1_flipped, mas2_straight, mas2_flipped, params):
    p = params
    s1, dinv1, s2, dinv2 = _gcn_pair(pro1_x, pro1_edge_index,
                                     pro2_x, pro2_edge_index, p)
    x, xt = _pool_fc(s1, dinv1, pro1_batch, s2, dinv2, pro2_batch, p)
    mas_out = _xformer(mas1_straight, mas1_flipped, mas2_straight,
                       mas2_flipped, p)[:, 0, :]
    combined = jnp.concatenate([x, xt, mas_out], axis=1)
    out = pl.pallas_call(
        _final_kernel,
        out_shape=jax.ShapeDtypeStruct((B,), jnp.float32),
    )(combined, p['final_W'], p['final_b'])
    return out[:, None]

# --- scband reference (transcript-rebuilt; emitter-appended) ---
"""Pipeline reference for scband-gcnn-mutual-attention-26688926777487 (READ-ONLY COPY).

The authoritative reference and input builder live on the scoring server;
editing this copy changes nothing except your own understanding.
"""

import jax, jax.numpy as jnp
import numpy as np

N = 10000; E = 320000; B = 64; L = 128; DESC = 80; DM = 32; NH = 4; FF = 128; DF = 128; OUT = 128; EPS = 1e-5


def gcn_conv(x, edge_index, W, b):
    n = x.shape[0]
    h = x @ W.T
    src = edge_index[0]; dst = edge_index[1]
    loop = jnp.arange(n, dtype=src.dtype)
    src = jnp.concatenate([src, loop]); dst = jnp.concatenate([dst, loop])
    deg = jnp.zeros((n,), dtype=x.dtype).at[dst].add(1.0)
    dinv = jnp.where(deg > 0, deg ** -0.5, 0.0)
    norm = dinv[src] * dinv[dst]
    msg = h[src] * norm[:, None]
    out = jnp.zeros_like(h).at[dst].add(msg)
    return out + b


def global_mean_pool(x, batch, num_graphs):
    s = jax.ops.segment_sum(x, batch, num_segments=num_graphs)
    c = jax.ops.segment_sum(jnp.ones((x.shape[0],), x.dtype), batch, num_segments=num_graphs)
    return s / jnp.clip(c, 1.0)[:, None]


def layer_norm(x, g, b):
    m = x.mean(-1, keepdims=True)
    v = ((x - m) ** 2).mean(-1, keepdims=True)
    return (x - m) / jnp.sqrt(v + EPS) * g + b


def mha(x, inW, inb, outW, outb):
    S, Bb, d = x.shape
    qkv = x @ inW.T + inb
    q, k, v = jnp.split(qkv, 3, axis=-1)
    dh = d // NH
    def rs(t):
        return t.reshape(S, Bb, NH, dh).transpose(1, 2, 0, 3)
    q = rs(q); k = rs(k); v = rs(v)
    a = jax.nn.softmax(jnp.einsum('bhsd,bhtd->bhst', q, k) / jnp.sqrt(dh), axis=-1)
    o = jnp.einsum('bhst,bhtd->bhsd', a, v)
    o = o.transpose(2, 0, 1, 3).reshape(S, Bb, d)
    return o @ outW.T + outb


def encoder_layer(x, p, i):
    a = mha(x, p['l%d_inW' % i], p['l%d_inb' % i], p['l%d_outW' % i], p['l%d_outb' % i])
    x = layer_norm(x + a, p['l%d_ln1g' % i], p['l%d_ln1b' % i])
    f = jax.nn.relu(x @ p['l%d_ff1W' % i].T + p['l%d_ff1b' % i]) @ p['l%d_ff2W' % i].T + p['l%d_ff2b' % i]
    x = layer_norm(x + f, p['l%d_ln2g' % i], p['l%d_ln2b' % i])
    return x


def forward_fn(pro1_x, pro2_x, m1s, m1f, m2s, m2f, params, pro1_ei, pro1_b, pro2_ei, pro2_b):
    lrelu = lambda t: jax.nn.leaky_relu(t, 0.01)
    x = lrelu(gcn_conv(pro1_x, pro1_ei, params['conv1_W'], params['conv1_b']))
    x = global_mean_pool(x, pro1_b, B)
    x = lrelu(x @ params['fc1_W'].T + params['fc1_b'])
    xt = lrelu(gcn_conv(pro2_x, pro2_ei, params['conv2_W'], params['conv2_b']))
    xt = global_mean_pool(xt, pro2_b, B)
    xt = lrelu(xt @ params['fc2_W'].T + params['fc2_b'])
    ones = jnp.ones((B, L, 1), jnp.float32)
    zeros = jnp.zeros((B, L, 1), jnp.float32)
    red = lambda m: m @ params['red_W'].T + params['red_b']
    m1s = jnp.concatenate([red(m1s), ones, ones], axis=-1)
    m1f = jnp.concatenate([red(m1f), zeros, ones], axis=-1)
    m2s = jnp.concatenate([red(m2s), ones, zeros], axis=-1)
    m2f = jnp.concatenate([red(m2f), zeros, zeros], axis=-1)
    mas = jnp.concatenate([m1s, m1f, m2s, m2f], axis=1).transpose(1, 0, 2)
    for i in range(2):
        mas = encoder_layer(mas, params, i)
    mas_out = mas.mean(axis=0)
    combined = jnp.concatenate([x, xt, mas_out], axis=1)
    return combined @ params['final_W'].T + params['final_b']


def setup_inputs(seed: int = 0):
    key = jax.random.key(seed)
    ks = jax.random.split(key, 64)
    inp = {}
    inp['pro1_x'] = jax.random.normal(ks[0], (N, DF), dtype=jnp.float32)
    inp['pro1_edge_index'] = jax.random.randint(ks[1], (2, E), 0, N, dtype=jnp.int32)
    inp['pro1_batch'] = jnp.sort(jax.random.randint(ks[2], (N,), 0, B, dtype=jnp.int32))
    inp['pro2_x'] = jax.random.normal(ks[3], (N, DF), dtype=jnp.float32)
    inp['pro2_edge_index'] = jax.random.randint(ks[4], (2, E), 0, N, dtype=jnp.int32)
    inp['pro2_batch'] = jnp.sort(jax.random.randint(ks[5], (N,), 0, B, dtype=jnp.int32))
    inp['mas1_straight'] = jax.random.normal(ks[6], (B, L, DESC), dtype=jnp.float32)
    inp['mas1_flipped'] = jax.random.normal(ks[7], (B, L, DESC), dtype=jnp.float32)
    inp['mas2_straight'] = jax.random.normal(ks[8], (B, L, DESC), dtype=jnp.float32)
    inp['mas2_flipped'] = jax.random.normal(ks[9], (B, L, DESC), dtype=jnp.float32)
    idx = [10]
    def rn(shape):
        idx[0] += 1
        return jax.random.normal(ks[idx[0]], shape, dtype=jnp.float32) * 0.05
    p = {}
    p['conv1_W'] = rn((DF, DF)); p['conv1_b'] = jnp.zeros((DF,), jnp.float32)
    p['conv2_W'] = rn((DF, DF)); p['conv2_b'] = jnp.zeros((DF,), jnp.float32)
    p['fc1_W'] = rn((OUT, DF)); p['fc1_b'] = jnp.zeros((OUT,), jnp.float32)
    p['fc2_W'] = rn((OUT, DF)); p['fc2_b'] = jnp.zeros((OUT,), jnp.float32)
    p['red_W'] = rn((DM - 2, DESC)); p['red_b'] = jnp.zeros((DM - 2,), jnp.float32)
    for l in range(2):
        p['l%d_inW' % l] = rn((3 * DM, DM)); p['l%d_inb' % l] = jnp.zeros((3 * DM,), jnp.float32)
        p['l%d_outW' % l] = rn((DM, DM)); p['l%d_outb' % l] = jnp.zeros((DM,), jnp.float32)
        p['l%d_ln1g' % l] = jnp.ones((DM,), jnp.float32); p['l%d_ln1b' % l] = jnp.zeros((DM,), jnp.float32)
        p['l%d_ff1W' % l] = rn((FF, DM)); p['l%d_ff1b' % l] = jnp.zeros((FF,), jnp.float32)
        p['l%d_ff2W' % l] = rn((DM, FF)); p['l%d_ff2b' % l] = jnp.zeros((DM,), jnp.float32)
        p['l%d_ln2g' % l] = jnp.ones((DM,), jnp.float32); p['l%d_ln2b' % l] = jnp.zeros((DM,), jnp.float32)
    p['final_W'] = rn((1, 2 * OUT + DM)); p['final_b'] = jnp.zeros((1,), jnp.float32)
    inp['params'] = p
    return inp


def reference(pro1_x, pro1_edge_index, pro1_batch, pro2_x, pro2_edge_index, pro2_batch, mas1_straight, mas1_flipped, mas2_straight, mas2_flipped, params):
    return forward_fn(pro1_x, pro2_x, mas1_straight, mas1_flipped, mas2_straight, mas2_flipped, params, pro1_edge_index, pro1_batch, pro2_edge_index, pro2_batch)

if __name__ == "__main__":
    import jax
    _d = setup_inputs()
    print(jax.jit(kernel)(*tuple(_d.values())))

</pallas_src>

<mosaic_0001>
#map = affine_map<(d0, d1) -> (0, 0)>
module attributes {stable_mosaic.version = 14 : i64} {
  func.func @_sc_deg_body(%arg0: i32, %arg1: i32, %arg2: memref<2560x128xi32, #tpu.memory_space<hbm>>, %arg3: memref<2560x128xi32, #tpu.memory_space<hbm>>, %arg4: memref<10000x16xf32, #tpu.memory_space<hbm>>, %arg5: memref<10000x16xf32, #tpu.memory_space<hbm>>, %arg6: memref<16x128xi32, #tpu.memory_space<vmem>>, %arg7: memref<128x16xf32, #tpu.memory_space<vmem>>, %arg8: memref<128x16xf32, #tpu.memory_space<vmem>>, %arg9: memref<4x!tpu.dma_semaphore, #tpu.memory_space<semaphore_mem>>, %arg10: memref<10008x16xf32, #tpu.memory_space<vmem_shared>>) attributes {dimension_semantics = [#tpu.dimension_semantics<core_parallel>, #tpu.dimension_semantics<subcore_parallel>], iteration_bounds = array<i64: 2, 16>, scalar_prefetch = 0 : i64, scratch_operands = 5 : i64, tpu.core_type = #tpu.core_type<sc_vector_subcore>, window_params = [{transform_indices = #map}, {transform_indices = #map}, {transform_indices = #map}, {transform_indices = #map}]} {
    %broadcast_in_dim3A = arith.constant 1.000000e+00 : f32
    %broadcast_in_dim3A_0 = vector.broadcast %broadcast_in_dim3A : f32 to vector<16xf32>
    %swap3A = arith.constant 0 : i32
    %swap3A_1 = arith.index_cast %swap3A : i32 to index
    %swap3A_2 = arith.constant 0 : index
    %swap3A_3 = tpu.vector_load %arg7[%swap3A_1, %swap3A_2] {strides = array<i32>} : memref<128x16xf32, #tpu.memory_space<vmem>>, vector<1x16xf32>,
    %swap3A_4 = vector.shape_cast %swap3A_3 : vector<1x16xf32> to vector<16xf32>
    %swap3A_5 = vector.shape_cast %broadcast_in_dim3A_0 : vector<16xf32> to vector<1x16xf32>
    tpu.vector_store %arg7[%swap3A_1, %swap3A_2], %swap3A_5 {strides = array<i32>} : memref<128x16xf32, #tpu.memory_space<vmem>>, vector<1x16xf32>,
    %broadcast_in_dim3A_6 = arith.constant 1.000000e+00 : f32
    %broadcast_in_dim3A_7 = vector.broadcast %broadcast_in_dim3A_6 : f32 to vector<16xf32>
    %swap3A_8 = arith.constant 1 : i32
    %swap3A_9 = arith.index_cast %swap3A_8 : i32 to index
    %swap3A_10 = arith.constant 0 : index
    %swap3A_11 = tpu.vector_load %arg7[%swap3A_9, %swap3A_10] {strides = array<i32>} : memref<128x16xf32, #tpu.memory_space<vmem>>, vector<1x16xf32>,
    %swap3A_12 = vector.shape_cast %swap3A_11 : vector<1x16xf32> to vector<16xf32>
    %swap3A_13 = vector.shape_cast %broadcast_in_dim3A_7 : vector<16xf32> to vector<1x16xf32>
    tpu.vector_store %arg7[%swap3A_9, %swap3A_10], %swap3A_13 {strides = array<i32>} : memref<128x16xf32, #tpu.memory_space<vmem>>, vector<1x16xf32>,
    %broadcast_in_dim3A_14 = arith.constant 1.000000e+00 : f32
    %broadcast_in_dim3A_15 = vector.broadcast %broadcast_in_dim3A_14 : f32 to vector<16xf32>
    %swap3A_16 = arith.constant 2 : i32
    %swap3A_17 = arith.index_cast %swap3A_16 : i32 to index
    %swap3A_18 = arith.constant 0 : index
    %swap3A_19 = tpu.vector_load %arg7[%swap3A_17, %swap3A_18] {strides = array<i32>} : memref<128x16xf32, #tpu.memory_space<vmem>>, vector<1x16xf32>,
    %swap3A_20 = vector.shape_cast %swap3A_19 : vector<1x16xf32> to vector<16xf32>
    %swap3A_21 = vector.shape_cast %broadcast_in_dim3A_15 : vector<16xf32> to vector<1x16xf32>
    tpu.vector_store %arg7[%swap3A_17, %swap3A_18], %swap3A_21 {strides = array<i32>} : memref<128x16xf32, #tpu.memory_space<vmem>>, vector<1x16xf32>,
    %broadcast_in_dim3A_22 = arith.constant 1.000000e+00 : f32
    %broadcast_in_dim3A_23 = vector.broadcast %broadcast_in_dim3A_22 : f32 to vector<16xf32>
    %swap3A_24 = arith.constant 3 : i32
    %swap3A_25 = arith.index_cast %swap3A_24 : i32 to index
    %swap3A_26 = arith.constant 0 : index
    %swap3A_27 = tpu.vector_load %arg7[%swap3A_25, %swap3A_26] {strides = array<i32>} : memref<128x16xf32, #tpu.memory_space<vmem>>, vector<1x16xf32>,
    %swap3A_28 = vector.shape_cast %swap3A_27 : vector<1x16xf32> to vector<16xf32>
    %swap3A_29 = vector.shape_cast %broadcast_in_dim3A_23 : vector<16xf32> to vector<1x16xf32>
    tpu.vector_store %arg7[%swap3A_25, %swap3A_26], %swap3A_29 {strides = array<i32>} : memref<128x16xf32, #tpu.memory_space<vmem>>, vector<1x16xf32>,
    %broadcast_in_dim3A_30 = arith.constant 1.000000e+00 : f32
    %broadcast_in_dim3A_31 = vector.broadcast %broadcast_in_dim3A_30 : f32 to vector<16xf32>
    %swap3A_32 = arith.constant 4 : i32
    %swap3A_33 = arith.index_cast %swap3A_32 : i32 to index
    %swap3A_34 = arith.constant 0 : index
    %swap3A_35 = tpu.vector_load %arg7[%swap3A_33, %swap3A_34] {strides = array<i32>} : memref<128x16xf32, #tpu.memory_space<vmem>>, vector<1x16xf32>,
    %swap3A_36 = vector.shape_cast %swap3A_35 : vector<1x16xf32> to vector<16xf32>
    %swap3A_37 = vector.shape_cast %broadcast_in_dim3A_31 : vector<16xf32> to vector<1x16xf32>
    tpu.vector_store %arg7[%swap3A_33, %swap3A_34], %swap3A_37 {strides = array<i32>} : memref<128x16xf32, #tpu.memory_space<vmem>>, vector<1x16xf32>,
    %broadcast_in_dim3A_38 = arith.constant 1.000000e+00 : f32
    %broadcast_in_dim3A_39 = vector.broadcast %broadcast_in_dim3A_38 : f32 to vector<16xf32>
    %swap3A_40 = arith.constant 5 : i32
    %swap3A_41 = arith.index_cast %swap3A_40 : i32 to index
    %swap3A_42 = arith.constant 0 : index
    %swap3A_43 = tpu.vector_load %arg7[%swap3A_41, %swap3A_42] {strides = array<i32>} : memref<128x16xf32, #tpu.memory_space<vmem>>, vector<1x16xf32>,
    %swap3A_44 = vector.shape_cast %swap3A_43 : vector<1x16xf32> to vector<16xf32>
    %swap3A_45 = vector.shape_cast %broadcast_in_dim3A_39 : vector<16xf32> to vector<1x16xf32>
    tpu.vector_store %arg7[%swap3A_41, %swap3A_42], %swap3A_45 {strides = array<i32>} : memref<128x16xf32, #tpu.memory_space<vmem>>, vector<1x16xf32>,
    %broadcast_in_dim3A_46 = arith.constant 1.000000e+00 : f32
    %broadcast_in_dim3A_47 = vector.broadcast %broadcast_in_dim3A_46 : f32 to vector<16xf32>
    %swap3A_48 = arith.constant 6 : i32
    %swap3A_49 = arith.index_cast %swap3A_48 : i32 to index
    %swap3A_50 = arith.constant 0 : index
    %swap3A_51 = tpu.vector_load %arg7[%swap3A_49, %swap3A_50] {strides = array<i32>} : memref<128x16xf32, #tpu.memory_space<vmem>>, vector<1x16xf32>,
    %swap3A_52 = vector.shape_cast %swap3A_51 : vector<1x16xf32> to vector<16xf32>
    %swap3A_53 = vector.shape_cast %broadcast_in_dim3A_47 : vector<16xf32> to vector<1x16xf32>
    tpu.vector_store %arg7[%swap3A_49, %swap3A_50], %swap3A_53 {strides = array<i32>} : memref<128x16xf32, #tpu.memory_space<vmem>>, vector<1x16xf32>,
    %broadcast_in_dim3A_54 = arith.constant 1.000000e+00 : f32
    %broadcast_in_dim3A_55 = vector.broadcast %broadcast_in_dim3A_54 : f32 to vector<16xf32>
    %swap3A_56 = arith.constant 7 : i32
    %swap3A_57 = arith.index_cast %swap3A_56 : i32 to index
    %swap3A_58 = arith.constant 0 : index
    %swap3A_59 = tpu.vector_load %arg7[%swap3A_57, %swap3A_58] {strides = array<i32>} : memref<128x16xf32, #tpu.memory_space<vmem>>, vector<1x16xf32>,
    %swap3A_60 = vector.shape_cast %swap3A_59 : vector<1x16xf32> to vector<16xf32>
    %swap3A_61 = vector.shape_cast %broadcast_in_dim3A_55 : vector<16xf32> to vector<1x16xf32>
    tpu.vector_store %arg7[%swap3A_57, %swap3A_58], %swap3A_61 {strides = array<i32>} : memref<128x16xf32, #tpu.memory_space<vmem>>, vector<1x16xf32>,
    %broadcast_in_dim3A_62 = arith.constant 1.000000e+00 : f32
    %broadcast_in_dim3A_63 = vector.broadcast %broadcast_in_dim3A_62 : f32 to vector<16xf32>
    %swap3A_64 = arith.constant 8 : i32
    %swap3A_65 = arith.index_cast %swap3A_64 : i32 to index
    %swap3A_66 = arith.constant 0 : index
    %swap3A_67 = tpu.vector_load %arg7[%swap3A_65, %swap3A_66] {strides = array<i32>} : memref<128x16xf32, #tpu.memory_space<vmem>>, vector<1x16xf32>,
    %swap3A_68 = vector.shape_cast %swap3A_67 : vector<1x16xf32> to vector<16xf32>
    %swap3A_69 = vector.shape_cast %broadcast_in_dim3A_63 : vector<16xf32> to vector<1x16xf32>
    tpu.vector_store %arg7[%swap3A_65, %swap3A_66], %swap3A_69 {strides = array<i32>} : memref<128x16xf32, #tpu.memory_space<vmem>>, vector<1x16xf32>,
    %broadcast_in_dim3A_70 = arith.constant 1.000000e+00 : f32
    %broadcast_in_dim3A_71 = vector.broadcast %broadcast_in_dim3A_70 : f32 to vector<16xf32>
    %swap3A_72 = arith.constant 9 : i32
    %swap3A_73 = arith.index_cast %swap3A_72 : i32 to index
    %swap3A_74 = arith.constant 0 : index
    %swap3A_75 = tpu.vector_load %arg7[%swap3A_73, %swap3A_74] {strides = array<i32>} : memref<128x16xf32, #tpu.memory_space<vmem>>, vector<1x16xf32>,
    %swap3A_76 = vector.shape_cast %swap3A_75 : vector<1x16xf32> to vector<16xf32>
    %swap3A_77 = vector.shape_cast %broadcast_in_dim3A_71 : vector<16xf32> to vector<1x16xf32>
    tpu.vector_store %arg7[%swap3A_73, %swap3A_74], %swap3A_77 {strides = array<i32>} : memref<128x16xf32, #tpu.memory_space<vmem>>, vector<1x16xf32>,
    %broadcast_in_dim3A_78 = arith.constant 1.000000e+00 : f32
    %broadcast_in_dim3A_79 = vector.broadcast %broadcast_in_dim3A_78 : f32 to vector<16xf32>
    %swap3A_80 = arith.constant 10 : i32
    %swap3A_81 = arith.index_cast %swap3A_80 : i32 to index
    %swap3A_82 = arith.constant 0 : index
    %swap3A_83 = tpu.vector_load %arg7[%swap3A_81, %swap3A_82] {strides = array<i32>} : memref<128x16xf32, #tpu.memory_space<vmem>>, vector<1x16xf32>,
    %swap3A_84 = vector.shape_cast %swap3A_83 : vector<1x16xf32> to vector<16xf32>
    %swap3A_85 = vector.shape_cast %broadcast_in_dim3A_79 : vector<16xf32> to vector<1x16xf32>
    tpu.vector_store %arg7[%swap3A_81, %swap3A_82], %swap3A_85 {strides = array<i32>} : memref<128x16xf32, #tpu.memory_space<vmem>>, vector<1x16xf32>,
    %broadcast_in_dim3A_86 = arith.constant 1.000000e+00 : f32
    %broadcast_in_dim3A_87 = vector.broadcast %broadcast_in_dim3A_86 : f32 to vector<16xf32>
    %swap3A_88 = arith.constant 11 : i32
    %swap3A_89 = arith.index_cast %swap3A_88 : i32 to index
    %swap3A_90 = arith.constant 0 : index
    %swap3A_91 = tpu.vector_load %arg7[%swap3A_89, %swap3A_90] {strides = array<i32>} : memref<128x16xf32, #tpu.memory_space<vmem>>, vector<1x16xf32>,
    %swap3A_92 = vector.shape_cast %swap3A_91 : vector<1x16xf32> to vector<16xf32>
    %swap3A_93 = vector.shape_cast %broadcast_in_dim3A_87 : vector<16xf32> to vector<1x16xf32>
    tpu.vector_store %arg7[%swap3A_89, %swap3A_90], %swap3A_93 {strides = array<i32>} : memref<128x16xf32, #tpu.memory_space<vmem>>, vector<1x16xf32>,
    %broadcast_in_dim3A_94 = arith.constant 1.000000e+00 : f32
    %broadcast_in_dim3A_95 = vector.broadcast %broadcast_in_dim3A_94 : f32 to vector<16xf32>
    %swap3A_96 = arith.constant 12 : i32
    %swap3A_97 = arith.index_cast %swap3A_96 : i32 to index
    %swap3A_98 = arith.constant 0 : index
    %swap3A_99 = tpu.vector_load %arg7[%swap3A_97, %swap3A_98] {strides = array<i32>} : memref<128x16xf32, #tpu.memory_space<vmem>>, vector<1x16xf32>,
    %swap3A_100 = vector.shape_cast %swap3A_99 : vector<1x16xf32> to vector<16xf32>
    %swap3A_101 = vector.shape_cast %broadcast_in_dim3A_95 : vector<16xf32> to vector<1x16xf32>
    tpu.vector_store %arg7[%swap3A_97, %swap3A_98], %swap3A_101 {strides = array<i32>} : memref<128x16xf32, #tpu.memory_space<vmem>>, vector<1x16xf32>,
    %broadcast_in_dim3A_102 = arith.constant 1.000000e+00 : f32
    %broadcast_in_dim3A_103 = vector.broadcast %broadcast_in_dim3A_102 : f32 to vector<16xf32>
    %swap3A_104 = arith.constant 13 : i32
    %swap3A_105 = arith.index_cast %swap3A_104 : i32 to index
    %swap3A_106 = arith.constant 0 : index
    %swap3A_107 = tpu.vector_load %arg7[%swap3A_105, %swap3A_106] {strides = array<i32>} : memref<128x16xf32, #tpu.memory_space<vmem>>, vector<1x16xf32>,
    %swap3A_108 = vector.shape_cast %swap3A_107 : vector<1x16xf32> to vector<16xf32>
    %swap3A_109 = vector.shape_cast %broadcast_in_dim3A_103 : vector<16xf32> to vector<1x16xf32>
    tpu.vector_store %arg7[%swap3A_105, %swap3A_106], %swap3A_109 {strides = array<i32>} : memref<128x16xf32, #tpu.memory_space<vmem>>, vector<1x16xf32>,
    %broadcast_in_dim3A_110 = arith.constant 1.000000e+00 : f32
    %broadcast_in_dim3A_111 = vector.broadcast %broadcast_in_dim3A_110 : f32 to vector<16xf32>
    %swap3A_112 = arith.constant 14 : i32
    %swap3A_113 = arith.index_cast %swap3A_112 : i32 to index
    %swap3A_114 = arith.constant 0 : index
    %swap3A_115 = tpu.vector_load %arg7[%swap3A_113, %swap3A_114] {strides = array<i32>} : memref<128x16xf32, #tpu.memory_space<vmem>>, vector<1x16xf32>,
    %swap3A_116 = vector.shape_cast %swap3A_115 : vector<1x16xf32> to vector<16xf32>
    %swap3A_117 = vector.shape_cast %broadcast_in_dim3A_111 : vector<16xf32> to vector<1x16xf32>
    tpu.vector_store %arg7[%swap3A_113, %swap3A_114], %swap3A_117 {strides = array<i32>} : memref<128x16xf32, #tpu.memory_space<vmem>>, vector<1x16xf32>,
    %broadcast_in_dim3A_118 = arith.constant 1.000000e+00 : f32
    %broadcast_in_dim3A_119 = vector.broadcast %broadcast_in_dim3A_118 : f32 to vector<16xf32>
    %swap3A_120 = arith.constant 15 : i32
    %swap3A_121 = arith.index_cast %swap3A_120 : i32 to index
    %swap3A_122 = arith.constant 0 : index
    %swap3A_123 = tpu.vector_load %arg7[%swap3A_121, %swap3A_122] {strides = array<i32>} : memref<128x16xf32, #tpu.memory_space<vmem>>, vector<1x16xf32>,
    %swap3A_124 = vector.shape_cast %swap3A_123 : vector<1x16xf32> to vector<16xf32>
    %swap3A_125 = vector.shape_cast %broadcast_in_dim3A_119 : vector<16xf32> to vector<1x16xf32>
    tpu.vector_store %arg7[%swap3A_121, %swap3A_122], %swap3A_125 {strides = array<i32>} : memref<128x16xf32, #tpu.memory_space<vmem>>, vector<1x16xf32>,
    %broadcast_in_dim3A_126 = arith.constant 1.000000e+00 : f32
    %broadcast_in_dim3A_127 = vector.broadcast %broadcast_in_dim3A_126 : f32 to vector<16xf32>
    %swap3A_128 = arith.constant 16 : i32
    %swap3A_129 = arith.index_cast %swap3A_128 : i32 to index
    %swap3A_130 = arith.constant 0 : index
    %swap3A_131 = tpu.vector_load %arg7[%swap3A_129, %swap3A_130] {strides = array<i32>} : memref<128x16xf32, #tpu.memory_space<vmem>>, vector<1x16xf32>,
    %swap3A_132 = vector.shape_cast %swap3A_131 : vector<1x16xf32> to vector<16xf32>
    %swap3A_133 = vector.shape_cast %broadcast_in_dim3A_127 : vector<16xf32> to vector<1x16xf32>
    tpu.vector_store %arg7[%swap3A_129, %swap3A_130], %swap3A_133 {strides = array<i32>} : memref<128x16xf32, #tpu.memory_space<vmem>>, vector<1x16xf32>,
    %broadcast_in_dim3A_134 = arith.constant 1.000000e+00 : f32
    %broadcast_in_dim3A_135 = vector.broadcast %broadcast_in_dim3A_134 : f32 to vector<16xf32>
    %swap3A_136 = arith.constant 17 : i32
    %swap3A_137 = arith.index_cast %swap3A_136 : i32 to index
    %swap3A_138 = arith.constant 0 : index
    %swap3A_139 = tpu.vector_load %arg7[%swap3A_137, %swap3A_138] {strides = array<i32>} : memref<128x16xf32, #tpu.memory_space<vmem>>, vector<1x16xf32>,
    %swap3A_140 = vector.shape_cast %swap3A_139 : vector<1x16xf32> to vector<16xf32>
    %swap3A_141 = vector.shape_cast %broadcast_in_dim3A_135 : vector<16xf32> to vector<1x16xf32>
    tpu.vector_store %arg7[%swap3A_137, %swap3A_138], %swap3A_141 {strides = array<i32>} : memref<128x16xf32, #tpu.memory_space<vmem>>, vector<1x16xf32>,
    %broadcast_in_dim3A_142 = arith.constant 1.000000e+00 : f32
    %broadcast_in_dim3A_143 = vector.broadcast %broadcast_in_dim3A_142 : f32 to vector<16xf32>
    %swap3A_144 = arith.constant 18 : i32
    %swap3A_145 = arith.index_cast %swap3A_144 : i32 to index
    %swap3A_146 = arith.constant 0 : index
    %swap3A_147 = tpu.vector_load %arg7[%swap3A_145, %swap3A_146] {strides = array<i32>} : memref<128x16xf32, #tpu.memory_space<vmem>>, vector<1x16xf32>,
    %swap3A_148 = vector.shape_cast %swap3A_147 : vector<1x16xf32> to vector<16xf32>
    %swap3A_149 = vector.shape_cast %broadcast_in_dim3A_143 : vector<16xf32> to vector<1x16xf32>
    tpu.vector_store %arg7[%swap3A_145, %swap3A_146], %swap3A_149 {strides = array<i32>} : memref<128x16xf32, #tpu.memory_space<vmem>>, vector<1x16xf32>,
    %broadcast_in_dim3A_150 = arith.constant 1.000000e+00 : f32
    %broadcast_in_dim3A_151 = vector.broadcast %broadcast_in_dim3A_150 : f32 to vector<16xf32>
    %swap3A_152 = arith.constant 19 : i32
    %swap3A_153 = arith.index_cast %swap3A_152 : i32 to index
    %swap3A_154 = arith.constant 0 : index
    %swap3A_155 = tpu.vector_load %arg7[%swap3A_153, %swap3A_154] {strides = array<i32>} : memref<128x16xf32, #tpu.memory_space<vmem>>, vector<1x16xf32>,
    %swap3A_156 = vector.shape_cast %swap3A_155 : vector<1x16xf32> to vector<16xf32>
    %swap3A_157 = vector.shape_cast %broadcast_in_dim3A_151 : vector<16xf32> to vector<1x16xf32>
    tpu.vector_store %arg7[%swap3A_153, %swap3A_154], %swap3A_157 {strides = array<i32>} : memref<128x16xf32, #tpu.memory_space<vmem>>, vector<1x16xf32>,
    %broadcast_in_dim3A_158 = arith.constant 1.000000e+00 : f32
    %broadcast_in_dim3A_159 = vector.broadcast %broadcast_in_dim3A_158 : f32 to vector<16xf32>
    %swap3A_160 = arith.constant 20 : i32
    %swap3A_161 = arith.index_cast %swap3A_160 : i32 to index
    %swap3A_162 = arith.constant 0 : index
    %swap3A_163 = tpu.vector_load %arg7[%swap3A_161, %swap3A_162] {strides = array<i32>} : memref<128x16xf32, #tpu.memory_space<vmem>>, vector<1x16xf32>,
    %swap3A_164 = vector.shape_cast %swap3A_163 : vector<1x16xf32> to vector<16xf32>
    %swap3A_165 = vector.shape_cast %broadcast_in_dim3A_159 : vector<16xf32> to vector<1x16xf32>
    tpu.vector_store %arg7[%swap3A_161, %swap3A_162], %swap3A_165 {strides = array<i32>} : memref<128x16xf32, #tpu.memory_space<vmem>>, vector<1x16xf32>,
    %broadcast_in_dim3A_166 = arith.constant 1.000000e+00 : f32
    %broadcast_in_dim3A_167 = vector.broadcast %broadcast_in_dim3A_166 : f32 to vector<16xf32>
    %swap3A_168 = arith.constant 21 : i32
    %swap3A_169 = arith.index_cast %swap3A_168 : i32 to index
    %swap3A_170 = arith.constant 0 : index
    %swap3A_171 = tpu.vector_load %arg7[%swap3A_169, %swap3A_170] {strides = array<i32>} : memref<128x16xf32, #tpu.memory_space<vmem>>, vector<1x16xf32>,
    %swap3A_172 = vector.shape_cast %swap3A_171 : vector<1x16xf32> to vector<16xf32>
    %swap3A_173 = vector.shape_cast %broadcast_in_dim3A_167 : vector<16xf32> to vector<1x16xf32>
    tpu.vector_store %arg7[%swap3A_169, %swap3A_170], %swap3A_173 {strides = array<i32>} : memref<128x16xf32, #tpu.memory_space<vmem>>, vector<1x16xf32>,
    %broadcast_in_dim3A_174 = arith.constant 1.000000e+00 : f32
    %broadcast_in_dim3A_175 = vector.broadcast %broadcast_in_dim3A_174 : f32 to vector<16xf32>
    %swap3A_176 = arith.constant 22 : i32
    %swap3A_177 = arith.index_cast %swap3A_176 : i32 to index
    %swap3A_178 = arith.constant 0 : index
    %swap3A_179 = tpu.vector_load %arg7[%swap3A_177, %swap3A_178] {strides = array<i32>} : memref<128x16xf32, #tpu.memory_space<vmem>>, vector<1x16xf32>,
    %swap3A_180 = vector.shape_cast %swap3A_179 : vector<1x16xf32> to vector<16xf32>
    %swap3A_181 = vector.shape_cast %broadcast_in_dim3A_175 : vector<16xf32> to vector<1x16xf32>
    tpu.vector_store %arg7[%swap3A_177, %swap3A_178], %swap3A_181 {strides = array<i32>} : memref<128x16xf32, #tpu.memory_space<vmem>>, vector<1x16xf32>,
    %broadcast_in_dim3A_182 = arith.constant 1.000000e+00 : f32
    %broadcast_in_dim3A_183 = vector.broadcast %broadcast_in_dim3A_182 : f32 to vector<16xf32>
    %swap3A_184 = arith.constant 23 : i32
    %swap3A_185 = arith.index_cast %swap3A_184 : i32 to index
    %swap3A_186 = arith.constant 0 : index
    %swap3A_187 = tpu.vector_load %arg7[%swap3A_185, %swap3A_186] {strides = array<i32>} : memref<128x16xf32, #tpu.memory_space<vmem>>, vector<1x16xf32>,
    %swap3A_188 = vector.shape_cast %swap3A_187 : vector<1x16xf32> to vector<16xf32>
    %swap3A_189 = vector.shape_cast %broadcast_in_dim3A_183 : vector<16xf32> to vector<1x16xf32>
    tpu.vector_store %arg7[%swap3A_185, %swap3A_186], %swap3A_189 {strides = array<i32>} : memref<128x16xf32, #tpu.memory_space<vmem>>, vector<1x16xf32>,
    %broadcast_in_dim3A_190 = arith.constant 1.000000e+00 : f32
    %broadcast_in_dim3A_191 = vector.broadcast %broadcast_in_dim3A_190 : f32 to vector<16xf32>
    %swap3A_192 = arith.constant 24 : i32
    %swap3A_193 = arith.index_cast %swap3A_192 : i32 to index
    %swap3A_194 = arith.constant 0 : index
    %swap3A_195 = tpu.vector_load %arg7[%swap3A_193, %swap3A_194] {strides = array<i32>} : memref<128x16xf32, #tpu.memory_space<vmem>>, vector<1x16xf32>,
    %swap3A_196 = vector.shape_cast %swap3A_195 : vector<1x16xf32> to vector<16xf32>
    %swap3A_197 = vector.shape_cast %broadcast_in_dim3A_191 : vector<16xf32> to vector<1x16xf32>
    tpu.vector_store %arg7[%swap3A_193, %swap3A_194], %swap3A_197 {strides = array<i32>} : memref<128x16xf32, #tpu.memory_space<vmem>>, vector<1x16xf32>,
    %broadcast_in_dim3A_198 = arith.constant 1.000000e+00 : f32
    %broadcast_in_dim3A_199 = vector.broadcast %broadcast_in_dim3A_198 : f32 to vector<16xf32>
    %swap3A_200 = arith.constant 25 : i32
    %swap3A_201 = arith.index_cast %swap3A_200 : i32 to index
    %swap3A_202 = arith.constant 0 : index
    %swap3A_203 = tpu.vector_load %arg7[%swap3A_201, %swap3A_202] {strides = array<i32>} : memref<128x16xf32, #tpu.memory_space<vmem>>, vector<1x16xf32>,
    %swap3A_204 = vector.shape_cast %swap3A_203 : vector<1x16xf32> to vector<16xf32>
    %swap3A_205 = vector.shape_cast %broadcast_in_dim3A_199 : vector<16xf32> to vector<1x16xf32>
    tpu.vector_store %arg7[%swap3A_201, %swap3A_202], %swap3A_205 {strides = array<i32>} : memref<128x16xf32, #tpu.memory_space<vmem>>, vector<1x16xf32>,
    %broadcast_in_dim3A_206 = arith.constant 1.000000e+00 : f32
    %broadcast_in_dim3A_207 = vector.broadcast %broadcast_in_dim3A_206 : f32 to vector<16xf32>
    %swap3A_208 = arith.constant 26 : i32
    %swap3A_209 = arith.index_cast %swap3A_208 : i32 to index
    %swap3A_210 = arith.constant 0 : index
    %swap3A_211 = tpu.vector_load %arg7[%swap3A_209, %swap3A_210] {strides = array<i32>} : memref<128x16xf32, #tpu.memory_space<vmem>>, vector<1x16xf32>,
    %swap3A_212 = vector.shape_cast %swap3A_211 : vector<1x16xf32> to vector<16xf32>
    %swap3A_213 = vector.shape_cast %broadcast_in_dim3A_207 : vector<16xf32> to vector<1x16xf32>
    tpu.vector_store %arg7[%swap3A_209, %swap3A_210], %swap3A_213 {strides = array<i32>} : memref<128x16xf32, #tpu.memory_space<vmem>>, vector<1x16xf32>,
    %broadcast_in_dim3A_214 = arith.constant 1.000000e+00 : f32
    %broadcast_in_dim3A_215 = vector.broadcast %broadcast_in_dim3A_214 : f32 to vector<16xf32>
    %swap3A_216 = arith.constant 27 : i32
    %swap3A_217 = arith.index_cast %swap3A_216 : i32 to index
    %swap3A_218 = arith.constant 0 : index
    %swap3A_219 = tpu.vector_load %arg7[%swap3A_217, %swap3A_218] {strides = array<i32>} : memref<128x16xf32, #tpu.memory_space<vmem>>, vector<1x16xf32>,
    %swap3A_220 = vector.shape_cast %swap3A_219 : vector<1x16xf32> to vector<16xf32>
    %swap3A_221 = vector.shape_cast %broadcast_in_dim3A_215 : vector<16xf32> to vector<1x16xf32>
    tpu.vector_store %arg7[%swap3A_217, %swap3A_218], %swap3A_221 {strides = array<i32>} : memref<128x16xf32, #tpu.memory_space<vmem>>, vector<1x16xf32>,
    %broadcast_in_dim3A_222 = arith.constant 1.000000e+00 : f32
    %broadcast_in_dim3A_223 = vector.broadcast %broadcast_in_dim3A_222 : f32 to vector<16xf32>
    %swap3A_224 = arith.constant 28 : i32
    %swap3A_225 = arith.index_cast %swap3A_224 : i32 to index
    %swap3A_226 = arith.constant 0 : index
    %swap3A_227 = tpu.vector_load %arg7[%swap3A_225, %swap3A_226] {strides = array<i32>} : memref<128x16xf32, #tpu.memory_space<vmem>>, vector<1x16xf32>,
    %swap3A_228 = vector.shape_cast %swap3A_227 : vector<1x16xf32> to vector<16xf32>
    %swap3A_229 = vector.shape_cast %broadcast_in_dim3A_223 : vector<16xf32> to vector<1x16xf32>
    tpu.vector_store %arg7[%swap3A_225, %swap3A_226], %swap3A_229 {strides = array<i32>} : memref<128x16xf32, #tpu.memory_space<vmem>>, vector<1x16xf32>,
    %broadcast_in_dim3A_230 = arith.constant 1.000000e+00 : f32
    %broadcast_in_dim3A_231 = vector.broadcast %broadcast_in_dim3A_230 : f32 to vector<16xf32>
    %swap3A_232 = arith.constant 29 : i32
    %swap3A_233 = arith.index_cast %swap3A_232 : i32 to index
    %swap3A_234 = arith.constant 0 : index
    %swap3A_235 = tpu.vector_load %arg7[%swap3A_233, %swap3A_234] {strides = array<i32>} : memref<128x16xf32, #tpu.memory_space<vmem>>, vector<1x16xf32>,
    %swap3A_236 = vector.shape_cast %swap3A_235 : vector<1x16xf32> to vector<16xf32>
    %swap3A_237 = vector.shape_cast %broadcast_in_dim3A_231 : vector<16xf32> to vector<1x16xf32>
    tpu.vector_store %arg7[%swap3A_233, %swap3A_234], %swap3A_237 {strides = array<i32>} : memref<128x16xf32, #tpu.memory_space<vmem>>, vector<1x16xf32>,
    %broadcast_in_dim3A_238 = arith.constant 1.000000e+00 : f32
    %broadcast_in_dim3A_239 = vector.broadcast %broadcast_in_dim3A_238 : f32 to vector<16xf32>
    %swap3A_240 = arith.constant 30 : i32
    %swap3A_241 = arith.index_cast %swap3A_240 : i32 to index
    %swap3A_242 = arith.constant 0 : index
    %swap3A_243 = tpu.vector_load %arg7[%swap3A_241, %swap3A_242] {strides = array<i32>} : memref<128x16xf32, #tpu.memory_space<vmem>>, vector<1x16xf32>,
    %swap3A_244 = vector.shape_cast %swap3A_243 : vector<1x16xf32> to vector<16xf32>
    %swap3A_245 = vector.shape_cast %broadcast_in_dim3A_239 : vector<16xf32> to vector<1x16xf32>
    tpu.vector_store %arg7[%swap3A_241, %swap3A_242], %swap3A_245 {strides = array<i32>} : memref<128x16xf32, #tpu.memory_space<vmem>>, vector<1x16xf32>,
    %broadcast_in_dim3A_246 = arith.constant 1.000000e+00 : f32
    %broadcast_in_dim3A_247 = vector.broadcast %broadcast_in_dim3A_246 : f32 to vector<16xf32>
    %swap3A_248 = arith.constant 31 : i32
    %swap3A_249 = arith.index_cast %swap3A_248 : i32 to index
    %swap3A_250 = arith.constant 0 : index
    %swap3A_251 = tpu.vector_load %arg7[%swap3A_249, %swap3A_250] {strides = array<i32>} : memref<128x16xf32, #tpu.memory_space<vmem>>, vector<1x16xf32>,
    %swap3A_252 = vector.shape_cast %swap3A_251 : vector<1x16xf32> to vector<16xf32>
    %swap3A_253 = vector.shape_cast %broadcast_in_dim3A_247 : vector<16xf32> to vector<1x16xf32>
    tpu.vector_store %arg7[%swap3A_249, %swap3A_250], %swap3A_253 {strides = array<i32>} : memref<128x16xf32, #tpu.memory_space<vmem>>, vector<1x16xf32>,
    %broadcast_in_dim3A_254 = arith.constant 1.000000e+00 : f32
    %broadcast_in_dim3A_255 = vector.broadcast %broadcast_in_dim3A_254 : f32 to vector<16xf32>
    %swap3A_256 = arith.constant 32 : i32
    %swap3A_257 = arith.index_cast %swap3A_256 : i32 to index
    %swap3A_258 = arith.constant 0 : index
    %swap3A_259 = tpu.vector_load %arg7[%swap3A_257, %swap3A_258] {strides = array<i32>} : memref<128x16xf32, #tpu.memory_space<vmem>>, vector<1x16xf32>,
    %swap3A_260 = vector.shape_cast %swap3A_259 : vector<1x16xf32> to vector<16xf32>
    %swap3A_261 = vector.shape_cast %broadcast_in_dim3A_255 : vector<16xf32> to vector<1x16xf32>
    tpu.vector_store %arg7[%swap3A_257, %swap3A_258], %swap3A_261 {strides = array<i32>} : memref<128x16xf32, #tpu.memory_space<vmem>>, vector<1x16xf32>,
    %broadcast_in_dim3A_262 = arith.constant 1.000000e+00 : f32
    %broadcast_in_dim3A_263 = vector.broadcast %broadcast_in_dim3A_262 : f32 to vector<16xf32>
    %swap3A_264 = arith.constant 33 : i32
    %swap3A_265 = arith.index_cast %swap3A_264 : i32 to index
    %swap3A_266 = arith.constant 0 : index
    %swap3A_267 = tpu.vector_load %arg7[%swap3A_265, %swap3A_266] {strides = array<i32>} : memref<128x16xf32, #tpu.memory_space<vmem>>, vector<1x16xf32>,
    %swap3A_268 = vector.shape_cast %swap3A_267 : vector<1x16xf32> to vector<16xf32>
    %swap3A_269 = vector.shape_cast %broadcast_in_dim3A_263 : vector<16xf32> to vector<1x16xf32>
    tpu.vector_store %arg7[%swap3A_265, %swap3A_266], %swap3A_269 {strides = array<i32>} : memref<128x16xf32, #tpu.memory_space<vmem>>, vector<1x16xf32>,
    %broadcast_in_dim3A_270 = arith.constant 1.000000e+00 : f32
    %broadcast_in_dim3A_271 = vector.broadcast %broadcast_in_dim3A_270 : f32 to vector<16xf32>
    %swap3A_272 = arith.constant 34 : i32
    %swap3A_273 = arith.index_cast %swap3A_272 : i32 to index
    %swap3A_274 = arith.constant 0 : index
    %swap3A_275 = tpu.vector_load %arg7[%swap3A_273, %swap3A_274] {strides = array<i32>} : memref<128x16xf32, #tpu.memory_space<vmem>>, vector<1x16xf32>,
    %swap3A_276 = vector.shape_cast %swap3A_275 : vector<1x16xf32> to vector<16xf32>
    %swap3A_277 = vector.shape_cast %broadcast_in_dim3A_271 : vector<16xf32> to vector<1x16xf32>
    tpu.vector_store %arg7[%swap3A_273, %swap3A_274], %swap3A_277 {strides = array<i32>} : memref<128x16xf32, #tpu.memory_space<vmem>>, vector<1x16xf32>,
    %broadcast_in_dim3A_278 = arith.constant 1.000000e+00 : f32
    %broadcast_in_dim3A_279 = vector.broadcast %broadcast_in_dim3A_278 : f32 to vector<16xf32>
    %swap3A_280 = arith.constant 35 : i32
    %swap3A_281 = arith.index_cast %swap3A_280 : i32 to index
    %swap3A_282 = arith.constant 0 : index
    %swap3A_283 = tpu.vector_load %arg7[%swap3A_281, %swap3A_282] {strides = array<i32>} : memref<128x16xf32, #tpu.memory_space<vmem>>, vector<1x16xf32>,
    %swap3A_284 = vector.shape_cast %swap3A_283 : vector<1x16xf32> to vector<16xf32>
    %swap3A_285 = vector.shape_cast %broadcast_in_dim3A_279 : vector<16xf32> to vector<1x16xf32>
    tpu.vector_store %arg7[%swap3A_281, %swap3A_282], %swap3A_285 {strides = array<i32>} : memref<128x16xf32, #tpu.memory_space<vmem>>, vector<1x16xf32>,
    %broadcast_in_dim3A_286 = arith.constant 1.000000e+00 : f32
    %broadcast_in_dim3A_287 = vector.broadcast %broadcast_in_dim3A_286 : f32 to vector<16xf32>
    %swap3A_288 = arith.constant 36 : i32
    %swap3A_289 = arith.index_cast %swap3A_288 : i32 to index
    %swap3A_290 = arith.constant 0 : index
    %swap3A_291 = tpu.vector_load %arg7[%swap3A_289, %swap3A_290] {strides = array<i32>} : memref<128x16xf32, #tpu.memory_space<vmem>>, vector<1x16xf32>,
    %swap3A_292 = vector.shape_cast %swap3A_291 : vector<1x16xf32> to vector<16xf32>
    %swap3A_293 = vector.shape_cast %broadcast_in_dim3A_287 : vector<16xf32> to vector<1x16xf32>
    tpu.vector_store %arg7[%swap3A_289, %swap3A_290], %swap3A_293 {strides = array<i32>} : memref<128x16xf32, #tpu.memory_space<vmem>>, vector<1x16xf32>,
    %broadcast_in_dim3A_294 = arith.constant 1.000000e+00 : f32
    %broadcast_in_dim3A_295 = vector.broadcast %broadcast_in_dim3A_294 : f32 to vector<16xf32>
    %swap3A_296 = arith.constant 37 : i32
    %swap3A_297 = arith.index_cast %swap3A_296 : i32 to index
    %swap3A_298 = arith.constant 0 : index
    %swap3A_299 = tpu.vector_load %arg7[%swap3A_297, %swap3A_298] {strides = array<i32>} : memref<128x16xf32, #tpu.memory_space<vmem>>, vector<1x16xf32>,
    %swap3A_300 = vector.shape_cast %swap3A_299 : vector<1x16xf32> to vector<16xf32>
    %swap3A_301 = vector.shape_cast %broadcast_in_dim3A_295 : vector<16xf32> to vector<1x16xf32>
    tpu.vector_store %arg7[%swap3A_297, %swap3A_298], %swap3A_301 {strides = array<i32>} : memref<128x16xf32, #tpu.memory_space<vmem>>, vector<1x16xf32>,
    %broadcast_in_dim3A_302 = arith.constant 1.000000e+00 : f32
    %broadcast_in_dim3A_303 = vector.broadcast %broadcast_in_dim3A_302 : f32 to vector<16xf32>
    %swap3A_304 = arith.constant 38 : i32
    %swap3A_305 = arith.index_cast %swap3A_304 : i32 to index
    %swap3A_306 = arith.constant 0 : index
    %swap3A_307 = tpu.vector_load %arg7[%swap3A_305, %swap3A_306] {strides = array<i32>} : memref<128x16xf32, #tpu.memory_space<vmem>>, vector<1x16xf32>,
    %swap3A_308 = vector.shape_cast %swap3A_307 : vector<1x16xf32> to vector<16xf32>
    %swap3A_309 = vector.shape_cast %broadcast_in_dim3A_303 : vector<16xf32> to vector<1x16xf32>
    tpu.vector_store %arg7[%swap3A_305, %swap3A_306], %swap3A_309 {strides = array<i32>} : memref<128x16xf32, #tpu.memory_space<vmem>>, vector<1x16xf32>,
    %broadcast_in_dim3A_310 = arith.constant 1.000000e+00 : f32
    %broadcast_in_dim3A_311 = vector.broadcast %broadcast_in_dim3A_310 : f32 to vector<16xf32>
    %swap3A_312 = arith.constant 39 : i32
    %swap3A_313 = arith.index_cast %swap3A_312 : i32 to index
    %swap3A_314 = arith.constant 0 : index
    %swap3A_315 = tpu.vector_load %arg7[%swap3A_313, %swap3A_314] {strides = array<i32>} : memref<128x16xf32, #tpu.memory_space<vmem>>, vector<1x16xf32>,
    %swap3A_316 = vector.shape_cast %swap3A_315 : vector<1x16xf32> to vector<16xf32>
    %swap3A_317 = vector.shape_cast %broadcast_in_dim3A_311 : vector<16xf32> to vector<1x16xf32>
    tpu.vector_store %arg7[%swap3A_313, %swap3A_314], %swap3A_317 {strides = array<i32>} : memref<128x16xf32, #tpu.memory_space<vmem>>, vector<1x16xf32>,
    %broadcast_in_dim3A_318 = arith.constant 1.000000e+00 : f32
    %broadcast_in_dim3A_319 = vector.broadcast %broadcast_in_dim3A_318 : f32 to vector<16xf32>
    %swap3A_320 = arith.constant 40 : i32
    %swap3A_321 = arith.index_cast %swap3A_320 : i32 to index
    %swap3A_322 = arith.constant 0 : index
    %swap3A_323 = tpu.vector_load %arg7[%swap3A_321, %swap3A_322] {strides = array<i32>} : memref<128x16xf32, #tpu.memory_space<vmem>>, vector<1x16xf32>,
    %swap3A_324 = vector.shape_cast %swap3A_323 : vector<1x16xf32> to vector<16xf32>
    %swap3A_325 = vector.shape_cast %broadcast_in_dim3A_319 : vector<16xf32> to vector<1x16xf32>
    tpu.vector_store %arg7[%swap3A_321, %swap3A_322], %swap3A_325 {strides = array<i32>} : memref<128x16xf32, #tpu.memory_space<vmem>>, vector<1x16xf32>,
    %broadcast_in_dim3A_326 = arith.constant 1.000000e+00 : f32
    %broadcast_in_dim3A_327 = vector.broadcast %broadcast_in_dim3A_326 : f32 to vector<16xf32>
    %swap3A_328 = arith.constant 41 : i32
    %swap3A_329 = arith.index_cast %swap3A_328 : i32 to index
    %swap3A_330 = arith.constant 0 : index
    %swap3A_331 = tpu.vector_load %arg7[%swap3A_329, %swap3A_330] {strides = array<i32>} : memref<128x16xf32, #tpu.memory_space<vmem>>, vector<1x16xf32>,
    %swap3A_332 = vector.shape_cast %swap3A_331 : vector<1x16xf32> to vector<16xf32>
    %swap3A_333 = vector.shape_cast %broadcast_in_dim3A_327 : vector<16xf32> to vector<1x16xf32>
    tpu.vector_store %arg7[%swap3A_329, %swap3A_330], %swap3A_333 {strides = array<i32>} : memref<128x16xf32, #tpu.memory_space<vmem>>, vector<1x16xf32>,
    %broadcast_in_dim3A_334 = arith.constant 1.000000e+00 : f32
    %broadcast_in_dim3A_335 = vector.broadcast %broadcast_in_dim3A_334 : f32 to vector<16xf32>
    %swap3A_336 = arith.constant 42 : i32
    %swap3A_337 = arith.index_cast %swap3A_336 : i32 to index
    %swap3A_338 = arith.constant 0 : index
    %swap3A_339 = tpu.vector_load %arg7[%swap3A_337, %swap3A_338] {strides = array<i32>} : memref<128x16xf32, #tpu.memory_space<vmem>>, vector<1x16xf32>,
    %swap3A_340 = vector.shape_cast %swap3A_339 : vector<1x16xf32> to vector<16xf32>
    %swap3A_341 = vector.shape_cast %broadcast_in_dim3A_335 : vector<16xf32> to vector<1x16xf32>
    tpu.vector_store %arg7[%swap3A_337, %swap3A_338], %swap3A_341 {strides = array<i32>} : memref<128x16xf32, #tpu.memory_space<vmem>>, vector<1x16xf32>,
    %broadcast_in_dim3A_342 = arith.constant 1.000000e+00 : f32
    %broadcast_in_dim3A_343 = vector.broadcast %broadcast_in_dim3A_342 : f32 to vector<16xf32>
    %swap3A_344 = arith.constant 43 : i32
    %swap3A_345 = arith.index_cast %swap3A_344 : i32 to index
    %swap3A_346 = arith.constant 0 : index
    %swap3A_347 = tpu.vector_load %arg7[%swap3A_345, %swap3A_346] {strides = array<i32>} : memref<128x16xf32, #tpu.memory_space<vmem>>, vector<1x16xf32>,
    %swap3A_348 = vector.shape_cast %swap3A_347 : vector<1x16xf32> to vector<16xf32>
    %swap3A_349 = vector.shape_cast %broadcast_in_dim3A_343 : vector<16xf32> to vector<1x16xf32>
    tpu.vector_store %arg7[%swap3A_345, %swap3A_346], %swap3A_349 {strides = array<i32>} : memref<128x16xf32, #tpu.memory_space<vmem>>, vector<1x16xf32>,
    %broadcast_in_dim3A_350 = arith.constant 1.000000e+00 : f32
    %broadcast_in_dim3A_351 = vector.broadcast %broadcast_in_dim3A_350 : f32 to vector<16xf32>
    %swap3A_352 = arith.constant 44 : i32
    %swap3A_353 = arith.index_cast %swap3A_352 : i32 to index
    %swap3A_354 = arith.constant 0 : index
    %swap3A_355 = tpu.vector_load %arg7[%swap3A_353, %swap3A_354] {strides = array<i32>} : memref<128x16xf32, #tpu.memory_space<vmem>>, vector<1x16xf32>,
    %swap3A_356 = vector.shape_cast %swap3A_355 : vector<1x16xf32> to vector<16xf32>
    %swap3A_357 = vector.shape_cast %broadcast_in_dim3A_351 : vector<16xf32> to vector<1x16xf32>
    tpu.vector_store %arg7[%swap3A_353, %swap3A_354], %swap3A_357 {strides = array<i32>} : memref<128x16xf32, #tpu.memory_space<vmem>>, vector<1x16xf32>,
    %broadcast_in_dim3A_358 = arith.constant 1.000000e+00 : f32
    %broadcast_in_dim3A_359 = vector.broadcast %broadcast_in_dim3A_358 : f32 to vector<16xf32>
    %swap3A_360 = arith.constant 45 : i32
    %swap3A_361 = arith.index_cast %swap3A_360 : i32 to index
    %swap3A_362 = arith.constant 0 : index
    %swap3A_363 = tpu.vector_load %arg7[%swap3A_361, %swap3A_362] {strides = array<i32>} : memref<128x16xf32, #tpu.memory_space<vmem>>, vector<1x16xf32>,
    %swap3A_364 = vector.shape_cast %swap3A_363 : vector<1x16xf32> to vector<16xf32>
    %swap3A_365 = vector.shape_cast %broadcast_in_dim3A_359 : vector<16xf32> to vector<1x16xf32>
    tpu.vector_store %arg7[%swap3A_361, %swap3A_362], %swap3A_365 {strides = array<i32>} : memref<128x16xf32, #tpu.memory_space<vmem>>, vector<1x16xf32>,
    %broadcast_in_dim3A_366 = arith.constant 1.000000e+00 : f32
    %broadcast_in_dim3A_367 = vector.broadcast %broadcast_in_dim3A_366 : f32 to vector<16xf32>
    %swap3A_368 = arith.constant 46 : i32
    %swap3A_369 = arith.index_cast %swap3A_368 : i32 to index
    %swap3A_370 = arith.constant 0 : index
    %swap3A_371 = tpu.vector_load %arg7[%swap3A_369, %swap3A_370] {strides = array<i32>} : memref<128x16xf32, #tpu.memory_space<vmem>>, vector<1x16xf32>,
    %swap3A_372 = vector.shape_cast %swap3A_371 : vector<1x16xf32> to vector<16xf32>
    %swap3A_373 = vector.shape_cast %broadcast_in_dim3A_367 : vector<16xf32> to vector<1x16xf32>
    tpu.vector_store %arg7[%swap3A_369, %swap3A_370], %swap3A_373 {strides = array<i32>} : memref<128x16xf32, #tpu.memory_space<vmem>>, vector<1x16xf32>,
    %broadcast_in_dim3A_374 = arith.constant 1.000000e+00 : f32
    %broadcast_in_dim3A_375 = vector.broadcast %broadcast_in_dim3A_374 : f32 to vector<16xf32>
    %swap3A_376 = arith.constant 47 : i32
    %swap3A_377 = arith.index_cast %swap3A_376 : i32 to index
    %swap3A_378 = arith.constant 0 : index
    %swap3A_379 = tpu.vector_load %arg7[%swap3A_377, %swap3A_378] {strides = array<i32>} : memref<128x16xf32, #tpu.memory_space<vmem>>, vector<1x16xf32>,
    %swap3A_380 = vector.shape_cast %swap3A_379 : vector<1x16xf32> to vector<16xf32>
    %swap3A_381 = vector.shape_cast %broadcast_in_dim3A_375 : vector<16xf32> to vector<1x16xf32>
    tpu.vector_store %arg7[%swap3A_377, %swap3A_378], %swap3A_381 {strides = array<i32>} : memref<128x16xf32, #tpu.memory_space<vmem>>, vector<1x16xf32>,
    %broadcast_in_dim3A_382 = arith.constant 1.000000e+00 : f32
    %broadcast_in_dim3A_383 = vector.broadcast %broadcast_in_dim3A_382 : f32 to vector<16xf32>
    %swap3A_384 = arith.constant 48 : i32
    %swap3A_385 = arith.index_cast %swap3A_384 : i32 to index
    %swap3A_386 = arith.constant 0 : index
    %swap3A_387 = tpu.vector_load %arg7[%swap3A_385, %swap3A_386] {strides = array<i32>} : memref<128x16xf32, #tpu.memory_space<vmem>>, vector<1x16xf32>,
    %swap3A_388 = vector.shape_cast %swap3A_387 : vector<1x16xf32> to vector<16xf32>
    %swap3A_389 = vector.shape_cast %broadcast_in_dim3A_383 : vector<16xf32> to vector<1x16xf32>
    tpu.vector_store %arg7[%swap3A_385, %swap3A_386], %swap3A_389 {strides = array<i32>} : memref<128x16xf32, #tpu.memory_space<vmem>>, vector<1x16xf32>,
    %broadcast_in_dim3A_390 = arith.constant 1.000000e+00 : f32
    %broadcast_in_dim3A_391 = vector.broadcast %broadcast_in_dim3A_390 : f32 to vector<16xf32>
    %swap3A_392 = arith.constant 49 : i32
    %swap3A_393 = arith.index_cast %swap3A_392 : i32 to index
    %swap3A_394 = arith.constant 0 : index
    %swap3A_395 = tpu.vector_load %arg7[%swap3A_393, %swap3A_394] {strides = array<i32>} : memref<128x16xf32, #tpu.memory_space<vmem>>, vector<1x16xf32>,
    %swap3A_396 = vector.shape_cast %swap3A_395 : vector<1x16xf32> to vector<16xf32>
    %swap3A_397 = vector.shape_cast %broadcast_in_dim3A_391 : vector<16xf32> to vector<1x16xf32>
    tpu.vector_store %arg7[%swap3A_393, %swap3A_394], %swap3A_397 {strides = array<i32>} : memref<128x16xf32, #tpu.memory_space<vmem>>, vector<1x16xf32>,
    %broadcast_in_dim3A_398 = arith.constant 1.000000e+00 : f32
    %broadcast_in_dim3A_399 = vector.broadcast %broadcast_in_dim3A_398 : f32 to vector<16xf32>
    %swap3A_400 = arith.constant 50 : i32
    %swap3A_401 = arith.index_cast %swap3A_400 : i32 to index
    %swap3A_402 = arith.constant 0 : index
    %swap3A_403 = tpu.vector_load %arg7[%swap3A_401, %swap3A_402] {strides = array<i32>} : memref<128x16xf32, #tpu.memory_space<vmem>>, vector<1x16xf32>,
    %swap3A_404 = vector.shape_cast %swap3A_403 : vector<1x16xf32> to vector<16xf32>
    %swap3A_405 = vector.shape_cast %broadcast_in_dim3A_399 : vector<16xf32> to vector<1x16xf32>
    tpu.vector_store %arg7[%swap3A_401, %swap3A_402], %swap3A_405 {strides = array<i32>} : memref<128x16xf32, #tpu.memory_space<vmem>>, vector<1x16xf32>,
    %broadcast_in_dim3A_406 = arith.constant 1.000000e+00 : f32
    %broadcast_in_dim3A_407 = vector.broadcast %broadcast_in_dim3A_406 : f32 to vector<16xf32>
    %swap3A_408 = arith.constant 51 : i32
    %swap3A_409 = arith.index_cast %swap3A_408 : i32 to index
    %swap3A_410 = arith.constant 0 : index
    %swap3A_411 = tpu.vector_load %arg7[%swap3A_409, %swap3A_410] {strides = array<i32>} : memref<128x16xf32, #tpu.memory_space<vmem>>, vector<1x16xf32>,
    %swap3A_412 = vector.shape_cast %swap3A_411 : vector<1x16xf32> to vector<16xf32>
    %swap3A_413 = vector.shape_cast %broadcast_in_dim3A_407 : vector<16xf32> to vector<1x16xf32>
    tpu.vector_store %arg7[%swap3A_409, %swap3A_410], %swap3A_413 {strides = array<i32>} : memref<128x16xf32, #tpu.memory_space<vmem>>, vector<1x16xf32>,
    %broadcast_in_dim3A_414 = arith.constant 1.000000e+00 : f32
    %broadcast_in_dim3A_415 = vector.broadcast %broadcast_in_dim3A_414 : f32 to vector<16xf32>
    %swap3A_416 = arith.constant 52 : i32
    %swap3A_417 = arith.index_cast %swap3A_416 : i32 to index
    %swap3A_418 = arith.constant 0 : index
    %swap3A_419 = tpu.vector_load %arg7[%swap3A_417, %swap3A_418] {strides = array<i32>} : memref<128x16xf32, #tpu.memory_space<vmem>>, vector<1x16xf32>,
    %swap3A_420 = vector.shape_cast %swap3A_419 : vector<1x16xf32> to vector<16xf32>
    %swap3A_421 = vector.shape_cast %broadcast_in_dim3A_415 : vector<16xf32> to vector<1x16xf32>
    tpu.vector_store %arg7[%swap3A_417, %swap3A_418], %swap3A_421 {strides = array<i32>} : memref<128x16xf32, #tpu.memory_space<vmem>>, vector<1x16xf32>,
    %broadcast_in_dim3A_422 = arith.constant 1.000000e+00 : f32
    %broadcast_in_dim3A_423 = vector.broadcast %broadcast_in_dim3A_422 : f32 to vector<16xf32>
    %swap3A_424 = arith.constant 53 : i32
    %swap3A_425 = arith.index_cast %swap3A_424 : i32 to index
    %swap3A_426 = arith.constant 0 : index
    %swap3A_427 = tpu.vector_load %arg7[%swap3A_425, %swap3A_426] {strides = array<i32>} : memref<128x16xf32, #tpu.memory_space<vmem>>, vector<1x16xf32>,
    %swap3A_428 = vector.shape_cast %swap3A_427 : vector<1x16xf32> to vector<16xf32>
    %swap3A_429 = vector.shape_cast %broadcast_in_dim3A_423 : vector<16xf32> to vector<1x16xf32>
    tpu.vector_store %arg7[%swap3A_425, %swap3A_426], %swap3A_429 {strides = array<i32>} : memref<128x16xf32, #tpu.memory_space<vmem>>, vector<1x16xf32>,
    %broadcast_in_dim3A_430 = arith.constant 1.000000e+00 : f32
    %broadcast_in_dim3A_431 = vector.broadcast %broadcast_in_dim3A_430 : f32 to vector<16xf32>
    %swap3A_432 = arith.constant 54 : i32
    %swap3A_433 = arith.index_cast %swap3A_432 : i32 to index
    %swap3A_434 = arith.constant 0 : index
    %swap3A_435 = tpu.vector_load %arg7[%swap3A_433, %swap3A_434] {strides = array<i32>} : memref<128x16xf32, #tpu.memory_space<vmem>>, vector<1x16xf32>,
    %swap3A_436 = vector.shape_cast %swap3A_435 : vector<1x16xf32> to vector<16xf32>
    %swap3A_437 = vector.shape_cast %broadcast_in_dim3A_431 : vector<16xf32> to vector<1x16xf32>
    tpu.vector_store %arg7[%swap3A_433, %swap3A_434], %swap3A_437 {strides = array<i32>} : memref<128x16xf32, #tpu.memory_space<vmem>>, vector<1x16xf32>,
    %broadcast_in_dim3A_438 = arith.constant 1.000000e+00 : f32
    %broadcast_in_dim3A_439 = vector.broadcast %broadcast_in_dim3A_438 : f32 to vector<16xf32>
    %swap3A_440 = arith.constant 55 : i32
    %swap3A_441 = arith.index_cast %swap3A_440 : i32 to index
    %swap3A_442 = arith.constant 0 : index
    %swap3A_443 = tpu.vector_load %arg7[%swap3A_441, %swap3A_442] {strides = array<i32>} : memref<128x16xf32, #tpu.memory_space<vmem>>, vector<1x16xf32>,
    %swap3A_444 = vector.shape_cast %swap3A_443 : vector<1x16xf32> to vector<16xf32>
    %swap3A_445 = vector.shape_cast %broadcast_in_dim3A_439 : vector<16xf32> to vector<1x16xf32>
    tpu.vector_store %arg7[%swap3A_441, %swap3A_442], %swap3A_445 {strides = array<i32>} : memref<128x16xf32, #tpu.memory_space<vmem>>, vector<1x16xf32>,
    %broadcast_in_dim3A_446 = arith.constant 1.000000e+00 : f32
    %broadcast_in_dim3A_447 = vector.broadcast %broadcast_in_dim3A_446 : f32 to vector<16xf32>
    %swap3A_448 = arith.constant 56 : i32
    %swap3A_449 = arith.index_cast %swap3A_448 : i32 to index
    %swap3A_450 = arith.constant 0 : index
    %swap3A_451 = tpu.vector_load %arg7[%swap3A_449, %swap3A_450] {strides = array<i32>} : memref<128x16xf32, #tpu.memory_space<vmem>>, vector<1x16xf32>,
    %swap3A_452 = vector.shape_cast %swap3A_451 : vector<1x16xf32> to vector<16xf32>
    %swap3A_453 = vector.shape_cast %broadcast_in_dim3A_447 : vector<16xf32> to vector<1x16xf32>
    tpu.vector_store %arg7[%swap3A_449, %swap3A_450], %swap3A_453 {strides = array<i32>} : memref<128x16xf32, #tpu.memory_space<vmem>>, vector<1x16xf32>,
    %broadcast_in_dim3A_454 = arith.constant 1.000000e+00 : f32
    %broadcast_in_dim3A_455 = vector.broadcast %broadcast_in_dim3A_454 : f32 to vector<16xf32>
    %swap3A_456 = arith.constant 57 : i32
    %swap3A_457 = arith.index_cast %swap3A_456 : i32 to index
    %swap3A_458 = arith.constant 0 : index
    %swap3A_459 = tpu.vector_load %arg7[%swap3A_457, %swap3A_458] {strides = array<i32>} : memref<128x16xf32, #tpu.memory_space<vmem>>, vector<1x16xf32>,
    %swap3A_460 = vector.shape_cast %swap3A_459 : vector<1x16xf32> to vector<16xf32>
    %swap3A_461 = vector.shape_cast %broadcast_in_dim3A_455 : vector<16xf32> to vector<1x16xf32>
    tpu.vector_store %arg7[%swap3A_457, %swap3A_458], %swap3A_461 {strides = array<i32>} : memref<128x16xf32, #tpu.memory_space<vmem>>, vector<1x16xf32>,
    %broadcast_in_dim3A_462 = arith.constant 1.000000e+00 : f32
    %broadcast_in_dim3A_463 = vector.broadcast %broadcast_in_dim3A_462 : f32 to vector<16xf32>
    %swap3A_464 = arith.constant 58 : i32
    %swap3A_465 = arith.index_cast %swap3A_464 : i32 to index
    %swap3A_466 = arith.constant 0 : index
    %swap3A_467 = tpu.vector_load %arg7[%swap3A_465, %swap3A_466] {strides = array<i32>} : memref<128x16xf32, #tpu.memory_space<vmem>>, vector<1x16xf32>,
    %swap3A_468 = vector.shape_cast %swap3A_467 : vector<1x16xf32> to vector<16xf32>
    %swap3A_469 = vector.shape_cast %broadcast_in_dim3A_463 : vector<16xf32> to vector<1x16xf32>
    tpu.vector_store %arg7[%swap3A_465, %swap3A_466], %swap3A_469 {strides = array<i32>} : memref<128x16xf32, #tpu.memory_space<vmem>>, vector<1x16xf32>,
    %broadcast_in_dim3A_470 = arith.constant 1.000000e+00 : f32
    %broadcast_in_dim3A_471 = vector.broadcast %broadcast_in_dim3A_470 : f32 to vector<16xf32>
    %swap3A_472 = arith.constant 59 : i32
    %swap3A_473 = arith.index_cast %swap3A_472 : i32 to index
    %swap3A_474 = arith.constant 0 : index
    %swap3A_475 = tpu.vector_load %arg7[%swap3A_473, %swap3A_474] {strides = array<i32>} : memref<128x16xf32, #tpu.memory_space<vmem>>, vector<1x16xf32>,
    %swap3A_476 = vector.shape_cast %swap3A_475 : vector<1x16xf32> to vector<16xf32>
    %swap3A_477 = vector.shape_cast %broadcast_in_dim3A_471 : vector<16xf32> to vector<1x16xf32>
    tpu.vector_store %arg7[%swap3A_473, %swap3A_474], %swap3A_477 {strides = array<i32>} : memref<128x16xf32, #tpu.memory_space<vmem>>, vector<1x16xf32>,
    %broadcast_in_dim3A_478 = arith.constant 1.000000e+00 : f32
    %broadcast_in_dim3A_479 = vector.broadcast %broadcast_in_dim3A_478 : f32 to vector<16xf32>
    %swap3A_480 = arith.constant 60 : i32
    %swap3A_481 = arith.index_cast %swap3A_480 : i32 to index
    %swap3A_482 = arith.constant 0 : index
    %swap3A_483 = tpu.vector_load %arg7[%swap3A_481, %swap3A_482] {strides = array<i32>} : memref<128x16xf32, #tpu.memory_space<vmem>>, vector<1x16xf32>,
    %swap3A_484 = vector.shape_cast %swap3A_483 : vector<1x16xf32> to vector<16xf32>
    %swap3A_485 = vector.shape_cast %broadcast_in_dim3A_479 : vector<16xf32> to vector<1x16xf32>
    tpu.vector_store %arg7[%swap3A_481, %swap3A_482], %swap3A_485 {strides = array<i32>} : memref<128x16xf32, #tpu.memory_space<vmem>>, vector<1x16xf32>,
    %broadcast_in_dim3A_486 = arith.constant 1.000000e+00 : f32
    %broadcast_in_dim3A_487 = vector.broadcast %broadcast_in_dim3A_486 : f32 to vector<16xf32>
    %swap3A_488 = arith.constant 61 : i32
    %swap3A_489 = arith.index_cast %swap3A_488 : i32 to index
    %swap3A_490 = arith.constant 0 : index
    %swap3A_491 = tpu.vector_load %arg7[%swap3A_489, %swap3A_490] {strides = array<i32>} : memref<128x16xf32, #tpu.memory_space<vmem>>, vector<1x16xf32>,
    %swap3A_492 = vector.shape_cast %swap3A_491 : vector<1x16xf32> to vector<16xf32>
    %swap3A_493 = vector.shape_cast %broadcast_in_dim3A_487 : vector<16xf32> to vector<1x16xf32>
    tpu.vector_store %arg7[%swap3A_489, %swap3A_490], %swap3A_493 {strides = array<i32>} : memref<128x16xf32, #tpu.memory_space<vmem>>, vector<1x16xf32>,
    %broadcast_in_dim3A_494 = arith.constant 1.000000e+00 : f32
    %broadcast_in_dim3A_495 = vector.broadcast %broadcast_in_dim3A_494 : f32 to vector<16xf32>
    %swap3A_496 = arith.constant 62 : i32
    %swap3A_497 = arith.index_cast %swap3A_496 : i32 to index
    %swap3A_498 = arith.constant 0 : index
    %swap3A_499 = tpu.vector_load %arg7[%swap3A_497, %swap3A_498] {strides = array<i32>} : memref<128x16xf32, #tpu.memory_space<vmem>>, vector<1x16xf32>,
    %swap3A_500 = vector.shape_cast %swap3A_499 : vector<1x16xf32> to vector<16xf32>
    %swap3A_501 = vector.shape_cast %broadcast_in_dim3A_495 : vector<16xf32> to vector<1x16xf32>
    tpu.vector_store %arg7[%swap3A_497, %swap3A_498], %swap3A_501 {strides = array<i32>} : memref<128x16xf32, #tpu.memory_space<vmem>>, vector<1x16xf32>,
    %broadcast_in_dim3A_502 = arith.constant 1.000000e+00 : f32
    %broadcast_in_dim3A_503 = vector.broadcast %broadcast_in_dim3A_502 : f32 to vector<16xf32>
    %swap3A_504 = arith.constant 63 : i32
    %swap3A_505 = arith.index_cast %swap3A_504 : i32 to index
    %swap3A_506 = arith.constant 0 : index
    %swap3A_507 = tpu.vector_load %arg7[%swap3A_505, %swap3A_506] {strides = array<i32>} : memref<128x16xf32, #tpu.memory_space<vmem>>, vector<1x16xf32>,
    %swap3A_508 = vector.shape_cast %swap3A_507 : vector<1x16xf32> to vector<16xf32>
    %swap3A_509 = vector.shape_cast %broadcast_in_dim3A_503 : vector<16xf32> to vector<1x16xf32>
    tpu.vector_store %arg7[%swap3A_505, %swap3A_506], %swap3A_509 {strides = array<i32>} : memref<128x16xf32, #tpu.memory_space<vmem>>, vector<1x16xf32>,
    %broadcast_in_dim3A_510 = arith.constant 1.000000e+00 : f32
    %broadcast_in_dim3A_511 = vector.broadcast %broadcast_in_dim3A_510 : f32 to vector<16xf32>
    %swap3A_512 = arith.constant 64 : i32
    %swap3A_513 = arith.index_cast %swap3A_512 : i32 to index
    %swap3A_514 = arith.constant 0 : index
    %swap3A_515 = tpu.vector_load %arg7[%swap3A_513, %swap3A_514] {strides = array<i32>} : memref<128x16xf32, #tpu.memory_space<vmem>>, vector<1x16xf32>,
    %swap3A_516 = vector.shape_cast %swap3A_515 : vector<1x16xf32> to vector<16xf32>
    %swap3A_517 = vector.shape_cast %broadcast_in_dim3A_511 : vector<16xf32> to vector<1x16xf32>
    tpu.vector_store %arg7[%swap3A_513, %swap3A_514], %swap3A_517 {strides = array<i32>} : memref<128x16xf32, #tpu.memory_space<vmem>>, vector<1x16xf32>,
    %broadcast_in_dim3A_518 = arith.constant 1.000000e+00 : f32
    %broadcast_in_dim3A_519 = vector.broadcast %broadcast_in_dim3A_518 : f32 to vector<16xf32>
    %swap3A_520 = arith.constant 65 : i32
    %swap3A_521 = arith.index_cast %swap3A_520 : i32 to index
    %swap3A_522 = arith.constant 0 : index
    %swap3A_523 = tpu.vector_load %arg7[%swap3A_521, %swap3A_522] {strides = array<i32>} : memref<128x16xf32, #tpu.memory_space<vmem>>, vector<1x16xf32>,
    %swap3A_524 = vector.shape_cast %swap3A_523 : vector<1x16xf32> to vector<16xf32>
    %swap3A_525 = vector.shape_cast %broadcast_in_dim3A_519 : vector<16xf32> to vector<1x16xf32>
    tpu.vector_store %arg7[%swap3A_521, %swap3A_522], %swap3A_525 {strides = array<i32>} : memref<128x16xf32, #tpu.memory_space<vmem>>, vector<1x16xf32>,
    %broadcast_in_dim3A_526 = arith.constant 1.000000e+00 : f32
    %broadcast_in_dim3A_527 = vector.broadcast %broadcast_in_dim3A_526 : f32 to vector<16xf32>
    %swap3A_528 = arith.constant 66 : i32
    %swap3A_529 = arith.index_cast %swap3A_528 : i32 to index
    %swap3A_530 = arith.constant 0 : index
    %swap3A_531 = tpu.vector_load %arg7[%swap3A_529, %swap3A_530] {strides = array<i32>} : memref<128x16xf32, #tpu.memory_space<vmem>>, vector<1x16xf32>,
    %swap3A_532 = vector.shape_cast %swap3A_531 : vector<1x16xf32> to vector<16xf32>
    %swap3A_533 = vector.shape_cast %broadcast_in_dim3A_527 : vector<16xf32> to vector<1x16xf32>
    tpu.vector_store %arg7[%swap3A_529, %swap3A_530], %swap3A_533 {strides = array<i32>} : memref<128x16xf32, #tpu.memory_space<vmem>>, vector<1x16xf32>,
    %broadcast_in_dim3A_534 = arith.constant 1.000000e+00 : f32
    %broadcast_in_dim3A_535 = vector.broadcast %broadcast_in_dim3A_534 : f32 to vector<16xf32>
    %swap3A_536 = arith.constant 67 : i32
    %swap3A_537 = arith.index_cast %swap3A_536 : i32 to index
    %swap3A_538 = arith.constant 0 : index
    %swap3A_539 = tpu.vector_load %arg7[%swap3A_537, %swap3A_538] {strides = array<i32>} : memref<128x16xf32, #tpu.memory_space<vmem>>, vector<1x16xf32>,
    %swap3A_540 = vector.shape_cast %swap3A_539 : vector<1x16xf32> to vector<16xf32>
    %swap3A_541 = vector.shape_cast %broadcast_in_dim3A_535 : vector<16xf32> to vector<1x16xf32>
    tpu.vector_store %arg7[%swap3A_537, %swap3A_538], %swap3A_541 {strides = array<i32>} : memref<128x16xf32, #tpu.memory_space<vmem>>, vector<1x16xf32>,
    %broadcast_in_dim3A_542 = arith.constant 1.000000e+00 : f32
    %broadcast_in_dim3A_543 = vector.broadcast %broadcast_in_dim3A_542 : f32 to vector<16xf32>
    %swap3A_544 = arith.constant 68 : i32
    %swap3A_545 = arith.index_cast %swap3A_544 : i32 to index
    %swap3A_546 = arith.constant 0 : index
    %swap3A_547 = tpu.vector_load %arg7[%swap3A_545, %swap3A_546] {strides = array<i32>} : memref<128x16xf32, #tpu.memory_space<vmem>>, vector<1x16xf32>,
    %swap3A_548 = vector.shape_cast %swap3A_547 : vector<1x16xf32> to vector<16xf32>
    %swap3A_549 = vector.shape_cast %broadcast_in_dim3A_543 : vector<16xf32> to vector<1x16xf32>
    tpu.vector_store %arg7[%swap3A_545, %swap3A_546], %swap3A_549 {strides = array<i32>} : memref<128x16xf32, #tpu.memory_space<vmem>>, vector<1x16xf32>,
    %broadcast_in_dim3A_550 = arith.constant 1.000000e+00 : f32
    %broadcast_in_dim3A_551 = vector.broadcast %broadcast_in_dim3A_550 : f32 to vector<16xf32>
    %swap3A_552 = arith.constant 69 : i32
    %swap3A_553 = arith.index_cast %swap3A_552 : i32 to index
    %swap3A_554 = arith.constant 0 : index
    %swap3A_555 = tpu.vector_load %arg7[%swap3A_553, %swap3A_554] {strides = array<i32>} : memref<128x16xf32, #tpu.memory_space<vmem>>, vector<1x16xf32>,
    %swap3A_556 = vector.shape_cast %swap3A_555 : vector<1x16xf32> to vector<16xf32>
    %swap3A_557 = vector.shape_cast %broadcast_in_dim3A_551 : vector<16xf32> to vector<1x16xf32>
    tpu.vector_store %arg7[%swap3A_553, %swap3A_554], %swap3A_557 {strides = array<i32>} : memref<128x16xf32, #tpu.memory_space<vmem>>, vector<1x16xf32>,
    %broadcast_in_dim3A_558 = arith.constant 1.000000e+00 : f32
    %broadcast_in_dim3A_559 = vector.broadcast %broadcast_in_dim3A_558 : f32 to vector<16xf32>
    %swap3A_560 = arith.constant 70 : i32
    %swap3A_561 = arith.index_cast %swap3A_560 : i32 to index
    %swap3A_562 = arith.constant 0 : index
    %swap3A_563 = tpu.vector_load %arg7[%swap3A_561, %swap3A_562] {strides = array<i32>} : memref<128x16xf32, #tpu.memory_space<vmem>>, vector<1x16xf32>,
    %swap3A_564 = vector.shape_cast %swap3A_563 : vector<1x16xf32> to vector<16xf32>
    %swap3A_565 = vector.shape_cast %broadcast_in_dim3A_559 : vector<16xf32> to vector<1x16xf32>
    tpu.vector_store %arg7[%swap3A_561, %swap3A_562], %swap3A_565 {strides = array<i32>} : memref<128x16xf32, #tpu.memory_space<vmem>>, vector<1x16xf32>,
    %broadcast_in_dim3A_566 = arith.constant 1.000000e+00 : f32
    %broadcast_in_dim3A_567 = vector.broadcast %broadcast_in_dim3A_566 : f32 to vector<16xf32>
    %swap3A_568 = arith.constant 71 : i32
    %swap3A_569 = arith.index_cast %swap3A_568 : i32 to index
    %swap3A_570 = arith.constant 0 : index
    %swap3A_571 = tpu.vector_load %arg7[%swap3A_569, %swap3A_570] {strides = array<i32>} : memref<128x16xf32, #tpu.memory_space<vmem>>, vector<1x16xf32>,
    %swap3A_572 = vector.shape_cast %swap3A_571 : vector<1x16xf32> to vector<16xf32>
    %swap3A_573 = vector.shape_cast %broadcast_in_dim3A_567 : vector<16xf32> to vector<1x16xf32>
    tpu.vector_store %arg7[%swap3A_569, %swap3A_570], %swap3A_573 {strides = array<i32>} : memref<128x16xf32, #tpu.memory_space<vmem>>, vector<1x16xf32>,
    %broadcast_in_dim3A_574 = arith.constant 1.000000e+00 : f32
    %broadcast_in_dim3A_575 = vector.broadcast %broadcast_in_dim3A_574 : f32 to vector<16xf32>
    %swap3A_576 = arith.constant 72 : i32
    %swap3A_577 = arith.index_cast %swap3A_576 : i32 to index
    %swap3A_578 = arith.constant 0 : index
    %swap3A_579 = tpu.vector_load %arg7[%swap3A_577, %swap3A_578] {strides = array<i32>} : memref<128x16xf32, #tpu.memory_space<vmem>>, vector<1x16xf32>,
    %swap3A_580 = vector.shape_cast %swap3A_579 : vector<1x16xf32> to vector<16xf32>
    %swap3A_581 = vector.shape_cast %broadcast_in_dim3A_575 : vector<16xf32> to vector<1x16xf32>
    tpu.vector_store %arg7[%swap3A_577, %swap3A_578], %swap3A_581 {strides = array<i32>} : memref<128x16xf32, #tpu.memory_space<vmem>>, vector<1x16xf32>,
    %broadcast_in_dim3A_582 = arith.constant 1.000000e+00 : f32
    %broadcast_in_dim3A_583 = vector.broadcast %broadcast_in_dim3A_582 : f32 to vector<16xf32>
    %swap3A_584 = arith.constant 73 : i32
    %swap3A_585 = arith.index_cast %swap3A_584 : i32 to index
    %swap3A_586 = arith.constant 0 : index
    %swap3A_587 = tpu.vector_load %arg7[%swap3A_585, %swap3A_586] {strides = array<i32>} : memref<128x16xf32, #tpu.memory_space<vmem>>, vector<1x16xf32>,
    %swap3A_588 = vector.shape_cast %swap3A_587 : vector<1x16xf32> to vector<16xf32>
    %swap3A_589 = vector.shape_cast %broadcast_in_dim3A_583 : vector<16xf32> to vector<1x16xf32>
    tpu.vector_store %arg7[%swap3A_585, %swap3A_586], %swap3A_589 {strides = array<i32>} : memref<128x16xf32, #tpu.memory_space<vmem>>, vector<1x16xf32>,
    %broadcast_in_dim3A_590 = arith.constant 1.000000e+00 : f32
    %broadcast_in_dim3A_591 = vector.broadcast %broadcast_in_dim3A_590 : f32 to vector<16xf32>
    %swap3A_592 = arith.constant 74 : i32
    %swap3A_593 = arith.index_cast %swap3A_592 : i32 to index
    %swap3A_594 = arith.constant 0 : index
    %swap3A_595 = tpu.vector_load %arg7[%swap3A_593, %swap3A_594] {strides = array<i32>} : memref<128x16xf32, #tpu.memory_space<vmem>>, vector<1x16xf32>,
    %swap3A_596 = vector.shape_cast %swap3A_595 : vector<1x16xf32> to vector<16xf32>
    %swap3A_597 = vector.shape_cast %broadcast_in_dim3A_591 : vector<16xf32> to vector<1x16xf32>
    tpu.vector_store %arg7[%swap3A_593, %swap3A_594], %swap3A_597 {strides = array<i32>} : memref<128x16xf32, #tpu.memory_space<vmem>>, vector<1x16xf32>,
    %broadcast_in_dim3A_598 = arith.constant 1.000000e+00 : f32
    %broadcast_in_dim3A_599 = vector.broadcast %broadcast_in_dim3A_598 : f32 to vector<16xf32>
    %swap3A_600 = arith.constant 75 : i32
    %swap3A_601 = arith.index_cast %swap3A_600 : i32 to index
    %swap3A_602 = arith.constant 0 : index
    %swap3A_603 = tpu.vector_load %arg7[%swap3A_601, %swap3A_602] {strides = array<i32>} : memref<128x16xf32, #tpu.memory_space<vmem>>, vector<1x16xf32>,
    %swap3A_604 = vector.shape_cast %swap3A_603 : vector<1x16xf32> to vector<16xf32>
    %swap3A_605 = vector.shape_cast %broadcast_in_dim3A_599 : vector<16xf32> to vector<1x16xf32>
    tpu.vector_store %arg7[%swap3A_601, %swap3A_602], %swap3A_605 {strides = array<i32>} : memref<128x16xf32, #tpu.memory_space<vmem>>, vector<1x16xf32>,
    %broadcast_in_dim3A_606 = arith.constant 1.000000e+00 : f32
    %broadcast_in_dim3A_607 = vector.broadcast %broadcast_in_dim3A_606 : f32 to vector<16xf32>
    %swap3A_608 = arith.constant 76 : i32
    %swap3A_609 = arith.index_cast %swap3A_608 : i32 to index
    %swap3A_610 = arith.constant 0 : index
    %swap3A_611 = tpu.vector_load %arg7[%swap3A_609, %swap3A_610] {strides = array<i32>} : memref<128x16xf32, #tpu.memory_space<vmem>>, vector<1x16xf32>,
    %swap3A_612 = vector.shape_cast %swap3A_611 : vector<1x16xf32> to vector<16xf32>
    %swap3A_613 = vector.shape_cast %broadcast_in_dim3A_607 : vector<16xf32> to vector<1x16xf32>
    tpu.vector_store %arg7[%swap3A_609, %swap3A_610], %swap3A_613 {strides = array<i32>} : memref<128x16xf32, #tpu.memory_space<vmem>>, vector<1x16xf32>,
    %broadcast_in_dim3A_614 = arith.constant 1.000000e+00 : f32
    %broadcast_in_dim3A_615 = vector.broadcast %broadcast_in_dim3A_614 : f32 to vector<16xf32>
    %swap3A_616 = arith.constant 77 : i32
    %swap3A_617 = arith.index_cast %swap3A_616 : i32 to index
    %swap3A_618 = arith.constant 0 : index
    %swap3A_619 = tpu.vector_load %arg7[%swap3A_617, %swap3A_618] {strides = array<i32>} : memref<128x16xf32, #tpu.memory_space<vmem>>, vector<1x16xf32>,
    %swap3A_620 = vector.shape_cast %swap3A_619 : vector<1x16xf32> to vector<16xf32>
    %swap3A_621 = vector.shape_cast %broadcast_in_dim3A_615 : vector<16xf32> to vector<1x16xf32>
    tpu.vector_store %arg7[%swap3A_617, %swap3A_618], %swap3A_621 {strides = array<i32>} : memref<128x16xf32, #tpu.memory_space<vmem>>, vector<1x16xf32>,
    %broadcast_in_dim3A_622 = arith.constant 1.000000e+00 : f32
    %broadcast_in_dim3A_623 = vector.broadcast %broadcast_in_dim3A_622 : f32 to vector<16xf32>
    %swap3A_624 = arith.constant 78 : i32
    %swap3A_625 = arith.index_cast %swap3A_624 : i32 to index
    %swap3A_626 = arith.constant 0 : index
    %swap3A_627 = tpu.vector_load %arg7[%swap3A_625, %swap3A_626] {strides = array<i32>} : memref<128x16xf32, #tpu.memory_space<vmem>>, vector<1x16xf32>,
    %swap3A_628 = vector.shape_cast %swap3A_627 : vector<1x16xf32> to vector<16xf32>
    %swap3A_629 = vector.shape_cast %broadcast_in_dim3A_623 : vector<16xf32> to vector<1x16xf32>
    tpu.vector_store %arg7[%swap3A_625, %swap3A_626], %swap3A_629 {strides = array<i32>} : memref<128x16xf32, #tpu.memory_space<vmem>>, vector<1x16xf32>,
    %broadcast_in_dim3A_630 = arith.constant 1.000000e+00 : f32
    %broadcast_in_dim3A_631 = vector.broadcast %broadcast_in_dim3A_630 : f32 to vector<16xf32>
    %swap3A_632 = arith.constant 79 : i32
    %swap3A_633 = arith.index_cast %swap3A_632 : i32 to index
    %swap3A_634 = arith.constant 0 : index
    %swap3A_635 = tpu.vector_load %arg7[%swap3A_633, %swap3A_634] {strides = array<i32>} : memref<128x16xf32, #tpu.memory_space<vmem>>, vector<1x16xf32>,
    %swap3A_636 = vector.shape_cast %swap3A_635 : vector<1x16xf32> to vector<16xf32>
    %swap3A_637 = vector.shape_cast %broadcast_in_dim3A_631 : vector<16xf32> to vector<1x16xf32>
    tpu.vector_store %arg7[%swap3A_633, %swap3A_634], %swap3A_637 {strides = array<i32>} : memref<128x16xf32, #tpu.memory_space<vmem>>, vector<1x16xf32>,
    %broadcast_in_dim3A_638 = arith.constant 1.000000e+00 : f32
    %broadcast_in_dim3A_639 = vector.broadcast %broadcast_in_dim3A_638 : f32 to vector<16xf32>
    %swap3A_640 = arith.constant 80 : i32
    %swap3A_641 = arith.index_cast %swap3A_640 : i32 to index
    %swap3A_642 = arith.constant 0 : index
    %swap3A_643 = tpu.vector_load %arg7[%swap3A_641, %swap3A_642] {strides = array<i32>} : memref<128x16xf32, #tpu.memory_space<vmem>>, vector<1x16xf32>,
    %swap3A_644 = vector.shape_cast %swap3A_643 : vector<1x16xf32> to vector<16xf32>
    %swap3A_645 = vector.shape_cast %broadcast_in_dim3A_639 : vector<16xf32> to vector<1x16xf32>
    tpu.vector_store %arg7[%swap3A_641, %swap3A_642], %swap3A_645 {strides = array<i32>} : memref<128x16xf32, #tpu.memory_space<vmem>>, vector<1x16xf32>,
    %broadcast_in_dim3A_646 = arith.constant 1.000000e+00 : f32
    %broadcast_in_dim3A_647 = vector.broadcast %broadcast_in_dim3A_646 : f32 to vector<16xf32>
    %swap3A_648 = arith.constant 81 : i32
    %swap3A_649 = arith.index_cast %swap3A_648 : i32 to index
    %swap3A_650 = arith.constant 0 : index
    %swap3A_651 = tpu.vector_load %arg7[%swap3A_649, %swap3A_650] {strides = array<i32>} : memref<128x16xf32, #tpu.memory_space<vmem>>, vector<1x16xf32>,
    %swap3A_652 = vector.shape_cast %swap3A_651 : vector<1x16xf32> to vector<16xf32>
    %swap3A_653 = vector.shape_cast %broadcast_in_dim3A_647 : vector<16xf32> to vector<1x16xf32>
    tpu.vector_store %arg7[%swap3A_649, %swap3A_650], %swap3A_653 {strides = array<i32>} : memref<128x16xf32, #tpu.memory_space<vmem>>, vector<1x16xf32>,
    %broadcast_in_dim3A_654 = arith.constant 1.000000e+00 : f32
    %broadcast_in_dim3A_655 = vector.broadcast %broadcast_in_dim3A_654 : f32 to vector<16xf32>
    %swap3A_656 = arith.constant 82 : i32
    %swap3A_657 = arith.index_cast %swap3A_656 : i32 to index
    %swap3A_658 = arith.constant 0 : index
    %swap3A_659 = tpu.vector_load %arg7[%swap3A_657, %swap3A_658] {strides = array<i32>} : memref<128x16xf32, #tpu.memory_space<vmem>>, vector<1x16xf32>,
    %swap3A_660 = vector.shape_cast %swap3A_659 : vector<1x16xf32> to vector<16xf32>
    %swap3A_661 = vector.shape_cast %broadcast_in_dim3A_655 : vector<16xf32> to vector<1x16xf32>
    tpu.vector_store %arg7[%swap3A_657, %swap3A_658], %swap3A_661 {strides = array<i32>} : memref<128x16xf32, #tpu.memory_space<vmem>>, vector<1x16xf32>,
    %broadcast_in_dim3A_662 = arith.constant 1.000000e+00 : f32
    %broadcast_in_dim3A_663 = vector.broadcast %broadcast_in_dim3A_662 : f32 to vector<16xf32>
    %swap3A_664 = arith.constant 83 : i32
    %swap3A_665 = arith.index_cast %swap3A_664 : i32 to index
    %swap3A_666 = arith.constant 0 : index
    %swap3A_667 = tpu.vector_load %arg7[%swap3A_665, %swap3A_666] {strides = array<i32>} : memref<128x16xf32, #tpu.memory_space<vmem>>, vector<1x16xf32>,
    %swap3A_668 = vector.shape_cast %swap3A_667 : vector<1x16xf32> to vector<16xf32>
    %swap3A_669 = vector.shape_cast %broadcast_in_dim3A_663 : vector<16xf32> to vector<1x16xf32>
    tpu.vector_store %arg7[%swap3A_665, %swap3A_666], %swap3A_669 {strides = array<i32>} : memref<128x16xf32, #tpu.memory_space<vmem>>, vector<1x16xf32>,
    %broadcast_in_dim3A_670 = arith.constant 1.000000e+00 : f32
    %broadcast_in_dim3A_671 = vector.broadcast %broadcast_in_dim3A_670 : f32 to vector<16xf32>
    %swap3A_672 = arith.constant 84 : i32
    %swap3A_673 = arith.index_cast %swap3A_672 : i32 to index
    %swap3A_674 = arith.constant 0 : index
    %swap3A_675 = tpu.vector_load %arg7[%swap3A_673, %swap3A_674] {strides = array<i32>} : memref<128x16xf32, #tpu.memory_space<vmem>>, vector<1x16xf32>,
    %swap3A_676 = vector.shape_cast %swap3A_675 : vector<1x16xf32> to vector<16xf32>
    %swap3A_677 = vector.shape_cast %broadcast_in_dim3A_671 : vector<16xf32> to vector<1x16xf32>
    tpu.vector_store %arg7[%swap3A_673, %swap3A_674], %swap3A_677 {strides = array<i32>} : memref<128x16xf32, #tpu.memory_space<vmem>>, vector<1x16xf32>,
    %broadcast_in_dim3A_678 = arith.constant 1.000000e+00 : f32
    %broadcast_in_dim3A_679 = vector.broadcast %broadcast_in_dim3A_678 : f32 to vector<16xf32>
    %swap3A_680 = arith.constant 85 : i32
    %swap3A_681 = arith.index_cast %swap3A_680 : i32 to index
    %swap3A_682 = arith.constant 0 : index
    %swap3A_683 = tpu.vector_load %arg7[%swap3A_681, %swap3A_682] {strides = array<i32>} : memref<128x16xf32, #tpu.memory_space<vmem>>, vector<1x16xf32>,
    %swap3A_684 = vector.shape_cast %swap3A_683 : vector<1x16xf32> to vector<16xf32>
    %swap3A_685 = vector.shape_cast %broadcast_in_dim3A_679 : vector<16xf32> to vector<1x16xf32>
    tpu.vector_store %arg7[%swap3A_681, %swap3A_682], %swap3A_685 {strides = array<i32>} : memref<128x16xf32, #tpu.memory_space<vmem>>, vector<1x16xf32>,
    %broadcast_in_dim3A_686 = arith.constant 1.000000e+00 : f32
    %broadcast_in_dim3A_687 = vector.broadcast %broadcast_in_dim3A_686 : f32 to vector<16xf32>
    %swap3A_688 = arith.constant 86 : i32
    %swap3A_689 = arith.index_cast %swap3A_688 : i32 to index
    %swap3A_690 = arith.constant 0 : index
    %swap3A_691 = tpu.vector_load %arg7[%swap3A_689, %swap3A_690] {strides = array<i32>} : memref<128x16xf32, #tpu.memory_space<vmem>>, vector<1x16xf32>,
    %swap3A_692 = vector.shape_cast %swap3A_691 : vector<1x16xf32> to vector<16xf32>
    %swap3A_693 = vector.shape_cast %broadcast_in_dim3A_687 : vector<16xf32> to vector<1x16xf32>
    tpu.vector_store %arg7[%swap3A_689, %swap3A_690], %swap3A_693 {strides = array<i32>} : memref<128x16xf32, #tpu.memory_space<vmem>>, vector<1x16xf32>,
    %broadcast_in_dim3A_694 = arith.constant 1.000000e+00 : f32
    %broadcast_in_dim3A_695 = vector.broadcast %broadcast_in_dim3A_694 : f32 to vector<16xf32>
    %swap3A_696 = arith.constant 87 : i32
    %swap3A_697 = arith.index_cast %swap3A_696 : i32 to index
    %swap3A_698 = arith.constant 0 : index
    %swap3A_699 = tpu.vector_load %arg7[%swap3A_697, %swap3A_698] {strides = array<i32>} : memref<128x16xf32, #tpu.memory_space<vmem>>, vector<1x16xf32>,
    %swap3A_700 = vector.shape_cast %swap3A_699 : vector<1x16xf32> to vector<16xf32>
    %swap3A_701 = vector.shape_cast %broadcast_in_dim3A_695 : vector<16xf32> to vector<1x16xf32>
    tpu.vector_store %arg7[%swap3A_697, %swap3A_698], %swap3A_701 {strides = array<i32>} : memref<128x16xf32, #tpu.memory_space<vmem>>, vector<1x16xf32>,
    %broadcast_in_dim3A_702 = arith.constant 1.000000e+00 : f32
    %broadcast_in_dim3A_703 = vector.broadcast %broadcast_in_dim3A_702 : f32 to vector<16xf32>
    %swap3A_704 = arith.constant 88 : i32
    %swap3A_705 = arith.index_cast %swap3A_704 : i32 to index
    %swap3A_706 = arith.constant 0 : index
    %swap3A_707 = tpu.vector_load %arg7[%swap3A_705, %swap3A_706] {strides = array<i32>} : memref<128x16xf32, #tpu.memory_space<vmem>>, vector<1x16xf32>,
    %swap3A_708 = vector.shape_cast %swap3A_707 : vector<1x16xf32> to vector<16xf32>
    %swap3A_709 = vector.shape_cast %broadcast_in_dim3A_703 : vector<16xf32> to vector<1x16xf32>
    tpu.vector_store %arg7[%swap3A_705, %swap3A_706], %swap3A_709 {strides = array<i32>} : memref<128x16xf32, #tpu.memory_space<vmem>>, vector<1x16xf32>,
    %broadcast_in_dim3A_710 = arith.constant 1.000000e+00 : f32
    %broadcast_in_dim3A_711 = vector.broadcast %broadcast_in_dim3A_710 : f32 to vector<16xf32>
    %swap3A_712 = arith.constant 89 : i32
    %swap3A_713 = arith.index_cast %swap3A_712 : i32 to index
    %swap3A_714 = arith.constant 0 : index
    %swap3A_715 = tpu.vector_load %arg7[%swap3A_713, %swap3A_714] {strides = array<i32>} : memref<128x16xf32, #tpu.memory_space<vmem>>, vector<1x16xf32>,
    %swap3A_716 = vector.shape_cast %swap3A_715 : vector<1x16xf32> to vector<16xf32>
    %swap3A_717 = vector.shape_cast %broadcast_in_dim3A_711 : vector<16xf32> to vector<1x16xf32>
    tpu.vector_store %arg7[%swap3A_713, %swap3A_714], %swap3A_717 {strides = array<i32>} : memref<128x16xf32, #tpu.memory_space<vmem>>, vector<1x16xf32>,
    %broadcast_in_dim3A_718 = arith.constant 1.000000e+00 : f32
    %broadcast_in_dim3A_719 = vector.broadcast %broadcast_in_dim3A_718 : f32 to vector<16xf32>
    %swap3A_720 = arith.constant 90 : i32
    %swap3A_721 = arith.index_cast %swap3A_720 : i32 to index
    %swap3A_722 = arith.constant 0 : index
    %swap3A_723 = tpu.vector_load %arg7[%swap3A_721, %swap3A_722] {strides = array<i32>} : memref<128x16xf32, #tpu.memory_space<vmem>>, vector<1x16xf32>,
    %swap3A_724 = vector.shape_cast %swap3A_723 : vector<1x16xf32> to vector<16xf32>
    %swap3A_725 = vector.shape_cast %broadcast_in_dim3A_719 : vector<16xf32> to vector<1x16xf32>
    tpu.vector_store %arg7[%swap3A_721, %swap3A_722], %swap3A_725 {strides = array<i32>} : memref<128x16xf32, #tpu.memory_space<vmem>>, vector<1x16xf32>,
    %broadcast_in_dim3A_726 = arith.constant 1.000000e+00 : f32
    %broadcast_in_dim3A_727 = vector.broadcast %broadcast_in_dim3A_726 : f32 to vector<16xf32>
    %swap3A_728 = arith.constant 91 : i32
    %swap3A_729 = arith.index_cast %swap3A_728 : i32 to index
    %swap3A_730 = arith.constant 0 : index
    %swap3A_731 = tpu.vector_load %arg7[%swap3A_729, %swap3A_730] {strides = array<i32>} : memref<128x16xf32, #tpu.memory_space<vmem>>, vector<1x16xf32>,
    %swap3A_732 = vector.shape_cast %swap3A_731 : vector<1x16xf32> to vector<16xf32>
    %swap3A_733 = vector.shape_cast %broadcast_in_dim3A_727 : vector<16xf32> to vector<1x16xf32>
    tpu.vector_store %arg7[%swap3A_729, %swap3A_730], %swap3A_733 {strides = array<i32>} : memref<128x16xf32, #tpu.memory_space<vmem>>, vector<1x16xf32>,
    %broadcast_in_dim3A_734 = arith.constant 1.000000e+00 : f32
    %broadcast_in_dim3A_735 = vector.broadcast %broadcast_in_dim3A_734 : f32 to vector<16xf32>
    %swap3A_736 = arith.constant 92 : i32
    %swap3A_737 = arith.index_cast %swap3A_736 : i32 to index
    %swap3A_738 = arith.constant 0 : index
    %swap3A_739 = tpu.vector_load %arg7[%swap3A_737, %swap3A_738] {strides = array<i32>} : memref<128x16xf32, #tpu.memory_space<vmem>>, vector<1x16xf32>,
    %swap3A_740 = vector.shape_cast %swap3A_739 : vector<1x16xf32> to vector<16xf32>
    %swap3A_741 = vector.shape_cast %broadcast_in_dim3A_735 : vector<16xf32> to vector<1x16xf32>
    tpu.vector_store %arg7[%swap3A_737, %swap3A_738], %swap3A_741 {strides = array<i32>} : memref<128x16xf32, #tpu.memory_space<vmem>>, vector<1x16xf32>,
    %broadcast_in_dim3A_742 = arith.constant 1.000000e+00 : f32
    %broadcast_in_dim3A_743 = vector.broadcast %broadcast_in_dim3A_742 : f32 to vector<16xf32>
    %swap3A_744 = arith.constant 93 : i32
    %swap3A_745 = arith.index_cast %swap3A_744 : i32 to index
    %swap3A_746 = arith.constant 0 : index
    %swap3A_747 = tpu.vector_load %arg7[%swap3A_745, %swap3A_746] {strides = array<i32>} : memref<128x16xf32, #tpu.memory_space<vmem>>, vector<1x16xf32>,
    %swap3A_748 = vector.shape_cast %swap3A_747 : vector<1x16xf32> to vector<16xf32>
    %swap3A_749 = vector.shape_cast %broadcast_in_dim3A_743 : vector<16xf32> to vector<1x16xf32>
    tpu.vector_store %arg7[%swap3A_745, %swap3A_746], %swap3A_749 {strides = array<i32>} : memref<128x16xf32, #tpu.memory_space<vmem>>, vector<1x16xf32>,
    %broadcast_in_dim3A_750 = arith.constant 1.000000e+00 : f32
    %broadcast_in_dim3A_751 = vector.broadcast %broadcast_in_dim3A_750 : f32 to vector<16xf32>
    %swap3A_752 = arith.constant 94 : i32
    %swap3A_753 = arith.index_cast %swap3A_752 : i32 to index
    %swap3A_754 = arith.constant 0 : index
    %swap3A_755 = tpu.vector_load %arg7[%swap3A_753, %swap3A_754] {strides = array<i32>} : memref<128x16xf32, #tpu.memory_space<vmem>>, vector<1x16xf32>,
    %swap3A_756 = vector.shape_cast %swap3A_755 : vector<1x16xf32> to vector<16xf32>
    %swap3A_757 = vector.shape_cast %broadcast_in_dim3A_751 : vector<16xf32> to vector<1x16xf32>
    tpu.vector_store %arg7[%swap3A_753, %swap3A_754], %swap3A_757 {strides = array<i32>} : memref<128x16xf32, #tpu.memory_space<vmem>>, vector<1x16xf32>,
    %broadcast_in_dim3A_758 = arith.constant 1.000000e+00 : f32
    %broadcast_in_dim3A_759 = vector.broadcast %broadcast_in_dim3A_758 : f32 to vector<16xf32>
    %swap3A_760 = arith.constant 95 : i32
    %swap3A_761 = arith.index_cast %swap3A_760 : i32 to index
    %swap3A_762 = arith.constant 0 : index
    %swap3A_763 = tpu.vector_load %arg7[%swap3A_761, %swap3A_762] {strides = array<i32>} : memref<128x16xf32, #tpu.memory_space<vmem>>, vector<1x16xf32>,
    %swap3A_764 = vector.shape_cast %swap3A_763 : vector<1x16xf32> to vector<16xf32>
    %swap3A_765 = vector.shape_cast %broadcast_in_dim3A_759 : vector<16xf32> to vector<1x16xf32>
    tpu.vector_store %arg7[%swap3A_761, %swap3A_762], %swap3A_765 {strides = array<i32>} : memref<128x16xf32, #tpu.memory_space<vmem>>, vector<1x16xf32>,
    %broadcast_in_dim3A_766 = arith.constant 1.000000e+00 : f32
    %broadcast_in_dim3A_767 = vector.broadcast %broadcast_in_dim3A_766 : f32 to vector<16xf32>
    %swap3A_768 = arith.constant 96 : i32
    %swap3A_769 = arith.index_cast %swap3A_768 : i32 to index
    %swap3A_770 = arith.constant 0 : index
    %swap3A_771 = tpu.vector_load %arg7[%swap3A_769, %swap3A_770] {strides = array<i32>} : memref<128x16xf32, #tpu.memory_space<vmem>>, vector<1x16xf32>,
    %swap3A_772 = vector.shape_cast %swap3A_771 : vector<1x16xf32> to vector<16xf32>
    %swap3A_773 = vector.shape_cast %broadcast_in_dim3A_767 : vector<16xf32> to vector<1x16xf32>
    tpu.vector_store %arg7[%swap3A_769, %swap3A_770], %swap3A_773 {strides = array<i32>} : memref<128x16xf32, #tpu.memory_space<vmem>>, vector<1x16xf32>,
    %broadcast_in_dim3A_774 = arith.constant 1.000000e+00 : f32
    %broadcast_in_dim3A_775 = vector.broadcast %broadcast_in_dim3A_774 : f32 to vector<16xf32>
    %swap3A_776 = arith.constant 97 : i32
    %swap3A_777 = arith.index_cast %swap3A_776 : i32 to index
    %swap3A_778 = arith.constant 0 : index
    %swap3A_779 = tpu.vector_load %arg7[%swap3A_777, %swap3A_778] {strides = array<i32>} : memref<128x16xf32, #tpu.memory_space<vmem>>, vector<1x16xf32>,
    %swap3A_780 = vector.shape_cast %swap3A_779 : vector<1x16xf32> to vector<16xf32>
    %swap3A_781 = vector.shape_cast %broadcast_in_dim3A_775 : vector<16xf32> to vector<1x16xf32>
    tpu.vector_store %arg7[%swap3A_777, %swap3A_778], %swap3A_781 {strides = array<i32>} : memref<128x16xf32, #tpu.memory_space<vmem>>, vector<1x16xf32>,
    %broadcast_in_dim3A_782 = arith.constant 1.000000e+00 : f32
    %broadcast_in_dim3A_783 = vector.broadcast %broadcast_in_dim3A_782 : f32 to vector<16xf32>
    %swap3A_784 = arith.constant 98 : i32
    %swap3A_785 = arith.index_cast %swap3A_784 : i32 to index
    %swap3A_786 = arith.constant 0 : index
    %swap3A_787 = tpu.vector_load %arg7[%swap3A_785, %swap3A_786] {strides = array<i32>} : memref<128x16xf32, #tpu.memory_space<vmem>>, vector<1x16xf32>,
    %swap3A_788 = vector.shape_cast %swap3A_787 : vector<1x16xf32> to vector<16xf32>
    %swap3A_789 = vector.shape_cast %broadcast_in_dim3A_783 : vector<16xf32> to vector<1x16xf32>
    tpu.vector_store %arg7[%swap3A_785, %swap3A_786], %swap3A_789 {strides = array<i32>} : memref<128x16xf32, #tpu.memory_space<vmem>>, vector<1x16xf32>,
    %broadcast_in_dim3A_790 = arith.constant 1.000000e+00 : f32
    %broadcast_in_dim3A_791 = vector.broadcast %broadcast_in_dim3A_790 : f32 to vector<16xf32>
    %swap3A_792 = arith.constant 99 : i32
    %swap3A_793 = arith.index_cast %swap3A_792 : i32 to index
    %swap3A_794 = arith.constant 0 : index
    %swap3A_795 = tpu.vector_load %arg7[%swap3A_793, %swap3A_794] {strides = array<i32>} : memref<128x16xf32, #tpu.memory_space<vmem>>, vector<1x16xf32>,
    %swap3A_796 = vector.shape_cast %swap3A_795 : vector<1x16xf32> to vector<16xf32>
    %swap3A_797 = vector.shape_cast %broadcast_in_dim3A_791 : vector<16xf32> to vector<1x16xf32>
    tpu.vector_store %arg7[%swap3A_793, %swap3A_794], %swap3A_797 {strides = array<i32>} : memref<128x16xf32, #tpu.memory_space<vmem>>, vector<1x16xf32>,
    %broadcast_in_dim3A_798 = arith.constant 1.000000e+00 : f32
    %broadcast_in_dim3A_799 = vector.broadcast %broadcast_in_dim3A_798 : f32 to vector<16xf32>
    %swap3A_800 = arith.constant 100 : i32
    %swap3A_801 = arith.index_cast %swap3A_800 : i32 to index
    %swap3A_802 = arith.constant 0 : index
    %swap3A_803 = tpu.vector_load %arg7[%swap3A_801, %swap3A_802] {strides = array<i32>} : memref<128x16xf32, #tpu.memory_space<vmem>>, vector<1x16xf32>,
    %swap3A_804 = vector.shape_cast %swap3A_803 : vector<1x16xf32> to vector<16xf32>
    %swap3A_805 = vector.shape_cast %broadcast_in_dim3A_799 : vector<16xf32> to vector<1x16xf32>
    tpu.vector_store %arg7[%swap3A_801, %swap3A_802], %swap3A_805 {strides = array<i32>} : memref<128x16xf32, #tpu.memory_space<vmem>>, vector<1x16xf32>,
    %broadcast_in_dim3A_806 = arith.constant 1.000000e+00 : f32
    %broadcast_in_dim3A_807 = vector.broadcast %broadcast_in_dim3A_806 : f32 to vector<16xf32>
    %swap3A_808 = arith.constant 101 : i32
    %swap3A_809 = arith.index_cast %swap3A_808 : i32 to index
    %swap3A_810 = arith.constant 0 : index
    %swap3A_811 = tpu.vector_load %arg7[%swap3A_809, %swap3A_810] {strides = array<i32>} : memref<128x16xf32, #tpu.memory_space<vmem>>, vector<1x16xf32>,
    %swap3A_812 = vector.shape_cast %swap3A_811 : vector<1x16xf32> to vector<16xf32>
    %swap3A_813 = vector.shape_cast %broadcast_in_dim3A_807 : vector<16xf32> to vector<1x16xf32>
    tpu.vector_store %arg7[%swap3A_809, %swap3A_810], %swap3A_813 {strides = array<i32>} : memref<128x16xf32, #tpu.memory_space<vmem>>, vector<1x16xf32>,
    %broadcast_in_dim3A_814 = arith.constant 1.000000e+00 : f32
    %broadcast_in_dim3A_815 = vector.broadcast %broadcast_in_dim3A_814 : f32 to vector<16xf32>
    %swap3A_816 = arith.constant 102 : i32
    %swap3A_817 = arith.index_cast %swap3A_816 : i32 to index
    %swap3A_818 = arith.constant 0 : index
    %swap3A_819 = tpu.vector_load %arg7[%swap3A_817, %swap3A_818] {strides = array<i32>} : memref<128x16xf32, #tpu.memory_space<vmem>>, vector<1x16xf32>,
    %swap3A_820 = vector.shape_cast %swap3A_819 : vector<1x16xf32> to vector<16xf32>
    %swap3A_821 = vector.shape_cast %broadcast_in_dim3A_815 : vector<16xf32> to vector<1x16xf32>
    tpu.vector_store %arg7[%swap3A_817, %swap3A_818], %swap3A_821 {strides = array<i32>} : memref<128x16xf32, #tpu.memory_space<vmem>>, vector<1x16xf32>,
    %broadcast_in_dim3A_822 = arith.constant 1.000000e+00 : f32
    %broadcast_in_dim3A_823 = vector.broadcast %broadcast_in_dim3A_822 : f32 to vector<16xf32>
    %swap3A_824 = arith.constant 103 : i32
    %swap3A_825 = arith.index_cast %swap3A_824 : i32 to index
    %swap3A_826 = arith.constant 0 : index
    %swap3A_827 = tpu.vector_load %arg7[%swap3A_825, %swap3A_826] {strides = array<i32>} : memref<128x16xf32, #tpu.memory_space<vmem>>, vector<1x16xf32>,
    %swap3A_828 = vector.shape_cast %swap3A_827 : vector<1x16xf32> to vector<16xf32>
    %swap3A_829 = vector.shape_cast %broadcast_in_dim3A_823 : vector<16xf32> to vector<1x16xf32>
    tpu.vector_store %arg7[%swap3A_825, %swap3A_826], %swap3A_829 {strides = array<i32>} : memref<128x16xf32, #tpu.memory_space<vmem>>, vector<1x16xf32>,
    %broadcast_in_dim3A_830 = arith.constant 1.000000e+00 : f32
    %broadcast_in_dim3A_831 = vector.broadcast %broadcast_in_dim3A_830 : f32 to vector<16xf32>
    %swap3A_832 = arith.constant 104 : i32
    %swap3A_833 = arith.index_cast %swap3A_832 : i32 to index
    %swap3A_834 = arith.constant 0 : index
    %swap3A_835 = tpu.vector_load %arg7[%swap3A_833, %swap3A_834] {strides = array<i32>} : memref<128x16xf32, #tpu.memory_space<vmem>>, vector<1x16xf32>,
    %swap3A_836 = vector.shape_cast %swap3A_835 : vector<1x16xf32> to vector<16xf32>
    %swap3A_837 = vector.shape_cast %broadcast_in_dim3A_831 : vector<16xf32> to vector<1x16xf32>
    tpu.vector_store %arg7[%swap3A_833, %swap3A_834], %swap3A_837 {strides = array<i32>} : memref<128x16xf32, #tpu.memory_space<vmem>>, vector<1x16xf32>,
    %broadcast_in_dim3A_838 = arith.constant 1.000000e+00 : f32
    %broadcast_in_dim3A_839 = vector.broadcast %broadcast_in_dim3A_838 : f32 to vector<16xf32>
    %swap3A_840 = arith.constant 105 : i32
    %swap3A_841 = arith.index_cast %swap3A_840 : i32 to index
    %swap3A_842 = arith.constant 0 : index
    %swap3A_843 = tpu.vector_load %arg7[%swap3A_841, %swap3A_842] {strides = array<i32>} : memref<128x16xf32, #tpu.memory_space<vmem>>, vector<1x16xf32>,
    %swap3A_844 = vector.shape_cast %swap3A_843 : vector<1x16xf32> to vector<16xf32>
    %swap3A_845 = vector.shape_cast %broadcast_in_dim3A_839 : vector<16xf32> to vector<1x16xf32>
    tpu.vector_store %arg7[%swap3A_841, %swap3A_842], %swap3A_845 {strides = array<i32>} : memref<128x16xf32, #tpu.memory_space<vmem>>, vector<1x16xf32>,
    %broadcast_in_dim3A_846 = arith.constant 1.000000e+00 : f32
    %broadcast_in_dim3A_847 = vector.broadcast %broadcast_in_dim3A_846 : f32 to vector<16xf32>
    %swap3A_848 = arith.constant 106 : i32
    %swap3A_849 = arith.index_cast %swap3A_848 : i32 to index
    %swap3A_850 = arith.constant 0 : index
    %swap3A_851 = tpu.vector_load %arg7[%swap3A_849, %swap3A_850] {strides = array<i32>} : memref<128x16xf32, #tpu.memory_space<vmem>>, vector<1x16xf32>,
    %swap3A_852 = vector.shape_cast %swap3A_851 : vector<1x16xf32> to vector<16xf32>
    %swap3A_853 = vector.shape_cast %broadcast_in_dim3A_847 : vector<16xf32> to vector<1x16xf32>
    tpu.vector_store %arg7[%swap3A_849, %swap3A_850], %swap3A_853 {strides = array<i32>} : memref<128x16xf32, #tpu.memory_space<vmem>>, vector<1x16xf32>,
    %broadcast_in_dim3A_854 = arith.constant 1.000000e+00 : f32
    %broadcast_in_dim3A_855 = vector.broadcast %broadcast_in_dim3A_854 : f32 to vector<16xf32>
    %swap3A_856 = arith.constant 107 : i32
    %swap3A_857 = arith.index_cast %swap3A_856 : i32 to index
    %swap3A_858 = arith.constant 0 : index
    %swap3A_859 = tpu.vector_load %arg7[%swap3A_857, %swap3A_858] {strides = array<i32>} : memref<128x16xf32, #tpu.memory_space<vmem>>, vector<1x16xf32>,
    %swap3A_860 = vector.shape_cast %swap3A_859 : vector<1x16xf32> to vector<16xf32>
    %swap3A_861 = vector.shape_cast %broadcast_in_dim3A_855 : vector<16xf32> to vector<1x16xf32>
    tpu.vector_store %arg7[%swap3A_857, %swap3A_858], %swap3A_861 {strides = array<i32>} : memref<128x16xf32, #tpu.memory_space<vmem>>, vector<1x16xf32>,
    %broadcast_in_dim3A_862 = arith.constant 1.000000e+00 : f32
    %broadcast_in_dim3A_863 = vector.broadcast %broadcast_in_dim3A_862 : f32 to vector<16xf32>
    %swap3A_864 = arith.constant 108 : i32
    %swap3A_865 = arith.index_cast %swap3A_864 : i32 to index
    %swap3A_866 = arith.constant 0 : index
    %swap3A_867 = tpu.vector_load %arg7[%swap3A_865, %swap3A_866] {strides = array<i32>} : memref<128x16xf32, #tpu.memory_space<vmem>>, vector<1x16xf32>,
    %swap3A_868 = vector.shape_cast %swap3A_867 : vector<1x16xf32> to vector<16xf32>
    %swap3A_869 = vector.shape_cast %broadcast_in_dim3A_863 : vector<16xf32> to vector<1x16xf32>
    tpu.vector_store %arg7[%swap3A_865, %swap3A_866], %swap3A_869 {strides = array<i32>} : memref<128x16xf32, #tpu.memory_space<vmem>>, vector<1x16xf32>,
    %broadcast_in_dim3A_870 = arith.constant 1.000000e+00 : f32
    %broadcast_in_dim3A_871 = vector.broadcast %broadcast_in_dim3A_870 : f32 to vector<16xf32>
    %swap3A_872 = arith.constant 109 : i32
    %swap3A_873 = arith.index_cast %swap3A_872 : i32 to index
    %swap3A_874 = arith.constant 0 : index
    %swap3A_875 = tpu.vector_load %arg7[%swap3A_873, %swap3A_874] {strides = array<i32>} : memref<128x16xf32, #tpu.memory_space<vmem>>, vector<1x16xf32>,
    %swap3A_876 = vector.shape_cast %swap3A_875 : vector<1x16xf32> to vector<16xf32>
    %swap3A_877 = vector.shape_cast %broadcast_in_dim3A_871 : vector<16xf32> to vector<1x16xf32>
    tpu.vector_store %arg7[%swap3A_873, %swap3A_874], %swap3A_877 {strides = array<i32>} : memref<128x16xf32, #tpu.memory_space<vmem>>, vector<1x16xf32>,
    %broadcast_in_dim3A_878 = arith.constant 1.000000e+00 : f32
    %broadcast_in_dim3A_879 = vector.broadcast %broadcast_in_dim3A_878 : f32 to vector<16xf32>
    %swap3A_880 = arith.constant 110 : i32
    %swap3A_881 = arith.index_cast %swap3A_880 : i32 to index
    %swap3A_882 = arith.constant 0 : index
    %swap3A_883 = tpu.vector_load %arg7[%swap3A_881, %swap3A_882] {strides = array<i32>} : memref<128x16xf32, #tpu.memory_space<vmem>>, vector<1x16xf32>,
    %swap3A_884 = vector.shape_cast %swap3A_883 : vector<1x16xf32> to vector<16xf32>
    %swap3A_885 = vector.shape_cast %broadcast_in_dim3A_879 : vector<16xf32> to vector<1x16xf32>
    tpu.vector_store %arg7[%swap3A_881, %swap3A_882], %swap3A_885 {strides = array<i32>} : memref<128x16xf32, #tpu.memory_space<vmem>>, vector<1x16xf32>,
    %broadcast_in_dim3A_886 = arith.constant 1.000000e+00 : f32
    %broadcast_in_dim3A_887 = vector.broadcast %broadcast_in_dim3A_886 : f32 to vector<16xf32>
    %swap3A_888 = arith.constant 111 : i32
    %swap3A_889 = arith.index_cast %swap3A_888 : i32 to index
    %swap3A_890 = arith.constant 0 : index
    %swap3A_891 = tpu.vector_load %arg7[%swap3A_889, %swap3A_890] {strides = array<i32>} : memref<128x16xf32, #tpu.memory_space<vmem>>, vector<1x16xf32>,
    %swap3A_892 = vector.shape_cast %swap3A_891 : vector<1x16xf32> to vector<16xf32>
    %swap3A_893 = vector.shape_cast %broadcast_in_dim3A_887 : vector<16xf32> to vector<1x16xf32>
    tpu.vector_store %arg7[%swap3A_889, %swap3A_890], %swap3A_893 {strides = array<i32>} : memref<128x16xf32, #tpu.memory_space<vmem>>, vector<1x16xf32>,
    %broadcast_in_dim3A_894 = arith.constant 1.000000e+00 : f32
    %broadcast_in_dim3A_895 = vector.broadcast %broadcast_in_dim3A_894 : f32 to vector<16xf32>
    %swap3A_896 = arith.constant 112 : i32
    %swap3A_897 = arith.index_cast %swap3A_896 : i32 to index
    %swap3A_898 = arith.constant 0 : index
    %swap3A_899 = tpu.vector_load %arg7[%swap3A_897, %swap3A_898] {strides = array<i32>} : memref<128x16xf32, #tpu.memory_space<vmem>>, vector<1x16xf32>,
    %swap3A_900 = vector.shape_cast %swap3A_899 : vector<1x16xf32> to vector<16xf32>
    %swap3A_901 = vector.shape_cast %broadcast_in_dim3A_895 : vector<16xf32> to vector<1x16xf32>
    tpu.vector_store %arg7[%swap3A_897, %swap3A_898], %swap3A_901 {strides = array<i32>} : memref<128x16xf32, #tpu.memory_space<vmem>>, vector<1x16xf32>,
    %broadcast_in_dim3A_902 = arith.constant 1.000000e+00 : f32
    %broadcast_in_dim3A_903 = vector.broadcast %broadcast_in_dim3A_902 : f32 to vector<16xf32>
    %swap3A_904 = arith.constant 113 : i32
    %swap3A_905 = arith.index_cast %swap3A_904 : i32 to index
    %swap3A_906 = arith.constant 0 : index
    %swap3A_907 = tpu.vector_load %arg7[%swap3A_905, %swap3A_906] {strides = array<i32>} : memref<128x16xf32, #tpu.memory_space<vmem>>, vector<1x16xf32>,
    %swap3A_908 = vector.shape_cast %swap3A_907 : vector<1x16xf32> to vector<16xf32>
    %swap3A_909 = vector.shape_cast %broadcast_in_dim3A_903 : vector<16xf32> to vector<1x16xf32>
    tpu.vector_store %arg7[%swap3A_905, %swap3A_906], %swap3A_909 {strides = array<i32>} : memref<128x16xf32, #tpu.memory_space<vmem>>, vector<1x16xf32>,
    %broadcast_in_dim3A_910 = arith.constant 1.000000e+00 : f32
    %broadcast_in_dim3A_911 = vector.broadcast %broadcast_in_dim3A_910 : f32 to vector<16xf32>
    %swap3A_912 = arith.constant 114 : i32
    %swap3A_913 = arith.index_cast %swap3A_912 : i32 to index
    %swap3A_914 = arith.constant 0 : index
    %swap3A_915 = tpu.vector_load %arg7[%swap3A_913, %swap3A_914] {strides = array<i32>} : memref<128x16xf32, #tpu.memory_space<vmem>>, vector<1x16xf32>,
    %swap3A_916 = vector.shape_cast %swap3A_915 : vector<1x16xf32> to vector<16xf32>
    %swap3A_917 = vector.shape_cast %broadcast_in_dim3A_911 : vector<16xf32> to vector<1x16xf32>
    tpu.vector_store %arg7[%swap3A_913, %swap3A_914], %swap3A_917 {strides = array<i32>} : memref<128x16xf32, #tpu.memory_space<vmem>>, vector<1x16xf32>,
    %broadcast_in_dim3A_918 = arith.constant 1.000000e+00 : f32
    %broadcast_in_dim3A_919 = vector.broadcast %broadcast_in_dim3A_918 : f32 to vector<16xf32>
    %swap3A_920 = arith.constant 115 : i32
    %swap3A_921 = arith.index_cast %swap3A_920 : i32 to index
    %swap3A_922 = arith.constant 0 : index
    %swap3A_923 = tpu.vector_load %arg7[%swap3A_921, %swap3A_922] {strides = array<i32>} : memref<128x16xf32, #tpu.memory_space<vmem>>, vector<1x16xf32>,
    %swap3A_924 = vector.shape_cast %swap3A_923 : vector<1x16xf32> to vector<16xf32>
    %swap3A_925 = vector.shape_cast %broadcast_in_dim3A_919 : vector<16xf32> to vector<1x16xf32>
    tpu.vector_store %arg7[%swap3A_921, %swap3A_922], %swap3A_925 {strides = array<i32>} : memref<128x16xf32, #tpu.memory_space<vmem>>, vector<1x16xf32>,
    %broadcast_in_dim3A_926 = arith.constant 1.000000e+00 : f32
    %broadcast_in_dim3A_927 = vector.broadcast %broadcast_in_dim3A_926 : f32 to vector<16xf32>
    %swap3A_928 = arith.constant 116 : i32
    %swap3A_929 = arith.index_cast %swap3A_928 : i32 to index
    %swap3A_930 = arith.constant 0 : index
    %swap3A_931 = tpu.vector_load %arg7[%swap3A_929, %swap3A_930] {strides = array<i32>} : memref<128x16xf32, #tpu.memory_space<vmem>>, vector<1x16xf32>,
    %swap3A_932 = vector.shape_cast %swap3A_931 : vector<1x16xf32> to vector<16xf32>
    %swap3A_933 = vector.shape_cast %broadcast_in_dim3A_927 : vector<16xf32> to vector<1x16xf32>
    tpu.vector_store %arg7[%swap3A_929, %swap3A_930], %swap3A_933 {strides = array<i32>} : memref<128x16xf32, #tpu.memory_space<vmem>>, vector<1x16xf32>,
    %broadcast_in_dim3A_934 = arith.constant 1.000000e+00 : f32
    %broadcast_in_dim3A_935 = vector.broadcast %broadcast_in_dim3A_934 : f32 to vector<16xf32>
    %swap3A_936 = arith.constant 117 : i32
    %swap3A_937 = arith.index_cast %swap3A_936 : i32 to index
    %swap3A_938 = arith.constant 0 : index
    %swap3A_939 = tpu.vector_load %arg7[%swap3A_937, %swap3A_938] {strides = array<i32>} : memref<128x16xf32, #tpu.memory_space<vmem>>, vector<1x16xf32>,
    %swap3A_940 = vector.shape_cast %swap3A_939 : vector<1x16xf32> to vector<16xf32>
    %swap3A_941 = vector.shape_cast %broadcast_in_dim3A_935 : vector<16xf32> to vector<1x16xf32>
    tpu.vector_store %arg7[%swap3A_937, %swap3A_938], %swap3A_941 {strides = array<i32>} : memref<128x16xf32, #tpu.memory_space<vmem>>, vector<1x16xf32>,
    %broadcast_in_dim3A_942 = arith.constant 1.000000e+00 : f32
    %broadcast_in_dim3A_943 = vector.broadcast %broadcast_in_dim3A_942 : f32 to vector<16xf32>
    %swap3A_944 = arith.constant 118 : i32
    %swap3A_945 = arith.index_cast %swap3A_944 : i32 to index
    %swap3A_946 = arith.constant 0 : index
    %swap3A_947 = tpu.vector_load %arg7[%swap3A_945, %swap3A_946] {strides = array<i32>} : memref<128x16xf32, #tpu.memory_space<vmem>>, vector<1x16xf32>,
    %swap3A_948 = vector.shape_cast %swap3A_947 : vector<1x16xf32> to vector<16xf32>
    %swap3A_949 = vector.shape_cast %broadcast_in_dim3A_943 : vector<16xf32> to vector<1x16xf32>
    tpu.vector_store %arg7[%swap3A_945, %swap3A_946], %swap3A_949 {strides = array<i32>} : memref<128x16xf32, #tpu.memory_space<vmem>>, vector<1x16xf32>,
    %broadcast_in_dim3A_950 = arith.constant 1.000000e+00 : f32
    %broadcast_in_dim3A_951 = vector.broadcast %broadcast_in_dim3A_950 : f32 to vector<16xf32>
    %swap3A_952 = arith.constant 119 : i32
    %swap3A_953 = arith.index_cast %swap3A_952 : i32 to index
    %swap3A_954 = arith.constant 0 : index
    %swap3A_955 = tpu.vector_load %arg7[%swap3A_953, %swap3A_954] {strides = array<i32>} : memref<128x16xf32, #tpu.memory_space<vmem>>, vector<1x16xf32>,
    %swap3A_956 = vector.shape_cast %swap3A_955 : vector<1x16xf32> to vector<16xf32>
    %swap3A_957 = vector.shape_cast %broadcast_in_dim3A_951 : vector<16xf32> to vector<1x16xf32>
    tpu.vector_store %arg7[%swap3A_953, %swap3A_954], %swap3A_957 {strides = array<i32>} : memref<128x16xf32, #tpu.memory_space<vmem>>, vector<1x16xf32>,
    %broadcast_in_dim3A_958 = arith.constant 1.000000e+00 : f32
    %broadcast_in_dim3A_959 = vector.broadcast %broadcast_in_dim3A_958 : f32 to vector<16xf32>
    %swap3A_960 = arith.constant 120 : i32
    %swap3A_961 = arith.index_cast %swap3A_960 : i32 to index
    %swap3A_962 = arith.constant 0 : index
    %swap3A_963 = tpu.vector_load %arg7[%swap3A_961, %swap3A_962] {strides = array<i32>} : memref<128x16xf32, #tpu.memory_space<vmem>>, vector<1x16xf32>,
    %swap3A_964 = vector.shape_cast %swap3A_963 : vector<1x16xf32> to vector<16xf32>
    %swap3A_965 = vector.shape_cast %broadcast_in_dim3A_959 : vector<16xf32> to vector<1x16xf32>
    tpu.vector_store %arg7[%swap3A_961, %swap3A_962], %swap3A_965 {strides = array<i32>} : memref<128x16xf32, #tpu.memory_space<vmem>>, vector<1x16xf32>,
    %broadcast_in_dim3A_966 = arith.constant 1.000000e+00 : f32
    %broadcast_in_dim3A_967 = vector.broadcast %broadcast_in_dim3A_966 : f32 to vector<16xf32>
    %swap3A_968 = arith.constant 121 : i32
    %swap3A_969 = arith.index_cast %swap3A_968 : i32 to index
    %swap3A_970 = arith.constant 0 : index
    %swap3A_971 = tpu.vector_load %arg7[%swap3A_969, %swap3A_970] {strides = array<i32>} : memref<128x16xf32, #tpu.memory_space<vmem>>, vector<1x16xf32>,
    %swap3A_972 = vector.shape_cast %swap3A_971 : vector<1x16xf32> to vector<16xf32>
    %swap3A_973 = vector.shape_cast %broadcast_in_dim3A_967 : vector<16xf32> to vector<1x16xf32>
    tpu.vector_store %arg7[%swap3A_969, %swap3A_970], %swap3A_973 {strides = array<i32>} : memref<128x16xf32, #tpu.memory_space<vmem>>, vector<1x16xf32>,
    %broadcast_in_dim3A_974 = arith.constant 1.000000e+00 : f32
    %broadcast_in_dim3A_975 = vector.broadcast %broadcast_in_dim3A_974 : f32 to vector<16xf32>
    %swap3A_976 = arith.constant 122 : i32
    %swap3A_977 = arith.index_cast %swap3A_976 : i32 to index
    %swap3A_978 = arith.constant 0 : index
    %swap3A_979 = tpu.vector_load %arg7[%swap3A_977, %swap3A_978] {strides = array<i32>} : memref<128x16xf32, #tpu.memory_space<vmem>>, vector<1x16xf32>,
    %swap3A_980 = vector.shape_cast %swap3A_979 : vector<1x16xf32> to vector<16xf32>
    %swap3A_981 = vector.shape_cast %broadcast_in_dim3A_975 : vector<16xf32> to vector<1x16xf32>
    tpu.vector_store %arg7[%swap3A_977, %swap3A_978], %swap3A_981 {strides = array<i32>} : memref<128x16xf32, #tpu.memory_space<vmem>>, vector<1x16xf32>,
    %broadcast_in_dim3A_982 = arith.constant 1.000000e+00 : f32
    %broadcast_in_dim3A_983 = vector.broadcast %broadcast_in_dim3A_982 : f32 to vector<16xf32>
    %swap3A_984 = arith.constant 123 : i32
    %swap3A_985 = arith.index_cast %swap3A_984 : i32 to index
    %swap3A_986 = arith.constant 0 : index
    %swap3A_987 = tpu.vector_load %arg7[%swap3A_985, %swap3A_986] {strides = array<i32>} : memref<128x16xf32, #tpu.memory_space<vmem>>, vector<1x16xf32>,
    %swap3A_988 = vector.shape_cast %swap3A_987 : vector<1x16xf32> to vector<16xf32>
    %swap3A_989 = vector.shape_cast %broadcast_in_dim3A_983 : vector<16xf32> to vector<1x16xf32>
    tpu.vector_store %arg7[%swap3A_985, %swap3A_986], %swap3A_989 {strides = array<i32>} : memref<128x16xf32, #tpu.memory_space<vmem>>, vector<1x16xf32>,
    %broadcast_in_dim3A_990 = arith.constant 1.000000e+00 : f32
    %broadcast_in_dim3A_991 = vector.broadcast %broadcast_in_dim3A_990 : f32 to vector<16xf32>
    %swap3A_992 = arith.constant 124 : i32
    %swap3A_993 = arith.index_cast %swap3A_992 : i32 to index
    %swap3A_994 = arith.constant 0 : index
    %swap3A_995 = tpu.vector_load %arg7[%swap3A_993, %swap3A_994] {strides = array<i32>} : memref<128x16xf32, #tpu.memory_space<vmem>>, vector<1x16xf32>,
    %swap3A_996 = vector.shape_cast %swap3A_995 : vector<1x16xf32> to vector<16xf32>
    %swap3A_997 = vector.shape_cast %broadcast_in_dim3A_991 : vector<16xf32> to vector<1x16xf32>
    tpu.vector_store %arg7[%swap3A_993, %swap3A_994], %swap3A_997 {strides = array<i32>} : memref<128x16xf32, #tpu.memory_space<vmem>>, vector<1x16xf32>,
    %broadcast_in_dim3A_998 = arith.constant 1.000000e+00 : f32
    %broadcast_in_dim3A_999 = vector.broadcast %broadcast_in_dim3A_998 : f32 to vector<16xf32>
    %swap3A_1000 = arith.constant 125 : i32
    %swap3A_1001 = arith.index_cast %swap3A_1000 : i32 to index
    %swap3A_1002 = arith.constant 0 : index
    %swap3A_1003 = tpu.vector_load %arg7[%swap3A_1001, %swap3A_1002] {strides = array<i32>} : memref<128x16xf32, #tpu.memory_space<vmem>>, vector<1x16xf32>,
    %swap3A_1004 = vector.shape_cast %swap3A_1003 : vector<1x16xf32> to vector<16xf32>
    %swap3A_1005 = vector.shape_cast %broadcast_in_dim3A_999 : vector<16xf32> to vector<1x16xf32>
    tpu.vector_store %arg7[%swap3A_1001, %swap3A_1002], %swap3A_1005 {strides = array<i32>} : memref<128x16xf32, #tpu.memory_space<vmem>>, vector<1x16xf32>,
    %broadcast_in_dim3A_1006 = arith.constant 1.000000e+00 : f32
    %broadcast_in_dim3A_1007 = vector.broadcast %broadcast_in_dim3A_1006 : f32 to vector<16xf32>
    %swap3A_1008 = arith.constant 126 : i32
    %swap3A_1009 = arith.index_cast %swap3A_1008 : i32 to index
    %swap3A_1010 = arith.constant 0 : index
    %swap3A_1011 = tpu.vector_load %arg7[%swap3A_1009, %swap3A_1010] {strides = array<i32>} : memref<128x16xf32, #tpu.memory_space<vmem>>, vector<1x16xf32>,
    %swap3A_1012 = vector.shape_cast %swap3A_1011 : vector<1x16xf32> to vector<16xf32>
    %swap3A_1013 = vector.shape_cast %broadcast_in_dim3A_1007 : vector<16xf32> to vector<1x16xf32>
    tpu.vector_store %arg7[%swap3A_1009, %swap3A_1010], %swap3A_1013 {strides = array<i32>} : memref<128x16xf32, #tpu.memory_space<vmem>>, vector<1x16xf32>,
    %broadcast_in_dim3A_1014 = arith.constant 1.000000e+00 : f32
    %broadcast_in_dim3A_1015 = vector.broadcast %broadcast_in_dim3A_1014 : f32 to vector<16xf32>
    %swap3A_1016 = arith.constant 127 : i32
    %swap3A_1017 = arith.index_cast %swap3A_1016 : i32 to index
    %swap3A_1018 = arith.constant 0 : index
    %swap3A_1019 = tpu.vector_load %arg7[%swap3A_1017, %swap3A_1018] {strides = array<i32>} : memref<128x16xf32, #tpu.memory_space<vmem>>, vector<1x16xf32>,
    %swap3A_1020 = vector.shape_cast %swap3A_1019 : vector<1x16xf32> to vector<16xf32>
    %swap3A_1021 = vector.shape_cast %broadcast_in_dim3A_1015 : vector<16xf32> to vector<1x16xf32>
    tpu.vector_store %arg7[%swap3A_1017, %swap3A_1018], %swap3A_1021 {strides = array<i32>} : memref<128x16xf32, #tpu.memory_space<vmem>>, vector<1x16xf32>,
    %broadcast_in_dim3A_1022 = arith.constant 0.000000e+00 : f32
    %broadcast_in_dim3A_1023 = vector.broadcast %broadcast_in_dim3A_1022 : f32 to vector<16xf32>
    %swap3A_1024 = arith.constant 0 : i32
    %swap3A_1025 = arith.index_cast %swap3A_1024 : i32 to index
    %swap3A_1026 = arith.constant 0 : index
    %swap3A_1027 = tpu.vector_load %arg8[%swap3A_1025, %swap3A_1026] {strides = array<i32>} : memref<128x16xf32, #tpu.memory_space<vmem>>, vector<1x16xf32>,
    %swap3A_1028 = vector.shape_cast %swap3A_1027 : vector<1x16xf32> to vector<16xf32>
    %swap3A_1029 = vector.shape_cast %broadcast_in_dim3A_1023 : vector<16xf32> to vector<1x16xf32>
    tpu.vector_store %arg8[%swap3A_1025, %swap3A_1026], %swap3A_1029 {strides = array<i32>} : memref<128x16xf32, #tpu.memory_space<vmem>>, vector<1x16xf32>,
    %broadcast_in_dim3A_1030 = arith.constant 0.000000e+00 : f32
    %broadcast_in_dim3A_1031 = vector.broadcast %broadcast_in_dim3A_1030 : f32 to vector<16xf32>
    %swap3A_1032 = arith.constant 1 : i32
    %swap3A_1033 = arith.index_cast %swap3A_1032 : i32 to index
    %swap3A_1034 = arith.constant 0 : index
    %swap3A_1035 = tpu.vector_load %arg8[%swap3A_1033, %swap3A_1034] {strides = array<i32>} : memref<128x16xf32, #tpu.memory_space<vmem>>, vector<1x16xf32>,
    %swap3A_1036 = vector.shape_cast %swap3A_1035 : vector<1x16xf32> to vector<16xf32>
    %swap3A_1037 = vector.shape_cast %broadcast_in_dim3A_1031 : vector<16xf32> to vector<1x16xf32>
    tpu.vector_store %arg8[%swap3A_1033, %swap3A_1034], %swap3A_1037 {strides = array<i32>} : memref<128x16xf32, #tpu.memory_space<vmem>>, vector<1x16xf32>,
    %broadcast_in_dim3A_1038 = arith.constant 0.000000e+00 : f32
    %broadcast_in_dim3A_1039 = vector.broadcast %broadcast_in_dim3A_1038 : f32 to vector<16xf32>
    %swap3A_1040 = arith.constant 2 : i32
    %swap3A_1041 = arith.index_cast %swap3A_1040 : i32 to index
    %swap3A_1042 = arith.constant 0 : index
    %swap3A_1043 = tpu.vector_load %arg8[%swap3A_1041, %swap3A_1042] {strides = array<i32>} : memref<128x16xf32, #tpu.memory_space<vmem>>, vector<1x16xf32>,
    %swap3A_1044 = vector.shape_cast %swap3A_1043 : vector<1x16xf32> to vector<16xf32>
    %swap3A_1045 = vector.shape_cast %broadcast_in_dim3A_1039 : vector<16xf32> to vector<1x16xf32>
    tpu.vector_store %arg8[%swap3A_1041, %swap3A_1042], %swap3A_1045 {strides = array<i32>} : memref<128x16xf32, #tpu.memory_space<vmem>>, vector<1x16xf32>,
    %broadcast_in_dim3A_1046 = arith.constant 0.000000e+00 : f32
    %broadcast_in_dim3A_1047 = vector.broadcast %broadcast_in_dim3A_1046 : f32 to vector<16xf32>
    %swap3A_1048 = arith.constant 3 : i32
    %swap3A_1049 = arith.index_cast %swap3A_1048 : i32 to index
    %swap3A_1050 = arith.constant 0 : index
    %swap3A_1051 = tpu.vector_load %arg8[%swap3A_1049, %swap3A_1050] {strides = array<i32>} : memref<128x16xf32, #tpu.memory_space<vmem>>, vector<1x16xf32>,
    %swap3A_1052 = vector.shape_cast %swap3A_1051 : vector<1x16xf32> to vector<16xf32>
    %swap3A_1053 = vector.shape_cast %broadcast_in_dim3A_1047 : vector<16xf32> to vector<1x16xf32>
    tpu.vector_store %arg8[%swap3A_1049, %swap3A_1050], %swap3A_1053 {strides = array<i32>} : memref<128x16xf32, #tpu.memory_space<vmem>>, vector<1x16xf32>,
    %broadcast_in_dim3A_1054 = arith.constant 0.000000e+00 : f32
    %broadcast_in_dim3A_1055 = vector.broadcast %broadcast_in_dim3A_1054 : f32 to vector<16xf32>
    %swap3A_1056 = arith.constant 4 : i32
    %swap3A_1057 = arith.index_cast %swap3A_1056 : i32 to index
    %swap3A_1058 = arith.constant 0 : index
    %swap3A_1059 = tpu.vector_load %arg8[%swap3A_1057, %swap3A_1058] {strides = array<i32>} : memref<128x16xf32, #tpu.memory_space<vmem>>, vector<1x16xf32>,
    %swap3A_1060 = vector.shape_cast %swap3A_1059 : vector<1x16xf32> to vector<16xf32>
    %swap3A_1061 = vector.shape_cast %broadcast_in_dim3A_1055 : vector<16xf32> to vector<1x16xf32>
    tpu.vector_store %arg8[%swap3A_1057, %swap3A_1058], %swap3A_1061 {strides = array<i32>} : memref<128x16xf32, #tpu.memory_space<vmem>>, vector<1x16xf32>,
    %broadcast_in_dim3A_1062 = arith.constant 0.000000e+00 : f32
    %broadcast_in_dim3A_1063 = vector.broadcast %broadcast_in_dim3A_1062 : f32 to vector<16xf32>
    %swap3A_1064 = arith.constant 5 : i32
    %swap3A_1065 = arith.index_cast %swap3A_1064 : i32 to index
    %swap3A_1066 = arith.constant 0 : index
    %swap3A_1067 = tpu.vector_load %arg8[%swap3A_1065, %swap3A_1066] {strides = array<i32>} : memref<128x16xf32, #tpu.memory_space<vmem>>, vector<1x16xf32>,
    %swap3A_1068 = vector.shape_cast %swap3A_1067 : vector<1x16xf32> to vector<16xf32>
    %swap3A_1069 = vector.shape_cast %broadcast_in_dim3A_1063 : vector<16xf32> to vector<1x16xf32>
    tpu.vector_store %arg8[%swap3A_1065, %swap3A_1066], %swap3A_1069 {strides = array<i32>} : memref<128x16xf32, #tpu.memory_space<vmem>>, vector<1x16xf32>,
    %broadcast_in_dim3A_1070 = arith.constant 0.000000e+00 : f32
    %broadcast_in_dim3A_1071 = vector.broadcast %broadcast_in_dim3A_1070 : f32 to vector<16xf32>
    %swap3A_1072 = arith.constant 6 : i32
    %swap3A_1073 = arith.index_cast %swap3A_1072 : i32 to index
    %swap3A_1074 = arith.constant 0 : index
    %swap3A_1075 = tpu.vector_load %arg8[%swap3A_1073, %swap3A_1074] {strides = array<i32>} : memref<128x16xf32, #tpu.memory_space<vmem>>, vector<1x16xf32>,
    %swap3A_1076 = vector.shape_cast %swap3A_1075 : vector<1x16xf32> to vector<16xf32>
    %swap3A_1077 = vector.shape_cast %broadcast_in_dim3A_1071 : vector<16xf32> to vector<1x16xf32>
    tpu.vector_store %arg8[%swap3A_1073, %swap3A_1074], %swap3A_1077 {strides = array<i32>} : memref<128x16xf32, #tpu.memory_space<vmem>>, vector<1x16xf32>,
    %broadcast_in_dim3A_1078 = arith.constant 0.000000e+00 : f32
    %broadcast_in_dim3A_1079 = vector.broadcast %broadcast_in_dim3A_1078 : f32 to vector<16xf32>
    %swap3A_1080 = arith.constant 7 : i32
    %swap3A_1081 = arith.index_cast %swap3A_1080 : i32 to index
    %swap3A_1082 = arith.constant 0 : index
    %swap3A_1083 = tpu.vector_load %arg8[%swap3A_1081, %swap3A_1082] {strides = array<i32>} : memref<128x16xf32, #tpu.memory_space<vmem>>, vector<1x16xf32>,
    %swap3A_1084 = vector.shape_cast %swap3A_1083 : vector<1x16xf32> to vector<16xf32>
    %swap3A_1085 = vector.shape_cast %broadcast_in_dim3A_1079 : vector<16xf32> to vector<1x16xf32>
    tpu.vector_store %arg8[%swap3A_1081, %swap3A_1082], %swap3A_1085 {strides = array<i32>} : memref<128x16xf32, #tpu.memory_space<vmem>>, vector<1x16xf32>,
    %broadcast_in_dim3A_1086 = arith.constant 0.000000e+00 : f32
    %broadcast_in_dim3A_1087 = vector.broadcast %broadcast_in_dim3A_1086 : f32 to vector<16xf32>
    %swap3A_1088 = arith.constant 8 : i32
    %swap3A_1089 = arith.index_cast %swap3A_1088 : i32 to index
    %swap3A_1090 = arith.constant 0 : index
    %swap3A_1091 = tpu.vector_load %arg8[%swap3A_1089, %swap3A_1090] {strides = array<i32>} : memref<128x16xf32, #tpu.memory_space<vmem>>, vector<1x16xf32>,
    %swap3A_1092 = vector.shape_cast %swap3A_1091 : vector<1x16xf32> to vector<16xf32>
    %swap3A_1093 = vector.shape_cast %broadcast_in_dim3A_1087 : vector<16xf32> to vector<1x16xf32>
    tpu.vector_store %arg8[%swap3A_1089, %swap3A_1090], %swap3A_1093 {strides = array<i32>} : memref<128x16xf32, #tpu.memory_space<vmem>>, vector<1x16xf32>,
    %broadcast_in_dim3A_1094 = arith.constant 0.000000e+00 : f32
    %broadcast_in_dim3A_1095 = vector.broadcast %broadcast_in_dim3A_1094 : f32 to vector<16xf32>
    %swap3A_1096 = arith.constant 9 : i32
    %swap3A_1097 = arith.index_cast %swap3A_1096 : i32 to index
    %swap3A_1098 = arith.constant 0 : index
    %swap3A_1099 = tpu.vector_load %arg8[%swap3A_1097, %swap3A_1098] {strides = array<i32>} : memref<128x16xf32, #tpu.memory_space<vmem>>, vector<1x16xf32>,
    %swap3A_1100 = vector.shape_cast %swap3A_1099 : vector<1x16xf32> to vector<16xf32>
    %swap3A_1101 = vector.shape_cast %broadcast_in_dim3A_1095 : vector<16xf32> to vector<1x16xf32>
    tpu.vector_store %arg8[%swap3A_1097, %swap3A_1098], %swap3A_1101 {strides = array<i32>} : memref<128x16xf32, #tpu.memory_space<vmem>>, vector<1x16xf32>,
    %broadcast_in_dim3A_1102 = arith.constant 0.000000e+00 : f32
    %broadcast_in_dim3A_1103 = vector.broadcast %broadcast_in_dim3A_1102 : f32 to vector<16xf32>
    %swap3A_1104 = arith.constant 10 : i32
    %swap3A_1105 = arith.index_cast %swap3A_1104 : i32 to index
    %swap3A_1106 = arith.constant 0 : index
    %swap3A_1107 = tpu.vector_load %arg8[%swap3A_1105, %swap3A_1106] {strides = array<i32>} : memref<128x16xf32, #tpu.memory_space<vmem>>, vector<1x16xf32>,
    %swap3A_1108 = vector.shape_cast %swap3A_1107 : vector<1x16xf32> to vector<16xf32>
    %swap3A_1109 = vector.shape_cast %broadcast_in_dim3A_1103 : vector<16xf32> to vector<1x16xf32>
    tpu.vector_store %arg8[%swap3A_1105, %swap3A_1106], %swap3A_1109 {strides = array<i32>} : memref<128x16xf32, #tpu.memory_space<vmem>>, vector<1x16xf32>,
    %broadcast_in_dim3A_1110 = arith.constant 0.000000e+00 : f32
    %broadcast_in_dim3A_1111 = vector.broadcast %broadcast_in_dim3A_1110 : f32 to vector<16xf32>
    %swap3A_1112 = arith.constant 11 : i32
    %swap3A_1113 = arith.index_cast %swap3A_1112 : i32 to index
    %swap3A_1114 = arith.constant 0 : index
    %swap3A_1115 = tpu.vector_load %arg8[%swap3A_1113, %swap3A_1114] {strides = array<i32>} : memref<128x16xf32, #tpu.memory_space<vmem>>, vector<1x16xf32>,
    %swap3A_1116 = vector.shape_cast %swap3A_1115 : vector<1x16xf32> to vector<16xf32>
    %swap3A_1117 = vector.shape_cast %broadcast_in_dim3A_1111 : vector<16xf32> to vector<1x16xf32>
    tpu.vector_store %arg8[%swap3A_1113, %swap3A_1114], %swap3A_1117 {strides = array<i32>} : memref<128x16xf32, #tpu.memory_space<vmem>>, vector<1x16xf32>,
    %broadcast_in_dim3A_1118 = arith.constant 0.000000e+00 : f32
    %broadcast_in_dim3A_1119 = vector.broadcast %broadcast_in_dim3A_1118 : f32 to vector<16xf32>
    %swap3A_1120 = arith.constant 12 : i32
    %swap3A_1121 = arith.index_cast %swap3A_1120 : i32 to index
    %swap3A_1122 = arith.constant 0 : index
    %swap3A_1123 = tpu.vector_load %arg8[%swap3A_1121, %swap3A_1122] {strides = array<i32>} : memref<128x16xf32, #tpu.memory_space<vmem>>, vector<1x16xf32>,
    %swap3A_1124 = vector.shape_cast %swap3A_1123 : vector<1x16xf32> to vector<16xf32>
    %swap3A_1125 = vector.shape_cast %broadcast_in_dim3A_1119 : vector<16xf32> to vector<1x16xf32>
    tpu.vector_store %arg8[%swap3A_1121, %swap3A_1122], %swap3A_1125 {strides = array<i32>} : memref<128x16xf32, #tpu.memory_space<vmem>>, vector<1x16xf32>,
    %broadcast_in_dim3A_1126 = arith.constant 0.000000e+00 : f32
    %broadcast_in_dim3A_1127 = vector.broadcast %broadcast_in_dim3A_1126 : f32 to vector<16xf32>
    %swap3A_1128 = arith.constant 13 : i32
    %swap3A_1129 = arith.index_cast %swap3A_1128 : i32 to index
    %swap3A_1130 = arith.constant 0 : index
    %swap3A_1131 = tpu.vector_load %arg8[%swap3A_1129, %swap3A_1130] {strides = array<i32>} : memref<128x16xf32, #tpu.memory_space<vmem>>, vector<1x16xf32>,
    %swap3A_1132 = vector.shape_cast %swap3A_1131 : vector<1x16xf32> to vector<16xf32>
    %swap3A_1133 = vector.shape_cast %broadcast_in_dim3A_1127 : vector<16xf32> to vector<1x16xf32>
    tpu.vector_store %arg8[%swap3A_1129, %swap3A_1130], %swap3A_1133 {strides = array<i32>} : memref<128x16xf32, #tpu.memory_space<vmem>>, vector<1x16xf32>,
    %broadcast_in_dim3A_1134 = arith.constant 0.000000e+00 : f32
    %broadcast_in_dim3A_1135 = vector.broadcast %broadcast_in_dim3A_1134 : f32 to vector<16xf32>
    %swap3A_1136 = arith.constant 14 : i32
    %swap3A_1137 = arith.index_cast %swap3A_1136 : i32 to index
    %swap3A_1138 = arith.constant 0 : index
    %swap3A_1139 = tpu.vector_load %arg8[%swap3A_1137, %swap3A_1138] {strides = array<i32>} : memref<128x16xf32, #tpu.memory_space<vmem>>, vector<1x16xf32>,
    %swap3A_1140 = vector.shape_cast %swap3A_1139 : vector<1x16xf32> to vector<16xf32>
    %swap3A_1141 = vector.shape_cast %broadcast_in_dim3A_1135 : vector<16xf32> to vector<1x16xf32>
    tpu.vector_store %arg8[%swap3A_1137, %swap3A_1138], %swap3A_1141 {strides = array<i32>} : memref<128x16xf32, #tpu.memory_space<vmem>>, vector<1x16xf32>,
    %broadcast_in_dim3A_1142 = arith.constant 0.000000e+00 : f32
    %broadcast_in_dim3A_1143 = vector.broadcast %broadcast_in_dim3A_1142 : f32 to vector<16xf32>
    %swap3A_1144 = arith.constant 15 : i32
    %swap3A_1145 = arith.index_cast %swap3A_1144 : i32 to index
    %swap3A_1146 = arith.constant 0 : index
    %swap3A_1147 = tpu.vector_load %arg8[%swap3A_1145, %swap3A_1146] {strides = array<i32>} : memref<128x16xf32, #tpu.memory_space<vmem>>, vector<1x16xf32>,
    %swap3A_1148 = vector.shape_cast %swap3A_1147 : vector<1x16xf32> to vector<16xf32>
    %swap3A_1149 = vector.shape_cast %broadcast_in_dim3A_1143 : vector<16xf32> to vector<1x16xf32>
    tpu.vector_store %arg8[%swap3A_1145, %swap3A_1146], %swap3A_1149 {strides = array<i32>} : memref<128x16xf32, #tpu.memory_space<vmem>>, vector<1x16xf32>,
    %broadcast_in_dim3A_1150 = arith.constant 0.000000e+00 : f32
    %broadcast_in_dim3A_1151 = vector.broadcast %broadcast_in_dim3A_1150 : f32 to vector<16xf32>
    %swap3A_1152 = arith.constant 16 : i32
    %swap3A_1153 = arith.index_cast %swap3A_1152 : i32 to index
    %swap3A_1154 = arith.constant 0 : index
    %swap3A_1155 = tpu.vector_load %arg8[%swap3A_1153, %swap3A_1154] {strides = array<i32>} : memref<128x16xf32, #tpu.memory_space<vmem>>, vector<1x16xf32>,
    %swap3A_1156 = vector.shape_cast %swap3A_1155 : vector<1x16xf32> to vector<16xf32>
    %swap3A_1157 = vector.shape_cast %broadcast_in_dim3A_1151 : vector<16xf32> to vector<1x16xf32>
    tpu.vector_store %arg8[%swap3A_1153, %swap3A_1154], %swap3A_1157 {strides = array<i32>} : memref<128x16xf32, #tpu.memory_space<vmem>>, vector<1x16xf32>,
    %broadcast_in_dim3A_1158 = arith.constant 0.000000e+00 : f32
    %broadcast_in_dim3A_1159 = vector.broadcast %broadcast_in_dim3A_1158 : f32 to vector<16xf32>
    %swap3A_1160 = arith.constant 17 : i32
    %swap3A_1161 = arith.index_cast %swap3A_1160 : i32 to index
    %swap3A_1162 = arith.constant 0 : index
    %swap3A_1163 = tpu.vector_load %arg8[%swap3A_1161, %swap3A_1162] {strides = array<i32>} : memref<128x16xf32, #tpu.memory_space<vmem>>, vector<1x16xf32>,
    %swap3A_1164 = vector.shape_cast %swap3A_1163 : vector<1x16xf32> to vector<16xf32>
    %swap3A_1165 = vector.shape_cast %broadcast_in_dim3A_1159 : vector<16xf32> to vector<1x16xf32>
    tpu.vector_store %arg8[%swap3A_1161, %swap3A_1162], %swap3A_1165 {strides = array<i32>} : memref<128x16xf32, #tpu.memory_space<vmem>>, vector<1x16xf32>,
    %broadcast_in_dim3A_1166 = arith.constant 0.000000e+00 : f32
    %broadcast_in_dim3A_1167 = vector.broadcast %broadcast_in_dim3A_1166 : f32 to vector<16xf32>
    %swap3A_1168 = arith.constant 18 : i32
    %swap3A_1169 = arith.index_cast %swap3A_1168 : i32 to index
    %swap3A_1170 = arith.constant 0 : index
    %swap3A_1171 = tpu.vector_load %arg8[%swap3A_1169, %swap3A_1170] {strides = array<i32>} : memref<128x16xf32, #tpu.memory_space<vmem>>, vector<1x16xf32>,
    %swap3A_1172 = vector.shape_cast %swap3A_1171 : vector<1x16xf32> to vector<16xf32>
    %swap3A_1173 = vector.shape_cast %broadcast_in_dim3A_1167 : vector<16xf32> to vector<1x16xf32>
    tpu.vector_store %arg8[%swap3A_1169, %swap3A_1170], %swap3A_1173 {strides = array<i32>} : memref<128x16xf32, #tpu.memory_space<vmem>>, vector<1x16xf32>,
    %broadcast_in_dim3A_1174 = arith.constant 0.000000e+00 : f32
    %broadcast_in_dim3A_1175 = vector.broadcast %broadcast_in_dim3A_1174 : f32 to vector<16xf32>
    %swap3A_1176 = arith.constant 19 : i32
    %swap3A_1177 = arith.index_cast %swap3A_1176 : i32 to index
    %swap3A_1178 = arith.constant 0 : index
    %swap3A_1179 = tpu.vector_load %arg8[%swap3A_1177, %swap3A_1178] {strides = array<i32>} : memref<128x16xf32, #tpu.memory_space<vmem>>, vector<1x16xf32>,
    %swap3A_1180 = vector.shape_cast %swap3A_1179 : vector<1x16xf32> to vector<16xf32>
    %swap3A_1181 = vector.shape_cast %broadcast_in_dim3A_1175 : vector<16xf32> to vector<1x16xf32>
    tpu.vector_store %arg8[%swap3A_1177, %swap3A_1178], %swap3A_1181 {strides = array<i32>} : memref<128x16xf32, #tpu.memory_space<vmem>>, vector<1x16xf32>,
    %broadcast_in_dim3A_1182 = arith.constant 0.000000e+00 : f32
    %broadcast_in_dim3A_1183 = vector.broadcast %broadcast_in_dim3A_1182 : f32 to vector<16xf32>
    %swap3A_1184 = arith.constant 20 : i32
    %swap3A_1185 = arith.index_cast %swap3A_1184 : i32 to index
    %swap3A_1186 = arith.constant 0 : index
    %swap3A_1187 = tpu.vector_load %arg8[%swap3A_1185, %swap3A_1186] {strides = array<i32>} : memref<128x16xf32, #tpu.memory_space<vmem>>, vector<1x16xf32>,
    %swap3A_1188 = vector.shape_cast %swap3A_1187 : vector<1x16xf32> to vector<16xf32>
    %swap3A_1189 = vector.shape_cast %broadcast_in_dim3A_1183 : vector<16xf32> to vector<1x16xf32>
    tpu.vector_store %arg8[%swap3A_1185, %swap3A_1186], %swap3A_1189 {strides = array<i32>} : memref<128x16xf32, #tpu.memory_space<vmem>>, vector<1x16xf32>,
    %broadcast_in_dim3A_1190 = arith.constant 0.000000e+00 : f32
    %broadcast_in_dim3A_1191 = vector.broadcast %broadcast_in_dim3A_1190 : f32 to vector<16xf32>
    %swap3A_1192 = arith.constant 21 : i32
    %swap3A_1193 = arith.index_cast %swap3A_1192 : i32 to index
    %swap3A_1194 = arith.constant 0 : index
    %swap3A_1195 = tpu.vector_load %arg8[%swap3A_1193, %swap3A_1194] {strides = array<i32>} : memref<128x16xf32, #tpu.memory_space<vmem>>, vector<1x16xf32>,
    %swap3A_1196 = vector.shape_cast %swap3A_1195 : vector<1x16xf32> to vector<16xf32>
    %swap3A_1197 = vector.shape_cast %broadcast_in_dim3A_1191 : vector<16xf32> to vector<1x16xf32>
    tpu.vector_store %arg8[%swap3A_1193, %swap3A_1194], %swap3A_1197 {strides = array<i32>} : memref<128x16xf32, #tpu.memory_space<vmem>>, vector<1x16xf32>,
    %broadcast_in_dim3A_1198 = arith.constant 0.000000e+00 : f32
    %broadcast_in_dim3A_1199 = vector.broadcast %broadcast_in_dim3A_1198 : f32 to vector<16xf32>
    %swap3A_1200 = arith.constant 22 : i32
    %swap3A_1201 = arith.index_cast %swap3A_1200 : i32 to index
    %swap3A_1202 = arith.constant 0 : index
    %swap3A_1203 = tpu.vector_load %arg8[%swap3A_1201, %swap3A_1202] {strides = array<i32>} : memref<128x16xf32, #tpu.memory_space<vmem>>, vector<1x16xf32>,
    %swap3A_1204 = vector.shape_cast %swap3A_1203 : vector<1x16xf32> to vector<16xf32>
    %swap3A_1205 = vector.shape_cast %broadcast_in_dim3A_1199 : vector<16xf32> to vector<1x16xf32>
    tpu.vector_store %arg8[%swap3A_1201, %swap3A_1202], %swap3A_1205 {strides = array<i32>} : memref<128x16xf32, #tpu.memory_space<vmem>>, vector<1x16xf32>,
    %broadcast_in_dim3A_1206 = arith.constant 0.000000e+00 : f32
    %broadcast_in_dim3A_1207 = vector.broadcast %broadcast_in_dim3A_1206 : f32 to vector<16xf32>
    %swap3A_1208 = arith.constant 23 : i32
    %swap3A_1209 = arith.index_cast %swap3A_1208 : i32 to index
    %swap3A_1210 = arith.constant 0 : index
    %swap3A_1211 = tpu.vector_load %arg8[%swap3A_1209, %swap3A_1210] {strides = array<i32>} : memref<128x16xf32, #tpu.memory_space<vmem>>, vector<1x16xf32>,
    %swap3A_1212 = vector.shape_cast %swap3A_1211 : vector<1x16xf32> to vector<16xf32>
    %swap3A_1213 = vector.shape_cast %broadcast_in_dim3A_1207 : vector<16xf32> to vector<1x16xf32>
    tpu.vector_store %arg8[%swap3A_1209, %swap3A_1210], %swap3A_1213 {strides = array<i32>} : memref<128x16xf32, #tpu.memory_space<vmem>>, vector<1x16xf32>,
    %broadcast_in_dim3A_1214 = arith.constant 0.000000e+00 : f32
    %broadcast_in_dim3A_1215 = vector.broadcast %broadcast_in_dim3A_1214 : f32 to vector<16xf32>
    %swap3A_1216 = arith.constant 24 : i32
    %swap3A_1217 = arith.index_cast %swap3A_1216 : i32 to index
    %swap3A_1218 = arith.constant 0 : index
    %swap3A_1219 = tpu.vector_load %arg8[%swap3A_1217, %swap3A_1218] {strides = array<i32>} : memref<128x16xf32, #tpu.memory_space<vmem>>, vector<1x16xf32>,
    %swap3A_1220 = vector.shape_cast %swap3A_1219 : vector<1x16xf32> to vector<16xf32>
    %swap3A_1221 = vector.shape_cast %broadcast_in_dim3A_1215 : vector<16xf32> to vector<1x16xf32>
    tpu.vector_store %arg8[%swap3A_1217, %swap3A_1218], %swap3A_1221 {strides = array<i32>} : memref<128x16xf32, #tpu.memory_space<vmem>>, vector<1x16xf32>,
    %broadcast_in_dim3A_1222 = arith.constant 0.000000e+00 : f32
    %broadcast_in_dim3A_1223 = vector.broadcast %broadcast_in_dim3A_1222 : f32 to vector<16xf32>
    %swap3A_1224 = arith.constant 25 : i32
    %swap3A_1225 = arith.index_cast %swap3A_1224 : i32 to index
    %swap3A_1226 = arith.constant 0 : index
    %swap3A_1227 = tpu.vector_load %arg8[%swap3A_1225, %swap3A_1226] {strides = array<i32>} : memref<128x16xf32, #tpu.memory_space<vmem>>, vector<1x16xf32>,
    %swap3A_1228 = vector.shape_cast %swap3A_1227 : vector<1x16xf32> to vector<16xf32>
    %swap3A_1229 = vector.shape_cast %broadcast_in_dim3A_1223 : vector<16xf32> to vector<1x16xf32>
    tpu.vector_store %arg8[%swap3A_1225, %swap3A_1226], %swap3A_1229 {strides = array<i32>} : memref<128x16xf32, #tpu.memory_space<vmem>>, vector<1x16xf32>,
    %broadcast_in_dim3A_1230 = arith.constant 0.000000e+00 : f32
    %broadcast_in_dim3A_1231 = vector.broadcast %broadcast_in_dim3A_1230 : f32 to vector<16xf32>
    %swap3A_1232 = arith.constant 26 : i32
    %swap3A_1233 = arith.index_cast %swap3A_1232 : i32 to index
    %swap3A_1234 = arith.constant 0 : index
    %swap3A_1235 = tpu.vector_load %arg8[%swap3A_1233, %swap3A_1234] {strides = array<i32>} : memref<128x16xf32, #tpu.memory_space<vmem>>, vector<1x16xf32>,
    %swap3A_1236 = vector.shape_cast %swap3A_1235 : vector<1x16xf32> to vector<16xf32>
    %swap3A_1237 = vector.shape_cast %broadcast_in_dim3A_1231 : vector<16xf32> to vector<1x16xf32>
    tpu.vector_store %arg8[%swap3A_1233, %swap3A_1234], %swap3A_1237 {strides = array<i32>} : memref<128x16xf32, #tpu.memory_space<vmem>>, vector<1x16xf32>,
    %broadcast_in_dim3A_1238 = arith.constant 0.000000e+00 : f32
    %broadcast_in_dim3A_1239 = vector.broadcast %broadcast_in_dim3A_1238 : f32 to vector<16xf32>
    %swap3A_1240 = arith.constant 27 : i32
    %swap3A_1241 = arith.index_cast %swap3A_1240 : i32 to index
    %swap3A_1242 = arith.constant 0 : index
    %swap3A_1243 = tpu.vector_load %arg8[%swap3A_1241, %swap3A_1242] {strides = array<i32>} : memref<128x16xf32, #tpu.memory_space<vmem>>, vector<1x16xf32>,
    %swap3A_1244 = vector.shape_cast %swap3A_1243 : vector<1x16xf32> to vector<16xf32>
    %swap3A_1245 = vector.shape_cast %broadcast_in_dim3A_1239 : vector<16xf32> to vector<1x16xf32>
    tpu.vector_store %arg8[%swap3A_1241, %swap3A_1242], %swap3A_1245 {strides = array<i32>} : memref<128x16xf32, #tpu.memory_space<vmem>>, vector<1x16xf32>,
    %broadcast_in_dim3A_1246 = arith.constant 0.000000e+00 : f32
    %broadcast_in_dim3A_1247 = vector.broadcast %broadcast_in_dim3A_1246 : f32 to vector<16xf32>
    %swap3A_1248 = arith.constant 28 : i32
    %swap3A_1249 = arith.index_cast %swap3A_1248 : i32 to index
    %swap3A_1250 = arith.constant 0 : index
    %swap3A_1251 = tpu.vector_load %arg8[%swap3A_1249, %swap3A_1250] {strides = array<i32>} : memref<128x16xf32, #tpu.memory_space<vmem>>, vector<1x16xf32>,
    %swap3A_1252 = vector.shape_cast %swap3A_1251 : vector<1x16xf32> to vector<16xf32>
    %swap3A_1253 = vector.shape_cast %broadcast_in_dim3A_1247 : vector<16xf32> to vector<1x16xf32>
    tpu.vector_store %arg8[%swap3A_1249, %swap3A_1250], %swap3A_1253 {strides = array<i32>} : memref<128x16xf32, #tpu.memory_space<vmem>>, vector<1x16xf32>,
    %broadcast_in_dim3A_1254 = arith.constant 0.000000e+00 : f32
    %broadcast_in_dim3A_1255 = vector.broadcast %broadcast_in_dim3A_1254 : f32 to vector<16xf32>
    %swap3A_1256 = arith.constant 29 : i32
    %swap3A_1257 = arith.index_cast %swap3A_1256 : i32 to index
    %swap3A_1258 = arith.constant 0 : index
    %swap3A_1259 = tpu.vector_load %arg8[%swap3A_1257, %swap3A_1258] {strides = array<i32>} : memref<128x16xf32, #tpu.memory_space<vmem>>, vector<1x16xf32>,
    %swap3A_1260 = vector.shape_cast %swap3A_1259 : vector<1x16xf32> to vector<16xf32>
    %swap3A_1261 = vector.shape_cast %broadcast_in_dim3A_1255 : vector<16xf32> to vector<1x16xf32>
    tpu.vector_store %arg8[%swap3A_1257, %swap3A_1258], %swap3A_1261 {strides = array<i32>} : memref<128x16xf32, #tpu.memory_space<vmem>>, vector<1x16xf32>,
    %broadcast_in_dim3A_1262 = arith.constant 0.000000e+00 : f32
    %broadcast_in_dim3A_1263 = vector.broadcast %broadcast_in_dim3A_1262 : f32 to vector<16xf32>
    %swap3A_1264 = arith.constant 30 : i32
    %swap3A_1265 = arith.index_cast %swap3A_1264 : i32 to index
    %swap3A_1266 = arith.constant 0 : index
    %swap3A_1267 = tpu.vector_load %arg8[%swap3A_1265, %swap3A_1266] {strides = array<i32>} : memref<128x16xf32, #tpu.memory_space<vmem>>, vector<1x16xf32>,
    %swap3A_1268 = vector.shape_cast %swap3A_1267 : vector<1x16xf32> to vector<16xf32>
    %swap3A_1269 = vector.shape_cast %broadcast_in_dim3A_1263 : vector<16xf32> to vector<1x16xf32>
    tpu.vector_store %arg8[%swap3A_1265, %swap3A_1266], %swap3A_1269 {strides = array<i32>} : memref<128x16xf32, #tpu.memory_space<vmem>>, vector<1x16xf32>,
    %broadcast_in_dim3A_1270 = arith.constant 0.000000e+00 : f32
    %broadcast_in_dim3A_1271 = vector.broadcast %broadcast_in_dim3A_1270 : f32 to vector<16xf32>
    %swap3A_1272 = arith.constant 31 : i32
    %swap3A_1273 = arith.index_cast %swap3A_1272 : i32 to index
    %swap3A_1274 = arith.constant 0 : index
    %swap3A_1275 = tpu.vector_load %arg8[%swap3A_1273, %swap3A_1274] {strides = array<i32>} : memref<128x16xf32, #tpu.memory_space<vmem>>, vector<1x16xf32>,
    %swap3A_1276 = vector.shape_cast %swap3A_1275 : vector<1x16xf32> to vector<16xf32>
    %swap3A_1277 = vector.shape_cast %broadcast_in_dim3A_1271 : vector<16xf32> to vector<1x16xf32>
    tpu.vector_store %arg8[%swap3A_1273, %swap3A_1274], %swap3A_1277 {strides = array<i32>} : memref<128x16xf32, #tpu.memory_space<vmem>>, vector<1x16xf32>,
    %broadcast_in_dim3A_1278 = arith.constant 0.000000e+00 : f32
    %broadcast_in_dim3A_1279 = vector.broadcast %broadcast_in_dim3A_1278 : f32 to vector<16xf32>
    %swap3A_1280 = arith.constant 32 : i32
    %swap3A_1281 = arith.index_cast %swap3A_1280 : i32 to index
    %swap3A_1282 = arith.constant 0 : index
    %swap3A_1283 = tpu.vector_load %arg8[%swap3A_1281, %swap3A_1282] {strides = array<i32>} : memref<128x16xf32, #tpu.memory_space<vmem>>, vector<1x16xf32>,
    %swap3A_1284 = vector.shape_cast %swap3A_1283 : vector<1x16xf32> to vector<16xf32>
    %swap3A_1285 = vector.shape_cast %broadcast_in_dim3A_1279 : vector<16xf32> to vector<1x16xf32>
    tpu.vector_store %arg8[%swap3A_1281, %swap3A_1282], %swap3A_1285 {strides = array<i32>} : memref<128x16xf32, #tpu.memory_space<vmem>>, vector<1x16xf32>,
    %broadcast_in_dim3A_1286 = arith.constant 0.000000e+00 : f32
    %broadcast_in_dim3A_1287 = vector.broadcast %broadcast_in_dim3A_1286 : f32 to vector<16xf32>
    %swap3A_1288 = arith.constant 33 : i32
    %swap3A_1289 = arith.index_cast %swap3A_1288 : i32 to index
    %swap3A_1290 = arith.constant 0 : index
    %swap3A_1291 = tpu.vector_load %arg8[%swap3A_1289, %swap3A_1290] {strides = array<i32>} : memref<128x16xf32, #tpu.memory_space<vmem>>, vector<1x16xf32>,
    %swap3A_1292 = vector.shape_cast %swap3A_1291 : vector<1x16xf32> to vector<16xf32>
    %swap3A_1293 = vector.shape_cast %broadcast_in_dim3A_1287 : vector<16xf32> to vector<1x16xf32>
    tpu.vector_store %arg8[%swap3A_1289, %swap3A_1290], %swap3A_1293 {strides = array<i32>} : memref<128x16xf32, #tpu.memory_space<vmem>>, vector<1x16xf32>,
    %broadcast_in_dim3A_1294 = arith.constant 0.000000e+00 : f32
    %broadcast_in_dim3A_1295 = vector.broadcast %broadcast_in_dim3A_1294 : f32 to vector<16xf32>
    %swap3A_1296 = arith.constant 34 : i32
    %swap3A_1297 = arith.index_cast %swap3A_1296 : i32 to index
    %swap3A_1298 = arith.constant 0 : index
    %swap3A_1299 = tpu.vector_load %arg8[%swap3A_1297, %swap3A_1298] {strides = array<i32>} : memref<128x16xf32, #tpu.memory_space<vmem>>, vector<1x16xf32>,
    %swap3A_1300 = vector.shape_cast %swap3A_1299 : vector<1x16xf32> to vector<16xf32>
    %swap3A_1301 = vector.shape_cast %broadcast_in_dim3A_1295 : vector<16xf32> to vector<1x16xf32>
    tpu.vector_store %arg8[%swap3A_1297, %swap3A_1298], %swap3A_1301 {strides = array<i32>} : memref<128x16xf32, #tpu.memory_space<vmem>>, vector<1x16xf32>,
    %broadcast_in_dim3A_1302 = arith.constant 0.000000e+00 : f32
    %broadcast_in_dim3A_1303 = vector.broadcast %broadcast_in_dim3A_1302 : f32 to vector<16xf32>
    %swap3A_1304 = arith.constant 35 : i32
    %swap3A_1305 = arith.index_cast %swap3A_1304 : i32 to index
    %swap3A_1306 = arith.constant 0 : index
    %swap3A_1307 = tpu.vector_load %arg8[%swap3A_1305, %swap3A_1306] {strides = array<i32>} : memref<128x16xf32, #tpu.memory_space<vmem>>, vector<1x16xf32>,
    %swap3A_1308 = vector.shape_cast %swap3A_1307 : vector<1x16xf32> to vector<16xf32>
    %swap3A_1309 = vector.shape_cast %broadcast_in_dim3A_1303 : vector<16xf32> to vector<1x16xf32>
    tpu.vector_store %arg8[%swap3A_1305, %swap3A_1306], %swap3A_1309 {strides = array<i32>} : memref<128x16xf32, #tpu.memory_space<vmem>>, vector<1x16xf32>,
    %broadcast_in_dim3A_1310 = arith.constant 0.000000e+00 : f32
    %broadcast_in_dim3A_1311 = vector.broadcast %broadcast_in_dim3A_1310 : f32 to vector<16xf32>
    %swap3A_1312 = arith.constant 36 : i32
    %swap3A_1313 = arith.index_cast %swap3A_1312 : i32 to index
    %swap3A_1314 = arith.constant 0 : index
    %swap3A_1315 = tpu.vector_load %arg8[%swap3A_1313, %swap3A_1314] {strides = array<i32>} : memref<128x16xf32, #tpu.memory_space<vmem>>, vector<1x16xf32>,
    %swap3A_1316 = vector.shape_cast %swap3A_1315 : vector<1x16xf32> to vector<16xf32>
    %swap3A_1317 = vector.shape_cast %broadcast_in_dim3A_1311 : vector<16xf32> to vector<1x16xf32>
    tpu.vector_store %arg8[%swap3A_1313, %swap3A_1314], %swap3A_1317 {strides = array<i32>} : memref<128x16xf32, #tpu.memory_space<vmem>>, vector<1x16xf32>,
    %broadcast_in_dim3A_1318 = arith.constant 0.000000e+00 : f32
    %broadcast_in_dim3A_1319 = vector.broadcast %broadcast_in_dim3A_1318 : f32 to vector<16xf32>
    %swap3A_1320 = arith.constant 37 : i32
    %swap3A_1321 = arith.index_cast %swap3A_1320 : i32 to index
    %swap3A_1322 = arith.constant 0 : index
    %swap3A_1323 = tpu.vector_load %arg8[%swap3A_1321, %swap3A_1322] {strides = array<i32>} : memref<128x16xf32, #tpu.memory_space<vmem>>, vector<1x16xf32>,
    %swap3A_1324 = vector.shape_cast %swap3A_1323 : vector<1x16xf32> to vector<16xf32>
    %swap3A_1325 = vector.shape_cast %broadcast_in_dim3A_1319 : vector<16xf32> to vector<1x16xf32>
    tpu.vector_store %arg8[%swap3A_1321, %swap3A_1322], %swap3A_1325 {strides = array<i32>} : memref<128x16xf32, #tpu.memory_space<vmem>>, vector<1x16xf32>,
    %broadcast_in_dim3A_1326 = arith.constant 0.000000e+00 : f32
    %broadcast_in_dim3A_1327 = vector.broadcast %broadcast_in_dim3A_1326 : f32 to vector<16xf32>
    %swap3A_1328 = arith.constant 38 : i32
    %swap3A_1329 = arith.index_cast %swap3A_1328 : i32 to index
    %swap3A_1330 = arith.constant 0 : index
    %swap3A_1331 = tpu.vector_load %arg8[%swap3A_1329, %swap3A_1330] {strides = array<i32>} : memref<128x16xf32, #tpu.memory_space<vmem>>, vector<1x16xf32>,
    %swap3A_1332 = vector.shape_cast %swap3A_1331 : vector<1x16xf32> to vector<16xf32>
    %swap3A_1333 = vector.shape_cast %broadcast_in_dim3A_1327 : vector<16xf32> to vector<1x16xf32>
    tpu.vector_store %arg8[%swap3A_1329, %swap3A_1330], %swap3A_1333 {strides = array<i32>} : memref<128x16xf32, #tpu.memory_space<vmem>>, vector<1x16xf32>,
    %broadcast_in_dim3A_1334 = arith.constant 0.000000e+00 : f32
    %broadcast_in_dim3A_1335 = vector.broadcast %broadcast_in_dim3A_1334 : f32 to vector<16xf32>
    %swap3A_1336 = arith.constant 39 : i32
    %swap3A_1337 = arith.index_cast %swap3A_1336 : i32 to index
    %swap3A_1338 = arith.constant 0 : index
    %swap3A_1339 = tpu.vector_load %arg8[%swap3A_1337, %swap3A_1338] {strides = array<i32>} : memref<128x16xf32, #tpu.memory_space<vmem>>, vector<1x16xf32>,
    %swap3A_1340 = vector.shape_cast %swap3A_1339 : vector<1x16xf32> to vector<16xf32>
    %swap3A_1341 = vector.shape_cast %broadcast_in_dim3A_1335 : vector<16xf32> to vector<1x16xf32>
    tpu.vector_store %arg8[%swap3A_1337, %swap3A_1338], %swap3A_1341 {strides = array<i32>} : memref<128x16xf32, #tpu.memory_space<vmem>>, vector<1x16xf32>,
    %broadcast_in_dim3A_1342 = arith.constant 0.000000e+00 : f32
    %broadcast_in_dim3A_1343 = vector.broadcast %broadcast_in_dim3A_1342 : f32 to vector<16xf32>
    %swap3A_1344 = arith.constant 40 : i32
    %swap3A_1345 = arith.index_cast %swap3A_1344 : i32 to index
    %swap3A_1346 = arith.constant 0 : index
    %swap3A_1347 = tpu.vector_load %arg8[%swap3A_1345, %swap3A_1346] {strides = array<i32>} : memref<128x16xf32, #tpu.memory_space<vmem>>, vector<1x16xf32>,
    %swap3A_1348 = vector.shape_cast %swap3A_1347 : vector<1x16xf32> to vector<16xf32>
    %swap3A_1349 = vector.shape_cast %broadcast_in_dim3A_1343 : vector<16xf32> to vector<1x16xf32>
    tpu.vector_store %arg8[%swap3A_1345, %swap3A_1346], %swap3A_1349 {strides = array<i32>} : memref<128x16xf32, #tpu.memory_space<vmem>>, vector<1x16xf32>,
    %broadcast_in_dim3A_1350 = arith.constant 0.000000e+00 : f32
    %broadcast_in_dim3A_1351 = vector.broadcast %broadcast_in_dim3A_1350 : f32 to vector<16xf32>
    %swap3A_1352 = arith.constant 41 : i32
    %swap3A_1353 = arith.index_cast %swap3A_1352 : i32 to index
    %swap3A_1354 = arith.constant 0 : index
    %swap3A_1355 = tpu.vector_load %arg8[%swap3A_1353, %swap3A_1354] {strides = array<i32>} : memref<128x16xf32, #tpu.memory_space<vmem>>, vector<1x16xf32>,
    %swap3A_1356 = vector.shape_cast %swap3A_1355 : vector<1x16xf32> to vector<16xf32>
    %swap3A_1357 = vector.shape_cast %broadcast_in_dim3A_1351 : vector<16xf32> to vector<1x16xf32>
    tpu.vector_store %arg8[%swap3A_1353, %swap3A_1354], %swap3A_1357 {strides = array<i32>} : memref<128x16xf32, #tpu.memory_space<vmem>>, vector<1x16xf32>,
    %broadcast_in_dim3A_1358 = arith.constant 0.000000e+00 : f32
    %broadcast_in_dim3A_1359 = vector.broadcast %broadcast_in_dim3A_1358 : f32 to vector<16xf32>
    %swap3A_1360 = arith.constant 42 : i32
    %swap3A_1361 = arith.index_cast %swap3A_1360 : i32 to index
    %swap3A_1362 = arith.constant 0 : index
    %swap3A_1363 = tpu.vector_load %arg8[%swap3A_1361, %swap3A_1362] {strides = array<i32>} : memref<128x16xf32, #tpu.memory_space<vmem>>, vector<1x16xf32>,
    %swap3A_1364 = vector.shape_cast %swap3A_1363 : vector<1x16xf32> to vector<16xf32>
    %swap3A_1365 = vector.shape_cast %broadcast_in_dim3A_1359 : vector<16xf32> to vector<1x16xf32>
    tpu.vector_store %arg8[%swap3A_1361, %swap3A_1362], %swap3A_1365 {strides = array<i32>} : memref<128x16xf32, #tpu.memory_space<vmem>>, vector<1x16xf32>,
    %broadcast_in_dim3A_1366 = arith.constant 0.000000e+00 : f32
    %broadcast_in_dim3A_1367 = vector.broadcast %broadcast_in_dim3A_1366 : f32 to vector<16xf32>
    %swap3A_1368 = arith.constant 43 : i32
    %swap3A_1369 = arith.index_cast %swap3A_1368 : i32 to index
    %swap3A_1370 = arith.constant 0 : index
    %swap3A_1371 = tpu.vector_load %arg8[%swap3A_1369, %swap3A_1370] {strides = array<i32>} : memref<128x16xf32, #tpu.memory_space<vmem>>, vector<1x16xf32>,
    %swap3A_1372 = vector.shape_cast %swap3A_1371 : vector<1x16xf32> to vector<16xf32>
    %swap3A_1373 = vector.shape_cast %broadcast_in_dim3A_1367 : vector<16xf32> to vector<1x16xf32>
    tpu.vector_store %arg8[%swap3A_1369, %swap3A_1370], %swap3A_1373 {strides = array<i32>} : memref<128x16xf32, #tpu.memory_space<vmem>>, vector<1x16xf32>,
    %broadcast_in_dim3A_1374 = arith.constant 0.000000e+00 : f32
    %broadcast_in_dim3A_1375 = vector.broadcast %broadcast_in_dim3A_1374 : f32 to vector<16xf32>
    %swap3A_1376 = arith.constant 44 : i32
    %swap3A_1377 = arith.index_cast %swap3A_1376 : i32 to index
    %swap3A_1378 = arith.constant 0 : index
    %swap3A_1379 = tpu.vector_load %arg8[%swap3A_1377, %swap3A_1378] {strides = array<i32>} : memref<128x16xf32, #tpu.memory_space<vmem>>, vector<1x16xf32>,
    %swap3A_1380 = vector.shape_cast %swap3A_1379 : vector<1x16xf32> to vector<16xf32>
    %swap3A_1381 = vector.shape_cast %broadcast_in_dim3A_1375 : vector<16xf32> to vector<1x16xf32>
    tpu.vector_store %arg8[%swap3A_1377, %swap3A_1378], %swap3A_1381 {strides = array<i32>} : memref<128x16xf32, #tpu.memory_space<vmem>>, vector<1x16xf32>,
    %broadcast_in_dim3A_1382 = arith.constant 0.000000e+00 : f32
    %broadcast_in_dim3A_1383 = vector.broadcast %broadcast_in_dim3A_1382 : f32 to vector<16xf32>
    %swap3A_1384 = arith.constant 45 : i32
    %swap3A_1385 = arith.index_cast %swap3A_1384 : i32 to index
    %swap3A_1386 = arith.constant 0 : index
    %swap3A_1387 = tpu.vector_load %arg8[%swap3A_1385, %swap3A_1386] {strides = array<i32>} : memref<128x16xf32, #tpu.memory_space<vmem>>, vector<1x16xf32>,
    %swap3A_1388 = vector.shape_cast %swap3A_1387 : vector<1x16xf32> to vector<16xf32>
    %swap3A_1389 = vector.shape_cast %broadcast_in_dim3A_1383 : vector<16xf32> to vector<1x16xf32>
    tpu.vector_store %arg8[%swap3A_1385, %swap3A_1386], %swap3A_1389 {strides = array<i32>} : memref<128x16xf32, #tpu.memory_space<vmem>>, vector<1x16xf32>,
    %broadcast_in_dim3A_1390 = arith.constant 0.000000e+00 : f32
    %broadcast_in_dim3A_1391 = vector.broadcast %broadcast_in_dim3A_1390 : f32 to vector<16xf32>
    %swap3A_1392 = arith.constant 46 : i32
    %swap3A_1393 = arith.index_cast %swap3A_1392 : i32 to index
    %swap3A_1394 = arith.constant 0 : index
    %swap3A_1395 = tpu.vector_load %arg8[%swap3A_1393, %swap3A_1394] {strides = array<i32>} : memref<128x16xf32, #tpu.memory_space<vmem>>, vector<1x16xf32>,
    %swap3A_1396 = vector.shape_cast %swap3A_1395 : vector<1x16xf32> to vector<16xf32>
    %swap3A_1397 = vector.shape_cast %broadcast_in_dim3A_1391 : vector<16xf32> to vector<1x16xf32>
    tpu.vector_store %arg8[%swap3A_1393, %swap3A_1394], %swap3A_1397 {strides = array<i32>} : memref<128x16xf32, #tpu.memory_space<vmem>>, vector<1x16xf32>,
    %broadcast_in_dim3A_1398 = arith.constant 0.000000e+00 : f32
    %broadcast_in_dim3A_1399 = vector.broadcast %broadcast_in_dim3A_1398 : f32 to vector<16xf32>
    %swap3A_1400 = arith.constant 47 : i32
    %swap3A_1401 = arith.index_cast %swap3A_1400 : i32 to index
    %swap3A_1402 = arith.constant 0 : index
    %swap3A_1403 = tpu.vector_load %arg8[%swap3A_1401, %swap3A_1402] {strides = array<i32>} : memref<128x16xf32, #tpu.memory_space<vmem>>, vector<1x16xf32>,
    %swap3A_1404 = vector.shape_cast %swap3A_1403 : vector<1x16xf32> to vector<16xf32>
    %swap3A_1405 = vector.shape_cast %broadcast_in_dim3A_1399 : vector<16xf32> to vector<1x16xf32>
    tpu.vector_store %arg8[%swap3A_1401, %swap3A_1402], %swap3A_1405 {strides = array<i32>} : memref<128x16xf32, #tpu.memory_space<vmem>>, vector<1x16xf32>,
    %broadcast_in_dim3A_1406 = arith.constant 0.000000e+00 : f32
    %broadcast_in_dim3A_1407 = vector.broadcast %broadcast_in_dim3A_1406 : f32 to vector<16xf32>
    %swap3A_1408 = arith.constant 48 : i32
    %swap3A_1409 = arith.index_cast %swap3A_1408 : i32 to index
    %swap3A_1410 = arith.constant 0 : index
    %swap3A_1411 = tpu.vector_load %arg8[%swap3A_1409, %swap3A_1410] {strides = array<i32>} : memref<128x16xf32, #tpu.memory_space<vmem>>, vector<1x16xf32>,
    %swap3A_1412 = vector.shape_cast %swap3A_1411 : vector<1x16xf32> to vector<16xf32>
    %swap3A_1413 = vector.shape_cast %broadcast_in_dim3A_1407 : vector<16xf32> to vector<1x16xf32>
    tpu.vector_store %arg8[%swap3A_1409, %swap3A_1410], %swap3A_1413 {strides = array<i32>} : memref<128x16xf32, #tpu.memory_space<vmem>>, vector<1x16xf32>,
    %broadcast_in_dim3A_1414 = arith.constant 0.000000e+00 : f32
    %broadcast_in_dim3A_1415 = vector.broadcast %broadcast_in_dim3A_1414 : f32 to vector<16xf32>
    %swap3A_1416 = arith.constant 49 : i32
    %swap3A_1417 = arith.index_cast %swap3A_1416 : i32 to index
    %swap3A_1418 = arith.constant 0 : index
    %swap3A_1419 = tpu.vector_load %arg8[%swap3A_1417, %swap3A_1418] {strides = array<i32>} : memref<128x16xf32, #tpu.memory_space<vmem>>, vector<1x16xf32>,
    %swap3A_1420 = vector.shape_cast %swap3A_1419 : vector<1x16xf32> to vector<16xf32>
    %swap3A_1421 = vector.shape_cast %broadcast_in_dim3A_1415 : vector<16xf32> to vector<1x16xf32>
    tpu.vector_store %arg8[%swap3A_1417, %swap3A_1418], %swap3A_1421 {strides = array<i32>} : memref<128x16xf32, #tpu.memory_space<vmem>>, vector<1x16xf32>,
    %broadcast_in_dim3A_1422 = arith.constant 0.000000e+00 : f32
    %broadcast_in_dim3A_1423 = vector.broadcast %broadcast_in_dim3A_1422 : f32 to vector<16xf32>
    %swap3A_1424 = arith.constant 50 : i32
    %swap3A_1425 = arith.index_cast %swap3A_1424 : i32 to index
    %swap3A_1426 = arith.constant 0 : index
    %swap3A_1427 = tpu.vector_load %arg8[%swap3A_1425, %swap3A_1426] {strides = array<i32>} : memref<128x16xf32, #tpu.memory_space<vmem>>, vector<1x16xf32>,
    %swap3A_1428 = vector.shape_cast %swap3A_1427 : vector<1x16xf32> to vector<16xf32>
    %swap3A_1429 = vector.shape_cast %broadcast_in_dim3A_1423 : vector<16xf32> to vector<1x16xf32>
    tpu.vector_store %arg8[%swap3A_1425, %swap3A_1426], %swap3A_1429 {strides = array<i32>} : memref<128x16xf32, #tpu.memory_space<vmem>>, vector<1x16xf32>,
    %broadcast_in_dim3A_1430 = arith.constant 0.000000e+00 : f32
    %broadcast_in_dim3A_1431 = vector.broadcast %broadcast_in_dim3A_1430 : f32 to vector<16xf32>
    %swap3A_1432 = arith.constant 51 : i32
    %swap3A_1433 = arith.index_cast %swap3A_1432 : i32 to index
    %swap3A_1434 = arith.constant 0 : index
    %swap3A_1435 = tpu.vector_load %arg8[%swap3A_1433, %swap3A_1434] {strides = array<i32>} : memref<128x16xf32, #tpu.memory_space<vmem>>, vector<1x16xf32>,
    %swap3A_1436 = vector.shape_cast %swap3A_1435 : vector<1x16xf32> to vector<16xf32>
    %swap3A_1437 = vector.shape_cast %broadcast_in_dim3A_1431 : vector<16xf32> to vector<1x16xf32>
    tpu.vector_store %arg8[%swap3A_1433, %swap3A_1434], %swap3A_1437 {strides = array<i32>} : memref<128x16xf32, #tpu.memory_space<vmem>>, vector<1x16xf32>,
    %broadcast_in_dim3A_1438 = arith.constant 0.000000e+00 : f32
    %broadcast_in_dim3A_1439 = vector.broadcast %broadcast_in_dim3A_1438 : f32 to vector<16xf32>
    %swap3A_1440 = arith.constant 52 : i32
    %swap3A_1441 = arith.index_cast %swap3A_1440 : i32 to index
    %swap3A_1442 = arith.constant 0 : index
    %swap3A_1443 = tpu.vector_load %arg8[%swap3A_1441, %swap3A_1442] {strides = array<i32>} : memref<128x16xf32, #tpu.memory_space<vmem>>, vector<1x16xf32>,
    %swap3A_1444 = vector.shape_cast %swap3A_1443 : vector<1x16xf32> to vector<16xf32>
    %swap3A_1445 = vector.shape_cast %broadcast_in_dim3A_1439 : vector<16xf32> to vector<1x16xf32>
    tpu.vector_store %arg8[%swap3A_1441, %swap3A_1442], %swap3A_1445 {strides = array<i32>} : memref<128x16xf32, #tpu.memory_space<vmem>>, vector<1x16xf32>,
    %broadcast_in_dim3A_1446 = arith.constant 0.000000e+00 : f32
    %broadcast_in_dim3A_1447 = vector.broadcast %broadcast_in_dim3A_1446 : f32 to vector<16xf32>
    %swap3A_1448 = arith.constant 53 : i32
    %swap3A_1449 = arith.index_cast %swap3A_1448 : i32 to index
    %swap3A_1450 = arith.constant 0 : index
    %swap3A_1451 = tpu.vector_load %arg8[%swap3A_1449, %swap3A_1450] {strides = array<i32>} : memref<128x16xf32, #tpu.memory_space<vmem>>, vector<1x16xf32>,
    %swap3A_1452 = vector.shape_cast %swap3A_1451 : vector<1x16xf32> to vector<16xf32>
    %swap3A_1453 = vector.shape_cast %broadcast_in_dim3A_1447 : vector<16xf32> to vector<1x16xf32>
    tpu.vector_store %arg8[%swap3A_1449, %swap3A_1450], %swap3A_1453 {strides = array<i32>} : memref<128x16xf32, #tpu.memory_space<vmem>>, vector<1x16xf32>,
    %broadcast_in_dim3A_1454 = arith.constant 0.000000e+00 : f32
    %broadcast_in_dim3A_1455 = vector.broadcast %broadcast_in_dim3A_1454 : f32 to vector<16xf32>
    %swap3A_1456 = arith.constant 54 : i32
    %swap3A_1457 = arith.index_cast %swap3A_1456 : i32 to index
    %swap3A_1458 = arith.constant 0 : index
    %swap3A_1459 = tpu.vector_load %arg8[%swap3A_1457, %swap3A_1458] {strides = array<i32>} : memref<128x16xf32, #tpu.memory_space<vmem>>, vector<1x16xf32>,
    %swap3A_1460 = vector.shape_cast %swap3A_1459 : vector<1x16xf32> to vector<16xf32>
    %swap3A_1461 = vector.shape_cast %broadcast_in_dim3A_1455 : vector<16xf32> to vector<1x16xf32>
    tpu.vector_store %arg8[%swap3A_1457, %swap3A_1458], %swap3A_1461 {strides = array<i32>} : memref<128x16xf32, #tpu.memory_space<vmem>>, vector<1x16xf32>,
    %broadcast_in_dim3A_1462 = arith.constant 0.000000e+00 : f32
    %broadcast_in_dim3A_1463 = vector.broadcast %broadcast_in_dim3A_1462 : f32 to vector<16xf32>
    %swap3A_1464 = arith.constant 55 : i32
    %swap3A_1465 = arith.index_cast %swap3A_1464 : i32 to index
    %swap3A_1466 = arith.constant 0 : index
    %swap3A_1467 = tpu.vector_load %arg8[%swap3A_1465, %swap3A_1466] {strides = array<i32>} : memref<128x16xf32, #tpu.memory_space<vmem>>, vector<1x16xf32>,
    %swap3A_1468 = vector.shape_cast %swap3A_1467 : vector<1x16xf32> to vector<16xf32>
    %swap3A_1469 = vector.shape_cast %broadcast_in_dim3A_1463 : vector<16xf32> to vector<1x16xf32>
    tpu.vector_store %arg8[%swap3A_1465, %swap3A_1466], %swap3A_1469 {strides = array<i32>} : memref<128x16xf32, #tpu.memory_space<vmem>>, vector<1x16xf32>,
    %broadcast_in_dim3A_1470 = arith.constant 0.000000e+00 : f32
    %broadcast_in_dim3A_1471 = vector.broadcast %broadcast_in_dim3A_1470 : f32 to vector<16xf32>
    %swap3A_1472 = arith.constant 56 : i32
    %swap3A_1473 = arith.index_cast %swap3A_1472 : i32 to index
    %swap3A_1474 = arith.constant 0 : index
    %swap3A_1475 = tpu.vector_load %arg8[%swap3A_1473, %swap3A_1474] {strides = array<i32>} : memref<128x16xf32, #tpu.memory_space<vmem>>, vector<1x16xf32>,
    %swap3A_1476 = vector.shape_cast %swap3A_1475 : vector<1x16xf32> to vector<16xf32>
    %swap3A_1477 = vector.shape_cast %broadcast_in_dim3A_1471 : vector<16xf32> to vector<1x16xf32>
    tpu.vector_store %arg8[%swap3A_1473, %swap3A_1474], %swap3A_1477 {strides = array<i32>} : memref<128x16xf32, #tpu.memory_space<vmem>>, vector<1x16xf32>,
    %broadcast_in_dim3A_1478 = arith.constant 0.000000e+00 : f32
    %broadcast_in_dim3A_1479 = vector.broadcast %broadcast_in_dim3A_1478 : f32 to vector<16xf32>
    %swap3A_1480 = arith.constant 57 : i32
    %swap3A_1481 = arith.index_cast %swap3A_1480 : i32 to index
    %swap3A_1482 = arith.constant 0 : index
    %swap3A_1483 = tpu.vector_load %arg8[%swap3A_1481, %swap3A_1482] {strides = array<i32>} : memref<128x16xf32, #tpu.memory_space<vmem>>, vector<1x16xf32>,
    %swap3A_1484 = vector.shape_cast %swap3A_1483 : vector<1x16xf32> to vector<16xf32>
    %swap3A_1485 = vector.shape_cast %broadcast_in_dim3A_1479 : vector<16xf32> to vector<1x16xf32>
    tpu.vector_store %arg8[%swap3A_1481, %swap3A_1482], %swap3A_1485 {strides = array<i32>} : memref<128x16xf32, #tpu.memory_space<vmem>>, vector<1x16xf32>,
    %broadcast_in_dim3A_1486 = arith.constant 0.000000e+00 : f32
    %broadcast_in_dim3A_1487 = vector.broadcast %broadcast_in_dim3A_1486 : f32 to vector<16xf32>
    %swap3A_1488 = arith.constant 58 : i32
    %swap3A_1489 = arith.index_cast %swap3A_1488 : i32 to index
    %swap3A_1490 = arith.constant 0 : index
    %swap3A_1491 = tpu.vector_load %arg8[%swap3A_1489, %swap3A_1490] {strides = array<i32>} : memref<128x16xf32, #tpu.memory_space<vmem>>, vector<1x16xf32>,
    %swap3A_1492 = vector.shape_cast %swap3A_1491 : vector<1x16xf32> to vector<16xf32>
    %swap3A_1493 = vector.shape_cast %broadcast_in_dim3A_1487 : vector<16xf32> to vector<1x16xf32>
    tpu.vector_store %arg8[%swap3A_1489, %swap3A_1490], %swap3A_1493 {strides = array<i32>} : memref<128x16xf32, #tpu.memory_space<vmem>>, vector<1x16xf32>,
    %broadcast_in_dim3A_1494 = arith.constant 0.000000e+00 : f32
    %broadcast_in_dim3A_1495 = vector.broadcast %broadcast_in_dim3A_1494 : f32 to vector<16xf32>
    %swap3A_1496 = arith.constant 59 : i32
    %swap3A_1497 = arith.index_cast %swap3A_1496 : i32 to index
    %swap3A_1498 = arith.constant 0 : index
    %swap3A_1499 = tpu.vector_load %arg8[%swap3A_1497, %swap3A_1498] {strides = array<i32>} : memref<128x16xf32, #tpu.memory_space<vmem>>, vector<1x16xf32>,
    %swap3A_1500 = vector.shape_cast %swap3A_1499 : vector<1x16xf32> to vector<16xf32>
    %swap3A_1501 = vector.shape_cast %broadcast_in_dim3A_1495 : vector<16xf32> to vector<1x16xf32>
    tpu.vector_store %arg8[%swap3A_1497, %swap3A_1498], %swap3A_1501 {strides = array<i32>} : memref<128x16xf32, #tpu.memory_space<vmem>>, vector<1x16xf32>,
    %broadcast_in_dim3A_1502 = arith.constant 0.000000e+00 : f32
    %broadcast_in_dim3A_1503 = vector.broadcast %broadcast_in_dim3A_1502 : f32 to vector<16xf32>
    %swap3A_1504 = arith.constant 60 : i32
    %swap3A_1505 = arith.index_cast %swap3A_1504 : i32 to index
    %swap3A_1506 = arith.constant 0 : index
    %swap3A_1507 = tpu.vector_load %arg8[%swap3A_1505, %swap3A_1506] {strides = array<i32>} : memref<128x16xf32, #tpu.memory_space<vmem>>, vector<1x16xf32>,
    %swap3A_1508 = vector.shape_cast %swap3A_1507 : vector<1x16xf32> to vector<16xf32>
    %swap3A_1509 = vector.shape_cast %broadcast_in_dim3A_1503 : vector<16xf32> to vector<1x16xf32>
    tpu.vector_store %arg8[%swap3A_1505, %swap3A_1506], %swap3A_1509 {strides = array<i32>} : memref<128x16xf32, #tpu.memory_space<vmem>>, vector<1x16xf32>,
    %broadcast_in_dim3A_1510 = arith.constant 0.000000e+00 : f32
    %broadcast_in_dim3A_1511 = vector.broadcast %broadcast_in_dim3A_1510 : f32 to vector<16xf32>
    %swap3A_1512 = arith.constant 61 : i32
    %swap3A_1513 = arith.index_cast %swap3A_1512 : i32 to index
    %swap3A_1514 = arith.constant 0 : index
    %swap3A_1515 = tpu.vector_load %arg8[%swap3A_1513, %swap3A_1514] {strides = array<i32>} : memref<128x16xf32, #tpu.memory_space<vmem>>, vector<1x16xf32>,
    %swap3A_1516 = vector.shape_cast %swap3A_1515 : vector<1x16xf32> to vector<16xf32>
    %swap3A_1517 = vector.shape_cast %broadcast_in_dim3A_1511 : vector<16xf32> to vector<1x16xf32>
    tpu.vector_store %arg8[%swap3A_1513, %swap3A_1514], %swap3A_1517 {strides = array<i32>} : memref<128x16xf32, #tpu.memory_space<vmem>>, vector<1x16xf32>,
    %broadcast_in_dim3A_1518 = arith.constant 0.000000e+00 : f32
    %broadcast_in_dim3A_1519 = vector.broadcast %broadcast_in_dim3A_1518 : f32 to vector<16xf32>
    %swap3A_1520 = arith.constant 62 : i32
    %swap3A_1521 = arith.index_cast %swap3A_1520 : i32 to index
    %swap3A_1522 = arith.constant 0 : index
    %swap3A_1523 = tpu.vector_load %arg8[%swap3A_1521, %swap3A_1522] {strides = array<i32>} : memref<128x16xf32, #tpu.memory_space<vmem>>, vector<1x16xf32>,
    %swap3A_1524 = vector.shape_cast %swap3A_1523 : vector<1x16xf32> to vector<16xf32>
    %swap3A_1525 = vector.shape_cast %broadcast_in_dim3A_1519 : vector<16xf32> to vector<1x16xf32>
    tpu.vector_store %arg8[%swap3A_1521, %swap3A_1522], %swap3A_1525 {strides = array<i32>} : memref<128x16xf32, #tpu.memory_space<vmem>>, vector<1x16xf32>,
    %broadcast_in_dim3A_1526 = arith.constant 0.000000e+00 : f32
    %broadcast_in_dim3A_1527 = vector.broadcast %broadcast_in_dim3A_1526 : f32 to vector<16xf32>
    %swap3A_1528 = arith.constant 63 : i32
    %swap3A_1529 = arith.index_cast %swap3A_1528 : i32 to index
    %swap3A_1530 = arith.constant 0 : index
    %swap3A_1531 = tpu.vector_load %arg8[%swap3A_1529, %swap3A_1530] {strides = array<i32>} : memref<128x16xf32, #tpu.memory_space<vmem>>, vector<1x16xf32>,
    %swap3A_1532 = vector.shape_cast %swap3A_1531 : vector<1x16xf32> to vector<16xf32>
    %swap3A_1533 = vector.shape_cast %broadcast_in_dim3A_1527 : vector<16xf32> to vector<1x16xf32>
    tpu.vector_store %arg8[%swap3A_1529, %swap3A_1530], %swap3A_1533 {strides = array<i32>} : memref<128x16xf32, #tpu.memory_space<vmem>>, vector<1x16xf32>,
    %broadcast_in_dim3A_1534 = arith.constant 0.000000e+00 : f32
    %broadcast_in_dim3A_1535 = vector.broadcast %broadcast_in_dim3A_1534 : f32 to vector<16xf32>
    %swap3A_1536 = arith.constant 64 : i32
    %swap3A_1537 = arith.index_cast %swap3A_1536 : i32 to index
    %swap3A_1538 = arith.constant 0 : index
    %swap3A_1539 = tpu.vector_load %arg8[%swap3A_1537, %swap3A_1538] {strides = array<i32>} : memref<128x16xf32, #tpu.memory_space<vmem>>, vector<1x16xf32>,
    %swap3A_1540 = vector.shape_cast %swap3A_1539 : vector<1x16xf32> to vector<16xf32>
    %swap3A_1541 = vector.shape_cast %broadcast_in_dim3A_1535 : vector<16xf32> to vector<1x16xf32>
    tpu.vector_store %arg8[%swap3A_1537, %swap3A_1538], %swap3A_1541 {strides = array<i32>} : memref<128x16xf32, #tpu.memory_space<vmem>>, vector<1x16xf32>,
    %broadcast_in_dim3A_1542 = arith.constant 0.000000e+00 : f32
    %broadcast_in_dim3A_1543 = vector.broadcast %broadcast_in_dim3A_1542 : f32 to vector<16xf32>
    %swap3A_1544 = arith.constant 65 : i32
    %swap3A_1545 = arith.index_cast %swap3A_1544 : i32 to index
    %swap3A_1546 = arith.constant 0 : index
    %swap3A_1547 = tpu.vector_load %arg8[%swap3A_1545, %swap3A_1546] {strides = array<i32>} : memref<128x16xf32, #tpu.memory_space<vmem>>, vector<1x16xf32>,
    %swap3A_1548 = vector.shape_cast %swap3A_1547 : vector<1x16xf32> to vector<16xf32>
    %swap3A_1549 = vector.shape_cast %broadcast_in_dim3A_1543 : vector<16xf32> to vector<1x16xf32>
    tpu.vector_store %arg8[%swap3A_1545, %swap3A_1546], %swap3A_1549 {strides = array<i32>} : memref<128x16xf32, #tpu.memory_space<vmem>>, vector<1x16xf32>,
    %broadcast_in_dim3A_1550 = arith.constant 0.000000e+00 : f32
    %broadcast_in_dim3A_1551 = vector.broadcast %broadcast_in_dim3A_1550 : f32 to vector<16xf32>
    %swap3A_1552 = arith.constant 66 : i32
    %swap3A_1553 = arith.index_cast %swap3A_1552 : i32 to index
    %swap3A_1554 = arith.constant 0 : index
    %swap3A_1555 = tpu.vector_load %arg8[%swap3A_1553, %swap3A_1554] {strides = array<i32>} : memref<128x16xf32, #tpu.memory_space<vmem>>, vector<1x16xf32>,
    %swap3A_1556 = vector.shape_cast %swap3A_1555 : vector<1x16xf32> to vector<16xf32>
    %swap3A_1557 = vector.shape_cast %broadcast_in_dim3A_1551 : vector<16xf32> to vector<1x16xf32>
    tpu.vector_store %arg8[%swap3A_1553, %swap3A_1554], %swap3A_1557 {strides = array<i32>} : memref<128x16xf32, #tpu.memory_space<vmem>>, vector<1x16xf32>,
    %broadcast_in_dim3A_1558 = arith.constant 0.000000e+00 : f32
    %broadcast_in_dim3A_1559 = vector.broadcast %broadcast_in_dim3A_1558 : f32 to vector<16xf32>
    %swap3A_1560 = arith.constant 67 : i32
    %swap3A_1561 = arith.index_cast %swap3A_1560 : i32 to index
    %swap3A_1562 = arith.constant 0 : index
    %swap3A_1563 = tpu.vector_load %arg8[%swap3A_1561, %swap3A_1562] {strides = array<i32>} : memref<128x16xf32, #tpu.memory_space<vmem>>, vector<1x16xf32>,
    %swap3A_1564 = vector.shape_cast %swap3A_1563 : vector<1x16xf32> to vector<16xf32>
    %swap3A_1565 = vector.shape_cast %broadcast_in_dim3A_1559 : vector<16xf32> to vector<1x16xf32>
    tpu.vector_store %arg8[%swap3A_1561, %swap3A_1562], %swap3A_1565 {strides = array<i32>} : memref<128x16xf32, #tpu.memory_space<vmem>>, vector<1x16xf32>,
    %broadcast_in_dim3A_1566 = arith.constant 0.000000e+00 : f32
    %broadcast_in_dim3A_1567 = vector.broadcast %broadcast_in_dim3A_1566 : f32 to vector<16xf32>
    %swap3A_1568 = arith.constant 68 : i32
    %swap3A_1569 = arith.index_cast %swap3A_1568 : i32 to index
    %swap3A_1570 = arith.constant 0 : index
    %swap3A_1571 = tpu.vector_load %arg8[%swap3A_1569, %swap3A_1570] {strides = array<i32>} : memref<128x16xf32, #tpu.memory_space<vmem>>, vector<1x16xf32>,
    %swap3A_1572 = vector.shape_cast %swap3A_1571 : vector<1x16xf32> to vector<16xf32>
    %swap3A_1573 = vector.shape_cast %broadcast_in_dim3A_1567 : vector<16xf32> to vector<1x16xf32>
    tpu.vector_store %arg8[%swap3A_1569, %swap3A_1570], %swap3A_1573 {strides = array<i32>} : memref<128x16xf32, #tpu.memory_space<vmem>>, vector<1x16xf32>,
    %broadcast_in_dim3A_1574 = arith.constant 0.000000e+00 : f32
    %broadcast_in_dim3A_1575 = vector.broadcast %broadcast_in_dim3A_1574 : f32 to vector<16xf32>
    %swap3A_1576 = arith.constant 69 : i32
    %swap3A_1577 = arith.index_cast %swap3A_1576 : i32 to index
    %swap3A_1578 = arith.constant 0 : index
    %swap3A_1579 = tpu.vector_load %arg8[%swap3A_1577, %swap3A_1578] {strides = array<i32>} : memref<128x16xf32, #tpu.memory_space<vmem>>, vector<1x16xf32>,
    %swap3A_1580 = vector.shape_cast %swap3A_1579 : vector<1x16xf32> to vector<16xf32>
    %swap3A_1581 = vector.shape_cast %broadcast_in_dim3A_1575 : vector<16xf32> to vector<1x16xf32>
    tpu.vector_store %arg8[%swap3A_1577, %swap3A_1578], %swap3A_1581 {strides = array<i32>} : memref<128x16xf32, #tpu.memory_space<vmem>>, vector<1x16xf32>,
    %broadcast_in_dim3A_1582 = arith.constant 0.000000e+00 : f32
    %broadcast_in_dim3A_1583 = vector.broadcast %broadcast_in_dim3A_1582 : f32 to vector<16xf32>
    %swap3A_1584 = arith.constant 70 : i32
    %swap3A_1585 = arith.index_cast %swap3A_1584 : i32 to index
    %swap3A_1586 = arith.constant 0 : index
    %swap3A_1587 = tpu.vector_load %arg8[%swap3A_1585, %swap3A_1586] {strides = array<i32>} : memref<128x16xf32, #tpu.memory_space<vmem>>, vector<1x16xf32>,
    %swap3A_1588 = vector.shape_cast %swap3A_1587 : vector<1x16xf32> to vector<16xf32>
    %swap3A_1589 = vector.shape_cast %broadcast_in_dim3A_1583 : vector<16xf32> to vector<1x16xf32>
    tpu.vector_store %arg8[%swap3A_1585, %swap3A_1586], %swap3A_1589 {strides = array<i32>} : memref<128x16xf32, #tpu.memory_space<vmem>>, vector<1x16xf32>,
    %broadcast_in_dim3A_1590 = arith.constant 0.000000e+00 : f32
    %broadcast_in_dim3A_1591 = vector.broadcast %broadcast_in_dim3A_1590 : f32 to vector<16xf32>
    %swap3A_1592 = arith.constant 71 : i32
    %swap3A_1593 = arith.index_cast %swap3A_1592 : i32 to index
    %swap3A_1594 = arith.constant 0 : index
    %swap3A_1595 = tpu.vector_load %arg8[%swap3A_1593, %swap3A_1594] {strides = array<i32>} : memref<128x16xf32, #tpu.memory_space<vmem>>, vector<1x16xf32>,
    %swap3A_1596 = vector.shape_cast %swap3A_1595 : vector<1x16xf32> to vector<16xf32>
    %swap3A_1597 = vector.shape_cast %broadcast_in_dim3A_1591 : vector<16xf32> to vector<1x16xf32>
    tpu.vector_store %arg8[%swap3A_1593, %swap3A_1594], %swap3A_1597 {strides = array<i32>} : memref<128x16xf32, #tpu.memory_space<vmem>>, vector<1x16xf32>,
    %broadcast_in_dim3A_1598 = arith.constant 0.000000e+00 : f32
    %broadcast_in_dim3A_1599 = vector.broadcast %broadcast_in_dim3A_1598 : f32 to vector<16xf32>
    %swap3A_1600 = arith.constant 72 : i32
    %swap3A_1601 = arith.index_cast %swap3A_1600 : i32 to index
    %swap3A_1602 = arith.constant 0 : index
    %swap3A_1603 = tpu.vector_load %arg8[%swap3A_1601, %swap3A_1602] {strides = array<i32>} : memref<128x16xf32, #tpu.memory_space<vmem>>, vector<1x16xf32>,
    %swap3A_1604 = vector.shape_cast %swap3A_1603 : vector<1x16xf32> to vector<16xf32>
    %swap3A_1605 = vector.shape_cast %broadcast_in_dim3A_1599 : vector<16xf32> to vector<1x16xf32>
    tpu.vector_store %arg8[%swap3A_1601, %swap3A_1602], %swap3A_1605 {strides = array<i32>} : memref<128x16xf32, #tpu.memory_space<vmem>>, vector<1x16xf32>,
    %broadcast_in_dim3A_1606 = arith.constant 0.000000e+00 : f32
    %broadcast_in_dim3A_1607 = vector.broadcast %broadcast_in_dim3A_1606 : f32 to vector<16xf32>
    %swap3A_1608 = arith.constant 73 : i32
    %swap3A_1609 = arith.index_cast %swap3A_1608 : i32 to index
    %swap3A_1610 = arith.constant 0 : index
    %swap3A_1611 = tpu.vector_load %arg8[%swap3A_1609, %swap3A_1610] {strides = array<i32>} : memref<128x16xf32, #tpu.memory_space<vmem>>, vector<1x16xf32>,
    %swap3A_1612 = vector.shape_cast %swap3A_1611 : vector<1x16xf32> to vector<16xf32>
    %swap3A_1613 = vector.shape_cast %broadcast_in_dim3A_1607 : vector<16xf32> to vector<1x16xf32>
    tpu.vector_store %arg8[%swap3A_1609, %swap3A_1610], %swap3A_1613 {strides = array<i32>} : memref<128x16xf32, #tpu.memory_space<vmem>>, vector<1x16xf32>,
    %broadcast_in_dim3A_1614 = arith.constant 0.000000e+00 : f32
    %broadcast_in_dim3A_1615 = vector.broadcast %broadcast_in_dim3A_1614 : f32 to vector<16xf32>
    %swap3A_1616 = arith.constant 74 : i32
    %swap3A_1617 = arith.index_cast %swap3A_1616 : i32 to index
    %swap3A_1618 = arith.constant 0 : index
    %swap3A_1619 = tpu.vector_load %arg8[%swap3A_1617, %swap3A_1618] {strides = array<i32>} : memref<128x16xf32, #tpu.memory_space<vmem>>, vector<1x16xf32>,
    %swap3A_1620 = vector.shape_cast %swap3A_1619 : vector<1x16xf32> to vector<16xf32>
    %swap3A_1621 = vector.shape_cast %broadcast_in_dim3A_1615 : vector<16xf32> to vector<1x16xf32>
    tpu.vector_store %arg8[%swap3A_1617, %swap3A_1618], %swap3A_1621 {strides = array<i32>} : memref<128x16xf32, #tpu.memory_space<vmem>>, vector<1x16xf32>,
    %broadcast_in_dim3A_1622 = arith.constant 0.000000e+00 : f32
    %broadcast_in_dim3A_1623 = vector.broadcast %broadcast_in_dim3A_1622 : f32 to vector<16xf32>
    %swap3A_1624 = arith.constant 75 : i32
    %swap3A_1625 = arith.index_cast %swap3A_1624 : i32 to index
    %swap3A_1626 = arith.constant 0 : index
    %swap3A_1627 = tpu.vector_load %arg8[%swap3A_1625, %swap3A_1626] {strides = array<i32>} : memref<128x16xf32, #tpu.memory_space<vmem>>, vector<1x16xf32>,
    %swap3A_1628 = vector.shape_cast %swap3A_1627 : vector<1x16xf32> to vector<16xf32>
    %swap3A_1629 = vector.shape_cast %broadcast_in_dim3A_1623 : vector<16xf32> to vector<1x16xf32>
    tpu.vector_store %arg8[%swap3A_1625, %swap3A_1626], %swap3A_1629 {strides = array<i32>} : memref<128x16xf32, #tpu.memory_space<vmem>>, vector<1x16xf32>,
    %broadcast_in_dim3A_1630 = arith.constant 0.000000e+00 : f32
    %broadcast_in_dim3A_1631 = vector.broadcast %broadcast_in_dim3A_1630 : f32 to vector<16xf32>
    %swap3A_1632 = arith.constant 76 : i32
    %swap3A_1633 = arith.index_cast %swap3A_1632 : i32 to index
    %swap3A_1634 = arith.constant 0 : index
    %swap3A_1635 = tpu.vector_load %arg8[%swap3A_1633, %swap3A_1634] {strides = array<i32>} : memref<128x16xf32, #tpu.memory_space<vmem>>, vector<1x16xf32>,
    %swap3A_1636 = vector.shape_cast %swap3A_1635 : vector<1x16xf32> to vector<16xf32>
    %swap3A_1637 = vector.shape_cast %broadcast_in_dim3A_1631 : vector<16xf32> to vector<1x16xf32>
    tpu.vector_store %arg8[%swap3A_1633, %swap3A_1634], %swap3A_1637 {strides = array<i32>} : memref<128x16xf32, #tpu.memory_space<vmem>>, vector<1x16xf32>,
    %broadcast_in_dim3A_1638 = arith.constant 0.000000e+00 : f32
    %broadcast_in_dim3A_1639 = vector.broadcast %broadcast_in_dim3A_1638 : f32 to vector<16xf32>
    %swap3A_1640 = arith.constant 77 : i32
    %swap3A_1641 = arith.index_cast %swap3A_1640 : i32 to index
    %swap3A_1642 = arith.constant 0 : index
    %swap3A_1643 = tpu.vector_load %arg8[%swap3A_1641, %swap3A_1642] {strides = array<i32>} : memref<128x16xf32, #tpu.memory_space<vmem>>, vector<1x16xf32>,
    %swap3A_1644 = vector.shape_cast %swap3A_1643 : vector<1x16xf32> to vector<16xf32>
    %swap3A_1645 = vector.shape_cast %broadcast_in_dim3A_1639 : vector<16xf32> to vector<1x16xf32>
    tpu.vector_store %arg8[%swap3A_1641, %swap3A_1642], %swap3A_1645 {strides = array<i32>} : memref<128x16xf32, #tpu.memory_space<vmem>>, vector<1x16xf32>,
    %broadcast_in_dim3A_1646 = arith.constant 0.000000e+00 : f32
    %broadcast_in_dim3A_1647 = vector.broadcast %broadcast_in_dim3A_1646 : f32 to vector<16xf32>
    %swap3A_1648 = arith.constant 78 : i32
    %swap3A_1649 = arith.index_cast %swap3A_1648 : i32 to index
    %swap3A_1650 = arith.constant 0 : index
    %swap3A_1651 = tpu.vector_load %arg8[%swap3A_1649, %swap3A_1650] {strides = array<i32>} : memref<128x16xf32, #tpu.memory_space<vmem>>, vector<1x16xf32>,
    %swap3A_1652 = vector.shape_cast %swap3A_1651 : vector<1x16xf32> to vector<16xf32>
    %swap3A_1653 = vector.shape_cast %broadcast_in_dim3A_1647 : vector<16xf32> to vector<1x16xf32>
    tpu.vector_store %arg8[%swap3A_1649, %swap3A_1650], %swap3A_1653 {strides = array<i32>} : memref<128x16xf32, #tpu.memory_space<vmem>>, vector<1x16xf32>,
    %broadcast_in_dim3A_1654 = arith.constant 0.000000e+00 : f32
    %broadcast_in_dim3A_1655 = vector.broadcast %broadcast_in_dim3A_1654 : f32 to vector<16xf32>
    %swap3A_1656 = arith.constant 79 : i32
    %swap3A_1657 = arith.index_cast %swap3A_1656 : i32 to index
    %swap3A_1658 = arith.constant 0 : index
    %swap3A_1659 = tpu.vector_load %arg8[%swap3A_1657, %swap3A_1658] {strides = array<i32>} : memref<128x16xf32, #tpu.memory_space<vmem>>, vector<1x16xf32>,
    %swap3A_1660 = vector.shape_cast %swap3A_1659 : vector<1x16xf32> to vector<16xf32>
    %swap3A_1661 = vector.shape_cast %broadcast_in_dim3A_1655 : vector<16xf32> to vector<1x16xf32>
    tpu.vector_store %arg8[%swap3A_1657, %swap3A_1658], %swap3A_1661 {strides = array<i32>} : memref<128x16xf32, #tpu.memory_space<vmem>>, vector<1x16xf32>,
    %broadcast_in_dim3A_1662 = arith.constant 0.000000e+00 : f32
    %broadcast_in_dim3A_1663 = vector.broadcast %broadcast_in_dim3A_1662 : f32 to vector<16xf32>
    %swap3A_1664 = arith.constant 80 : i32
    %swap3A_1665 = arith.index_cast %swap3A_1664 : i32 to index
    %swap3A_1666 = arith.constant 0 : index
    %swap3A_1667 = tpu.vector_load %arg8[%swap3A_1665, %swap3A_1666] {strides = array<i32>} : memref<128x16xf32, #tpu.memory_space<vmem>>, vector<1x16xf32>,
    %swap3A_1668 = vector.shape_cast %swap3A_1667 : vector<1x16xf32> to vector<16xf32>
    %swap3A_1669 = vector.shape_cast %broadcast_in_dim3A_1663 : vector<16xf32> to vector<1x16xf32>
    tpu.vector_store %arg8[%swap3A_1665, %swap3A_1666], %swap3A_1669 {strides = array<i32>} : memref<128x16xf32, #tpu.memory_space<vmem>>, vector<1x16xf32>,
    %broadcast_in_dim3A_1670 = arith.constant 0.000000e+00 : f32
    %broadcast_in_dim3A_1671 = vector.broadcast %broadcast_in_dim3A_1670 : f32 to vector<16xf32>
    %swap3A_1672 = arith.constant 81 : i32
    %swap3A_1673 = arith.index_cast %swap3A_1672 : i32 to index
    %swap3A_1674 = arith.constant 0 : index
    %swap3A_1675 = tpu.vector_load %arg8[%swap3A_1673, %swap3A_1674] {strides = array<i32>} : memref<128x16xf32, #tpu.memory_space<vmem>>, vector<1x16xf32>,
    %swap3A_1676 = vector.shape_cast %swap3A_1675 : vector<1x16xf32> to vector<16xf32>
    %swap3A_1677 = vector.shape_cast %broadcast_in_dim3A_1671 : vector<16xf32> to vector<1x16xf32>
    tpu.vector_store %arg8[%swap3A_1673, %swap3A_1674], %swap3A_1677 {strides = array<i32>} : memref<128x16xf32, #tpu.memory_space<vmem>>, vector<1x16xf32>,
    %broadcast_in_dim3A_1678 = arith.constant 0.000000e+00 : f32
    %broadcast_in_dim3A_1679 = vector.broadcast %broadcast_in_dim3A_1678 : f32 to vector<16xf32>
    %swap3A_1680 = arith.constant 82 : i32
    %swap3A_1681 = arith.index_cast %swap3A_1680 : i32 to index
    %swap3A_1682 = arith.constant 0 : index
    %swap3A_1683 = tpu.vector_load %arg8[%swap3A_1681, %swap3A_1682] {strides = array<i32>} : memref<128x16xf32, #tpu.memory_space<vmem>>, vector<1x16xf32>,
    %swap3A_1684 = vector.shape_cast %swap3A_1683 : vector<1x16xf32> to vector<16xf32>
    %swap3A_1685 = vector.shape_cast %broadcast_in_dim3A_1679 : vector<16xf32> to vector<1x16xf32>
    tpu.vector_store %arg8[%swap3A_1681, %swap3A_1682], %swap3A_1685 {strides = array<i32>} : memref<128x16xf32, #tpu.memory_space<vmem>>, vector<1x16xf32>,
    %broadcast_in_dim3A_1686 = arith.constant 0.000000e+00 : f32
    %broadcast_in_dim3A_1687 = vector.broadcast %broadcast_in_dim3A_1686 : f32 to vector<16xf32>
    %swap3A_1688 = arith.constant 83 : i32
    %swap3A_1689 = arith.index_cast %swap3A_1688 : i32 to index
    %swap3A_1690 = arith.constant 0 : index
    %swap3A_1691 = tpu.vector_load %arg8[%swap3A_1689, %swap3A_1690] {strides = array<i32>} : memref<128x16xf32, #tpu.memory_space<vmem>>, vector<1x16xf32>,
    %swap3A_1692 = vector.shape_cast %swap3A_1691 : vector<1x16xf32> to vector<16xf32>
    %swap3A_1693 = vector.shape_cast %broadcast_in_dim3A_1687 : vector<16xf32> to vector<1x16xf32>
    tpu.vector_store %arg8[%swap3A_1689, %swap3A_1690], %swap3A_1693 {strides = array<i32>} : memref<128x16xf32, #tpu.memory_space<vmem>>, vector<1x16xf32>,
    %broadcast_in_dim3A_1694 = arith.constant 0.000000e+00 : f32
    %broadcast_in_dim3A_1695 = vector.broadcast %broadcast_in_dim3A_1694 : f32 to vector<16xf32>
    %swap3A_1696 = arith.constant 84 : i32
    %swap3A_1697 = arith.index_cast %swap3A_1696 : i32 to index
    %swap3A_1698 = arith.constant 0 : index
    %swap3A_1699 = tpu.vector_load %arg8[%swap3A_1697, %swap3A_1698] {strides = array<i32>} : memref<128x16xf32, #tpu.memory_space<vmem>>, vector<1x16xf32>,
    %swap3A_1700 = vector.shape_cast %swap3A_1699 : vector<1x16xf32> to vector<16xf32>
    %swap3A_1701 = vector.shape_cast %broadcast_in_dim3A_1695 : vector<16xf32> to vector<1x16xf32>
    tpu.vector_store %arg8[%swap3A_1697, %swap3A_1698], %swap3A_1701 {strides = array<i32>} : memref<128x16xf32, #tpu.memory_space<vmem>>, vector<1x16xf32>,
    %broadcast_in_dim3A_1702 = arith.constant 0.000000e+00 : f32
    %broadcast_in_dim3A_1703 = vector.broadcast %broadcast_in_dim3A_1702 : f32 to vector<16xf32>
    %swap3A_1704 = arith.constant 85 : i32
    %swap3A_1705 = arith.index_cast %swap3A_1704 : i32 to index
    %swap3A_1706 = arith.constant 0 : index
    %swap3A_1707 = tpu.vector_load %arg8[%swap3A_1705, %swap3A_1706] {strides = array<i32>} : memref<128x16xf32, #tpu.memory_space<vmem>>, vector<1x16xf32>,
    %swap3A_1708 = vector.shape_cast %swap3A_1707 : vector<1x16xf32> to vector<16xf32>
    %swap3A_1709 = vector.shape_cast %broadcast_in_dim3A_1703 : vector<16xf32> to vector<1x16xf32>
    tpu.vector_store %arg8[%swap3A_1705, %swap3A_1706], %swap3A_1709 {strides = array<i32>} : memref<128x16xf32, #tpu.memory_space<vmem>>, vector<1x16xf32>,
    %broadcast_in_dim3A_1710 = arith.constant 0.000000e+00 : f32
    %broadcast_in_dim3A_1711 = vector.broadcast %broadcast_in_dim3A_1710 : f32 to vector<16xf32>
    %swap3A_1712 = arith.constant 86 : i32
    %swap3A_1713 = arith.index_cast %swap3A_1712 : i32 to index
    %swap3A_1714 = arith.constant 0 : index
    %swap3A_1715 = tpu.vector_load %arg8[%swap3A_1713, %swap3A_1714] {strides = array<i32>} : memref<128x16xf32, #tpu.memory_space<vmem>>, vector<1x16xf32>,
    %swap3A_1716 = vector.shape_cast %swap3A_1715 : vector<1x16xf32> to vector<16xf32>
    %swap3A_1717 = vector.shape_cast %broadcast_in_dim3A_1711 : vector<16xf32> to vector<1x16xf32>
    tpu.vector_store %arg8[%swap3A_1713, %swap3A_1714], %swap3A_1717 {strides = array<i32>} : memref<128x16xf32, #tpu.memory_space<vmem>>, vector<1x16xf32>,
    %broadcast_in_dim3A_1718 = arith.constant 0.000000e+00 : f32
    %broadcast_in_dim3A_1719 = vector.broadcast %broadcast_in_dim3A_1718 : f32 to vector<16xf32>
    %swap3A_1720 = arith.constant 87 : i32
    %swap3A_1721 = arith.index_cast %swap3A_1720 : i32 to index
    %swap3A_1722 = arith.constant 0 : index
    %swap3A_1723 = tpu.vector_load %arg8[%swap3A_1721, %swap3A_1722] {strides = array<i32>} : memref<128x16xf32, #tpu.memory_space<vmem>>, vector<1x16xf32>,
    %swap3A_1724 = vector.shape_cast %swap3A_1723 : vector<1x16xf32> to vector<16xf32>
    %swap3A_1725 = vector.shape_cast %broadcast_in_dim3A_1719 : vector<16xf32> to vector<1x16xf32>
    tpu.vector_store %arg8[%swap3A_1721, %swap3A_1722], %swap3A_1725 {strides = array<i32>} : memref<128x16xf32, #tpu.memory_space<vmem>>, vector<1x16xf32>,
    %broadcast_in_dim3A_1726 = arith.constant 0.000000e+00 : f32
    %broadcast_in_dim3A_1727 = vector.broadcast %broadcast_in_dim3A_1726 : f32 to vector<16xf32>
    %swap3A_1728 = arith.constant 88 : i32
    %swap3A_1729 = arith.index_cast %swap3A_1728 : i32 to index
    %swap3A_1730 = arith.constant 0 : index
    %swap3A_1731 = tpu.vector_load %arg8[%swap3A_1729, %swap3A_1730] {strides = array<i32>} : memref<128x16xf32, #tpu.memory_space<vmem>>, vector<1x16xf32>,
    %swap3A_1732 = vector.shape_cast %swap3A_1731 : vector<1x16xf32> to vector<16xf32>
    %swap3A_1733 = vector.shape_cast %broadcast_in_dim3A_1727 : vector<16xf32> to vector<1x16xf32>
    tpu.vector_store %arg8[%swap3A_1729, %swap3A_1730], %swap3A_1733 {strides = array<i32>} : memref<128x16xf32, #tpu.memory_space<vmem>>, vector<1x16xf32>,
    %broadcast_in_dim3A_1734 = arith.constant 0.000000e+00 : f32
    %broadcast_in_dim3A_1735 = vector.broadcast %broadcast_in_dim3A_1734 : f32 to vector<16xf32>
    %swap3A_1736 = arith.constant 89 : i32
    %swap3A_1737 = arith.index_cast %swap3A_1736 : i32 to index
    %swap3A_1738 = arith.constant 0 : index
    %swap3A_1739 = tpu.vector_load %arg8[%swap3A_1737, %swap3A_1738] {strides = array<i32>} : memref<128x16xf32, #tpu.memory_space<vmem>>, vector<1x16xf32>,
    %swap3A_1740 = vector.shape_cast %swap3A_1739 : vector<1x16xf32> to vector<16xf32>
    %swap3A_1741 = vector.shape_cast %broadcast_in_dim3A_1735 : vector<16xf32> to vector<1x16xf32>
    tpu.vector_store %arg8[%swap3A_1737, %swap3A_1738], %swap3A_1741 {strides = array<i32>} : memref<128x16xf32, #tpu.memory_space<vmem>>, vector<1x16xf32>,
    %broadcast_in_dim3A_1742 = arith.constant 0.000000e+00 : f32
    %broadcast_in_dim3A_1743 = vector.broadcast %broadcast_in_dim3A_1742 : f32 to vector<16xf32>
    %swap3A_1744 = arith.constant 90 : i32
    %swap3A_1745 = arith.index_cast %swap3A_1744 : i32 to index
    %swap3A_1746 = arith.constant 0 : index
    %swap3A_1747 = tpu.vector_load %arg8[%swap3A_1745, %swap3A_1746] {strides = array<i32>} : memref<128x16xf32, #tpu.memory_space<vmem>>, vector<1x16xf32>,
    %swap3A_1748 = vector.shape_cast %swap3A_1747 : vector<1x16xf32> to vector<16xf32>
    %swap3A_1749 = vector.shape_cast %broadcast_in_dim3A_1743 : vector<16xf32> to vector<1x16xf32>
    tpu.vector_store %arg8[%swap3A_1745, %swap3A_1746], %swap3A_1749 {strides = array<i32>} : memref<128x16xf32, #tpu.memory_space<vmem>>, vector<1x16xf32>,
    %broadcast_in_dim3A_1750 = arith.constant 0.000000e+00 : f32
    %broadcast_in_dim3A_1751 = vector.broadcast %broadcast_in_dim3A_1750 : f32 to vector<16xf32>
    %swap3A_1752 = arith.constant 91 : i32
    %swap3A_1753 = arith.index_cast %swap3A_1752 : i32 to index
    %swap3A_1754 = arith.constant 0 : index
    %swap3A_1755 = tpu.vector_load %arg8[%swap3A_1753, %swap3A_1754] {strides = array<i32>} : memref<128x16xf32, #tpu.memory_space<vmem>>, vector<1x16xf32>,
    %swap3A_1756 = vector.shape_cast %swap3A_1755 : vector<1x16xf32> to vector<16xf32>
    %swap3A_1757 = vector.shape_cast %broadcast_in_dim3A_1751 : vector<16xf32> to vector<1x16xf32>
    tpu.vector_store %arg8[%swap3A_1753, %swap3A_1754], %swap3A_1757 {strides = array<i32>} : memref<128x16xf32, #tpu.memory_space<vmem>>, vector<1x16xf32>,
    %broadcast_in_dim3A_1758 = arith.constant 0.000000e+00 : f32
    %broadcast_in_dim3A_1759 = vector.broadcast %broadcast_in_dim3A_1758 : f32 to vector<16xf32>
    %swap3A_1760 = arith.constant 92 : i32
    %swap3A_1761 = arith.index_cast %swap3A_1760 : i32 to index
    %swap3A_1762 = arith.constant 0 : index
    %swap3A_1763 = tpu.vector_load %arg8[%swap3A_1761, %swap3A_1762] {strides = array<i32>} : memref<128x16xf32, #tpu.memory_space<vmem>>, vector<1x16xf32>,
    %swap3A_1764 = vector.shape_cast %swap3A_1763 : vector<1x16xf32> to vector<16xf32>
    %swap3A_1765 = vector.shape_cast %broadcast_in_dim3A_1759 : vector<16xf32> to vector<1x16xf32>
    tpu.vector_store %arg8[%swap3A_1761, %swap3A_1762], %swap3A_1765 {strides = array<i32>} : memref<128x16xf32, #tpu.memory_space<vmem>>, vector<1x16xf32>,
    %broadcast_in_dim3A_1766 = arith.constant 0.000000e+00 : f32
    %broadcast_in_dim3A_1767 = vector.broadcast %broadcast_in_dim3A_1766 : f32 to vector<16xf32>
    %swap3A_1768 = arith.constant 93 : i32
    %swap3A_1769 = arith.index_cast %swap3A_1768 : i32 to index
    %swap3A_1770 = arith.constant 0 : index
    %swap3A_1771 = tpu.vector_load %arg8[%swap3A_1769, %swap3A_1770] {strides = array<i32>} : memref<128x16xf32, #tpu.memory_space<vmem>>, vector<1x16xf32>,
    %swap3A_1772 = vector.shape_cast %swap3A_1771 : vector<1x16xf32> to vector<16xf32>
    %swap3A_1773 = vector.shape_cast %broadcast_in_dim3A_1767 : vector<16xf32> to vector<1x16xf32>
    tpu.vector_store %arg8[%swap3A_1769, %swap3A_1770], %swap3A_1773 {strides = array<i32>} : memref<128x16xf32, #tpu.memory_space<vmem>>, vector<1x16xf32>,
    %broadcast_in_dim3A_1774 = arith.constant 0.000000e+00 : f32
    %broadcast_in_dim3A_1775 = vector.broadcast %broadcast_in_dim3A_1774 : f32 to vector<16xf32>
    %swap3A_1776 = arith.constant 94 : i32
    %swap3A_1777 = arith.index_cast %swap3A_1776 : i32 to index
    %swap3A_1778 = arith.constant 0 : index
    %swap3A_1779 = tpu.vector_load %arg8[%swap3A_1777, %swap3A_1778] {strides = array<i32>} : memref<128x16xf32, #tpu.memory_space<vmem>>, vector<1x16xf32>,
    %swap3A_1780 = vector.shape_cast %swap3A_1779 : vector<1x16xf32> to vector<16xf32>
    %swap3A_1781 = vector.shape_cast %broadcast_in_dim3A_1775 : vector<16xf32> to vector<1x16xf32>
    tpu.vector_store %arg8[%swap3A_1777, %swap3A_1778], %swap3A_1781 {strides = array<i32>} : memref<128x16xf32, #tpu.memory_space<vmem>>, vector<1x16xf32>,
    %broadcast_in_dim3A_1782 = arith.constant 0.000000e+00 : f32
    %broadcast_in_dim3A_1783 = vector.broadcast %broadcast_in_dim3A_1782 : f32 to vector<16xf32>
    %swap3A_1784 = arith.constant 95 : i32
    %swap3A_1785 = arith.index_cast %swap3A_1784 : i32 to index
    %swap3A_1786 = arith.constant 0 : index
    %swap3A_1787 = tpu.vector_load %arg8[%swap3A_1785, %swap3A_1786] {strides = array<i32>} : memref<128x16xf32, #tpu.memory_space<vmem>>, vector<1x16xf32>,
    %swap3A_1788 = vector.shape_cast %swap3A_1787 : vector<1x16xf32> to vector<16xf32>
    %swap3A_1789 = vector.shape_cast %broadcast_in_dim3A_1783 : vector<16xf32> to vector<1x16xf32>
    tpu.vector_store %arg8[%swap3A_1785, %swap3A_1786], %swap3A_1789 {strides = array<i32>} : memref<128x16xf32, #tpu.memory_space<vmem>>, vector<1x16xf32>,
    %broadcast_in_dim3A_1790 = arith.constant 0.000000e+00 : f32
    %broadcast_in_dim3A_1791 = vector.broadcast %broadcast_in_dim3A_1790 : f32 to vector<16xf32>
    %swap3A_1792 = arith.constant 96 : i32
    %swap3A_1793 = arith.index_cast %swap3A_1792 : i32 to index
    %swap3A_1794 = arith.constant 0 : index
    %swap3A_1795 = tpu.vector_load %arg8[%swap3A_1793, %swap3A_1794] {strides = array<i32>} : memref<128x16xf32, #tpu.memory_space<vmem>>, vector<1x16xf32>,
    %swap3A_1796 = vector.shape_cast %swap3A_1795 : vector<1x16xf32> to vector<16xf32>
    %swap3A_1797 = vector.shape_cast %broadcast_in_dim3A_1791 : vector<16xf32> to vector<1x16xf32>
    tpu.vector_store %arg8[%swap3A_1793, %swap3A_1794], %swap3A_1797 {strides = array<i32>} : memref<128x16xf32, #tpu.memory_space<vmem>>, vector<1x16xf32>,
    %broadcast_in_dim3A_1798 = arith.constant 0.000000e+00 : f32
    %broadcast_in_dim3A_1799 = vector.broadcast %broadcast_in_dim3A_1798 : f32 to vector<16xf32>
    %swap3A_1800 = arith.constant 97 : i32
    %swap3A_1801 = arith.index_cast %swap3A_1800 : i32 to index
    %swap3A_1802 = arith.constant 0 : index
    %swap3A_1803 = tpu.vector_load %arg8[%swap3A_1801, %swap3A_1802] {strides = array<i32>} : memref<128x16xf32, #tpu.memory_space<vmem>>, vector<1x16xf32>,
    %swap3A_1804 = vector.shape_cast %swap3A_1803 : vector<1x16xf32> to vector<16xf32>
    %swap3A_1805 = vector.shape_cast %broadcast_in_dim3A_1799 : vector<16xf32> to vector<1x16xf32>
    tpu.vector_store %arg8[%swap3A_1801, %swap3A_1802], %swap3A_1805 {strides = array<i32>} : memref<128x16xf32, #tpu.memory_space<vmem>>, vector<1x16xf32>,
    %broadcast_in_dim3A_1806 = arith.constant 0.000000e+00 : f32
    %broadcast_in_dim3A_1807 = vector.broadcast %broadcast_in_dim3A_1806 : f32 to vector<16xf32>
    %swap3A_1808 = arith.constant 98 : i32
    %swap3A_1809 = arith.index_cast %swap3A_1808 : i32 to index
    %swap3A_1810 = arith.constant 0 : index
    %swap3A_1811 = tpu.vector_load %arg8[%swap3A_1809, %swap3A_1810] {strides = array<i32>} : memref<128x16xf32, #tpu.memory_space<vmem>>, vector<1x16xf32>,
    %swap3A_1812 = vector.shape_cast %swap3A_1811 : vector<1x16xf32> to vector<16xf32>
    %swap3A_1813 = vector.shape_cast %broadcast_in_dim3A_1807 : vector<16xf32> to vector<1x16xf32>
    tpu.vector_store %arg8[%swap3A_1809, %swap3A_1810], %swap3A_1813 {strides = array<i32>} : memref<128x16xf32, #tpu.memory_space<vmem>>, vector<1x16xf32>,
    %broadcast_in_dim3A_1814 = arith.constant 0.000000e+00 : f32
    %broadcast_in_dim3A_1815 = vector.broadcast %broadcast_in_dim3A_1814 : f32 to vector<16xf32>
    %swap3A_1816 = arith.constant 99 : i32
    %swap3A_1817 = arith.index_cast %swap3A_1816 : i32 to index
    %swap3A_1818 = arith.constant 0 : index
    %swap3A_1819 = tpu.vector_load %arg8[%swap3A_1817, %swap3A_1818] {strides = array<i32>} : memref<128x16xf32, #tpu.memory_space<vmem>>, vector<1x16xf32>,
    %swap3A_1820 = vector.shape_cast %swap3A_1819 : vector<1x16xf32> to vector<16xf32>
    %swap3A_1821 = vector.shape_cast %broadcast_in_dim3A_1815 : vector<16xf32> to vector<1x16xf32>
    tpu.vector_store %arg8[%swap3A_1817, %swap3A_1818], %swap3A_1821 {strides = array<i32>} : memref<128x16xf32, #tpu.memory_space<vmem>>, vector<1x16xf32>,
    %broadcast_in_dim3A_1822 = arith.constant 0.000000e+00 : f32
    %broadcast_in_dim3A_1823 = vector.broadcast %broadcast_in_dim3A_1822 : f32 to vector<16xf32>
    %swap3A_1824 = arith.constant 100 : i32
    %swap3A_1825 = arith.index_cast %swap3A_1824 : i32 to index
    %swap3A_1826 = arith.constant 0 : index
    %swap3A_1827 = tpu.vector_load %arg8[%swap3A_1825, %swap3A_1826] {strides = array<i32>} : memref<128x16xf32, #tpu.memory_space<vmem>>, vector<1x16xf32>,
    %swap3A_1828 = vector.shape_cast %swap3A_1827 : vector<1x16xf32> to vector<16xf32>
    %swap3A_1829 = vector.shape_cast %broadcast_in_dim3A_1823 : vector<16xf32> to vector<1x16xf32>
    tpu.vector_store %arg8[%swap3A_1825, %swap3A_1826], %swap3A_1829 {strides = array<i32>} : memref<128x16xf32, #tpu.memory_space<vmem>>, vector<1x16xf32>,
    %broadcast_in_dim3A_1830 = arith.constant 0.000000e+00 : f32
    %broadcast_in_dim3A_1831 = vector.broadcast %broadcast_in_dim3A_1830 : f32 to vector<16xf32>
    %swap3A_1832 = arith.constant 101 : i32
    %swap3A_1833 = arith.index_cast %swap3A_1832 : i32 to index
    %swap3A_1834 = arith.constant 0 : index
    %swap3A_1835 = tpu.vector_load %arg8[%swap3A_1833, %swap3A_1834] {strides = array<i32>} : memref<128x16xf32, #tpu.memory_space<vmem>>, vector<1x16xf32>,
    %swap3A_1836 = vector.shape_cast %swap3A_1835 : vector<1x16xf32> to vector<16xf32>
    %swap3A_1837 = vector.shape_cast %broadcast_in_dim3A_1831 : vector<16xf32> to vector<1x16xf32>
    tpu.vector_store %arg8[%swap3A_1833, %swap3A_1834], %swap3A_1837 {strides = array<i32>} : memref<128x16xf32, #tpu.memory_space<vmem>>, vector<1x16xf32>,
    %broadcast_in_dim3A_1838 = arith.constant 0.000000e+00 : f32
    %broadcast_in_dim3A_1839 = vector.broadcast %broadcast_in_dim3A_1838 : f32 to vector<16xf32>
    %swap3A_1840 = arith.constant 102 : i32
    %swap3A_1841 = arith.index_cast %swap3A_1840 : i32 to index
    %swap3A_1842 = arith.constant 0 : index
    %swap3A_1843 = tpu.vector_load %arg8[%swap3A_1841, %swap3A_1842] {strides = array<i32>} : memref<128x16xf32, #tpu.memory_space<vmem>>, vector<1x16xf32>,
    %swap3A_1844 = vector.shape_cast %swap3A_1843 : vector<1x16xf32> to vector<16xf32>
    %swap3A_1845 = vector.shape_cast %broadcast_in_dim3A_1839 : vector<16xf32> to vector<1x16xf32>
    tpu.vector_store %arg8[%swap3A_1841, %swap3A_1842], %swap3A_1845 {strides = array<i32>} : memref<128x16xf32, #tpu.memory_space<vmem>>, vector<1x16xf32>,
    %broadcast_in_dim3A_1846 = arith.constant 0.000000e+00 : f32
    %broadcast_in_dim3A_1847 = vector.broadcast %broadcast_in_dim3A_1846 : f32 to vector<16xf32>
    %swap3A_1848 = arith.constant 103 : i32
    %swap3A_1849 = arith.index_cast %swap3A_1848 : i32 to index
    %swap3A_1850 = arith.constant 0 : index
    %swap3A_1851 = tpu.vector_load %arg8[%swap3A_1849, %swap3A_1850] {strides = array<i32>} : memref<128x16xf32, #tpu.memory_space<vmem>>, vector<1x16xf32>,
    %swap3A_1852 = vector.shape_cast %swap3A_1851 : vector<1x16xf32> to vector<16xf32>
    %swap3A_1853 = vector.shape_cast %broadcast_in_dim3A_1847 : vector<16xf32> to vector<1x16xf32>
    tpu.vector_store %arg8[%swap3A_1849, %swap3A_1850], %swap3A_1853 {strides = array<i32>} : memref<128x16xf32, #tpu.memory_space<vmem>>, vector<1x16xf32>,
    %broadcast_in_dim3A_1854 = arith.constant 0.000000e+00 : f32
    %broadcast_in_dim3A_1855 = vector.broadcast %broadcast_in_dim3A_1854 : f32 to vector<16xf32>
    %swap3A_1856 = arith.constant 104 : i32
    %swap3A_1857 = arith.index_cast %swap3A_1856 : i32 to index
    %swap3A_1858 = arith.constant 0 : index
    %swap3A_1859 = tpu.vector_load %arg8[%swap3A_1857, %swap3A_1858] {strides = array<i32>} : memref<128x16xf32, #tpu.memory_space<vmem>>, vector<1x16xf32>,
    %swap3A_1860 = vector.shape_cast %swap3A_1859 : vector<1x16xf32> to vector<16xf32>
    %swap3A_1861 = vector.shape_cast %broadcast_in_dim3A_1855 : vector<16xf32> to vector<1x16xf32>
    tpu.vector_store %arg8[%swap3A_1857, %swap3A_1858], %swap3A_1861 {strides = array<i32>} : memref<128x16xf32, #tpu.memory_space<vmem>>, vector<1x16xf32>,
    %broadcast_in_dim3A_1862 = arith.constant 0.000000e+00 : f32
    %broadcast_in_dim3A_1863 = vector.broadcast %broadcast_in_dim3A_1862 : f32 to vector<16xf32>
    %swap3A_1864 = arith.constant 105 : i32
    %swap3A_1865 = arith.index_cast %swap3A_1864 : i32 to index
    %swap3A_1866 = arith.constant 0 : index
    %swap3A_1867 = tpu.vector_load %arg8[%swap3A_1865, %swap3A_1866] {strides = array<i32>} : memref<128x16xf32, #tpu.memory_space<vmem>>, vector<1x16xf32>,
    %swap3A_1868 = vector.shape_cast %swap3A_1867 : vector<1x16xf32> to vector<16xf32>
    %swap3A_1869 = vector.shape_cast %broadcast_in_dim3A_1863 : vector<16xf32> to vector<1x16xf32>
    tpu.vector_store %arg8[%swap3A_1865, %swap3A_1866], %swap3A_1869 {strides = array<i32>} : memref<128x16xf32, #tpu.memory_space<vmem>>, vector<1x16xf32>,
    %broadcast_in_dim3A_1870 = arith.constant 0.000000e+00 : f32
    %broadcast_in_dim3A_1871 = vector.broadcast %broadcast_in_dim3A_1870 : f32 to vector<16xf32>
    %swap3A_1872 = arith.constant 106 : i32
    %swap3A_1873 = arith.index_cast %swap3A_1872 : i32 to index
    %swap3A_1874 = arith.constant 0 : index
    %swap3A_1875 = tpu.vector_load %arg8[%swap3A_1873, %swap3A_1874] {strides = array<i32>} : memref<128x16xf32, #tpu.memory_space<vmem>>, vector<1x16xf32>,
    %swap3A_1876 = vector.shape_cast %swap3A_1875 : vector<1x16xf32> to vector<16xf32>
    %swap3A_1877 = vector.shape_cast %broadcast_in_dim3A_1871 : vector<16xf32> to vector<1x16xf32>
    tpu.vector_store %arg8[%swap3A_1873, %swap3A_1874], %swap3A_1877 {strides = array<i32>} : memref<128x16xf32, #tpu.memory_space<vmem>>, vector<1x16xf32>,
    %broadcast_in_dim3A_1878 = arith.constant 0.000000e+00 : f32
    %broadcast_in_dim3A_1879 = vector.broadcast %broadcast_in_dim3A_1878 : f32 to vector<16xf32>
    %swap3A_1880 = arith.constant 107 : i32
    %swap3A_1881 = arith.index_cast %swap3A_1880 : i32 to index
    %swap3A_1882 = arith.constant 0 : index
    %swap3A_1883 = tpu.vector_load %arg8[%swap3A_1881, %swap3A_1882] {strides = array<i32>} : memref<128x16xf32, #tpu.memory_space<vmem>>, vector<1x16xf32>,
    %swap3A_1884 = vector.shape_cast %swap3A_1883 : vector<1x16xf32> to vector<16xf32>
    %swap3A_1885 = vector.shape_cast %broadcast_in_dim3A_1879 : vector<16xf32> to vector<1x16xf32>
    tpu.vector_store %arg8[%swap3A_1881, %swap3A_1882], %swap3A_1885 {strides = array<i32>} : memref<128x16xf32, #tpu.memory_space<vmem>>, vector<1x16xf32>,
    %broadcast_in_dim3A_1886 = arith.constant 0.000000e+00 : f32
    %broadcast_in_dim3A_1887 = vector.broadcast %broadcast_in_dim3A_1886 : f32 to vector<16xf32>
    %swap3A_1888 = arith.constant 108 : i32
    %swap3A_1889 = arith.index_cast %swap3A_1888 : i32 to index
    %swap3A_1890 = arith.constant 0 : index
    %swap3A_1891 = tpu.vector_load %arg8[%swap3A_1889, %swap3A_1890] {strides = array<i32>} : memref<128x16xf32, #tpu.memory_space<vmem>>, vector<1x16xf32>,
    %swap3A_1892 = vector.shape_cast %swap3A_1891 : vector<1x16xf32> to vector<16xf32>
    %swap3A_1893 = vector.shape_cast %broadcast_in_dim3A_1887 : vector<16xf32> to vector<1x16xf32>
    tpu.vector_store %arg8[%swap3A_1889, %swap3A_1890], %swap3A_1893 {strides = array<i32>} : memref<128x16xf32, #tpu.memory_space<vmem>>, vector<1x16xf32>,
    %broadcast_in_dim3A_1894 = arith.constant 0.000000e+00 : f32
    %broadcast_in_dim3A_1895 = vector.broadcast %broadcast_in_dim3A_1894 : f32 to vector<16xf32>
    %swap3A_1896 = arith.constant 109 : i32
    %swap3A_1897 = arith.index_cast %swap3A_1896 : i32 to index
    %swap3A_1898 = arith.constant 0 : index
    %swap3A_1899 = tpu.vector_load %arg8[%swap3A_1897, %swap3A_1898] {strides = array<i32>} : memref<128x16xf32, #tpu.memory_space<vmem>>, vector<1x16xf32>,
    %swap3A_1900 = vector.shape_cast %swap3A_1899 : vector<1x16xf32> to vector<16xf32>
    %swap3A_1901 = vector.shape_cast %broadcast_in_dim3A_1895 : vector<16xf32> to vector<1x16xf32>
    tpu.vector_store %arg8[%swap3A_1897, %swap3A_1898], %swap3A_1901 {strides = array<i32>} : memref<128x16xf32, #tpu.memory_space<vmem>>, vector<1x16xf32>,
    %broadcast_in_dim3A_1902 = arith.constant 0.000000e+00 : f32
    %broadcast_in_dim3A_1903 = vector.broadcast %broadcast_in_dim3A_1902 : f32 to vector<16xf32>
    %swap3A_1904 = arith.constant 110 : i32
    %swap3A_1905 = arith.index_cast %swap3A_1904 : i32 to index
    %swap3A_1906 = arith.constant 0 : index
    %swap3A_1907 = tpu.vector_load %arg8[%swap3A_1905, %swap3A_1906] {strides = array<i32>} : memref<128x16xf32, #tpu.memory_space<vmem>>, vector<1x16xf32>,
    %swap3A_1908 = vector.shape_cast %swap3A_1907 : vector<1x16xf32> to vector<16xf32>
    %swap3A_1909 = vector.shape_cast %broadcast_in_dim3A_1903 : vector<16xf32> to vector<1x16xf32>
    tpu.vector_store %arg8[%swap3A_1905, %swap3A_1906], %swap3A_1909 {strides = array<i32>} : memref<128x16xf32, #tpu.memory_space<vmem>>, vector<1x16xf32>,
    %broadcast_in_dim3A_1910 = arith.constant 0.000000e+00 : f32
    %broadcast_in_dim3A_1911 = vector.broadcast %broadcast_in_dim3A_1910 : f32 to vector<16xf32>
    %swap3A_1912 = arith.constant 111 : i32
    %swap3A_1913 = arith.index_cast %swap3A_1912 : i32 to index
    %swap3A_1914 = arith.constant 0 : index
    %swap3A_1915 = tpu.vector_load %arg8[%swap3A_1913, %swap3A_1914] {strides = array<i32>} : memref<128x16xf32, #tpu.memory_space<vmem>>, vector<1x16xf32>,
    %swap3A_1916 = vector.shape_cast %swap3A_1915 : vector<1x16xf32> to vector<16xf32>
    %swap3A_1917 = vector.shape_cast %broadcast_in_dim3A_1911 : vector<16xf32> to vector<1x16xf32>
    tpu.vector_store %arg8[%swap3A_1913, %swap3A_1914], %swap3A_1917 {strides = array<i32>} : memref<128x16xf32, #tpu.memory_space<vmem>>, vector<1x16xf32>,
    %broadcast_in_dim3A_1918 = arith.constant 0.000000e+00 : f32
    %broadcast_in_dim3A_1919 = vector.broadcast %broadcast_in_dim3A_1918 : f32 to vector<16xf32>
    %swap3A_1920 = arith.constant 112 : i32
    %swap3A_1921 = arith.index_cast %swap3A_1920 : i32 to index
    %swap3A_1922 = arith.constant 0 : index
    %swap3A_1923 = tpu.vector_load %arg8[%swap3A_1921, %swap3A_1922] {strides = array<i32>} : memref<128x16xf32, #tpu.memory_space<vmem>>, vector<1x16xf32>,
    %swap3A_1924 = vector.shape_cast %swap3A_1923 : vector<1x16xf32> to vector<16xf32>
    %swap3A_1925 = vector.shape_cast %broadcast_in_dim3A_1919 : vector<16xf32> to vector<1x16xf32>
    tpu.vector_store %arg8[%swap3A_1921, %swap3A_1922], %swap3A_1925 {strides = array<i32>} : memref<128x16xf32, #tpu.memory_space<vmem>>, vector<1x16xf32>,
    %broadcast_in_dim3A_1926 = arith.constant 0.000000e+00 : f32
    %broadcast_in_dim3A_1927 = vector.broadcast %broadcast_in_dim3A_1926 : f32 to vector<16xf32>
    %swap3A_1928 = arith.constant 113 : i32
    %swap3A_1929 = arith.index_cast %swap3A_1928 : i32 to index
    %swap3A_1930 = arith.constant 0 : index
    %swap3A_1931 = tpu.vector_load %arg8[%swap3A_1929, %swap3A_1930] {strides = array<i32>} : memref<128x16xf32, #tpu.memory_space<vmem>>, vector<1x16xf32>,
    %swap3A_1932 = vector.shape_cast %swap3A_1931 : vector<1x16xf32> to vector<16xf32>
    %swap3A_1933 = vector.shape_cast %broadcast_in_dim3A_1927 : vector<16xf32> to vector<1x16xf32>
    tpu.vector_store %arg8[%swap3A_1929, %swap3A_1930], %swap3A_1933 {strides = array<i32>} : memref<128x16xf32, #tpu.memory_space<vmem>>, vector<1x16xf32>,
    %broadcast_in_dim3A_1934 = arith.constant 0.000000e+00 : f32
    %broadcast_in_dim3A_1935 = vector.broadcast %broadcast_in_dim3A_1934 : f32 to vector<16xf32>
    %swap3A_1936 = arith.constant 114 : i32
    %swap3A_1937 = arith.index_cast %swap3A_1936 : i32 to index
    %swap3A_1938 = arith.constant 0 : index
    %swap3A_1939 = tpu.vector_load %arg8[%swap3A_1937, %swap3A_1938] {strides = array<i32>} : memref<128x16xf32, #tpu.memory_space<vmem>>, vector<1x16xf32>,
    %swap3A_1940 = vector.shape_cast %swap3A_1939 : vector<1x16xf32> to vector<16xf32>
    %swap3A_1941 = vector.shape_cast %broadcast_in_dim3A_1935 : vector<16xf32> to vector<1x16xf32>
    tpu.vector_store %arg8[%swap3A_1937, %swap3A_1938], %swap3A_1941 {strides = array<i32>} : memref<128x16xf32, #tpu.memory_space<vmem>>, vector<1x16xf32>,
    %broadcast_in_dim3A_1942 = arith.constant 0.000000e+00 : f32
    %broadcast_in_dim3A_1943 = vector.broadcast %broadcast_in_dim3A_1942 : f32 to vector<16xf32>
    %swap3A_1944 = arith.constant 115 : i32
    %swap3A_1945 = arith.index_cast %swap3A_1944 : i32 to index
    %swap3A_1946 = arith.constant 0 : index
    %swap3A_1947 = tpu.vector_load %arg8[%swap3A_1945, %swap3A_1946] {strides = array<i32>} : memref<128x16xf32, #tpu.memory_space<vmem>>, vector<1x16xf32>,
    %swap3A_1948 = vector.shape_cast %swap3A_1947 : vector<1x16xf32> to vector<16xf32>
    %swap3A_1949 = vector.shape_cast %broadcast_in_dim3A_1943 : vector<16xf32> to vector<1x16xf32>
    tpu.vector_store %arg8[%swap3A_1945, %swap3A_1946], %swap3A_1949 {strides = array<i32>} : memref<128x16xf32, #tpu.memory_space<vmem>>, vector<1x16xf32>,
    %broadcast_in_dim3A_1950 = arith.constant 0.000000e+00 : f32
    %broadcast_in_dim3A_1951 = vector.broadcast %broadcast_in_dim3A_1950 : f32 to vector<16xf32>
    %swap3A_1952 = arith.constant 116 : i32
    %swap3A_1953 = arith.index_cast %swap3A_1952 : i32 to index
    %swap3A_1954 = arith.constant 0 : index
    %swap3A_1955 = tpu.vector_load %arg8[%swap3A_1953, %swap3A_1954] {strides = array<i32>} : memref<128x16xf32, #tpu.memory_space<vmem>>, vector<1x16xf32>,
    %swap3A_1956 = vector.shape_cast %swap3A_1955 : vector<1x16xf32> to vector<16xf32>
    %swap3A_1957 = vector.shape_cast %broadcast_in_dim3A_1951 : vector<16xf32> to vector<1x16xf32>
    tpu.vector_store %arg8[%swap3A_1953, %swap3A_1954], %swap3A_1957 {strides = array<i32>} : memref<128x16xf32, #tpu.memory_space<vmem>>, vector<1x16xf32>,
    %broadcast_in_dim3A_1958 = arith.constant 0.000000e+00 : f32
    %broadcast_in_dim3A_1959 = vector.broadcast %broadcast_in_dim3A_1958 : f32 to vector<16xf32>
    %swap3A_1960 = arith.constant 117 : i32
    %swap3A_1961 = arith.index_cast %swap3A_1960 : i32 to index
    %swap3A_1962 = arith.constant 0 : index
    %swap3A_1963 = tpu.vector_load %arg8[%swap3A_1961, %swap3A_1962] {strides = array<i32>} : memref<128x16xf32, #tpu.memory_space<vmem>>, vector<1x16xf32>,
    %swap3A_1964 = vector.shape_cast %swap3A_1963 : vector<1x16xf32> to vector<16xf32>
    %swap3A_1965 = vector.shape_cast %broadcast_in_dim3A_1959 : vector<16xf32> to vector<1x16xf32>
    tpu.vector_store %arg8[%swap3A_1961, %swap3A_1962], %swap3A_1965 {strides = array<i32>} : memref<128x16xf32, #tpu.memory_space<vmem>>, vector<1x16xf32>,
    %broadcast_in_dim3A_1966 = arith.constant 0.000000e+00 : f32
    %broadcast_in_dim3A_1967 = vector.broadcast %broadcast_in_dim3A_1966 : f32 to vector<16xf32>
    %swap3A_1968 = arith.constant 118 : i32
    %swap3A_1969 = arith.index_cast %swap3A_1968 : i32 to index
    %swap3A_1970 = arith.constant 0 : index
    %swap3A_1971 = tpu.vector_load %arg8[%swap3A_1969, %swap3A_1970] {strides = array<i32>} : memref<128x16xf32, #tpu.memory_space<vmem>>, vector<1x16xf32>,
    %swap3A_1972 = vector.shape_cast %swap3A_1971 : vector<1x16xf32> to vector<16xf32>
    %swap3A_1973 = vector.shape_cast %broadcast_in_dim3A_1967 : vector<16xf32> to vector<1x16xf32>
    tpu.vector_store %arg8[%swap3A_1969, %swap3A_1970], %swap3A_1973 {strides = array<i32>} : memref<128x16xf32, #tpu.memory_space<vmem>>, vector<1x16xf32>,
    %broadcast_in_dim3A_1974 = arith.constant 0.000000e+00 : f32
    %broadcast_in_dim3A_1975 = vector.broadcast %broadcast_in_dim3A_1974 : f32 to vector<16xf32>
    %swap3A_1976 = arith.constant 119 : i32
    %swap3A_1977 = arith.index_cast %swap3A_1976 : i32 to index
    %swap3A_1978 = arith.constant 0 : index
    %swap3A_1979 = tpu.vector_load %arg8[%swap3A_1977, %swap3A_1978] {strides = array<i32>} : memref<128x16xf32, #tpu.memory_space<vmem>>, vector<1x16xf32>,
    %swap3A_1980 = vector.shape_cast %swap3A_1979 : vector<1x16xf32> to vector<16xf32>
    %swap3A_1981 = vector.shape_cast %broadcast_in_dim3A_1975 : vector<16xf32> to vector<1x16xf32>
    tpu.vector_store %arg8[%swap3A_1977, %swap3A_1978], %swap3A_1981 {strides = array<i32>} : memref<128x16xf32, #tpu.memory_space<vmem>>, vector<1x16xf32>,
    %broadcast_in_dim3A_1982 = arith.constant 0.000000e+00 : f32
    %broadcast_in_dim3A_1983 = vector.broadcast %broadcast_in_dim3A_1982 : f32 to vector<16xf32>
    %swap3A_1984 = arith.constant 120 : i32
    %swap3A_1985 = arith.index_cast %swap3A_1984 : i32 to index
    %swap3A_1986 = arith.constant 0 : index
    %swap3A_1987 = tpu.vector_load %arg8[%swap3A_1985, %swap3A_1986] {strides = array<i32>} : memref<128x16xf32, #tpu.memory_space<vmem>>, vector<1x16xf32>,
    %swap3A_1988 = vector.shape_cast %swap3A_1987 : vector<1x16xf32> to vector<16xf32>
    %swap3A_1989 = vector.shape_cast %broadcast_in_dim3A_1983 : vector<16xf32> to vector<1x16xf32>
    tpu.vector_store %arg8[%swap3A_1985, %swap3A_1986], %swap3A_1989 {strides = array<i32>} : memref<128x16xf32, #tpu.memory_space<vmem>>, vector<1x16xf32>,
    %broadcast_in_dim3A_1990 = arith.constant 0.000000e+00 : f32
    %broadcast_in_dim3A_1991 = vector.broadcast %broadcast_in_dim3A_1990 : f32 to vector<16xf32>
    %swap3A_1992 = arith.constant 121 : i32
    %swap3A_1993 = arith.index_cast %swap3A_1992 : i32 to index
    %swap3A_1994 = arith.constant 0 : index
    %swap3A_1995 = tpu.vector_load %arg8[%swap3A_1993, %swap3A_1994] {strides = array<i32>} : memref<128x16xf32, #tpu.memory_space<vmem>>, vector<1x16xf32>,
    %swap3A_1996 = vector.shape_cast %swap3A_1995 : vector<1x16xf32> to vector<16xf32>
    %swap3A_1997 = vector.shape_cast %broadcast_in_dim3A_1991 : vector<16xf32> to vector<1x16xf32>
    tpu.vector_store %arg8[%swap3A_1993, %swap3A_1994], %swap3A_1997 {strides = array<i32>} : memref<128x16xf32, #tpu.memory_space<vmem>>, vector<1x16xf32>,
    %broadcast_in_dim3A_1998 = arith.constant 0.000000e+00 : f32
    %broadcast_in_dim3A_1999 = vector.broadcast %broadcast_in_dim3A_1998 : f32 to vector<16xf32>
    %swap3A_2000 = arith.constant 122 : i32
    %swap3A_2001 = arith.index_cast %swap3A_2000 : i32 to index
    %swap3A_2002 = arith.constant 0 : index
    %swap3A_2003 = tpu.vector_load %arg8[%swap3A_2001, %swap3A_2002] {strides = array<i32>} : memref<128x16xf32, #tpu.memory_space<vmem>>, vector<1x16xf32>,
    %swap3A_2004 = vector.shape_cast %swap3A_2003 : vector<1x16xf32> to vector<16xf32>
    %swap3A_2005 = vector.shape_cast %broadcast_in_dim3A_1999 : vector<16xf32> to vector<1x16xf32>
    tpu.vector_store %arg8[%swap3A_2001, %swap3A_2002], %swap3A_2005 {strides = array<i32>} : memref<128x16xf32, #tpu.memory_space<vmem>>, vector<1x16xf32>,
    %broadcast_in_dim3A_2006 = arith.constant 0.000000e+00 : f32
    %broadcast_in_dim3A_2007 = vector.broadcast %broadcast_in_dim3A_2006 : f32 to vector<16xf32>
    %swap3A_2008 = arith.constant 123 : i32
    %swap3A_2009 = arith.index_cast %swap3A_2008 : i32 to index
    %swap3A_2010 = arith.constant 0 : index
    %swap3A_2011 = tpu.vector_load %arg8[%swap3A_2009, %swap3A_2010] {strides = array<i32>} : memref<128x16xf32, #tpu.memory_space<vmem>>, vector<1x16xf32>,
    %swap3A_2012 = vector.shape_cast %swap3A_2011 : vector<1x16xf32> to vector<16xf32>
    %swap3A_2013 = vector.shape_cast %broadcast_in_dim3A_2007 : vector<16xf32> to vector<1x16xf32>
    tpu.vector_store %arg8[%swap3A_2009, %swap3A_2010], %swap3A_2013 {strides = array<i32>} : memref<128x16xf32, #tpu.memory_space<vmem>>, vector<1x16xf32>,
    %broadcast_in_dim3A_2014 = arith.constant 0.000000e+00 : f32
    %broadcast_in_dim3A_2015 = vector.broadcast %broadcast_in_dim3A_2014 : f32 to vector<16xf32>
    %swap3A_2016 = arith.constant 124 : i32
    %swap3A_2017 = arith.index_cast %swap3A_2016 : i32 to index
    %swap3A_2018 = arith.constant 0 : index
    %swap3A_2019 = tpu.vector_load %arg8[%swap3A_2017, %swap3A_2018] {strides = array<i32>} : memref<128x16xf32, #tpu.memory_space<vmem>>, vector<1x16xf32>,
    %swap3A_2020 = vector.shape_cast %swap3A_2019 : vector<1x16xf32> to vector<16xf32>
    %swap3A_2021 = vector.shape_cast %broadcast_in_dim3A_2015 : vector<16xf32> to vector<1x16xf32>
    tpu.vector_store %arg8[%swap3A_2017, %swap3A_2018], %swap3A_2021 {strides = array<i32>} : memref<128x16xf32, #tpu.memory_space<vmem>>, vector<1x16xf32>,
    %broadcast_in_dim3A_2022 = arith.constant 0.000000e+00 : f32
    %broadcast_in_dim3A_2023 = vector.broadcast %broadcast_in_dim3A_2022 : f32 to vector<16xf32>
    %swap3A_2024 = arith.constant 125 : i32
    %swap3A_2025 = arith.index_cast %swap3A_2024 : i32 to index
    %swap3A_2026 = arith.constant 0 : index
    %swap3A_2027 = tpu.vector_load %arg8[%swap3A_2025, %swap3A_2026] {strides = array<i32>} : memref<128x16xf32, #tpu.memory_space<vmem>>, vector<1x16xf32>,
    %swap3A_2028 = vector.shape_cast %swap3A_2027 : vector<1x16xf32> to vector<16xf32>
    %swap3A_2029 = vector.shape_cast %broadcast_in_dim3A_2023 : vector<16xf32> to vector<1x16xf32>
    tpu.vector_store %arg8[%swap3A_2025, %swap3A_2026], %swap3A_2029 {strides = array<i32>} : memref<128x16xf32, #tpu.memory_space<vmem>>, vector<1x16xf32>,
    %broadcast_in_dim3A_2030 = arith.constant 0.000000e+00 : f32
    %broadcast_in_dim3A_2031 = vector.broadcast %broadcast_in_dim3A_2030 : f32 to vector<16xf32>
    %swap3A_2032 = arith.constant 126 : i32
    %swap3A_2033 = arith.index_cast %swap3A_2032 : i32 to index
    %swap3A_2034 = arith.constant 0 : index
    %swap3A_2035 = tpu.vector_load %arg8[%swap3A_2033, %swap3A_2034] {strides = array<i32>} : memref<128x16xf32, #tpu.memory_space<vmem>>, vector<1x16xf32>,
    %swap3A_2036 = vector.shape_cast %swap3A_2035 : vector<1x16xf32> to vector<16xf32>
    %swap3A_2037 = vector.shape_cast %broadcast_in_dim3A_2031 : vector<16xf32> to vector<1x16xf32>
    tpu.vector_store %arg8[%swap3A_2033, %swap3A_2034], %swap3A_2037 {strides = array<i32>} : memref<128x16xf32, #tpu.memory_space<vmem>>, vector<1x16xf32>,
    %broadcast_in_dim3A_2038 = arith.constant 0.000000e+00 : f32
    %broadcast_in_dim3A_2039 = vector.broadcast %broadcast_in_dim3A_2038 : f32 to vector<16xf32>
    %swap3A_2040 = arith.constant 127 : i32
    %swap3A_2041 = arith.index_cast %swap3A_2040 : i32 to index
    %swap3A_2042 = arith.constant 0 : index
    %swap3A_2043 = tpu.vector_load %arg8[%swap3A_2041, %swap3A_2042] {strides = array<i32>} : memref<128x16xf32, #tpu.memory_space<vmem>>, vector<1x16xf32>,
    %swap3A_2044 = vector.shape_cast %swap3A_2043 : vector<1x16xf32> to vector<16xf32>
    %swap3A_2045 = vector.shape_cast %broadcast_in_dim3A_2039 : vector<16xf32> to vector<1x16xf32>
    tpu.vector_store %arg8[%swap3A_2041, %swap3A_2042], %swap3A_2045 {strides = array<i32>} : memref<128x16xf32, #tpu.memory_space<vmem>>, vector<1x16xf32>,
    %eq3A = arith.constant 0 : i32
    %eq3A_2046 = arith.cmpi eq, %arg0, %eq3A : i32
    %convert_element_type3A = arith.extui %eq3A_2046 : i1 to i32
    %cond3A = arith.constant 0 : i32
    %cond3A_2047 = arith.cmpi ne, %convert_element_type3A, %cond3A : i32
    scf.if %cond3A_2047 {
      %mul3A = arith.constant 624 : i32
      %mul3A_2053 = arith.muli %arg1, %mul3A : i32
      %add3A = arith.constant 0 : i32
      %add3A_2054 = arith.addi %mul3A_2053, %add3A : i32
      "tpu.region"() ({
        %run_scoped3A = tpu.sem_alloc : memref<!tpu.dma_semaphore, #tpu.memory_space<semaphore_mem>>
        %dma_start3A = arith.constant 0 : i32
        %dma_start3A_2081 = tpu.memref_slice %arg10[%add3A_2054, %dma_start3A] : memref<10008x16xf32, #tpu.memory_space<vmem_shared>> -> memref<128x16xf32, #tpu.memory_space<vmem_shared>>
        %dma_start3A_2082 = arith.constant 0 : i32
        %dma_start3A_2083 = tpu.memref_slice %arg10[%add3A_2054, %dma_start3A_2082] : memref<10008x16xf32, #tpu.memory_space<vmem_shared>> -> memref<128x16xf32, #tpu.memory_space<vmem_shared>>
        tpu.enqueue_dma source(%arg8 : memref<128x16xf32, #tpu.memory_space<vmem>>) target(%dma_start3A_2083 : memref<128x16xf32, #tpu.memory_space<vmem_shared>>) target_semaphore(%run_scoped3A : memref<!tpu.dma_semaphore, #tpu.memory_space<semaphore_mem>>)
        %dma_wait3A = arith.constant 0 : i32
        %dma_wait3A_2084 = tpu.memref_slice %arg10[%add3A_2054, %dma_wait3A] : memref<10008x16xf32, #tpu.memory_space<vmem_shared>> -> memref<128x16xf32, #tpu.memory_space<vmem_shared>>
        %dma_wait3A_2085 = arith.constant 0 : i32
        %dma_wait3A_2086 = tpu.memref_slice %arg10[%add3A_2054, %dma_wait3A_2085] : memref<10008x16xf32, #tpu.memory_space<vmem_shared>> -> memref<128x16xf32, #tpu.memory_space<vmem_shared>>
        tpu.wait_dma2 semaphore(%run_scoped3A : memref<!tpu.dma_semaphore, #tpu.memory_space<semaphore_mem>>) src(%arg8 : memref<128x16xf32, #tpu.memory_space<vmem>>) dst(%dma_wait3A_2086 : memref<128x16xf32, #tpu.memory_space<vmem_shared>>)
        tpu.yield
      }) : () -> ()
      %add3A_2055 = arith.constant 128 : i32
      %add3A_2056 = arith.addi %mul3A_2053, %add3A_2055 : i32
      "tpu.region"() ({
        %run_scoped3A = tpu.sem_alloc : memref<!tpu.dma_semaphore, #tpu.memory_space<semaphore_mem>>
        %dma_start3A = arith.constant 0 : i32
        %dma_start3A_2081 = tpu.memref_slice %arg10[%add3A_2056, %dma_start3A] : memref<10008x16xf32, #tpu.memory_space<vmem_shared>> -> memref<128x16xf32, #tpu.memory_space<vmem_shared>>
        %dma_start3A_2082 = arith.constant 0 : i32
        %dma_start3A_2083 = tpu.memref_slice %arg10[%add3A_2056, %dma_start3A_2082] : memref<10008x16xf32, #tpu.memory_space<vmem_shared>> -> memref<128x16xf32, #tpu.memory_space<vmem_shared>>
        tpu.enqueue_dma source(%arg8 : memref<128x16xf32, #tpu.memory_space<vmem>>) target(%dma_start3A_2083 : memref<128x16xf32, #tpu.memory_space<vmem_shared>>) target_semaphore(%run_scoped3A : memref<!tpu.dma_semaphore, #tpu.memory_space<semaphore_mem>>)
        %dma_wait3A = arith.constant 0 : i32
        %dma_wait3A_2084 = tpu.memref_slice %arg10[%add3A_2056, %dma_wait3A] : memref<10008x16xf32, #tpu.memory_space<vmem_shared>> -> memref<128x16xf32, #tpu.memory_space<vmem_shared>>
        %dma_wait3A_2085 = arith.constant 0 : i32
        %dma_wait3A_2086 = tpu.memref_slice %arg10[%add3A_2056, %dma_wait3A_2085] : memref<10008x16xf32, #tpu.memory_space<vmem_shared>> -> memref<128x16xf32, #tpu.memory_space<vmem_shared>>
        tpu.wait_dma2 semaphore(%run_scoped3A : memref<!tpu.dma_semaphore, #tpu.memory_space<semaphore_mem>>) src(%arg8 : memref<128x16xf32, #tpu.memory_space<vmem>>) dst(%dma_wait3A_2086 : memref<128x16xf32, #tpu.memory_space<vmem_shared>>)
        tpu.yield
      }) : () -> ()
      %add3A_2057 = arith.constant 256 : i32
      %add3A_2058 = arith.addi %mul3A_2053, %add3A_2057 : i32
      "tpu.region"() ({
        %run_scoped3A = tpu.sem_alloc : memref<!tpu.dma_semaphore, #tpu.memory_space<semaphore_mem>>
        %dma_start3A = arith.constant 0 : i32
        %dma_start3A_2081 = tpu.memref_slice %arg10[%add3A_2058, %dma_start3A] : memref<10008x16xf32, #tpu.memory_space<vmem_shared>> -> memref<128x16xf32, #tpu.memory_space<vmem_shared>>
        %dma_start3A_2082 = arith.constant 0 : i32
        %dma_start3A_2083 = tpu.memref_slice %arg10[%add3A_2058, %dma_start3A_2082] : memref<10008x16xf32, #tpu.memory_space<vmem_shared>> -> memref<128x16xf32, #tpu.memory_space<vmem_shared>>
        tpu.enqueue_dma source(%arg8 : memref<128x16xf32, #tpu.memory_space<vmem>>) target(%dma_start3A_2083 : memref<128x16xf32, #tpu.memory_space<vmem_shared>>) target_semaphore(%run_scoped3A : memref<!tpu.dma_semaphore, #tpu.memory_space<semaphore_mem>>)
        %dma_wait3A = arith.constant 0 : i32
        %dma_wait3A_2084 = tpu.memref_slice %arg10[%add3A_2058, %dma_wait3A] : memref<10008x16xf32, #tpu.memory_space<vmem_shared>> -> memref<128x16xf32, #tpu.memory_space<vmem_shared>>
        %dma_wait3A_2085 = arith.constant 0 : i32
        %dma_wait3A_2086 = tpu.memref_slice %arg10[%add3A_2058, %dma_wait3A_2085] : memref<10008x16xf32, #tpu.memory_space<vmem_shared>> -> memref<128x16xf32, #tpu.memory_space<vmem_shared>>
        tpu.wait_dma2 semaphore(%run_scoped3A : memref<!tpu.dma_semaphore, #tpu.memory_space<semaphore_mem>>) src(%arg8 : memref<128x16xf32, #tpu.memory_space<vmem>>) dst(%dma_wait3A_2086 : memref<128x16xf32, #tpu.memory_space<vmem_shared>>)
        tpu.yield
      }) : () -> ()
      %add3A_2059 = arith.constant 384 : i32
      %add3A_2060 = arith.addi %mul3A_2053, %add3A_2059 : i32
      "tpu.region"() ({
        %run_scoped3A = tpu.sem_alloc : memref<!tpu.dma_semaphore, #tpu.memory_space<semaphore_mem>>
        %dma_start3A = arith.constant 0 : i32
        %dma_start3A_2081 = tpu.memref_slice %arg10[%add3A_2060, %dma_start3A] : memref<10008x16xf32, #tpu.memory_space<vmem_shared>> -> memref<128x16xf32, #tpu.memory_space<vmem_shared>>
        %dma_start3A_2082 = arith.constant 0 : i32
        %dma_start3A_2083 = tpu.memref_slice %arg10[%add3A_2060, %dma_start3A_2082] : memref<10008x16xf32, #tpu.memory_space<vmem_shared>> -> memref<128x16xf32, #tpu.memory_space<vmem_shared>>
        tpu.enqueue_dma source(%arg8 : memref<128x16xf32, #tpu.memory_space<vmem>>) target(%dma_start3A_2083 : memref<128x16xf32, #tpu.memory_space<vmem_shared>>) target_semaphore(%run_scoped3A : memref<!tpu.dma_semaphore, #tpu.memory_space<semaphore_mem>>)
        %dma_wait3A = arith.constant 0 : i32
        %dma_wait3A_2084 = tpu.memref_slice %arg10[%add3A_2060, %dma_wait3A] : memref<10008x16xf32, #tpu.memory_space<vmem_shared>> -> memref<128x16xf32, #tpu.memory_space<vmem_shared>>
        %dma_wait3A_2085 = arith.constant 0 : i32
        %dma_wait3A_2086 = tpu.memref_slice %arg10[%add3A_2060, %dma_wait3A_2085] : memref<10008x16xf32, #tpu.memory_space<vmem_shared>> -> memref<128x16xf32, #tpu.memory_space<vmem_shared>>
        tpu.wait_dma2 semaphore(%run_scoped3A : memref<!tpu.dma_semaphore, #tpu.memory_space<semaphore_mem>>) src(%arg8 : memref<128x16xf32, #tpu.memory_space<vmem>>) dst(%dma_wait3A_2086 : memref<128x16xf32, #tpu.memory_space<vmem_shared>>)
        tpu.yield
      }) : () -> ()
      %add3A_2061 = arith.constant 512 : i32
      %add3A_2062 = arith.addi %mul3A_2053, %add3A_2061 : i32
      "tpu.region"() ({
        %run_scoped3A = tpu.sem_alloc : memref<!tpu.dma_semaphore, #tpu.memory_space<semaphore_mem>>
        %dma_start3A = arith.constant 0 : i32
        %dma_start3A_2081 = arith.constant 0 : i32
        %dma_start3A_2082 = tpu.memref_slice %arg8[%dma_start3A, %dma_start3A_2081] : memref<128x16xf32, #tpu.memory_space<vmem>> -> memref<112x16xf32, #tpu.memory_space<vmem>>
        %dma_start3A_2083 = arith.constant 0 : i32
        %dma_start3A_2084 = tpu.memref_slice %arg10[%add3A_2062, %dma_start3A_2083] : memref<10008x16xf32, #tpu.memory_space<vmem_shared>> -> memref<112x16xf32, #tpu.memory_space<vmem_shared>>
        %dma_start3A_2085 = arith.constant 0 : i32
        %dma_start3A_2086 = tpu.memref_slice %arg10[%add3A_2062, %dma_start3A_2085] : memref<10008x16xf32, #tpu.memory_space<vmem_shared>> -> memref<112x16xf32, #tpu.memory_space<vmem_shared>>
        %dma_start3A_2087 = arith.constant 0 : i32
        %dma_start3A_2088 = arith.constant 0 : i32
        %dma_start3A_2089 = tpu.memref_slice %arg8[%dma_start3A_2087, %dma_start3A_2088] : memref<128x16xf32, #tpu.memory_space<vmem>> -> memref<112x16xf32, #tpu.memory_space<vmem>>
        tpu.enqueue_dma source(%dma_start3A_2089 : memref<112x16xf32, #tpu.memory_space<vmem>>) target(%dma_start3A_2086 : memref<112x16xf32, #tpu.memory_space<vmem_shared>>) target_semaphore(%run_scoped3A : memref<!tpu.dma_semaphore, #tpu.memory_space<semaphore_mem>>)
        %dma_wait3A = arith.constant 0 : i32
        %dma_wait3A_2090 = arith.constant 0 : i32
        %dma_wait3A_2091 = tpu.memref_slice %arg8[%dma_wait3A, %dma_wait3A_2090] : memref<128x16xf32, #tpu.memory_space<vmem>> -> memref<112x16xf32, #tpu.memory_space<vmem>>
        %dma_wait3A_2092 = arith.constant 0 : i32
        %dma_wait3A_2093 = tpu.memref_slice %arg10[%add3A_2062, %dma_wait3A_2092] : memref<10008x16xf32, #tpu.memory_space<vmem_shared>> -> memref<112x16xf32, #tpu.memory_space<vmem_shared>>
        %dma_wait3A_2094 = arith.constant 0 : i32
        %dma_wait3A_2095 = tpu.memref_slice %arg10[%add3A_2062, %dma_wait3A_2094] : memref<10008x16xf32, #tpu.memory_space<vmem_shared>> -> memref<112x16xf32, #tpu.memory_space<vmem_shared>>
        %dma_wait3A_2096 = arith.constant 0 : i32
        %dma_wait3A_2097 = arith.constant 0 : i32
        %dma_wait3A_2098 = tpu.memref_slice %arg8[%dma_wait3A_2096, %dma_wait3A_2097] : memref<128x16xf32, #tpu.memory_space<vmem>> -> memref<112x16xf32, #tpu.memory_space<vmem>>
        tpu.wait_dma2 semaphore(%run_scoped3A : memref<!tpu.dma_semaphore, #tpu.memory_space<semaphore_mem>>) src(%dma_wait3A_2098 : memref<112x16xf32, #tpu.memory_space<vmem>>) dst(%dma_wait3A_2095 : memref<112x16xf32, #tpu.memory_space<vmem_shared>>)
        tpu.yield
      }) : () -> ()
      %eq3A_2063 = arith.constant 15 : i32
      %eq3A_2064 = arith.cmpi eq, %arg1, %eq3A_2063 : i32
      %convert_element_type3A_2065 = arith.extui %eq3A_2064 : i1 to i32
      %cond3A_2066 = arith.constant 0 : i32
      %cond3A_2067 = arith.cmpi ne, %convert_element_type3A_2065, %cond3A_2066 : i32
      scf.if %cond3A_2067 {
        "tpu.region"() ({
          %run_scoped3A = tpu.sem_alloc : memref<!tpu.dma_semaphore, #tpu.memory_space<semaphore_mem>>
          %dma_start3A = arith.constant 0 : i32
          %dma_start3A_2081 = arith.constant 0 : i32
          %dma_start3A_2082 = tpu.memref_slice %arg8[%dma_start3A, %dma_start3A_2081] : memref<128x16xf32, #tpu.memory_space<vmem>> -> memref<24x16xf32, #tpu.memory_space<vmem>>
          %dma_start3A_2083 = arith.constant 9984 : i32
          %dma_start3A_2084 = arith.constant 0 : i32
          %dma_start3A_2085 = tpu.memref_slice %arg10[%dma_start3A_2083, %dma_start3A_2084] : memref<10008x16xf32, #tpu.memory_space<vmem_shared>> -> memref<24x16xf32, #tpu.memory_space<vmem_shared>>
          %dma_start3A_2086 = arith.constant 9984 : i32
          %dma_start3A_2087 = arith.constant 0 : i32
          %dma_start3A_2088 = tpu.memref_slice %arg10[%dma_start3A_2086, %dma_start3A_2087] : memref<10008x16xf32, #tpu.memory_space<vmem_shared>> -> memref<24x16xf32, #tpu.memory_space<vmem_shared>>
          %dma_start3A_2089 = arith.constant 0 : i32
          %dma_start3A_2090 = arith.constant 0 : i32
          %dma_start3A_2091 = tpu.memref_slice %arg8[%dma_start3A_2089, %dma_start3A_2090] : memref<128x16xf32, #tpu.memory_space<vmem>> -> memref<24x16xf32, #tpu.memory_space<vmem>>
          tpu.enqueue_dma source(%dma_start3A_2091 : memref<24x16xf32, #tpu.memory_space<vmem>>) target(%dma_start3A_2088 : memref<24x16xf32, #tpu.memory_space<vmem_shared>>) target_semaphore(%run_scoped3A : memref<!tpu.dma_semaphore, #tpu.memory_space<semaphore_mem>>)
          %dma_wait3A = arith.constant 0 : i32
          %dma_wait3A_2092 = arith.constant 0 : i32
          %dma_wait3A_2093 = tpu.memref_slice %arg8[%dma_wait3A, %dma_wait3A_2092] : memref<128x16xf32, #tpu.memory_space<vmem>> -> memref<24x16xf32, #tpu.memory_space<vmem>>
          %dma_wait3A_2094 = arith.constant 9984 : i32
          %dma_wait3A_2095 = arith.constant 0 : i32
          %dma_wait3A_2096 = tpu.memref_slice %arg10[%dma_wait3A_2094, %dma_wait3A_2095] : memref<10008x16xf32, #tpu.memory_space<vmem_shared>> -> memref<24x16xf32, #tpu.memory_space<vmem_shared>>
          %dma_wait3A_2097 = arith.constant 9984 : i32
          %dma_wait3A_2098 = arith.constant 0 : i32
          %dma_wait3A_2099 = tpu.memref_slice %arg10[%dma_wait3A_2097, %dma_wait3A_2098] : memref<10008x16xf32, #tpu.memory_space<vmem_shared>> -> memref<24x16xf32, #tpu.memory_space<vmem_shared>>
          %dma_wait3A_2100 = arith.constant 0 : i32
          %dma_wait3A_2101 = arith.constant 0 : i32
          %dma_wait3A_2102 = tpu.memref_slice %arg8[%dma_wait3A_2100, %dma_wait3A_2101] : memref<128x16xf32, #tpu.memory_space<vmem>> -> memref<24x16xf32, #tpu.memory_space<vmem>>
          tpu.wait_dma2 semaphore(%run_scoped3A : memref<!tpu.dma_semaphore, #tpu.memory_space<semaphore_mem>>) src(%dma_wait3A_2102 : memref<24x16xf32, #tpu.memory_space<vmem>>) dst(%dma_wait3A_2099 : memref<24x16xf32, #tpu.memory_space<vmem_shared>>)
          tpu.yield
        }) : () -> ()
      } else {
      }
      %barrier3A = arith.constant 0 : index
      tpu.barrier barrier_id(%barrier3A)
      %scan3A = arith.constant 0 : i32
      %scan3A_2068 = arith.constant 0 : i32
      %scan3A_2069 = arith.constant 10 : i32
      %scan3A_2070 = arith.addi %scan3A_2068, %scan3A_2069 : i32
      %scan3A_2071 = arith.constant 1 : i32
      scf.for %scan3A_2081 = %scan3A_2068 to %scan3A_2070 step %scan3A_2071  : i32 {
        %mul3A_2082 = arith.constant 160 : i32
        %mul3A_2083 = arith.muli %arg1, %mul3A_2082 : i32
        %mul3A_2084 = arith.constant 16 : i32
        %mul3A_2085 = arith.muli %scan3A_2081, %mul3A_2084 : i32
        %add3A_2086 = arith.addi %mul3A_2083, %mul3A_2085 : i32
        "tpu.region"() ({
          %run_scoped3A = tpu.sem_alloc : memref<!tpu.dma_semaphore, #tpu.memory_space<semaphore_mem>>
          %dma_start3A_2405 = arith.constant 0 : i32
          %dma_start3A_2406 = tpu.memref_slice %arg2[%add3A_2086, %dma_start3A_2405] : memref<2560x128xi32, #tpu.memory_space<hbm>> -> memref<16x128xi32, #tpu.memory_space<hbm>>
          %dma_start3A_2407 = arith.constant 0 : i32
          %dma_start3A_2408 = tpu.memref_slice %arg2[%add3A_2086, %dma_start3A_2407] : memref<2560x128xi32, #tpu.memory_space<hbm>> -> memref<16x128xi32, #tpu.memory_space<hbm>>
          tpu.enqueue_dma source(%dma_start3A_2408 : memref<16x128xi32, #tpu.memory_space<hbm>>) target(%arg6 : memref<16x128xi32, #tpu.memory_space<vmem>>) target_semaphore(%run_scoped3A : memref<!tpu.dma_semaphore, #tpu.memory_space<semaphore_mem>>)
          %dma_wait3A_2409 = arith.constant 0 : i32
          %dma_wait3A_2410 = tpu.memref_slice %arg2[%add3A_2086, %dma_wait3A_2409] : memref<2560x128xi32, #tpu.memory_space<hbm>> -> memref<16x128xi32, #tpu.memory_space<hbm>>
          %dma_wait3A_2411 = arith.constant 0 : i32
          %dma_wait3A_2412 = tpu.memref_slice %arg2[%add3A_2086, %dma_wait3A_2411] : memref<2560x128xi32, #tpu.memory_space<hbm>> -> memref<16x128xi32, #tpu.memory_space<hbm>>
          tpu.wait_dma2 semaphore(%run_scoped3A : memref<!tpu.dma_semaphore, #tpu.memory_space<semaphore_mem>>) src(%dma_wait3A_2412 : memref<16x128xi32, #tpu.memory_space<hbm>>) dst(%arg6 : memref<16x128xi32, #tpu.memory_space<vmem>>)
          tpu.yield
        }) : () -> ()
        %dma_start3A = arith.constant 0 : i32
        %dma_start3A_2087 = arith.constant 0 : i32
        %dma_start3A_2088 = arith.constant 0 : i32
        %dma_start3A_2089 = tpu.memref_slice %arg6[%dma_start3A, %dma_start3A_2088] : memref<16x128xi32, #tpu.memory_space<vmem>> -> memref<1x128xi32, #tpu.memory_space<vmem>>
        %dma_start3A_2090 = tpu.memref_squeeze %dma_start3A_2089 : memref<1x128xi32, #tpu.memory_space<vmem>> -> memref<128xi32, #tpu.memory_space<vmem>>
        %dma_start3A_2091 = arith.constant 0 : i32
        %dma_start3A_2092 = arith.constant 0 : i32
        %dma_start3A_2093 = tpu.memref_slice %arg10[%dma_start3A_2091, %dma_start3A_2092] : memref<10008x16xf32, #tpu.memory_space<vmem_shared>> -> memref<10008x16xf32, #tpu.memory_space<vmem_shared>>
        %dma_start3A_2094 = tpu.memref_slice %arg9[%dma_start3A_2087] : memref<4x!tpu.dma_semaphore, #tpu.memory_space<semaphore_mem>> -> memref<1x!tpu.dma_semaphore, #tpu.memory_space<semaphore_mem>>
        %dma_start3A_2095 = tpu.memref_squeeze %dma_start3A_2094 : memref<1x!tpu.dma_semaphore, #tpu.memory_space<semaphore_mem>> -> memref<!tpu.dma_semaphore, #tpu.memory_space<semaphore_mem>>
        tpu.enqueue_indirect_dma source(%arg7 : memref<128x16xf32, #tpu.memory_space<vmem>>) target(%dma_start3A_2093 : memref<10008x16xf32, #tpu.memory_space<vmem_shared>>) offsets(%dma_start3A_2090 : memref<128xi32, #tpu.memory_space<vmem>>) semaphore(%dma_start3A_2095 : memref<!tpu.dma_semaphore, #tpu.memory_space<semaphore_mem>>) {add = true}
        %dma_start3A_2096 = arith.constant 1 : i32
        %dma_start3A_2097 = arith.constant 1 : i32
        %dma_start3A_2098 = arith.constant 0 : i32
        %dma_start3A_2099 = tpu.memref_slice %arg6[%dma_start3A_2096, %dma_start3A_2098] : memref<16x128xi32, #tpu.memory_space<vmem>> -> memref<1x128xi32, #tpu.memory_space<vmem>>
        %dma_start3A_2100 = tpu.memref_squeeze %dma_start3A_2099 : memref<1x128xi32, #tpu.memory_space<vmem>> -> memref<128xi32, #tpu.memory_space<vmem>>
        %dma_start3A_2101 = arith.constant 0 : i32
        %dma_start3A_2102 = arith.constant 0 : i32
        %dma_start3A_2103 = tpu.memref_slice %arg10[%dma_start3A_2101, %dma_start3A_2102] : memref<10008x16xf32, #tpu.memory_space<vmem_shared>> -> memref<10008x16xf32, #tpu.memory_space<vmem_shared>>
        %dma_start3A_2104 = tpu.memref_slice %arg9[%dma_start3A_2097] : memref<4x!tpu.dma_semaphore, #tpu.memory_space<semaphore_mem>> -> memref<1x!tpu.dma_semaphore, #tpu.memory_space<semaphore_mem>>
        %dma_start3A_2105 = tpu.memref_squeeze %dma_start3A_2104 : memref<1x!tpu.dma_semaphore, #tpu.memory_space<semaphore_mem>> -> memref<!tpu.dma_semaphore, #tpu.memory_space<semaphore_mem>>
        tpu.enqueue_indirect_dma source(%arg7 : memref<128x16xf32, #tpu.memory_space<vmem>>) target(%dma_start3A_2103 : memref<10008x16xf32, #tpu.memory_space<vmem_shared>>) offsets(%dma_start3A_2100 : memref<128xi32, #tpu.memory_space<vmem>>) semaphore(%dma_start3A_2105 : memref<!tpu.dma_semaphore, #tpu.memory_space<semaphore_mem>>) {add = true}
        %dma_start3A_2106 = arith.constant 2 : i32
        %dma_start3A_2107 = arith.constant 2 : i32
        %dma_start3A_2108 = arith.constant 0 : i32
        %dma_start3A_2109 = tpu.memref_slice %arg6[%dma_start3A_2106, %dma_start3A_2108] : memref<16x128xi32, #tpu.memory_space<vmem>> -> memref<1x128xi32, #tpu.memory_space<vmem>>
        %dma_start3A_2110 = tpu.memref_squeeze %dma_start3A_2109 : memref<1x128xi32, #tpu.memory_space<vmem>> -> memref<128xi32, #tpu.memory_space<vmem>>
        %dma_start3A_2111 = arith.constant 0 : i32
        %dma_start3A_2112 = arith.constant 0 : i32
        %dma_start3A_2113 = tpu.memref_slice %arg10[%dma_start3A_2111, %dma_start3A_2112] : memref<10008x16xf32, #tpu.memory_space<vmem_shared>> -> memref<10008x16xf32, #tpu.memory_space<vmem_shared>>
        %dma_start3A_2114 = tpu.memref_slice %arg9[%dma_start3A_2107] : memref<4x!tpu.dma_semaphore, #tpu.memory_space<semaphore_mem>> -> memref<1x!tpu.dma_semaphore, #tpu.memory_space<semaphore_mem>>
        %dma_start3A_2115 = tpu.memref_squeeze %dma_start3A_2114 : memref<1x!tpu.dma_semaphore, #tpu.memory_space<semaphore_mem>> -> memref<!tpu.dma_semaphore, #tpu.memory_space<semaphore_mem>>
        tpu.enqueue_indirect_dma source(%arg7 : memref<128x16xf32, #tpu.memory_space<vmem>>) target(%dma_start3A_2113 : memref<10008x16xf32, #tpu.memory_space<vmem_shared>>) offsets(%dma_start3A_2110 : memref<128xi32, #tpu.memory_space<vmem>>) semaphore(%dma_start3A_2115 : memref<!tpu.dma_semaphore, #tpu.memory_space<semaphore_mem>>) {add = true}
        %dma_start3A_2116 = arith.constant 3 : i32
        %dma_start3A_2117 = arith.constant 3 : i32
        %dma_start3A_2118 = arith.constant 0 : i32
        %dma_start3A_2119 = tpu.memref_slice %arg6[%dma_start3A_2116, %dma_start3A_2118] : memref<16x128xi32, #tpu.memory_space<vmem>> -> memref<1x128xi32, #tpu.memory_space<vmem>>
        %dma_start3A_2120 = tpu.memref_squeeze %dma_start3A_2119 : memref<1x128xi32, #tpu.memory_space<vmem>> -> memref<128xi32, #tpu.memory_space<vmem>>
        %dma_start3A_2121 = arith.constant 0 : i32
        %dma_start3A_2122 = arith.constant 0 : i32
        %dma_start3A_2123 = tpu.memref_slice %arg10[%dma_start3A_2121, %dma_start3A_2122] : memref<10008x16xf32, #tpu.memory_space<vmem_shared>> -> memref<10008x16xf32, #tpu.memory_space<vmem_shared>>
        %dma_start3A_2124 = tpu.memref_slice %arg9[%dma_start3A_2117] : memref<4x!tpu.dma_semaphore, #tpu.memory_space<semaphore_mem>> -> memref<1x!tpu.dma_semaphore, #tpu.memory_space<semaphore_mem>>
        %dma_start3A_2125 = tpu.memref_squeeze %dma_start3A_2124 : memref<1x!tpu.dma_semaphore, #tpu.memory_space<semaphore_mem>> -> memref<!tpu.dma_semaphore, #tpu.memory_space<semaphore_mem>>
        tpu.enqueue_indirect_dma source(%arg7 : memref<128x16xf32, #tpu.memory_space<vmem>>) target(%dma_start3A_2123 : memref<10008x16xf32, #tpu.memory_space<vmem_shared>>) offsets(%dma_start3A_2120 : memref<128xi32, #tpu.memory_space<vmem>>) semaphore(%dma_start3A_2125 : memref<!tpu.dma_semaphore, #tpu.memory_space<semaphore_mem>>) {add = true}
        %dma_wait3A = arith.constant 0 : i32
        %dma_wait3A_2126 = arith.constant 0 : i32
        %dma_wait3A_2127 = arith.constant 0 : i32
        %dma_wait3A_2128 = tpu.memref_slice %arg6[%dma_wait3A, %dma_wait3A_2127] : memref<16x128xi32, #tpu.memory_space<vmem>> -> memref<1x128xi32, #tpu.memory_space<vmem>>
        %dma_wait3A_2129 = tpu.memref_squeeze %dma_wait3A_2128 : memref<1x128xi32, #tpu.memory_space<vmem>> -> memref<128xi32, #tpu.memory_space<vmem>>
        %dma_wait3A_2130 = arith.constant 0 : i32
        %dma_wait3A_2131 = arith.constant 0 : i32
        %dma_wait3A_2132 = tpu.memref_slice %arg10[%dma_wait3A_2130, %dma_wait3A_2131] : memref<10008x16xf32, #tpu.memory_space<vmem_shared>> -> memref<10008x16xf32, #tpu.memory_space<vmem_shared>>
        %dma_wait3A_2133 = tpu.memref_slice %arg9[%dma_wait3A_2126] : memref<4x!tpu.dma_semaphore, #tpu.memory_space<semaphore_mem>> -> memref<1x!tpu.dma_semaphore, #tpu.memory_space<semaphore_mem>>
        %dma_wait3A_2134 = tpu.memref_squeeze %dma_wait3A_2133 : memref<1x!tpu.dma_semaphore, #tpu.memory_space<semaphore_mem>> -> memref<!tpu.dma_semaphore, #tpu.memory_space<semaphore_mem>>
        tpu.wait_indirect_dma semaphore(%dma_wait3A_2134 : memref<!tpu.dma_semaphore, #tpu.memory_space<semaphore_mem>>) src(%arg7 : memref<128x16xf32, #tpu.memory_space<vmem>>) dst(%dma_wait3A_2132 : memref<10008x16xf32, #tpu.memory_space<vmem_shared>>)
        %dma_start3A_2135 = arith.constant 4 : i32
        %dma_start3A_2136 = arith.constant 0 : i32
        %dma_start3A_2137 = arith.constant 0 : i32
        %dma_start3A_2138 = tpu.memref_slice %arg6[%dma_start3A_2135, %dma_start3A_2137] : memref<16x128xi32, #tpu.memory_space<vmem>> -> memref<1x128xi32, #tpu.memory_space<vmem>>
        %dma_start3A_2139 = tpu.memref_squeeze %dma_start3A_2138 : memref<1x128xi32, #tpu.memory_space<vmem>> -> memref<128xi32, #tpu.memory_space<vmem>>
        %dma_start3A_2140 = arith.constant 0 : i32
        %dma_start3A_2141 = arith.constant 0 : i32
        %dma_start3A_2142 = tpu.memref_slice %arg10[%dma_start3A_2140, %dma_start3A_2141] : memref<10008x16xf32, #tpu.memory_space<vmem_shared>> -> memref<10008x16xf32, #tpu.memory_space<vmem_shared>>
        %dma_start3A_2143 = tpu.memref_slice %arg9[%dma_start3A_2136] : memref<4x!tpu.dma_semaphore, #tpu.memory_space<semaphore_mem>> -> memref<1x!tpu.dma_semaphore, #tpu.memory_space<semaphore_mem>>
        %dma_start3A_2144 = tpu.memref_squeeze %dma_start3A_2143 : memref<1x!tpu.dma_semaphore, #tpu.memory_space<semaphore_mem>> -> memref<!tpu.dma_semaphore, #tpu.memory_space<semaphore_mem>>
        tpu.enqueue_indirect_dma source(%arg7 : memref<128x16xf32, #tpu.memory_space<vmem>>) target(%dma_start3A_2142 : memref<10008x16xf32, #tpu.memory_space<vmem_shared>>) offsets(%dma_start3A_2139 : memref<128xi32, #tpu.memory_space<vmem>>) semaphore(%dma_start3A_2144 : memref<!tpu.dma_semaphore, #tpu.memory_space<semaphore_mem>>) {add = true}
        %dma_wait3A_2145 = arith.constant 1 : i32
        %dma_wait3A_2146 = arith.constant 1 : i32
        %dma_wait3A_2147 = arith.constant 0 : i32
        %dma_wait3A_2148 = tpu.memref_slice %arg6[%dma_wait3A_2145, %dma_wait3A_2147] : memref<16x128xi32, #tpu.memory_space<vmem>> -> memref<1x128xi32, #tpu.memory_space<vmem>>
        %dma_wait3A_2149 = tpu.memref_squeeze %dma_wait3A_2148 : memref<1x128xi32, #tpu.memory_space<vmem>> -> memref<128xi32, #tpu.memory_space<vmem>>
        %dma_wait3A_2150 = arith.constant 0 : i32
        %dma_wait3A_2151 = arith.constant 0 : i32
        %dma_wait3A_2152 = tpu.memref_slice %arg10[%dma_wait3A_2150, %dma_wait3A_2151] : memref<10008x16xf32, #tpu.memory_space<vmem_shared>> -> memref<10008x16xf32, #tpu.memory_space<vmem_shared>>
        %dma_wait3A_2153 = tpu.memref_slice %arg9[%dma_wait3A_2146] : memref<4x!tpu.dma_semaphore, #tpu.memory_space<semaphore_mem>> -> memref<1x!tpu.dma_semaphore, #tpu.memory_space<semaphore_mem>>
        %dma_wait3A_2154 = tpu.memref_squeeze %dma_wait3A_2153 : memref<1x!tpu.dma_semaphore, #tpu.memory_space<semaphore_mem>> -> memref<!tpu.dma_semaphore, #tpu.memory_space<semaphore_mem>>
        tpu.wait_indirect_dma semaphore(%dma_wait3A_2154 : memref<!tpu.dma_semaphore, #tpu.memory_space<semaphore_mem>>) src(%arg7 : memref<128x16xf32, #tpu.memory_space<vmem>>) dst(%dma_wait3A_2152 : memref<10008x16xf32, #tpu.memory_space<vmem_shared>>)
        %dma_start3A_2155 = arith.constant 5 : i32
        %dma_start3A_2156 = arith.constant 1 : i32
        %dma_start3A_2157 = arith.constant 0 : i32
        %dma_start3A_2158 = tpu.memref_slice %arg6[%dma_start3A_2155, %dma_start3A_2157] : memref<16x128xi32, #tpu.memory_space<vmem>> -> memref<1x128xi32, #tpu.memory_space<vmem>>
        %dma_start3A_2159 = tpu.memref_squeeze %dma_start3A_2158 : memref<1x128xi32, #tpu.memory_space<vmem>> -> memref<128xi32, #tpu.memory_space<vmem>>
        %dma_start3A_2160 = arith.constant 0 : i32
        %dma_start3A_2161 = arith.constant 0 : i32
        %dma_start3A_2162 = tpu.memref_slice %arg10[%dma_start3A_2160, %dma_start3A_2161] : memref<10008x16xf32, #tpu.memory_space<vmem_shared>> -> memref<10008x16xf32, #tpu.memory_space<vmem_shared>>
        %dma_start3A_2163 = tpu.memref_slice %arg9[%dma_start3A_2156] : memref<4x!tpu.dma_semaphore, #tpu.memory_space<semaphore_mem>> -> memref<1x!tpu.dma_semaphore, #tpu.memory_space<semaphore_mem>>
        %dma_start3A_2164 = tpu.memref_squeeze %dma_start3A_2163 : memref<1x!tpu.dma_semaphore, #tpu.memory_space<semaphore_mem>> -> memref<!tpu.dma_semaphore, #tpu.memory_space<semaphore_mem>>
        tpu.enqueue_indirect_dma source(%arg7 : memref<128x16xf32, #tpu.memory_space<vmem>>) target(%dma_start3A_2162 : memref<10008x16xf32, #tpu.memory_space<vmem_shared>>) offsets(%dma_start3A_2159 : memref<128xi32, #tpu.memory_space<vmem>>) semaphore(%dma_start3A_2164 : memref<!tpu.dma_semaphore, #tpu.memory_space<semaphore_mem>>) {add = true}
        %dma_wait3A_2165 = arith.constant 2 : i32
        %dma_wait3A_2166 = arith.constant 2 : i32
        %dma_wait3A_2167 = arith.constant 0 : i32
        %dma_wait3A_2168 = tpu.memref_slice %arg6[%dma_wait3A_2165, %dma_wait3A_2167] : memref<16x128xi32, #tpu.memory_space<vmem>> -> memref<1x128xi32, #tpu.memory_space<vmem>>
        %dma_wait3A_2169 = tpu.memref_squeeze %dma_wait3A_2168 : memref<1x128xi32, #tpu.memory_space<vmem>> -> memref<128xi32, #tpu.memory_space<vmem>>
        %dma_wait3A_2170 = arith.constant 0 : i32
        %dma_wait3A_2171 = arith.constant 0 : i32
        %dma_wait3A_2172 = tpu.memref_slice %arg10[%dma_wait3A_2170, %dma_wait3A_2171] : memref<10008x16xf32, #tpu.memory_space<vmem_shared>> -> memref<10008x16xf32, #tpu.memory_space<vmem_shared>>
        %dma_wait3A_2173 = tpu.memref_slice %arg9[%dma_wait3A_2166] : memref<4x!tpu.dma_semaphore, #tpu.memory_space<semaphore_mem>> -> memref<1x!tpu.dma_semaphore, #tpu.memory_space<semaphore_mem>>
        %dma_wait3A_2174 = tpu.memref_squeeze %dma_wait3A_2173 : memref<1x!tpu.dma_semaphore, #tpu.memory_space<semaphore_mem>> -> memref<!tpu.dma_semaphore, #tpu.memory_space<semaphore_mem>>
        tpu.wait_indirect_dma semaphore(%dma_wait3A_2174 : memref<!tpu.dma_semaphore, #tpu.memory_space<semaphore_mem>>) src(%arg7 : memref<128x16xf32, #tpu.memory_space<vmem>>) dst(%dma_wait3A_2172 : memref<10008x16xf32, #tpu.memory_space<vmem_shared>>)
        %dma_start3A_2175 = arith.constant 6 : i32
        %dma_start3A_2176 = arith.constant 2 : i32
        %dma_start3A_2177 = arith.constant 0 : i32
        %dma_start3A_2178 = tpu.memref_slice %arg6[%dma_start3A_2175, %dma_start3A_2177] : memref<16x128xi32, #tpu.memory_space<vmem>> -> memref<1x128xi32, #tpu.memory_space<vmem>>
        %dma_start3A_2179 = tpu.memref_squeeze %dma_start3A_2178 : memref<1x128xi32, #tpu.memory_space<vmem>> -> memref<128xi32, #tpu.memory_space<vmem>>
        %dma_start3A_2180 = arith.constant 0 : i32
        %dma_start3A_2181 = arith.constant 0 : i32
        %dma_start3A_2182 = tpu.memref_slice %arg10[%dma_start3A_2180, %dma_start3A_2181] : memref<10008x16xf32, #tpu.memory_space<vmem_shared>> -> memref<10008x16xf32, #tpu.memory_space<vmem_shared>>
        %dma_start3A_2183 = tpu.memref_slice %arg9[%dma_start3A_2176] : memref<4x!tpu.dma_semaphore, #tpu.memory_space<semaphore_mem>> -> memref<1x!tpu.dma_semaphore, #tpu.memory_space<semaphore_mem>>
        %dma_start3A_2184 = tpu.memref_squeeze %dma_start3A_2183 : memref<1x!tpu.dma_semaphore, #tpu.memory_space<semaphore_mem>> -> memref<!tpu.dma_semaphore, #tpu.memory_space<semaphore_mem>>
        tpu.enqueue_indirect_dma source(%arg7 : memref<128x16xf32, #tpu.memory_space<vmem>>) target(%dma_start3A_2182 : memref<10008x16xf32, #tpu.memory_space<vmem_shared>>) offsets(%dma_start3A_2179 : memref<128xi32, #tpu.memory_space<vmem>>) semaphore(%dma_start3A_2184 : memref<!tpu.dma_semaphore, #tpu.memory_space<semaphore_mem>>) {add = true}
        %dma_wait3A_2185 = arith.constant 3 : i32
        %dma_wait3A_2186 = arith.constant 3 : i32
        %dma_wait3A_2187 = arith.constant 0 : i32
        %dma_wait3A_2188 = tpu.memref_slice %arg6[%dma_wait3A_2185, %dma_wait3A_2187] : memref<16x128xi32, #tpu.memory_space<vmem>> -> memref<1x128xi32, #tpu.memory_space<vmem>>
        %dma_wait3A_2189 = tpu.memref_squeeze %dma_wait3A_2188 : memref<1x128xi32, #tpu.memory_space<vmem>> -> memref<128xi32, #tpu.memory_space<vmem>>
        %dma_wait3A_2190 = arith.constant 0 : i32
        %dma_wait3A_2191 = arith.constant 0 : i32
        %dma_wait3A_2192 = tpu.memref_slice %arg10[%dma_wait3A_2190, %dma_wait3A_2191] : memref<10008x16xf32, #tpu.memory_space<vmem_shared>> -> memref<10008x16xf32, #tpu.memory_space<vmem_shared>>
        %dma_wait3A_2193 = tpu.memref_slice %arg9[%dma_wait3A_2186] : memref<4x!tpu.dma_semaphore, #tpu.memory_space<semaphore_mem>> -> memref<1x!tpu.dma_semaphore, #tpu.memory_space<semaphore_mem>>
        %dma_wait3A_2194 = tpu.memref_squeeze %dma_wait3A_2193 : memref<1x!tpu.dma_semaphore, #tpu.memory_space<semaphore_mem>> -> memref<!tpu.dma_semaphore, #tpu.memory_space<semaphore_mem>>
        tpu.wait_indirect_dma semaphore(%dma_wait3A_2194 : memref<!tpu.dma_semaphore, #tpu.memory_space<semaphore_mem>>) src(%arg7 : memref<128x16xf32, #tpu.memory_space<vmem>>) dst(%dma_wait3A_2192 : memref<10008x16xf32, #tpu.memory_space<vmem_shared>>)
        %dma_start3A_2195 = arith.constant 7 : i32
        %dma_start3A_2196 = arith.constant 3 : i32
        %dma_start3A_2197 = arith.constant 0 : i32
        %dma_start3A_2198 = tpu.memref_slice %arg6[%dma_start3A_2195, %dma_start3A_2197] : memref<16x128xi32, #tpu.memory_space<vmem>> -> memref<1x128xi32, #tpu.memory_space<vmem>>
        %dma_start3A_2199 = tpu.memref_squeeze %dma_start3A_2198 : memref<1x128xi32, #tpu.memory_space<vmem>> -> memref<128xi32, #tpu.memory_space<vmem>>
        %dma_start3A_2200 = arith.constant 0 : i32
        %dma_start3A_2201 = arith.constant 0 : i32
        %dma_start3A_2202 = tpu.memref_slice %arg10[%dma_start3A_2200, %dma_start3A_2201] : memref<10008x16xf32, #tpu.memory_space<vmem_shared>> -> memref<10008x16xf32, #tpu.memory_space<vmem_shared>>
        %dma_start3A_2203 = tpu.memref_slice %arg9[%dma_start3A_2196] : memref<4x!tpu.dma_semaphore, #tpu.memory_space<semaphore_mem>> -> memref<1x!tpu.dma_semaphore, #tpu.memory_space<semaphore_mem>>
        %dma_start3A_2204 = tpu.memref_squeeze %dma_start3A_2203 : memref<1x!tpu.dma_semaphore, #tpu.memory_space<semaphore_mem>> -> memref<!tpu.dma_semaphore, #tpu.memory_space<semaphore_mem>>
        tpu.enqueue_indirect_dma source(%arg7 : memref<128x16xf32, #tpu.memory_space<vmem>>) target(%dma_start3A_2202 : memref<10008x16xf32, #tpu.memory_space<vmem_shared>>) offsets(%dma_start3A_2199 : memref<128xi32, #tpu.memory_space<vmem>>) semaphore(%dma_start3A_2204 : memref<!tpu.dma_semaphore, #tpu.memory_space<semaphore_mem>>) {add = true}
        %dma_wait3A_2205 = arith.constant 0 : i32
        %dma_wait3A_2206 = arith.constant 0 : i32
        %dma_wait3A_2207 = arith.constant 0 : i32
        %dma_wait3A_2208 = tpu.memref_slice %arg6[%dma_wait3A_2205, %dma_wait3A_2207] : memref<16x128xi32, #tpu.memory_space<vmem>> -> memref<1x128xi32, #tpu.memory_space<vmem>>
        %dma_wait3A_2209 = tpu.memref_squeeze %dma_wait3A_2208 : memref<1x128xi32, #tpu.memory_space<vmem>> -> memref<128xi32, #tpu.memory_space<vmem>>
        %dma_wait3A_2210 = arith.constant 0 : i32
        %dma_wait3A_2211 = arith.constant 0 : i32
        %dma_wait3A_2212 = tpu.memref_slice %arg10[%dma_wait3A_2210, %dma_wait3A_2211] : memref<10008x16xf32, #tpu.memory_space<vmem_shared>> -> memref<10008x16xf32, #tpu.memory_space<vmem_shared>>
        %dma_wait3A_2213 = tpu.memref_slice %arg9[%dma_wait3A_2206] : memref<4x!tpu.dma_semaphore, #tpu.memory_space<semaphore_mem>> -> memref<1x!tpu.dma_semaphore, #tpu.memory_space<semaphore_mem>>
        %dma_wait3A_2214 = tpu.memref_squeeze %dma_wait3A_2213 : memref<1x!tpu.dma_semaphore, #tpu.memory_space<semaphore_mem>> -> memref<!tpu.dma_semaphore, #tpu.memory_space<semaphore_mem>>
        tpu.wait_indirect_dma semaphore(%dma_wait3A_2214 : memref<!tpu.dma_semaphore, #tpu.memory_space<semaphore_mem>>) src(%arg7 : memref<128x16xf32, #tpu.memory_space<vmem>>) dst(%dma_wait3A_2212 : memref<10008x16xf32, #tpu.memory_space<vmem_shared>>)
        %dma_start3A_2215 = arith.constant 8 : i32
        %dma_start3A_2216 = arith.constant 0 : i32
        %dma_start3A_2217 = arith.constant 0 : i32
        %dma_start3A_2218 = tpu.memref_slice %arg6[%dma_start3A_2215, %dma_start3A_2217] : memref<16x128xi32, #tpu.memory_space<vmem>> -> memref<1x128xi32, #tpu.memory_space<vmem>>
        %dma_start3A_2219 = tpu.memref_squeeze %dma_start3A_2218 : memref<1x128xi32, #tpu.memory_space<vmem>> -> memref<128xi32, #tpu.memory_space<vmem>>
        %dma_start3A_2220 = arith.constant 0 : i32
        %dma_start3A_2221 = arith.constant 0 : i32
        %dma_start3A_2222 = tpu.memref_slice %arg10[%dma_start3A_2220, %dma_start3A_2221] : memref<10008x16xf32, #tpu.memory_space<vmem_shared>> -> memref<10008x16xf32, #tpu.memory_space<vmem_shared>>
        %dma_start3A_2223 = tpu.memref_slice %arg9[%dma_start3A_2216] : memref<4x!tpu.dma_semaphore, #tpu.memory_space<semaphore_mem>> -> memref<1x!tpu.dma_semaphore, #tpu.memory_space<semaphore_mem>>
        %dma_start3A_2224 = tpu.memref_squeeze %dma_start3A_2223 : memref<1x!tpu.dma_semaphore, #tpu.memory_space<semaphore_mem>> -> memref<!tpu.dma_semaphore, #tpu.memory_space<semaphore_mem>>
        tpu.enqueue_indirect_dma source(%arg7 : memref<128x16xf32, #tpu.memory_space<vmem>>) target(%dma_start3A_2222 : memref<10008x16xf32, #tpu.memory_space<vmem_shared>>) offsets(%dma_start3A_2219 : memref<128xi32, #tpu.memory_space<vmem>>) semaphore(%dma_start3A_2224 : memref<!tpu.dma_semaphore, #tpu.memory_space<semaphore_mem>>) {add = true}
        %dma_wait3A_2225 = arith.constant 1 : i32
        %dma_wait3A_2226 = arith.constant 1 : i32
        %dma_wait3A_2227 = arith.constant 0 : i32
        %dma_wait3A_2228 = tpu.memref_slice %arg6[%dma_wait3A_2225, %dma_wait3A_2227] : memref<16x128xi32, #tpu.memory_space<vmem>> -> memref<1x128xi32, #tpu.memory_space<vmem>>
        %dma_wait3A_2229 = tpu.memref_squeeze %dma_wait3A_2228 : memref<1x128xi32, #tpu.memory_space<vmem>> -> memref<128xi32, #tpu.memory_space<vmem>>
        %dma_wait3A_2230 = arith.constant 0 : i32
        %dma_wait3A_2231 = arith.constant 0 : i32
        %dma_wait3A_2232 = tpu.memref_slice %arg10[%dma_wait3A_2230, %dma_wait3A_2231] : memref<10008x16xf32, #tpu.memory_space<vmem_shared>> -> memref<10008x16xf32, #tpu.memory_space<vmem_shared>>
        %dma_wait3A_2233 = tpu.memref_slice %arg9[%dma_wait3A_2226] : memref<4x!tpu.dma_semaphore, #tpu.memory_space<semaphore_mem>> -> memref<1x!tpu.dma_semaphore, #tpu.memory_space<semaphore_mem>>
        %dma_wait3A_2234 = tpu.memref_squeeze %dma_wait3A_2233 : memref<1x!tpu.dma_semaphore, #tpu.memory_space<semaphore_mem>> -> memref<!tpu.dma_semaphore, #tpu.memory_space<semaphore_mem>>
        tpu.wait_indirect_dma semaphore(%dma_wait3A_2234 : memref<!tpu.dma_semaphore, #tpu.memory_space<semaphore_mem>>) src(%arg7 : memref<128x16xf32, #tpu.memory_space<vmem>>) dst(%dma_wait3A_2232 : memref<10008x16xf32, #tpu.memory_space<vmem_shared>>)
        %dma_start3A_2235 = arith.constant 9 : i32
        %dma_start3A_2236 = arith.constant 1 : i32
        %dma_start3A_2237 = arith.constant 0 : i32
        %dma_start3A_2238 = tpu.memref_slice %arg6[%dma_start3A_2235, %dma_start3A_2237] : memref<16x128xi32, #tpu.memory_space<vmem>> -> memref<1x128xi32, #tpu.memory_space<vmem>>
        %dma_start3A_2239 = tpu.memref_squeeze %dma_start3A_2238 : memref<1x128xi32, #tpu.memory_space<vmem>> -> memref<128xi32, #tpu.memory_space<vmem>>
        %dma_start3A_2240 = arith.constant 0 : i32
        %dma_start3A_2241 = arith.constant 0 : i32
        %dma_start3A_2242 = tpu.memref_slice %arg10[%dma_start3A_2240, %dma_start3A_2241] : memref<10008x16xf32, #tpu.memory_space<vmem_shared>> -> memref<10008x16xf32, #tpu.memory_space<vmem_shared>>
        %dma_start3A_2243 = tpu.memref_slice %arg9[%dma_start3A_2236] : memref<4x!tpu.dma_semaphore, #tpu.memory_space<semaphore_mem>> -> memref<1x!tpu.dma_semaphore, #tpu.memory_space<semaphore_mem>>
        %dma_start3A_2244 = tpu.memref_squeeze %dma_start3A_2243 : memref<1x!tpu.dma_semaphore, #tpu.memory_space<semaphore_mem>> -> memref<!tpu.dma_semaphore, #tpu.memory_space<semaphore_mem>>
        tpu.enqueue_indirect_dma source(%arg7 : memref<128x16xf32, #tpu.memory_space<vmem>>) target(%dma_start3A_2242 : memref<10008x16xf32, #tpu.memory_space<vmem_shared>>) offsets(%dma_start3A_2239 : memref<128xi32, #tpu.memory_space<vmem>>) semaphore(%dma_start3A_2244 : memref<!tpu.dma_semaphore, #tpu.memory_space<semaphore_mem>>) {add = true}
        %dma_wait3A_2245 = arith.constant 2 : i32
        %dma_wait3A_2246 = arith.constant 2 : i32
        %dma_wait3A_2247 = arith.constant 0 : i32
        %dma_wait3A_2248 = tpu.memref_slice %arg6[%dma_wait3A_2245, %dma_wait3A_2247] : memref<16x128xi32, #tpu.memory_space<vmem>> -> memref<1x128xi32, #tpu.memory_space<vmem>>
        %dma_wait3A_2249 = tpu.memref_squeeze %dma_wait3A_2248 : memref<1x128xi32, #tpu.memory_space<vmem>> -> memref<128xi32, #tpu.memory_space<vmem>>
        %dma_wait3A_2250 = arith.constant 0 : i32
        %dma_wait3A_2251 = arith.constant 0 : i32
        %dma_wait3A_2252 = tpu.memref_slice %arg10[%dma_wait3A_2250, %dma_wait3A_2251] : memref<10008x16xf32, #tpu.memory_space<vmem_shared>> -> memref<10008x16xf32, #tpu.memory_space<vmem_shared>>
        %dma_wait3A_2253 = tpu.memref_slice %arg9[%dma_wait3A_2246] : memref<4x!tpu.dma_semaphore, #tpu.memory_space<semaphore_mem>> -> memref<1x!tpu.dma_semaphore, #tpu.memory_space<semaphore_mem>>
        %dma_wait3A_2254 = tpu.memref_squeeze %dma_wait3A_2253 : memref<1x!tpu.dma_semaphore, #tpu.memory_space<semaphore_mem>> -> memref<!tpu.dma_semaphore, #tpu.memory_space<semaphore_mem>>
        tpu.wait_indirect_dma semaphore(%dma_wait3A_2254 : memref<!tpu.dma_semaphore, #tpu.memory_space<semaphore_mem>>) src(%arg7 : memref<128x16xf32, #tpu.memory_space<vmem>>) dst(%dma_wait3A_2252 : memref<10008x16xf32, #tpu.memory_space<vmem_shared>>)
        %dma_start3A_2255 = arith.constant 10 : i32
        %dma_start3A_2256 = arith.constant 2 : i32
        %dma_start3A_2257 = arith.constant 0 : i32
        %dma_start3A_2258 = tpu.memref_slice %arg6[%dma_start3A_2255, %dma_start3A_2257] : memref<16x128xi32, #tpu.memory_space<vmem>> -> memref<1x128xi32, #tpu.memory_space<vmem>>
        %dma_start3A_2259 = tpu.memref_squeeze %dma_start3A_2258 : memref<1x128xi32, #tpu.memory_space<vmem>> -> memref<128xi32, #tpu.memory_space<vmem>>
        %dma_start3A_2260 = arith.constant 0 : i32
        %dma_start3A_2261 = arith.constant 0 : i32
        %dma_start3A_2262 = tpu.memref_slice %arg10[%dma_start3A_2260, %dma_start3A_2261] : memref<10008x16xf32, #tpu.memory_space<vmem_shared>> -> memref<10008x16xf32, #tpu.memory_space<vmem_shared>>
        %dma_start3A_2263 = tpu.memref_slice %arg9[%dma_start3A_2256] : memref<4x!tpu.dma_semaphore, #tpu.memory_space<semaphore_mem>> -> memref<1x!tpu.dma_semaphore, #tpu.memory_space<semaphore_mem>>
        %dma_start3A_2264 = tpu.memref_squeeze %dma_start3A_2263 : memref<1x!tpu.dma_semaphore, #tpu.memory_space<semaphore_mem>> -> memref<!tpu.dma_semaphore, #tpu.memory_space<semaphore_mem>>
        tpu.enqueue_indirect_dma source(%arg7 : memref<128x16xf32, #tpu.memory_space<vmem>>) target(%dma_start3A_2262 : memref<10008x16xf32, #tpu.memory_space<vmem_shared>>) offsets(%dma_start3A_2259 : memref<128xi32, #tpu.memory_space<vmem>>) semaphore(%dma_start3A_2264 : memref<!tpu.dma_semaphore, #tpu.memory_space<semaphore_mem>>) {add = true}
        %dma_wait3A_2265 = arith.constant 3 : i32
        %dma_wait3A_2266 = arith.constant 3 : i32
        %dma_wait3A_2267 = arith.constant 0 : i32
        %dma_wait3A_2268 = tpu.memref_slice %arg6[%dma_wait3A_2265, %dma_wait3A_2267] : memref<16x128xi32, #tpu.memory_space<vmem>> -> memref<1x128xi32, #tpu.memory_space<vmem>>
        %dma_wait3A_2269 = tpu.memref_squeeze %dma_wait3A_2268 : memref<1x128xi32, #tpu.memory_space<vmem>> -> memref<128xi32, #tpu.memory_space<vmem>>
        %dma_wait3A_2270 = arith.constant 0 : i32
        %dma_wait3A_2271 = arith.constant 0 : i32
        %dma_wait3A_2272 = tpu.memref_slice %arg10[%dma_wait3A_2270, %dma_wait3A_2271] : memref<10008x16xf32, #tpu.memory_space<vmem_shared>> -> memref<10008x16xf32, #tpu.memory_space<vmem_shared>>
        %dma_wait3A_2273 = tpu.memref_slice %arg9[%dma_wait3A_2266] : memref<4x!tpu.dma_semaphore, #tpu.memory_space<semaphore_mem>> -> memref<1x!tpu.dma_semaphore, #tpu.memory_space<semaphore_mem>>
        %dma_wait3A_2274 = tpu.memref_squeeze %dma_wait3A_2273 : memref<1x!tpu.dma_semaphore, #tpu.memory_space<semaphore_mem>> -> memref<!tpu.dma_semaphore, #tpu.memory_space<semaphore_mem>>
        tpu.wait_indirect_dma semaphore(%dma_wait3A_2274 : memref<!tpu.dma_semaphore, #tpu.memory_space<semaphore_mem>>) src(%arg7 : memref<128x16xf32, #tpu.memory_space<vmem>>) dst(%dma_wait3A_2272 : memref<10008x16xf32, #tpu.memory_space<vmem_shared>>)
        %dma_start3A_2275 = arith.constant 11 : i32
        %dma_start3A_2276 = arith.constant 3 : i32
        %dma_start3A_2277 = arith.constant 0 : i32
        %dma_start3A_2278 = tpu.memref_slice %arg6[%dma_start3A_2275, %dma_start3A_2277] : memref<16x128xi32, #tpu.memory_space<vmem>> -> memref<1x128xi32, #tpu.memory_space<vmem>>
        %dma_start3A_2279 = tpu.memref_squeeze %dma_start3A_2278 : memref<1x128xi32, #tpu.memory_space<vmem>> -> memref<128xi32, #tpu.memory_space<vmem>>
        %dma_start3A_2280 = arith.constant 0 : i32
        %dma_start3A_2281 = arith.constant 0 : i32
        %dma_start3A_2282 = tpu.memref_slice %arg10[%dma_start3A_2280, %dma_start3A_2281] : memref<10008x16xf32, #tpu.memory_space<vmem_shared>> -> memref<10008x16xf32, #tpu.memory_space<vmem_shared>>
        %dma_start3A_2283 = tpu.memref_slice %arg9[%dma_start3A_2276] : memref<4x!tpu.dma_semaphore, #tpu.memory_space<semaphore_mem>> -> memref<1x!tpu.dma_semaphore, #tpu.memory_space<semaphore_mem>>
        %dma_start3A_2284 = tpu.memref_squeeze %dma_start3A_2283 : memref<1x!tpu.dma_semaphore, #tpu.memory_space<semaphore_mem>> -> memref<!tpu.dma_semaphore, #tpu.memory_space<semaphore_mem>>
        tpu.enqueue_indirect_dma source(%arg7 : memref<128x16xf32, #tpu.memory_space<vmem>>) target(%dma_start3A_2282 : memref<10008x16xf32, #tpu.memory_space<vmem_shared>>) offsets(%dma_start3A_2279 : memref<128xi32, #tpu.memory_space<vmem>>) semaphore(%dma_start3A_2284 : memref<!tpu.dma_semaphore, #tpu.memory_space<semaphore_mem>>) {add = true}
        %dma_wait3A_2285 = arith.constant 0 : i32
        %dma_wait3A_2286 = arith.constant 0 : i32
        %dma_wait3A_2287 = arith.constant 0 : i32
        %dma_wait3A_2288 = tpu.memref_slice %arg6[%dma_wait3A_2285, %dma_wait3A_2287] : memref<16x128xi32, #tpu.memory_space<vmem>> -> memref<1x128xi32, #tpu.memory_space<vmem>>
        %dma_wait3A_2289 = tpu.memref_squeeze %dma_wait3A_2288 : memref<1x128xi32, #tpu.memory_space<vmem>> -> memref<128xi32, #tpu.memory_space<vmem>>
        %dma_wait3A_2290 = arith.constant 0 : i32
        %dma_wait3A_2291 = arith.constant 0 : i32
        %dma_wait3A_2292 = tpu.memref_slice %arg10[%dma_wait3A_2290, %dma_wait3A_2291] : memref<10008x16xf32, #tpu.memory_space<vmem_shared>> -> memref<10008x16xf32, #tpu.memory_space<vmem_shared>>
        %dma_wait3A_2293 = tpu.memref_slice %arg9[%dma_wait3A_2286] : memref<4x!tpu.dma_semaphore, #tpu.memory_space<semaphore_mem>> -> memref<1x!tpu.dma_semaphore, #tpu.memory_space<semaphore_mem>>
        %dma_wait3A_2294 = tpu.memref_squeeze %dma_wait3A_2293 : memref<1x!tpu.dma_semaphore, #tpu.memory_space<semaphore_mem>> -> memref<!tpu.dma_semaphore, #tpu.memory_space<semaphore_mem>>
        tpu.wait_indirect_dma semaphore(%dma_wait3A_2294 : memref<!tpu.dma_semaphore, #tpu.memory_space<semaphore_mem>>) src(%arg7 : memref<128x16xf32, #tpu.memory_space<vmem>>) dst(%dma_wait3A_2292 : memref<10008x16xf32, #tpu.memory_space<vmem_shared>>)
        %dma_start3A_2295 = arith.constant 12 : i32
        %dma_start3A_2296 = arith.constant 0 : i32
        %dma_start3A_2297 = arith.constant 0 : i32
        %dma_start3A_2298 = tpu.memref_slice %arg6[%dma_start3A_2295, %dma_start3A_2297] : memref<16x128xi32, #tpu.memory_space<vmem>> -> memref<1x128xi32, #tpu.memory_space<vmem>>
        %dma_start3A_2299 = tpu.memref_squeeze %dma_start3A_2298 : memref<1x128xi32, #tpu.memory_space<vmem>> -> memref<128xi32, #tpu.memory_space<vmem>>
        %dma_start3A_2300 = arith.constant 0 : i32
        %dma_start3A_2301 = arith.constant 0 : i32
        %dma_start3A_2302 = tpu.memref_slice %arg10[%dma_start3A_2300, %dma_start3A_2301] : memref<10008x16xf32, #tpu.memory_space<vmem_shared>> -> memref<10008x16xf32, #tpu.memory_space<vmem_shared>>
        %dma_start3A_2303 = tpu.memref_slice %arg9[%dma_start3A_2296] : memref<4x!tpu.dma_semaphore, #tpu.memory_space<semaphore_mem>> -> memref<1x!tpu.dma_semaphore, #tpu.memory_space<semaphore_mem>>
        %dma_start3A_2304 = tpu.memref_squeeze %dma_start3A_2303 : memref<1x!tpu.dma_semaphore, #tpu.memory_space<semaphore_mem>> -> memref<!tpu.dma_semaphore, #tpu.memory_space<semaphore_mem>>
        tpu.enqueue_indirect_dma source(%arg7 : memref<128x16xf32, #tpu.memory_space<vmem>>) target(%dma_start3A_2302 : memref<10008x16xf32, #tpu.memory_space<vmem_shared>>) offsets(%dma_start3A_2299 : memref<128xi32, #tpu.memory_space<vmem>>) semaphore(%dma_start3A_2304 : memref<!tpu.dma_semaphore, #tpu.memory_space<semaphore_mem>>) {add = true}
        %dma_wait3A_2305 = arith.constant 1 : i32
        %dma_wait3A_2306 = arith.constant 1 : i32
        %dma_wait3A_2307 = arith.constant 0 : i32
        %dma_wait3A_2308 = tpu.memref_slice %arg6[%dma_wait3A_2305, %dma_wait3A_2307] : memref<16x128xi32, #tpu.memory_space<vmem>> -> memref<1x128xi32, #tpu.memory_space<vmem>>
        %dma_wait3A_2309 = tpu.memref_squeeze %dma_wait3A_2308 : memref<1x128xi32, #tpu.memory_space<vmem>> -> memref<128xi32, #tpu.memory_space<vmem>>
        %dma_wait3A_2310 = arith.constant 0 : i32
        %dma_wait3A_2311 = arith.constant 0 : i32
        %dma_wait3A_2312 = tpu.memref_slice %arg10[%dma_wait3A_2310, %dma_wait3A_2311] : memref<10008x16xf32, #tpu.memory_space<vmem_shared>> -> memref<10008x16xf32, #tpu.memory_space<vmem_shared>>
        %dma_wait3A_2313 = tpu.memref_slice %arg9[%dma_wait3A_2306] : memref<4x!tpu.dma_semaphore, #tpu.memory_space<semaphore_mem>> -> memref<1x!tpu.dma_semaphore, #tpu.memory_space<semaphore_mem>>
        %dma_wait3A_2314 = tpu.memref_squeeze %dma_wait3A_2313 : memref<1x!tpu.dma_semaphore, #tpu.memory_space<semaphore_mem>> -> memref<!tpu.dma_semaphore, #tpu.memory_space<semaphore_mem>>
        tpu.wait_indirect_dma semaphore(%dma_wait3A_2314 : memref<!tpu.dma_semaphore, #tpu.memory_space<semaphore_mem>>) src(%arg7 : memref<128x16xf32, #tpu.memory_space<vmem>>) dst(%dma_wait3A_2312 : memref<10008x16xf32, #tpu.memory_space<vmem_shared>>)
        %dma_start3A_2315 = arith.constant 13 : i32
        %dma_start3A_2316 = arith.constant 1 : i32
        %dma_start3A_2317 = arith.constant 0 : i32
        %dma_start3A_2318 = tpu.memref_slice %arg6[%dma_start3A_2315, %dma_start3A_2317] : memref<16x128xi32, #tpu.memory_space<vmem>> -> memref<1x128xi32, #tpu.memory_space<vmem>>
        %dma_start3A_2319 = tpu.memref_squeeze %dma_start3A_2318 : memref<1x128xi32, #tpu.memory_space<vmem>> -> memref<128xi32, #tpu.memory_space<vmem>>
        %dma_start3A_2320 = arith.constant 0 : i32
        %dma_start3A_2321 = arith.constant 0 : i32
        %dma_start3A_2322 = tpu.memref_slice %arg10[%dma_start3A_2320, %dma_start3A_2321] : memref<10008x16xf32, #tpu.memory_space<vmem_shared>> -> memref<10008x16xf32, #tpu.memory_space<vmem_shared>>
        %dma_start3A_2323 = tpu.memref_slice %arg9[%dma_start3A_2316] : memref<4x!tpu.dma_semaphore, #tpu.memory_space<semaphore_mem>> -> memref<1x!tpu.dma_semaphore, #tpu.memory_space<semaphore_mem>>
        %dma_start3A_2324 = tpu.memref_squeeze %dma_start3A_2323 : memref<1x!tpu.dma_semaphore, #tpu.memory_space<semaphore_mem>> -> memref<!tpu.dma_semaphore, #tpu.memory_space<semaphore_mem>>
        tpu.enqueue_indirect_dma source(%arg7 : memref<128x16xf32, #tpu.memory_space<vmem>>) target(%dma_start3A_2322 : memref<10008x16xf32, #tpu.memory_space<vmem_shared>>) offsets(%dma_start3A_2319 : memref<128xi32, #tpu.memory_space<vmem>>) semaphore(%dma_start3A_2324 : memref<!tpu.dma_semaphore, #tpu.memory_space<semaphore_mem>>) {add = true}
        %dma_wait3A_2325 = arith.constant 2 : i32
        %dma_wait3A_2326 = arith.constant 2 : i32
        %dma_wait3A_2327 = arith.constant 0 : i32
        %dma_wait3A_2328 = tpu.memref_slice %arg6[%dma_wait3A_2325, %dma_wait3A_2327] : memref<16x128xi32, #tpu.memory_space<vmem>> -> memref<1x128xi32, #tpu.memory_space<vmem>>
        %dma_wait3A_2329 = tpu.memref_squeeze %dma_wait3A_2328 : memref<1x128xi32, #tpu.memory_space<vmem>> -> memref<128xi32, #tpu.memory_space<vmem>>
        %dma_wait3A_2330 = arith.constant 0 : i32
        %dma_wait3A_2331 = arith.constant 0 : i32
        %dma_wait3A_2332 = tpu.memref_slice %arg10[%dma_wait3A_2330, %dma_wait3A_2331] : memref<10008x16xf32, #tpu.memory_space<vmem_shared>> -> memref<10008x16xf32, #tpu.memory_space<vmem_shared>>
        %dma_wait3A_2333 = tpu.memref_slice %arg9[%dma_wait3A_2326] : memref<4x!tpu.dma_semaphore, #tpu.memory_space<semaphore_mem>> -> memref<1x!tpu.dma_semaphore, #tpu.memory_space<semaphore_mem>>
        %dma_wait3A_2334 = tpu.memref_squeeze %dma_wait3A_2333 : memref<1x!tpu.dma_semaphore, #tpu.memory_space<semaphore_mem>> -> memref<!tpu.dma_semaphore, #tpu.memory_space<semaphore_mem>>
        tpu.wait_indirect_dma semaphore(%dma_wait3A_2334 : memref<!tpu.dma_semaphore, #tpu.memory_space<semaphore_mem>>) src(%arg7 : memref<128x16xf32, #tpu.memory_space<vmem>>) dst(%dma_wait3A_2332 : memref<10008x16xf32, #tpu.memory_space<vmem_shared>>)
        %dma_start3A_2335 = arith.constant 14 : i32
        %dma_start3A_2336 = arith.constant 2 : i32
        %dma_start3A_2337 = arith.constant 0 : i32
        %dma_start3A_2338 = tpu.memref_slice %arg6[%dma_start3A_2335, %dma_start3A_2337] : memref<16x128xi32, #tpu.memory_space<vmem>> -> memref<1x128xi32, #tpu.memory_space<vmem>>
        %dma_start3A_2339 = tpu.memref_squeeze %dma_start3A_2338 : memref<1x128xi32, #tpu.memory_space<vmem>> -> memref<128xi32, #tpu.memory_space<vmem>>
        %dma_start3A_2340 = arith.constant 0 : i32
        %dma_start3A_2341 = arith.constant 0 : i32
        %dma_start3A_2342 = tpu.memref_slice %arg10[%dma_start3A_2340, %dma_start3A_2341] : memref<10008x16xf32, #tpu.memory_space<vmem_shared>> -> memref<10008x16xf32, #tpu.memory_space<vmem_shared>>
        %dma_start3A_2343 = tpu.memref_slice %arg9[%dma_start3A_2336] : memref<4x!tpu.dma_semaphore, #tpu.memory_space<semaphore_mem>> -> memref<1x!tpu.dma_semaphore, #tpu.memory_space<semaphore_mem>>
        %dma_start3A_2344 = tpu.memref_squeeze %dma_start3A_2343 : memref<1x!tpu.dma_semaphore, #tpu.memory_space<semaphore_mem>> -> memref<!tpu.dma_semaphore, #tpu.memory_space<semaphore_mem>>
        tpu.enqueue_indirect_dma source(%arg7 : memref<128x16xf32, #tpu.memory_space<vmem>>) target(%dma_start3A_2342 : memref<10008x16xf32, #tpu.memory_space<vmem_shared>>) offsets(%dma_start3A_2339 : memref<128xi32, #tpu.memory_space<vmem>>) semaphore(%dma_start3A_2344 : memref<!tpu.dma_semaphore, #tpu.memory_space<semaphore_mem>>) {add = true}
        %dma_wait3A_2345 = arith.constant 3 : i32
        %dma_wait3A_2346 = arith.constant 3 : i32
        %dma_wait3A_2347 = arith.constant 0 : i32
        %dma_wait3A_2348 = tpu.memref_slice %arg6[%dma_wait3A_2345, %dma_wait3A_2347] : memref<16x128xi32, #tpu.memory_space<vmem>> -> memref<1x128xi32, #tpu.memory_space<vmem>>
        %dma_wait3A_2349 = tpu.memref_squeeze %dma_wait3A_2348 : memref<1x128xi32, #tpu.memory_space<vmem>> -> memref<128xi32, #tpu.memory_space<vmem>>
        %dma_wait3A_2350 = arith.constant 0 : i32
        %dma_wait3A_2351 = arith.constant 0 : i32
        %dma_wait3A_2352 = tpu.memref_slice %arg10[%dma_wait3A_2350, %dma_wait3A_2351] : memref<10008x16xf32, #tpu.memory_space<vmem_shared>> -> memref<10008x16xf32, #tpu.memory_space<vmem_shared>>
        %dma_wait3A_2353 = tpu.memref_slice %arg9[%dma_wait3A_2346] : memref<4x!tpu.dma_semaphore, #tpu.memory_space<semaphore_mem>> -> memref<1x!tpu.dma_semaphore, #tpu.memory_space<semaphore_mem>>
        %dma_wait3A_2354 = tpu.memref_squeeze %dma_wait3A_2353 : memref<1x!tpu.dma_semaphore, #tpu.memory_space<semaphore_mem>> -> memref<!tpu.dma_semaphore, #tpu.memory_space<semaphore_mem>>
        tpu.wait_indirect_dma semaphore(%dma_wait3A_2354 : memref<!tpu.dma_semaphore, #tpu.memory_space<semaphore_mem>>) src(%arg7 : memref<128x16xf32, #tpu.memory_space<vmem>>) dst(%dma_wait3A_2352 : memref<10008x16xf32, #tpu.memory_space<vmem_shared>>)
        %dma_start3A_2355 = arith.constant 15 : i32
        %dma_start3A_2356 = arith.constant 3 : i32
        %dma_start3A_2357 = arith.constant 0 : i32
        %dma_start3A_2358 = tpu.memref_slice %arg6[%dma_start3A_2355, %dma_start3A_2357] : memref<16x128xi32, #tpu.memory_space<vmem>> -> memref<1x128xi32, #tpu.memory_space<vmem>>
        %dma_start3A_2359 = tpu.memref_squeeze %dma_start3A_2358 : memref<1x128xi32, #tpu.memory_space<vmem>> -> memref<128xi32, #tpu.memory_space<vmem>>
        %dma_start3A_2360 = arith.constant 0 : i32
        %dma_start3A_2361 = arith.constant 0 : i32
        %dma_start3A_2362 = tpu.memref_slice %arg10[%dma_start3A_2360, %dma_start3A_2361] : memref<10008x16xf32, #tpu.memory_space<vmem_shared>> -> memref<10008x16xf32, #tpu.memory_space<vmem_shared>>
        %dma_start3A_2363 = tpu.memref_slice %arg9[%dma_start3A_2356] : memref<4x!tpu.dma_semaphore, #tpu.memory_space<semaphore_mem>> -> memref<1x!tpu.dma_semaphore, #tpu.memory_space<semaphore_mem>>
        %dma_start3A_2364 = tpu.memref_squeeze %dma_start3A_2363 : memref<1x!tpu.dma_semaphore, #tpu.memory_space<semaphore_mem>> -> memref<!tpu.dma_semaphore, #tpu.memory_space<semaphore_mem>>
        tpu.enqueue_indirect_dma source(%arg7 : memref<128x16xf32, #tpu.memory_space<vmem>>) target(%dma_start3A_2362 : memref<10008x16xf32, #tpu.memory_space<vmem_shared>>) offsets(%dma_start3A_2359 : memref<128xi32, #tpu.memory_space<vmem>>) semaphore(%dma_start3A_2364 : memref<!tpu.dma_semaphore, #tpu.memory_space<semaphore_mem>>) {add = true}
        %dma_wait3A_2365 = arith.constant 0 : i32
        %dma_wait3A_2366 = arith.constant 0 : i32
        %dma_wait3A_2367 = arith.constant 0 : i32
        %dma_wait3A_2368 = tpu.memref_slice %arg6[%dma_wait3A_2365, %dma_wait3A_2367] : memref<16x128xi32, #tpu.memory_space<vmem>> -> memref<1x128xi32, #tpu.memory_space<vmem>>
        %dma_wait3A_2369 = tpu.memref_squeeze %dma_wait3A_2368 : memref<1x128xi32, #tpu.memory_space<vmem>> -> memref<128xi32, #tpu.memory_space<vmem>>
        %dma_wait3A_2370 = arith.constant 0 : i32
        %dma_wait3A_2371 = arith.constant 0 : i32
        %dma_wait3A_2372 = tpu.memref_slice %arg10[%dma_wait3A_2370, %dma_wait3A_2371] : memref<10008x16xf32, #tpu.memory_space<vmem_shared>> -> memref<10008x16xf32, #tpu.memory_space<vmem_shared>>
        %dma_wait3A_2373 = tpu.memref_slice %arg9[%dma_wait3A_2366] : memref<4x!tpu.dma_semaphore, #tpu.memory_space<semaphore_mem>> -> memref<1x!tpu.dma_semaphore, #tpu.memory_space<semaphore_mem>>
        %dma_wait3A_2374 = tpu.memref_squeeze %dma_wait3A_2373 : memref<1x!tpu.dma_semaphore, #tpu.memory_space<semaphore_mem>> -> memref<!tpu.dma_semaphore, #tpu.memory_space<semaphore_mem>>
        tpu.wait_indirect_dma semaphore(%dma_wait3A_2374 : memref<!tpu.dma_semaphore, #tpu.memory_space<semaphore_mem>>) src(%arg7 : memref<128x16xf32, #tpu.memory_space<vmem>>) dst(%dma_wait3A_2372 : memref<10008x16xf32, #tpu.memory_space<vmem_shared>>)
        %dma_wait3A_2375 = arith.constant 1 : i32
        %dma_wait3A_2376 = arith.constant 1 : i32
        %dma_wait3A_2377 = arith.constant 0 : i32
        %dma_wait3A_2378 = tpu.memref_slice %arg6[%dma_wait3A_2375, %dma_wait3A_2377] : memref<16x128xi32, #tpu.memory_space<vmem>> -> memref<1x128xi32, #tpu.memory_space<vmem>>
        %dma_wait3A_2379 = tpu.memref_squeeze %dma_wait3A_2378 : memref<1x128xi32, #tpu.memory_space<vmem>> -> memref<128xi32, #tpu.memory_space<vmem>>
        %dma_wait3A_2380 = arith.constant 0 : i32
        %dma_wait3A_2381 = arith.constant 0 : i32
        %dma_wait3A_2382 = tpu.memref_slice %arg10[%dma_wait3A_2380, %dma_wait3A_2381] : memref<10008x16xf32, #tpu.memory_space<vmem_shared>> -> memref<10008x16xf32, #tpu.memory_space<vmem_shared>>
        %dma_wait3A_2383 = tpu.memref_slice %arg9[%dma_wait3A_2376] : memref<4x!tpu.dma_semaphore, #tpu.memory_space<semaphore_mem>> -> memref<1x!tpu.dma_semaphore, #tpu.memory_space<semaphore_mem>>
        %dma_wait3A_2384 = tpu.memref_squeeze %dma_wait3A_2383 : memref<1x!tpu.dma_semaphore, #tpu.memory_space<semaphore_mem>> -> memref<!tpu.dma_semaphore, #tpu.memory_space<semaphore_mem>>
        tpu.wait_indirect_dma semaphore(%dma_wait3A_2384 : memref<!tpu.dma_semaphore, #tpu.memory_space<semaphore_mem>>) src(%arg7 : memref<128x16xf32, #tpu.memory_space<vmem>>) dst(%dma_wait3A_2382 : memref<10008x16xf32, #tpu.memory_space<vmem_shared>>)
        %dma_wait3A_2385 = arith.constant 2 : i32
        %dma_wait3A_2386 = arith.constant 2 : i32
        %dma_wait3A_2387 = arith.constant 0 : i32
        %dma_wait3A_2388 = tpu.memref_slice %arg6[%dma_wait3A_2385, %dma_wait3A_2387] : memref<16x128xi32, #tpu.memory_space<vmem>> -> memref<1x128xi32, #tpu.memory_space<vmem>>
        %dma_wait3A_2389 = tpu.memref_squeeze %dma_wait3A_2388 : memref<1x128xi32, #tpu.memory_space<vmem>> -> memref<128xi32, #tpu.memory_space<vmem>>
        %dma_wait3A_2390 = arith.constant 0 : i32
        %dma_wait3A_2391 = arith.constant 0 : i32
        %dma_wait3A_2392 = tpu.memref_slice %arg10[%dma_wait3A_2390, %dma_wait3A_2391] : memref<10008x16xf32, #tpu.memory_space<vmem_shared>> -> memref<10008x16xf32, #tpu.memory_space<vmem_shared>>
        %dma_wait3A_2393 = tpu.memref_slice %arg9[%dma_wait3A_2386] : memref<4x!tpu.dma_semaphore, #tpu.memory_space<semaphore_mem>> -> memref<1x!tpu.dma_semaphore, #tpu.memory_space<semaphore_mem>>
        %dma_wait3A_2394 = tpu.memref_squeeze %dma_wait3A_2393 : memref<1x!tpu.dma_semaphore, #tpu.memory_space<semaphore_mem>> -> memref<!tpu.dma_semaphore, #tpu.memory_space<semaphore_mem>>
        tpu.wait_indirect_dma semaphore(%dma_wait3A_2394 : memref<!tpu.dma_semaphore, #tpu.memory_space<semaphore_mem>>) src(%arg7 : memref<128x16xf32, #tpu.memory_space<vmem>>) dst(%dma_wait3A_2392 : memref<10008x16xf32, #tpu.memory_space<vmem_shared>>)
        %dma_wait3A_2395 = arith.constant 3 : i32
        %dma_wait3A_2396 = arith.constant 3 : i32
        %dma_wait3A_2397 = arith.constant 0 : i32
        %dma_wait3A_2398 = tpu.memref_slice %arg6[%dma_wait3A_2395, %dma_wait3A_2397] : memref<16x128xi32, #tpu.memory_space<vmem>> -> memref<1x128xi32, #tpu.memory_space<vmem>>
        %dma_wait3A_2399 = tpu.memref_squeeze %dma_wait3A_2398 : memref<1x128xi32, #tpu.memory_space<vmem>> -> memref<128xi32, #tpu.memory_space<vmem>>
        %dma_wait3A_2400 = arith.constant 0 : i32
        %dma_wait3A_2401 = arith.constant 0 : i32
        %dma_wait3A_2402 = tpu.memref_slice %arg10[%dma_wait3A_2400, %dma_wait3A_2401] : memref<10008x16xf32, #tpu.memory_space<vmem_shared>> -> memref<10008x16xf32, #tpu.memory_space<vmem_shared>>
        %dma_wait3A_2403 = tpu.memref_slice %arg9[%dma_wait3A_2396] : memref<4x!tpu.dma_semaphore, #tpu.memory_space<semaphore_mem>> -> memref<1x!tpu.dma_semaphore, #tpu.memory_space<semaphore_mem>>
        %dma_wait3A_2404 = tpu.memref_squeeze %dma_wait3A_2403 : memref<1x!tpu.dma_semaphore, #tpu.memory_space<semaphore_mem>> -> memref<!tpu.dma_semaphore, #tpu.memory_space<semaphore_mem>>
        tpu.wait_indirect_dma semaphore(%dma_wait3A_2404 : memref<!tpu.dma_semaphore, #tpu.memory_space<semaphore_mem>>) src(%arg7 : memref<128x16xf32, #tpu.memory_space<vmem>>) dst(%dma_wait3A_2402 : memref<10008x16xf32, #tpu.memory_space<vmem_shared>>)
      }
      %scan3A_2072 = arith.constant 10 : i32
      %barrier3A_2073 = arith.constant 0 : index
      tpu.barrier barrier_id(%barrier3A_2073)
      %mul3A_2074 = arith.constant 624 : i32
      %mul3A_2075 = arith.muli %arg1, %mul3A_2074 : i32
      "tpu.region"() ({
        %run_scoped3A = tpu.sem_alloc : memref<!tpu.dma_semaphore, #tpu.memory_space<semaphore_mem>>
        %dma_start3A = arith.constant 0 : i32
        %dma_start3A_2081 = tpu.memref_slice %arg4[%mul3A_2075, %dma_start3A] : memref<10000x16xf32, #tpu.memory_space<hbm>> -> memref<624x16xf32, #tpu.memory_space<hbm>>
        %dma_start3A_2082 = arith.constant 0 : i32
        %dma_start3A_2083 = tpu.memref_slice %arg10[%mul3A_2075, %dma_start3A_2082] : memref<10008x16xf32, #tpu.memory_space<vmem_shared>> -> memref<624x16xf32, #tpu.memory_space<vmem_shared>>
        tpu.enqueue_dma source(%dma_start3A_2083 : memref<624x16xf32, #tpu.memory_space<vmem_shared>>) target(%dma_start3A_2081 : memref<624x16xf32, #tpu.memory_space<hbm>>) target_semaphore(%run_scoped3A : memref<!tpu.dma_semaphore, #tpu.memory_space<semaphore_mem>>)
        %dma_wait3A = arith.constant 0 : i32
        %dma_wait3A_2084 = tpu.memref_slice %arg4[%mul3A_2075, %dma_wait3A] : memref<10000x16xf32, #tpu.memory_space<hbm>> -> memref<624x16xf32, #tpu.memory_space<hbm>>
        %dma_wait3A_2085 = arith.constant 0 : i32
        %dma_wait3A_2086 = tpu.memref_slice %arg10[%mul3A_2075, %dma_wait3A_2085] : memref<10008x16xf32, #tpu.memory_space<vmem_shared>> -> memref<624x16xf32, #tpu.memory_space<vmem_shared>>
        tpu.wait_dma2 semaphore(%run_scoped3A : memref<!tpu.dma_semaphore, #tpu.memory_space<semaphore_mem>>) src(%dma_wait3A_2086 : memref<624x16xf32, #tpu.memory_space<vmem_shared>>) dst(%dma_wait3A_2084 : memref<624x16xf32, #tpu.memory_space<hbm>>)
        tpu.yield
      }) : () -> ()
      %eq3A_2076 = arith.constant 15 : i32
      %eq3A_2077 = arith.cmpi eq, %arg1, %eq3A_2076 : i32
      %convert_element_type3A_2078 = arith.extui %eq3A_2077 : i1 to i32
      %cond3A_2079 = arith.constant 0 : i32
      %cond3A_2080 = arith.cmpi ne, %convert_element_type3A_2078, %cond3A_2079 : i32
      scf.if %cond3A_2080 {
        "tpu.region"() ({
          %run_scoped3A = tpu.sem_alloc : memref<!tpu.dma_semaphore, #tpu.memory_space<semaphore_mem>>
          %dma_start3A = arith.constant 9984 : i32
          %dma_start3A_2081 = arith.constant 0 : i32
          %dma_start3A_2082 = tpu.memref_slice %arg4[%dma_start3A, %dma_start3A_2081] : memref<10000x16xf32, #tpu.memory_space<hbm>> -> memref<16x16xf32, #tpu.memory_space<hbm>>
          %dma_start3A_2083 = arith.constant 9984 : i32
          %dma_start3A_2084 = arith.constant 0 : i32
          %dma_start3A_2085 = tpu.memref_slice %arg10[%dma_start3A_2083, %dma_start3A_2084] : memref<10008x16xf32, #tpu.memory_space<vmem_shared>> -> memref<16x16xf32, #tpu.memory_space<vmem_shared>>
          tpu.enqueue_dma source(%dma_start3A_2085 : memref<16x16xf32, #tpu.memory_space<vmem_shared>>) target(%dma_start3A_2082 : memref<16x16xf32, #tpu.memory_space<hbm>>) target_semaphore(%run_scoped3A : memref<!tpu.dma_semaphore, #tpu.memory_space<semaphore_mem>>)
          %dma_wait3A = arith.constant 9984 : i32
          %dma_wait3A_2086 = arith.constant 0 : i32
          %dma_wait3A_2087 = tpu.memref_slice %arg4[%dma_wait3A, %dma_wait3A_2086] : memref<10000x16xf32, #tpu.memory_space<hbm>> -> memref<16x16xf32, #tpu.memory_space<hbm>>
          %dma_wait3A_2088 = arith.constant 9984 : i32
          %dma_wait3A_2089 = arith.constant 0 : i32
          %dma_wait3A_2090 = tpu.memref_slice %arg10[%dma_wait3A_2088, %dma_wait3A_2089] : memref<10008x16xf32, #tpu.memory_space<vmem_shared>> -> memref<16x16xf32, #tpu.memory_space<vmem_shared>>
          tpu.wait_dma2 semaphore(%run_scoped3A : memref<!tpu.dma_semaphore, #tpu.memory_space<semaphore_mem>>) src(%dma_wait3A_2090 : memref<16x16xf32, #tpu.memory_space<vmem_shared>>) dst(%dma_wait3A_2087 : memref<16x16xf32, #tpu.memory_space<hbm>>)
          tpu.yield
        }) : () -> ()
      } else {
      }
    } else {
    }
    %eq3A_2048 = arith.constant 1 : i32
    %eq3A_2049 = arith.cmpi eq, %arg0, %eq3A_2048 : i32
    %convert_element_type3A_2050 = arith.extui %eq3A_2049 : i1 to i32
    %cond3A_2051 = arith.constant 0 : i32
    %cond3A_2052 = arith.cmpi ne, %convert_element_type3A_2050, %cond3A_2051 : i32
    scf.if %cond3A_2052 {
      %mul3A = arith.constant 624 : i32
      %mul3A_2053 = arith.muli %arg1, %mul3A : i32
      %add3A = arith.constant 0 : i32
      %add3A_2054 = arith.addi %mul3A_2053, %add3A : i32
      "tpu.region"() ({
        %run_scoped3A = tpu.sem_alloc : memref<!tpu.dma_semaphore, #tpu.memory_space<semaphore_mem>>
        %dma_start3A = arith.constant 0 : i32
        %dma_start3A_2081 = tpu.memref_slice %arg10[%add3A_2054, %dma_start3A] : memref<10008x16xf32, #tpu.memory_space<vmem_shared>> -> memref<128x16xf32, #tpu.memory_space<vmem_shared>>
        %dma_start3A_2082 = arith.constant 0 : i32
        %dma_start3A_2083 = tpu.memref_slice %arg10[%add3A_2054, %dma_start3A_2082] : memref<10008x16xf32, #tpu.memory_space<vmem_shared>> -> memref<128x16xf32, #tpu.memory_space<vmem_shared>>
        tpu.enqueue_dma source(%arg8 : memref<128x16xf32, #tpu.memory_space<vmem>>) target(%dma_start3A_2083 : memref<128x16xf32, #tpu.memory_space<vmem_shared>>) target_semaphore(%run_scoped3A : memref<!tpu.dma_semaphore, #tpu.memory_space<semaphore_mem>>)
        %dma_wait3A = arith.constant 0 : i32
        %dma_wait3A_2084 = tpu.memref_slice %arg10[%add3A_2054, %dma_wait3A] : memref<10008x16xf32, #tpu.memory_space<vmem_shared>> -> memref<128x16xf32, #tpu.memory_space<vmem_shared>>
        %dma_wait3A_2085 = arith.constant 0 : i32
        %dma_wait3A_2086 = tpu.memref_slice %arg10[%add3A_2054, %dma_wait3A_2085] : memref<10008x16xf32, #tpu.memory_space<vmem_shared>> -> memref<128x16xf32, #tpu.memory_space<vmem_shared>>
        tpu.wait_dma2 semaphore(%run_scoped3A : memref<!tpu.dma_semaphore, #tpu.memory_space<semaphore_mem>>) src(%arg8 : memref<128x16xf32, #tpu.memory_space<vmem>>) dst(%dma_wait3A_2086 : memref<128x16xf32, #tpu.memory_space<vmem_shared>>)
        tpu.yield
      }) : () -> ()
      %add3A_2055 = arith.constant 128 : i32
      %add3A_2056 = arith.addi %mul3A_2053, %add3A_2055 : i32
      "tpu.region"() ({
        %run_scoped3A = tpu.sem_alloc : memref<!tpu.dma_semaphore, #tpu.memory_space<semaphore_mem>>
        %dma_start3A = arith.constant 0 : i32
        %dma_start3A_2081 = tpu.memref_slice %arg10[%add3A_2056, %dma_start3A] : memref<10008x16xf32, #tpu.memory_space<vmem_shared>> -> memref<128x16xf32, #tpu.memory_space<vmem_shared>>
        %dma_start3A_2082 = arith.constant 0 : i32
        %dma_start3A_2083 = tpu.memref_slice %arg10[%add3A_2056, %dma_start3A_2082] : memref<10008x16xf32, #tpu.memory_space<vmem_shared>> -> memref<128x16xf32, #tpu.memory_space<vmem_shared>>
        tpu.enqueue_dma source(%arg8 : memref<128x16xf32, #tpu.memory_space<vmem>>) target(%dma_start3A_2083 : memref<128x16xf32, #tpu.memory_space<vmem_shared>>) target_semaphore(%run_scoped3A : memref<!tpu.dma_semaphore, #tpu.memory_space<semaphore_mem>>)
        %dma_wait3A = arith.constant 0 : i32
        %dma_wait3A_2084 = tpu.memref_slice %arg10[%add3A_2056, %dma_wait3A] : memref<10008x16xf32, #tpu.memory_space<vmem_shared>> -> memref<128x16xf32, #tpu.memory_space<vmem_shared>>
        %dma_wait3A_2085 = arith.constant 0 : i32
        %dma_wait3A_2086 = tpu.memref_slice %arg10[%add3A_2056, %dma_wait3A_2085] : memref<10008x16xf32, #tpu.memory_space<vmem_shared>> -> memref<128x16xf32, #tpu.memory_space<vmem_shared>>
        tpu.wait_dma2 semaphore(%run_scoped3A : memref<!tpu.dma_semaphore, #tpu.memory_space<semaphore_mem>>) src(%arg8 : memref<128x16xf32, #tpu.memory_space<vmem>>) dst(%dma_wait3A_2086 : memref<128x16xf32, #tpu.memory_space<vmem_shared>>)
        tpu.yield
      }) : () -> ()
      %add3A_2057 = arith.constant 256 : i32
      %add3A_2058 = arith.addi %mul3A_2053, %add3A_2057 : i32
      "tpu.region"() ({
        %run_scoped3A = tpu.sem_alloc : memref<!tpu.dma_semaphore, #tpu.memory_space<semaphore_mem>>
        %dma_start3A = arith.constant 0 : i32
        %dma_start3A_2081 = tpu.memref_slice %arg10[%add3A_2058, %dma_start3A] : memref<10008x16xf32, #tpu.memory_space<vmem_shared>> -> memref<128x16xf32, #tpu.memory_space<vmem_shared>>
        %dma_start3A_2082 = arith.constant 0 : i32
        %dma_start3A_2083 = tpu.memref_slice %arg10[%add3A_2058, %dma_start3A_2082] : memref<10008x16xf32, #tpu.memory_space<vmem_shared>> -> memref<128x16xf32, #tpu.memory_space<vmem_shared>>
        tpu.enqueue_dma source(%arg8 : memref<128x16xf32, #tpu.memory_space<vmem>>) target(%dma_start3A_2083 : memref<128x16xf32, #tpu.memory_space<vmem_shared>>) target_semaphore(%run_scoped3A : memref<!tpu.dma_semaphore, #tpu.memory_space<semaphore_mem>>)
        %dma_wait3A = arith.constant 0 : i32
        %dma_wait3A_2084 = tpu.memref_slice %arg10[%add3A_2058, %dma_wait3A] : memref<10008x16xf32, #tpu.memory_space<vmem_shared>> -> memref<128x16xf32, #tpu.memory_space<vmem_shared>>
        %dma_wait3A_2085 = arith.constant 0 : i32
        %dma_wait3A_2086 = tpu.memref_slice %arg10[%add3A_2058, %dma_wait3A_2085] : memref<10008x16xf32, #tpu.memory_space<vmem_shared>> -> memref<128x16xf32, #tpu.memory_space<vmem_shared>>
        tpu.wait_dma2 semaphore(%run_scoped3A : memref<!tpu.dma_semaphore, #tpu.memory_space<semaphore_mem>>) src(%arg8 : memref<128x16xf32, #tpu.memory_space<vmem>>) dst(%dma_wait3A_2086 : memref<128x16xf32, #tpu.memory_space<vmem_shared>>)
        tpu.yield
      }) : () -> ()
      %add3A_2059 = arith.constant 384 : i32
      %add3A_2060 = arith.addi %mul3A_2053, %add3A_2059 : i32
      "tpu.region"() ({
        %run_scoped3A = tpu.sem_alloc : memref<!tpu.dma_semaphore, #tpu.memory_space<semaphore_mem>>
        %dma_start3A = arith.constant 0 : i32
        %dma_start3A_2081 = tpu.memref_slice %arg10[%add3A_2060, %dma_start3A] : memref<10008x16xf32, #tpu.memory_space<vmem_shared>> -> memref<128x16xf32, #tpu.memory_space<vmem_shared>>
        %dma_start3A_2082 = arith.constant 0 : i32
        %dma_start3A_2083 = tpu.memref_slice %arg10[%add3A_2060, %dma_start3A_2082] : memref<10008x16xf32, #tpu.memory_space<vmem_shared>> -> memref<128x16xf32, #tpu.memory_space<vmem_shared>>
        tpu.enqueue_dma source(%arg8 : memref<128x16xf32, #tpu.memory_space<vmem>>) target(%dma_start3A_2083 : memref<128x16xf32, #tpu.memory_space<vmem_shared>>) target_semaphore(%run_scoped3A : memref<!tpu.dma_semaphore, #tpu.memory_space<semaphore_mem>>)
        %dma_wait3A = arith.constant 0 : i32
        %dma_wait3A_2084 = tpu.memref_slice %arg10[%add3A_2060, %dma_wait3A] : memref<10008x16xf32, #tpu.memory_space<vmem_shared>> -> memref<128x16xf32, #tpu.memory_space<vmem_shared>>
        %dma_wait3A_2085 = arith.constant 0 : i32
        %dma_wait3A_2086 = tpu.memref_slice %arg10[%add3A_2060, %dma_wait3A_2085] : memref<10008x16xf32, #tpu.memory_space<vmem_shared>> -> memref<128x16xf32, #tpu.memory_space<vmem_shared>>
        tpu.wait_dma2 semaphore(%run_scoped3A : memref<!tpu.dma_semaphore, #tpu.memory_space<semaphore_mem>>) src(%arg8 : memref<128x16xf32, #tpu.memory_space<vmem>>) dst(%dma_wait3A_2086 : memref<128x16xf32, #tpu.memory_space<vmem_shared>>)
        tpu.yield
      }) : () -> ()
      %add3A_2061 = arith.constant 512 : i32
      %add3A_2062 = arith.addi %mul3A_2053, %add3A_2061 : i32
      "tpu.region"() ({
        %run_scoped3A = tpu.sem_alloc : memref<!tpu.dma_semaphore, #tpu.memory_space<semaphore_mem>>
        %dma_start3A = arith.constant 0 : i32
        %dma_start3A_2081 = arith.constant 0 : i32
        %dma_start3A_2082 = tpu.memref_slice %arg8[%dma_start3A, %dma_start3A_2081] : memref<128x16xf32, #tpu.memory_space<vmem>> -> memref<112x16xf32, #tpu.memory_space<vmem>>
        %dma_start3A_2083 = arith.constant 0 : i32
        %dma_start3A_2084 = tpu.memref_slice %arg10[%add3A_2062, %dma_start3A_2083] : memref<10008x16xf32, #tpu.memory_space<vmem_shared>> -> memref<112x16xf32, #tpu.memory_space<vmem_shared>>
        %dma_start3A_2085 = arith.constant 0 : i32
        %dma_start3A_2086 = tpu.memref_slice %arg10[%add3A_2062, %dma_start3A_2085] : memref<10008x16xf32, #tpu.memory_space<vmem_shared>> -> memref<112x16xf32, #tpu.memory_space<vmem_shared>>
        %dma_start3A_2087 = arith.constant 0 : i32
        %dma_start3A_2088 = arith.constant 0 : i32
        %dma_start3A_2089 = tpu.memref_slice %arg8[%dma_start3A_2087, %dma_start3A_2088] : memref<128x16xf32, #tpu.memory_space<vmem>> -> memref<112x16xf32, #tpu.memory_space<vmem>>
        tpu.enqueue_dma source(%dma_start3A_2089 : memref<112x16xf32, #tpu.memory_space<vmem>>) target(%dma_start3A_2086 : memref<112x16xf32, #tpu.memory_space<vmem_shared>>) target_semaphore(%run_scoped3A : memref<!tpu.dma_semaphore, #tpu.memory_space<semaphore_mem>>)
        %dma_wait3A = arith.constant 0 : i32
        %dma_wait3A_2090 = arith.constant 0 : i32
        %dma_wait3A_2091 = tpu.memref_slice %arg8[%dma_wait3A, %dma_wait3A_2090] : memref<128x16xf32, #tpu.memory_space<vmem>> -> memref<112x16xf32, #tpu.memory_space<vmem>>
        %dma_wait3A_2092 = arith.constant 0 : i32
        %dma_wait3A_2093 = tpu.memref_slice %arg10[%add3A_2062, %dma_wait3A_2092] : memref<10008x16xf32, #tpu.memory_space<vmem_shared>> -> memref<112x16xf32, #tpu.memory_space<vmem_shared>>
        %dma_wait3A_2094 = arith.constant 0 : i32
        %dma_wait3A_2095 = tpu.memref_slice %arg10[%add3A_2062, %dma_wait3A_2094] : memref<10008x16xf32, #tpu.memory_space<vmem_shared>> -> memref<112x16xf32, #tpu.memory_space<vmem_shared>>
        %dma_wait3A_2096 = arith.constant 0 : i32
        %dma_wait3A_2097 = arith.constant 0 : i32
        %dma_wait3A_2098 = tpu.memref_slice %arg8[%dma_wait3A_2096, %dma_wait3A_2097] : memref<128x16xf32, #tpu.memory_space<vmem>> -> memref<112x16xf32, #tpu.memory_space<vmem>>
        tpu.wait_dma2 semaphore(%run_scoped3A : memref<!tpu.dma_semaphore, #tpu.memory_space<semaphore_mem>>) src(%dma_wait3A_2098 : memref<112x16xf32, #tpu.memory_space<vmem>>) dst(%dma_wait3A_2095 : memref<112x16xf32, #tpu.memory_space<vmem_shared>>)
        tpu.yield
      }) : () -> ()
      %eq3A_2063 = arith.constant 15 : i32
      %eq3A_2064 = arith.cmpi eq, %arg1, %eq3A_2063 : i32
      %convert_element_type3A_2065 = arith.extui %eq3A_2064 : i1 to i32
      %cond3A_2066 = arith.constant 0 : i32
      %cond3A_2067 = arith.cmpi ne, %convert_element_type3A_2065, %cond3A_2066 : i32
      scf.if %cond3A_2067 {
        "tpu.region"() ({
          %run_scoped3A = tpu.sem_alloc : memref<!tpu.dma_semaphore, #tpu.memory_space<semaphore_mem>>
          %dma_start3A = arith.constant 0 : i32
          %dma_start3A_2081 = arith.constant 0 : i32
          %dma_start3A_2082 = tpu.memref_slice %arg8[%dma_start3A, %dma_start3A_2081] : memref<128x16xf32, #tpu.memory_space<vmem>> -> memref<24x16xf32, #tpu.memory_space<vmem>>
          %dma_start3A_2083 = arith.constant 9984 : i32
          %dma_start3A_2084 = arith.constant 0 : i32
          %dma_start3A_2085 = tpu.memref_slice %arg10[%dma_start3A_2083, %dma_start3A_2084] : memref<10008x16xf32, #tpu.memory_space<vmem_shared>> -> memref<24x16xf32, #tpu.memory_space<vmem_shared>>
          %dma_start3A_2086 = arith.constant 9984 : i32
          %dma_start3A_2087 = arith.constant 0 : i32
          %dma_start3A_2088 = tpu.memref_slice %arg10[%dma_start3A_2086, %dma_start3A_2087] : memref<10008x16xf32, #tpu.memory_space<vmem_shared>> -> memref<24x16xf32, #tpu.memory_space<vmem_shared>>
          %dma_start3A_2089 = arith.constant 0 : i32
          %dma_start3A_2090 = arith.constant 0 : i32
          %dma_start3A_2091 = tpu.memref_slice %arg8[%dma_start3A_2089, %dma_start3A_2090] : memref<128x16xf32, #tpu.memory_space<vmem>> -> memref<24x16xf32, #tpu.memory_space<vmem>>
          tpu.enqueue_dma source(%dma_start3A_2091 : memref<24x16xf32, #tpu.memory_space<vmem>>) target(%dma_start3A_2088 : memref<24x16xf32, #tpu.memory_space<vmem_shared>>) target_semaphore(%run_scoped3A : memref<!tpu.dma_semaphore, #tpu.memory_space<semaphore_mem>>)
          %dma_wait3A = arith.constant 0 : i32
          %dma_wait3A_2092 = arith.constant 0 : i32
          %dma_wait3A_2093 = tpu.memref_slice %arg8[%dma_wait3A, %dma_wait3A_2092] : memref<128x16xf32, #tpu.memory_space<vmem>> -> memref<24x16xf32, #tpu.memory_space<vmem>>
          %dma_wait3A_2094 = arith.constant 9984 : i32
          %dma_wait3A_2095 = arith.constant 0 : i32
          %dma_wait3A_2096 = tpu.memref_slice %arg10[%dma_wait3A_2094, %dma_wait3A_2095] : memref<10008x16xf32, #tpu.memory_space<vmem_shared>> -> memref<24x16xf32, #tpu.memory_space<vmem_shared>>
          %dma_wait3A_2097 = arith.constant 9984 : i32
          %dma_wait3A_2098 = arith.constant 0 : i32
          %dma_wait3A_2099 = tpu.memref_slice %arg10[%dma_wait3A_2097, %dma_wait3A_2098] : memref<10008x16xf32, #tpu.memory_space<vmem_shared>> -> memref<24x16xf32, #tpu.memory_space<vmem_shared>>
          %dma_wait3A_2100 = arith.constant 0 : i32
          %dma_wait3A_2101 = arith.constant 0 : i32
          %dma_wait3A_2102 = tpu.memref_slice %arg8[%dma_wait3A_2100, %dma_wait3A_2101] : memref<128x16xf32, #tpu.memory_space<vmem>> -> memref<24x16xf32, #tpu.memory_space<vmem>>
          tpu.wait_dma2 semaphore(%run_scoped3A : memref<!tpu.dma_semaphore, #tpu.memory_space<semaphore_mem>>) src(%dma_wait3A_2102 : memref<24x16xf32, #tpu.memory_space<vmem>>) dst(%dma_wait3A_2099 : memref<24x16xf32, #tpu.memory_space<vmem_shared>>)
          tpu.yield
        }) : () -> ()
      } else {
      }
      %barrier3A = arith.constant 0 : index
      tpu.barrier barrier_id(%barrier3A)
      %scan3A = arith.constant 0 : i32
      %scan3A_2068 = arith.constant 0 : i32
      %scan3A_2069 = arith.constant 10 : i32
      %scan3A_2070 = arith.addi %scan3A_2068, %scan3A_2069 : i32
      %scan3A_2071 = arith.constant 1 : i32
      scf.for %scan3A_2081 = %scan3A_2068 to %scan3A_2070 step %scan3A_2071  : i32 {
        %mul3A_2082 = arith.constant 160 : i32
        %mul3A_2083 = arith.muli %arg1, %mul3A_2082 : i32
        %mul3A_2084 = arith.constant 16 : i32
        %mul3A_2085 = arith.muli %scan3A_2081, %mul3A_2084 : i32
        %add3A_2086 = arith.addi %mul3A_2083, %mul3A_2085 : i32
        "tpu.region"() ({
          %run_scoped3A = tpu.sem_alloc : memref<!tpu.dma_semaphore, #tpu.memory_space<semaphore_mem>>
          %dma_start3A_2405 = arith.constant 0 : i32
          %dma_start3A_2406 = tpu.memref_slice %arg3[%add3A_2086, %dma_start3A_2405] : memref<2560x128xi32, #tpu.memory_space<hbm>> -> memref<16x128xi32, #tpu.memory_space<hbm>>
          %dma_start3A_2407 = arith.constant 0 : i32
          %dma_start3A_2408 = tpu.memref_slice %arg3[%add3A_2086, %dma_start3A_2407] : memref<2560x128xi32, #tpu.memory_space<hbm>> -> memref<16x128xi32, #tpu.memory_space<hbm>>
          tpu.enqueue_dma source(%dma_start3A_2408 : memref<16x128xi32, #tpu.memory_space<hbm>>) target(%arg6 : memref<16x128xi32, #tpu.memory_space<vmem>>) target_semaphore(%run_scoped3A : memref<!tpu.dma_semaphore, #tpu.memory_space<semaphore_mem>>)
          %dma_wait3A_2409 = arith.constant 0 : i32
          %dma_wait3A_2410 = tpu.memref_slice %arg3[%add3A_2086, %dma_wait3A_2409] : memref<2560x128xi32, #tpu.memory_space<hbm>> -> memref<16x128xi32, #tpu.memory_space<hbm>>
          %dma_wait3A_2411 = arith.constant 0 : i32
          %dma_wait3A_2412 = tpu.memref_slice %arg3[%add3A_2086, %dma_wait3A_2411] : memref<2560x128xi32, #tpu.memory_space<hbm>> -> memref<16x128xi32, #tpu.memory_space<hbm>>
          tpu.wait_dma2 semaphore(%run_scoped3A : memref<!tpu.dma_semaphore, #tpu.memory_space<semaphore_mem>>) src(%dma_wait3A_2412 : memref<16x128xi32, #tpu.memory_space<hbm>>) dst(%arg6 : memref<16x128xi32, #tpu.memory_space<vmem>>)
          tpu.yield
        }) : () -> ()
        %dma_start3A = arith.constant 0 : i32
        %dma_start3A_2087 = arith.constant 0 : i32
        %dma_start3A_2088 = arith.constant 0 : i32
        %dma_start3A_2089 = tpu.memref_slice %arg6[%dma_start3A, %dma_start3A_2088] : memref<16x128xi32, #tpu.memory_space<vmem>> -> memref<1x128xi32, #tpu.memory_space<vmem>>
        %dma_start3A_2090 = tpu.memref_squeeze %dma_start3A_2089 : memref<1x128xi32, #tpu.memory_space<vmem>> -> memref<128xi32, #tpu.memory_space<vmem>>
        %dma_start3A_2091 = arith.constant 0 : i32
        %dma_start3A_2092 = arith.constant 0 : i32
        %dma_start3A_2093 = tpu.memref_slice %arg10[%dma_start3A_2091, %dma_start3A_2092] : memref<10008x16xf32, #tpu.memory_space<vmem_shared>> -> memref<10008x16xf32, #tpu.memory_space<vmem_shared>>
        %dma_start3A_2094 = tpu.memref_slice %arg9[%dma_start3A_2087] : memref<4x!tpu.dma_semaphore, #tpu.memory_space<semaphore_mem>> -> memref<1x!tpu.dma_semaphore, #tpu.memory_space<semaphore_mem>>
        %dma_start3A_2095 = tpu.memref_squeeze %dma_start3A_2094 : memref<1x!tpu.dma_semaphore, #tpu.memory_space<semaphore_mem>> -> memref<!tpu.dma_semaphore, #tpu.memory_space<semaphore_mem>>
        tpu.enqueue_indirect_dma source(%arg7 : memref<128x16xf32, #tpu.memory_space<vmem>>) target(%dma_start3A_2093 : memref<10008x16xf32, #tpu.memory_space<vmem_shared>>) offsets(%dma_start3A_2090 : memref<128xi32, #tpu.memory_space<vmem>>) semaphore(%dma_start3A_2095 : memref<!tpu.dma_semaphore, #tpu.memory_space<semaphore_mem>>) {add = true}
        %dma_start3A_2096 = arith.constant 1 : i32
        %dma_start3A_2097 = arith.constant 1 : i32
        %dma_start3A_2098 = arith.constant 0 : i32
        %dma_start3A_2099 = tpu.memref_slice %arg6[%dma_start3A_2096, %dma_start3A_2098] : memref<16x128xi32, #tpu.memory_space<vmem>> -> memref<1x128xi32, #tpu.memory_space<vmem>>
        %dma_start3A_2100 = tpu.memref_squeeze %dma_start3A_2099 : memref<1x128xi32, #tpu.memory_space<vmem>> -> memref<128xi32, #tpu.memory_space<vmem>>
        %dma_start3A_2101 = arith.constant 0 : i32
        %dma_start3A_2102 = arith.constant 0 : i32
        %dma_start3A_2103 = tpu.memref_slice %arg10[%dma_start3A_2101, %dma_start3A_2102] : memref<10008x16xf32, #tpu.memory_space<vmem_shared>> -> memref<10008x16xf32, #tpu.memory_space<vmem_shared>>
        %dma_start3A_2104 = tpu.memref_slice %arg9[%dma_start3A_2097] : memref<4x!tpu.dma_semaphore, #tpu.memory_space<semaphore_mem>> -> memref<1x!tpu.dma_semaphore, #tpu.memory_space<semaphore_mem>>
        %dma_start3A_2105 = tpu.memref_squeeze %dma_start3A_2104 : memref<1x!tpu.dma_semaphore, #tpu.memory_space<semaphore_mem>> -> memref<!tpu.dma_semaphore, #tpu.memory_space<semaphore_mem>>
        tpu.enqueue_indirect_dma source(%arg7 : memref<128x16xf32, #tpu.memory_space<vmem>>) target(%dma_start3A_2103 : memref<10008x16xf32, #tpu.memory_space<vmem_shared>>) offsets(%dma_start3A_2100 : memref<128xi32, #tpu.memory_space<vmem>>) semaphore(%dma_start3A_2105 : memref<!tpu.dma_semaphore, #tpu.memory_space<semaphore_mem>>) {add = true}
        %dma_start3A_2106 = arith.constant 2 : i32
        %dma_start3A_2107 = arith.constant 2 : i32
        %dma_start3A_2108 = arith.constant 0 : i32
        %dma_start3A_2109 = tpu.memref_slice %arg6[%dma_start3A_2106, %dma_start3A_2108] : memref<16x128xi32, #tpu.memory_space<vmem>> -> memref<1x128xi32, #tpu.memory_space<vmem>>
        %dma_start3A_2110 = tpu.memref_squeeze %dma_start3A_2109 : memref<1x128xi32, #tpu.memory_space<vmem>> -> memref<128xi32, #tpu.memory_space<vmem>>
        %dma_start3A_2111 = arith.constant 0 : i32
        %dma_start3A_2112 = arith.constant 0 : i32
        %dma_start3A_2113 = tpu.memref_slice %arg10[%dma_start3A_2111, %dma_start3A_2112] : memref<10008x16xf32, #tpu.memory_space<vmem_shared>> -> memref<10008x16xf32, #tpu.memory_space<vmem_shared>>
        %dma_start3A_2114 = tpu.memref_slice %arg9[%dma_start3A_2107] : memref<4x!tpu.dma_semaphore, #tpu.memory_space<semaphore_mem>> -> memref<1x!tpu.dma_semaphore, #tpu.memory_space<semaphore_mem>>
        %dma_start3A_2115 = tpu.memref_squeeze %dma_start3A_2114 : memref<1x!tpu.dma_semaphore, #tpu.memory_space<semaphore_mem>> -> memref<!tpu.dma_semaphore, #tpu.memory_space<semaphore_mem>>
        tpu.enqueue_indirect_dma source(%arg7 : memref<128x16xf32, #tpu.memory_space<vmem>>) target(%dma_start3A_2113 : memref<10008x16xf32, #tpu.memory_space<vmem_shared>>) offsets(%dma_start3A_2110 : memref<128xi32, #tpu.memory_space<vmem>>) semaphore(%dma_start3A_2115 : memref<!tpu.dma_semaphore, #tpu.memory_space<semaphore_mem>>) {add = true}
        %dma_start3A_2116 = arith.constant 3 : i32
        %dma_start3A_2117 = arith.constant 3 : i32
        %dma_start3A_2118 = arith.constant 0 : i32
        %dma_start3A_2119 = tpu.memref_slice %arg6[%dma_start3A_2116, %dma_start3A_2118] : memref<16x128xi32, #tpu.memory_space<vmem>> -> memref<1x128xi32, #tpu.memory_space<vmem>>
        %dma_start3A_2120 = tpu.memref_squeeze %dma_start3A_2119 : memref<1x128xi32, #tpu.memory_space<vmem>> -> memref<128xi32, #tpu.memory_space<vmem>>
        %dma_start3A_2121 = arith.constant 0 : i32
        %dma_start3A_2122 = arith.constant 0 : i32
        %dma_start3A_2123 = tpu.memref_slice %arg10[%dma_start3A_2121, %dma_start3A_2122] : memref<10008x16xf32, #tpu.memory_space<vmem_shared>> -> memref<10008x16xf32, #tpu.memory_space<vmem_shared>>
        %dma_start3A_2124 = tpu.memref_slice %arg9[%dma_start3A_2117] : memref<4x!tpu.dma_semaphore, #tpu.memory_space<semaphore_mem>> -> memref<1x!tpu.dma_semaphore, #tpu.memory_space<semaphore_mem>>
        %dma_start3A_2125 = tpu.memref_squeeze %dma_start3A_2124 : memref<1x!tpu.dma_semaphore, #tpu.memory_space<semaphore_mem>> -> memref<!tpu.dma_semaphore, #tpu.memory_space<semaphore_mem>>
        tpu.enqueue_indirect_dma source(%arg7 : memref<128x16xf32, #tpu.memory_space<vmem>>) target(%dma_start3A_2123 : memref<10008x16xf32, #tpu.memory_space<vmem_shared>>) offsets(%dma_start3A_2120 : memref<128xi32, #tpu.memory_space<vmem>>) semaphore(%dma_start3A_2125 : memref<!tpu.dma_semaphore, #tpu.memory_space<semaphore_mem>>) {add = true}
        %dma_wait3A = arith.constant 0 : i32
        %dma_wait3A_2126 = arith.constant 0 : i32
        %dma_wait3A_2127 = arith.constant 0 : i32
        %dma_wait3A_2128 = tpu.memref_slice %arg6[%dma_wait3A, %dma_wait3A_2127] : memref<16x128xi32, #tpu.memory_space<vmem>> -> memref<1x128xi32, #tpu.memory_space<vmem>>
        %dma_wait3A_2129 = tpu.memref_squeeze %dma_wait3A_2128 : memref<1x128xi32, #tpu.memory_space<vmem>> -> memref<128xi32, #tpu.memory_space<vmem>>
        %dma_wait3A_2130 = arith.constant 0 : i32
        %dma_wait3A_2131 = arith.constant 0 : i32
        %dma_wait3A_2132 = tpu.memref_slice %arg10[%dma_wait3A_2130, %dma_wait3A_2131] : memref<10008x16xf32, #tpu.memory_space<vmem_shared>> -> memref<10008x16xf32, #tpu.memory_space<vmem_shared>>
        %dma_wait3A_2133 = tpu.memref_slice %arg9[%dma_wait3A_2126] : memref<4x!tpu.dma_semaphore, #tpu.memory_space<semaphore_mem>> -> memref<1x!tpu.dma_semaphore, #tpu.memory_space<semaphore_mem>>
        %dma_wait3A_2134 = tpu.memref_squeeze %dma_wait3A_2133 : memref<1x!tpu.dma_semaphore, #tpu.memory_space<semaphore_mem>> -> memref<!tpu.dma_semaphore, #tpu.memory_space<semaphore_mem>>
        tpu.wait_indirect_dma semaphore(%dma_wait3A_2134 : memref<!tpu.dma_semaphore, #tpu.memory_space<semaphore_mem>>) src(%arg7 : memref<128x16xf32, #tpu.memory_space<vmem>>) dst(%dma_wait3A_2132 : memref<10008x16xf32, #tpu.memory_space<vmem_shared>>)
        %dma_start3A_2135 = arith.constant 4 : i32
        %dma_start3A_2136 = arith.constant 0 : i32
        %dma_start3A_2137 = arith.constant 0 : i32
        %dma_start3A_2138 = tpu.memref_slice %arg6[%dma_start3A_2135, %dma_start3A_2137] : memref<16x128xi32, #tpu.memory_space<vmem>> -> memref<1x128xi32, #tpu.memory_space<vmem>>
        %dma_start3A_2139 = tpu.memref_squeeze %dma_start3A_2138 : memref<1x128xi32, #tpu.memory_space<vmem>> -> memref<128xi32, #tpu.memory_space<vmem>>
        %dma_start3A_2140 = arith.constant 0 : i32
        %dma_start3A_2141 = arith.constant 0 : i32
        %dma_start3A_2142 = tpu.memref_slice %arg10[%dma_start3A_2140, %dma_start3A_2141] : memref<10008x16xf32, #tpu.memory_space<vmem_shared>> -> memref<10008x16xf32, #tpu.memory_space<vmem_shared>>
        %dma_start3A_2143 = tpu.memref_slice %arg9[%dma_start3A_2136] : memref<4x!tpu.dma_semaphore, #tpu.memory_space<semaphore_mem>> -> memref<1x!tpu.dma_semaphore, #tpu.memory_space<semaphore_mem>>
        %dma_start3A_2144 = tpu.memref_squeeze %dma_start3A_2143 : memref<1x!tpu.dma_semaphore, #tpu.memory_space<semaphore_mem>> -> memref<!tpu.dma_semaphore, #tpu.memory_space<semaphore_mem>>
        tpu.enqueue_indirect_dma source(%arg7 : memref<128x16xf32, #tpu.memory_space<vmem>>) target(%dma_start3A_2142 : memref<10008x16xf32, #tpu.memory_space<vmem_shared>>) offsets(%dma_start3A_2139 : memref<128xi32, #tpu.memory_space<vmem>>) semaphore(%dma_start3A_2144 : memref<!tpu.dma_semaphore, #tpu.memory_space<semaphore_mem>>) {add = true}
        %dma_wait3A_2145 = arith.constant 1 : i32
        %dma_wait3A_2146 = arith.constant 1 : i32
        %dma_wait3A_2147 = arith.constant 0 : i32
        %dma_wait3A_2148 = tpu.memref_slice %arg6[%dma_wait3A_2145, %dma_wait3A_2147] : memref<16x128xi32, #tpu.memory_space<vmem>> -> memref<1x128xi32, #tpu.memory_space<vmem>>
        %dma_wait3A_2149 = tpu.memref_squeeze %dma_wait3A_2148 : memref<1x128xi32, #tpu.memory_space<vmem>> -> memref<128xi32, #tpu.memory_space<vmem>>
        %dma_wait3A_2150 = arith.constant 0 : i32
        %dma_wait3A_2151 = arith.constant 0 : i32
        %dma_wait3A_2152 = tpu.memref_slice %arg10[%dma_wait3A_2150, %dma_wait3A_2151] : memref<10008x16xf32, #tpu.memory_space<vmem_shared>> -> memref<10008x16xf32, #tpu.memory_space<vmem_shared>>
        %dma_wait3A_2153 = tpu.memref_slice %arg9[%dma_wait3A_2146] : memref<4x!tpu.dma_semaphore, #tpu.memory_space<semaphore_mem>> -> memref<1x!tpu.dma_semaphore, #tpu.memory_space<semaphore_mem>>
        %dma_wait3A_2154 = tpu.memref_squeeze %dma_wait3A_2153 : memref<1x!tpu.dma_semaphore, #tpu.memory_space<semaphore_mem>> -> memref<!tpu.dma_semaphore, #tpu.memory_space<semaphore_mem>>
        tpu.wait_indirect_dma semaphore(%dma_wait3A_2154 : memref<!tpu.dma_semaphore, #tpu.memory_space<semaphore_mem>>) src(%arg7 : memref<128x16xf32, #tpu.memory_space<vmem>>) dst(%dma_wait3A_2152 : memref<10008x16xf32, #tpu.memory_space<vmem_shared>>)
        %dma_start3A_2155 = arith.constant 5 : i32
        %dma_start3A_2156 = arith.constant 1 : i32
        %dma_start3A_2157 = arith.constant 0 : i32
        %dma_start3A_2158 = tpu.memref_slice %arg6[%dma_start3A_2155, %dma_start3A_2157] : memref<16x128xi32, #tpu.memory_space<vmem>> -> memref<1x128xi32, #tpu.memory_space<vmem>>
        %dma_start3A_2159 = tpu.memref_squeeze %dma_start3A_2158 : memref<1x128xi32, #tpu.memory_space<vmem>> -> memref<128xi32, #tpu.memory_space<vmem>>
        %dma_start3A_2160 = arith.constant 0 : i32
        %dma_start3A_2161 = arith.constant 0 : i32
        %dma_start3A_2162 = tpu.memref_slice %arg10[%dma_start3A_2160, %dma_start3A_2161] : memref<10008x16xf32, #tpu.memory_space<vmem_shared>> -> memref<10008x16xf32, #tpu.memory_space<vmem_shared>>
        %dma_start3A_2163 = tpu.memref_slice %arg9[%dma_start3A_2156] : memref<4x!tpu.dma_semaphore, #tpu.memory_space<semaphore_mem>> -> memref<1x!tpu.dma_semaphore, #tpu.memory_space<semaphore_mem>>
        %dma_start3A_2164 = tpu.memref_squeeze %dma_start3A_2163 : memref<1x!tpu.dma_semaphore, #tpu.memory_space<semaphore_mem>> -> memref<!tpu.dma_semaphore, #tpu.memory_space<semaphore_mem>>
        tpu.enqueue_indirect_dma source(%arg7 : memref<128x16xf32, #tpu.memory_space<vmem>>) target(%dma_start3A_2162 : memref<10008x16xf32, #tpu.memory_space<vmem_shared>>) offsets(%dma_start3A_2159 : memref<128xi32, #tpu.memory_space<vmem>>) semaphore(%dma_start3A_2164 : memref<!tpu.dma_semaphore, #tpu.memory_space<semaphore_mem>>) {add = true}
        %dma_wait3A_2165 = arith.constant 2 : i32
        %dma_wait3A_2166 = arith.constant 2 : i32
        %dma_wait3A_2167 = arith.constant 0 : i32
        %dma_wait3A_2168 = tpu.memref_slice %arg6[%dma_wait3A_2165, %dma_wait3A_2167] : memref<16x128xi32, #tpu.memory_space<vmem>> -> memref<1x128xi32, #tpu.memory_space<vmem>>
        %dma_wait3A_2169 = tpu.memref_squeeze %dma_wait3A_2168 : memref<1x128xi32, #tpu.memory_space<vmem>> -> memref<128xi32, #tpu.memory_space<vmem>>
        %dma_wait3A_2170 = arith.constant 0 : i32
        %dma_wait3A_2171 = arith.constant 0 : i32
        %dma_wait3A_2172 = tpu.memref_slice %arg10[%dma_wait3A_2170, %dma_wait3A_2171] : memref<10008x16xf32, #tpu.memory_space<vmem_shared>> -> memref<10008x16xf32, #tpu.memory_space<vmem_shared>>
        %dma_wait3A_2173 = tpu.memref_slice %arg9[%dma_wait3A_2166] : memref<4x!tpu.dma_semaphore, #tpu.memory_space<semaphore_mem>> -> memref<1x!tpu.dma_semaphore, #tpu.memory_space<semaphore_mem>>
        %dma_wait3A_2174 = tpu.memref_squeeze %dma_wait3A_2173 : memref<1x!tpu.dma_semaphore, #tpu.memory_space<semaphore_mem>> -> memref<!tpu.dma_semaphore, #tpu.memory_space<semaphore_mem>>
        tpu.wait_indirect_dma semaphore(%dma_wait3A_2174 : memref<!tpu.dma_semaphore, #tpu.memory_space<semaphore_mem>>) src(%arg7 : memref<128x16xf32, #tpu.memory_space<vmem>>) dst(%dma_wait3A_2172 : memref<10008x16xf32, #tpu.memory_space<vmem_shared>>)
        %dma_start3A_2175 = arith.constant 6 : i32
        %dma_start3A_2176 = arith.constant 2 : i32
        %dma_start3A_2177 = arith.constant 0 : i32
        %dma_start3A_2178 = tpu.memref_slice %arg6[%dma_start3A_2175, %dma_start3A_2177] : memref<16x128xi32, #tpu.memory_space<vmem>> -> memref<1x128xi32, #tpu.memory_space<vmem>>
        %dma_start3A_2179 = tpu.memref_squeeze %dma_start3A_2178 : memref<1x128xi32, #tpu.memory_space<vmem>> -> memref<128xi32, #tpu.memory_space<vmem>>
        %dma_start3A_2180 = arith.constant 0 : i32
        %dma_start3A_2181 = arith.constant 0 : i32
        %dma_start3A_2182 = tpu.memref_slice %arg10[%dma_start3A_2180, %dma_start3A_2181] : memref<10008x16xf32, #tpu.memory_space<vmem_shared>> -> memref<10008x16xf32, #tpu.memory_space<vmem_shared>>
        %dma_start3A_2183 = tpu.memref_slice %arg9[%dma_start3A_2176] : memref<4x!tpu.dma_semaphore, #tpu.memory_space<semaphore_mem>> -> memref<1x!tpu.dma_semaphore, #tpu.memory_space<semaphore_mem>>
        %dma_start3A_2184 = tpu.memref_squeeze %dma_start3A_2183 : memref<1x!tpu.dma_semaphore, #tpu.memory_space<semaphore_mem>> -> memref<!tpu.dma_semaphore, #tpu.memory_space<semaphore_mem>>
        tpu.enqueue_indirect_dma source(%arg7 : memref<128x16xf32, #tpu.memory_space<vmem>>) target(%dma_start3A_2182 : memref<10008x16xf32, #tpu.memory_space<vmem_shared>>) offsets(%dma_start3A_2179 : memref<128xi32, #tpu.memory_space<vmem>>) semaphore(%dma_start3A_2184 : memref<!tpu.dma_semaphore, #tpu.memory_space<semaphore_mem>>) {add = true}
        %dma_wait3A_2185 = arith.constant 3 : i32
        %dma_wait3A_2186 = arith.constant 3 : i32
        %dma_wait3A_2187 = arith.constant 0 : i32
        %dma_wait3A_2188 = tpu.memref_slice %arg6[%dma_wait3A_2185, %dma_wait3A_2187] : memref<16x128xi32, #tpu.memory_space<vmem>> -> memref<1x128xi32, #tpu.memory_space<vmem>>
        %dma_wait3A_2189 = tpu.memref_squeeze %dma_wait3A_2188 : memref<1x128xi32, #tpu.memory_space<vmem>> -> memref<128xi32, #tpu.memory_space<vmem>>
        %dma_wait3A_2190 = arith.constant 0 : i32
        %dma_wait3A_2191 = arith.constant 0 : i32
        %dma_wait3A_2192 = tpu.memref_slice %arg10[%dma_wait3A_2190, %dma_wait3A_2191] : memref<10008x16xf32, #tpu.memory_space<vmem_shared>> -> memref<10008x16xf32, #tpu.memory_space<vmem_shared>>
        %dma_wait3A_2193 = tpu.memref_slice %arg9[%dma_wait3A_2186] : memref<4x!tpu.dma_semaphore, #tpu.memory_space<semaphore_mem>> -> memref<1x!tpu.dma_semaphore, #tpu.memory_space<semaphore_mem>>
        %dma_wait3A_2194 = tpu.memref_squeeze %dma_wait3A_2193 : memref<1x!tpu.dma_semaphore, #tpu.memory_space<semaphore_mem>> -> memref<!tpu.dma_semaphore, #tpu.memory_space<semaphore_mem>>
        tpu.wait_indirect_dma semaphore(%dma_wait3A_2194 : memref<!tpu.dma_semaphore, #tpu.memory_space<semaphore_mem>>) src(%arg7 : memref<128x16xf32, #tpu.memory_space<vmem>>) dst(%dma_wait3A_2192 : memref<10008x16xf32, #tpu.memory_space<vmem_shared>>)
        %dma_start3A_2195 = arith.constant 7 : i32
        %dma_start3A_2196 = arith.constant 3 : i32
        %dma_start3A_2197 = arith.constant 0 : i32
        %dma_start3A_2198 = tpu.memref_slice %arg6[%dma_start3A_2195, %dma_start3A_2197] : memref<16x128xi32, #tpu.memory_space<vmem>> -> memref<1x128xi32, #tpu.memory_space<vmem>>
        %dma_start3A_2199 = tpu.memref_squeeze %dma_start3A_2198 : memref<1x128xi32, #tpu.memory_space<vmem>> -> memref<128xi32, #tpu.memory_space<vmem>>
        %dma_start3A_2200 = arith.constant 0 : i32
        %dma_start3A_2201 = arith.constant 0 : i32
        %dma_start3A_2202 = tpu.memref_slice %arg10[%dma_start3A_2200, %dma_start3A_2201] : memref<10008x16xf32, #tpu.memory_space<vmem_shared>> -> memref<10008x16xf32, #tpu.memory_space<vmem_shared>>
        %dma_start3A_2203 = tpu.memref_slice %arg9[%dma_start3A_2196] : memref<4x!tpu.dma_semaphore, #tpu.memory_space<semaphore_mem>> -> memref<1x!tpu.dma_semaphore, #tpu.memory_space<semaphore_mem>>
        %dma_start3A_2204 = tpu.memref_squeeze %dma_start3A_2203 : memref<1x!tpu.dma_semaphore, #tpu.memory_space<semaphore_mem>> -> memref<!tpu.dma_semaphore, #tpu.memory_space<semaphore_mem>>
        tpu.enqueue_indirect_dma source(%arg7 : memref<128x16xf32, #tpu.memory_space<vmem>>) target(%dma_start3A_2202 : memref<10008x16xf32, #tpu.memory_space<vmem_shared>>) offsets(%dma_start3A_2199 : memref<128xi32, #tpu.memory_space<vmem>>) semaphore(%dma_start3A_2204 : memref<!tpu.dma_semaphore, #tpu.memory_space<semaphore_mem>>) {add = true}
        %dma_wait3A_2205 = arith.constant 0 : i32
        %dma_wait3A_2206 = arith.constant 0 : i32
        %dma_wait3A_2207 = arith.constant 0 : i32
        %dma_wait3A_2208 = tpu.memref_slice %arg6[%dma_wait3A_2205, %dma_wait3A_2207] : memref<16x128xi32, #tpu.memory_space<vmem>> -> memref<1x128xi32, #tpu.memory_space<vmem>>
        %dma_wait3A_2209 = tpu.memref_squeeze %dma_wait3A_2208 : memref<1x128xi32, #tpu.memory_space<vmem>> -> memref<128xi32, #tpu.memory_space<vmem>>
        %dma_wait3A_2210 = arith.constant 0 : i32
        %dma_wait3A_2211 = arith.constant 0 : i32
        %dma_wait3A_2212 = tpu.memref_slice %arg10[%dma_wait3A_2210, %dma_wait3A_2211] : memref<10008x16xf32, #tpu.memory_space<vmem_shared>> -> memref<10008x16xf32, #tpu.memory_space<vmem_shared>>
        %dma_wait3A_2213 = tpu.memref_slice %arg9[%dma_wait3A_2206] : memref<4x!tpu.dma_semaphore, #tpu.memory_space<semaphore_mem>> -> memref<1x!tpu.dma_semaphore, #tpu.memory_space<semaphore_mem>>
        %dma_wait3A_2214 = tpu.memref_squeeze %dma_wait3A_2213 : memref<1x!tpu.dma_semaphore, #tpu.memory_space<semaphore_mem>> -> memref<!tpu.dma_semaphore, #tpu.memory_space<semaphore_mem>>
        tpu.wait_indirect_dma semaphore(%dma_wait3A_2214 : memref<!tpu.dma_semaphore, #tpu.memory_space<semaphore_mem>>) src(%arg7 : memref<128x16xf32, #tpu.memory_space<vmem>>) dst(%dma_wait3A_2212 : memref<10008x16xf32, #tpu.memory_space<vmem_shared>>)
        %dma_start3A_2215 = arith.constant 8 : i32
        %dma_start3A_2216 = arith.constant 0 : i32
        %dma_start3A_2217 = arith.constant 0 : i32
        %dma_start3A_2218 = tpu.memref_slice %arg6[%dma_start3A_2215, %dma_start3A_2217] : memref<16x128xi32, #tpu.memory_space<vmem>> -> memref<1x128xi32, #tpu.memory_space<vmem>>
        %dma_start3A_2219 = tpu.memref_squeeze %dma_start3A_2218 : memref<1x128xi32, #tpu.memory_space<vmem>> -> memref<128xi32, #tpu.memory_space<vmem>>
        %dma_start3A_2220 = arith.constant 0 : i32
        %dma_start3A_2221 = arith.constant 0 : i32
        %dma_start3A_2222 = tpu.memref_slice %arg10[%dma_start3A_2220, %dma_start3A_2221] : memref<10008x16xf32, #tpu.memory_space<vmem_shared>> -> memref<10008x16xf32, #tpu.memory_space<vmem_shared>>
        %dma_start3A_2223 = tpu.memref_slice %arg9[%dma_start3A_2216] : memref<4x!tpu.dma_semaphore, #tpu.memory_space<semaphore_mem>> -> memref<1x!tpu.dma_semaphore, #tpu.memory_space<semaphore_mem>>
        %dma_start3A_2224 = tpu.memref_squeeze %dma_start3A_2223 : memref<1x!tpu.dma_semaphore, #tpu.memory_space<semaphore_mem>> -> memref<!tpu.dma_semaphore, #tpu.memory_space<semaphore_mem>>
        tpu.enqueue_indirect_dma source(%arg7 : memref<128x16xf32, #tpu.memory_space<vmem>>) target(%dma_start3A_2222 : memref<10008x16xf32, #tpu.memory_space<vmem_shared>>) offsets(%dma_start3A_2219 : memref<128xi32, #tpu.memory_space<vmem>>) semaphore(%dma_start3A_2224 : memref<!tpu.dma_semaphore, #tpu.memory_space<semaphore_mem>>) {add = true}
        %dma_wait3A_2225 = arith.constant 1 : i32
        %dma_wait3A_2226 = arith.constant 1 : i32
        %dma_wait3A_2227 = arith.constant 0 : i32
        %dma_wait3A_2228 = tpu.memref_slice %arg6[%dma_wait3A_2225, %dma_wait3A_2227] : memref<16x128xi32, #tpu.memory_space<vmem>> -> memref<1x128xi32, #tpu.memory_space<vmem>>
        %dma_wait3A_2229 = tpu.memref_squeeze %dma_wait3A_2228 : memref<1x128xi32, #tpu.memory_space<vmem>> -> memref<128xi32, #tpu.memory_space<vmem>>
        %dma_wait3A_2230 = arith.constant 0 : i32
        %dma_wait3A_2231 = arith.constant 0 : i32
        %dma_wait3A_2232 = tpu.memref_slice %arg10[%dma_wait3A_2230, %dma_wait3A_2231] : memref<10008x16xf32, #tpu.memory_space<vmem_shared>> -> memref<10008x16xf32, #tpu.memory_space<vmem_shared>>
        %dma_wait3A_2233 = tpu.memref_slice %arg9[%dma_wait3A_2226] : memref<4x!tpu.dma_semaphore, #tpu.memory_space<semaphore_mem>> -> memref<1x!tpu.dma_semaphore, #tpu.memory_space<semaphore_mem>>
        %dma_wait3A_2234 = tpu.memref_squeeze %dma_wait3A_2233 : memref<1x!tpu.dma_semaphore, #tpu.memory_space<semaphore_mem>> -> memref<!tpu.dma_semaphore, #tpu.memory_space<semaphore_mem>>
        tpu.wait_indirect_dma semaphore(%dma_wait3A_2234 : memref<!tpu.dma_semaphore, #tpu.memory_space<semaphore_mem>>) src(%arg7 : memref<128x16xf32, #tpu.memory_space<vmem>>) dst(%dma_wait3A_2232 : memref<10008x16xf32, #tpu.memory_space<vmem_shared>>)
        %dma_start3A_2235 = arith.constant 9 : i32
        %dma_start3A_2236 = arith.constant 1 : i32
        %dma_start3A_2237 = arith.constant 0 : i32
        %dma_start3A_2238 = tpu.memref_slice %arg6[%dma_start3A_2235, %dma_start3A_2237] : memref<16x128xi32, #tpu.memory_space<vmem>> -> memref<1x128xi32, #tpu.memory_space<vmem>>
        %dma_start3A_2239 = tpu.memref_squeeze %dma_start3A_2238 : memref<1x128xi32, #tpu.memory_space<vmem>> -> memref<128xi32, #tpu.memory_space<vmem>>
        %dma_start3A_2240 = arith.constant 0 : i32
        %dma_start3A_2241 = arith.constant 0 : i32
        %dma_start3A_2242 = tpu.memref_slice %arg10[%dma_start3A_2240, %dma_start3A_2241] : memref<10008x16xf32, #tpu.memory_space<vmem_shared>> -> memref<10008x16xf32, #tpu.memory_space<vmem_shared>>
        %dma_start3A_2243 = tpu.memref_slice %arg9[%dma_start3A_2236] : memref<4x!tpu.dma_semaphore, #tpu.memory_space<semaphore_mem>> -> memref<1x!tpu.dma_semaphore, #tpu.memory_space<semaphore_mem>>
        %dma_start3A_2244 = tpu.memref_squeeze %dma_start3A_2243 : memref<1x!tpu.dma_semaphore, #tpu.memory_space<semaphore_mem>> -> memref<!tpu.dma_semaphore, #tpu.memory_space<semaphore_mem>>
        tpu.enqueue_indirect_dma source(%arg7 : memref<128x16xf32, #tpu.memory_space<vmem>>) target(%dma_start3A_2242 : memref<10008x16xf32, #tpu.memory_space<vmem_shared>>) offsets(%dma_start3A_2239 : memref<128xi32, #tpu.memory_space<vmem>>) semaphore(%dma_start3A_2244 : memref<!tpu.dma_semaphore, #tpu.memory_space<semaphore_mem>>) {add = true}
        %dma_wait3A_2245 = arith.constant 2 : i32
        %dma_wait3A_2246 = arith.constant 2 : i32
        %dma_wait3A_2247 = arith.constant 0 : i32
        %dma_wait3A_2248 = tpu.memref_slice %arg6[%dma_wait3A_2245, %dma_wait3A_2247] : memref<16x128xi32, #tpu.memory_space<vmem>> -> memref<1x128xi32, #tpu.memory_space<vmem>>
        %dma_wait3A_2249 = tpu.memref_squeeze %dma_wait3A_2248 : memref<1x128xi32, #tpu.memory_space<vmem>> -> memref<128xi32, #tpu.memory_space<vmem>>
        %dma_wait3A_2250 = arith.constant 0 : i32
        %dma_wait3A_2251 = arith.constant 0 : i32
        %dma_wait3A_2252 = tpu.memref_slice %arg10[%dma_wait3A_2250, %dma_wait3A_2251] : memref<10008x16xf32, #tpu.memory_space<vmem_shared>> -> memref<10008x16xf32, #tpu.memory_space<vmem_shared>>
        %dma_wait3A_2253 = tpu.memref_slice %arg9[%dma_wait3A_2246] : memref<4x!tpu.dma_semaphore, #tpu.memory_space<semaphore_mem>> -> memref<1x!tpu.dma_semaphore, #tpu.memory_space<semaphore_mem>>
        %dma_wait3A_2254 = tpu.memref_squeeze %dma_wait3A_2253 : memref<1x!tpu.dma_semaphore, #tpu.memory_space<semaphore_mem>> -> memref<!tpu.dma_semaphore, #tpu.memory_space<semaphore_mem>>
        tpu.wait_indirect_dma semaphore(%dma_wait3A_2254 : memref<!tpu.dma_semaphore, #tpu.memory_space<semaphore_mem>>) src(%arg7 : memref<128x16xf32, #tpu.memory_space<vmem>>) dst(%dma_wait3A_2252 : memref<10008x16xf32, #tpu.memory_space<vmem_shared>>)
        %dma_start3A_2255 = arith.constant 10 : i32
        %dma_start3A_2256 = arith.constant 2 : i32
        %dma_start3A_2257 = arith.constant 0 : i32
        %dma_start3A_2258 = tpu.memref_slice %arg6[%dma_start3A_2255, %dma_start3A_2257] : memref<16x128xi32, #tpu.memory_space<vmem>> -> memref<1x128xi32, #tpu.memory_space<vmem>>
        %dma_start3A_2259 = tpu.memref_squeeze %dma_start3A_2258 : memref<1x128xi32, #tpu.memory_space<vmem>> -> memref<128xi32, #tpu.memory_space<vmem>>
        %dma_start3A_2260 = arith.constant 0 : i32
        %dma_start3A_2261 = arith.constant 0 : i32
        %dma_start3A_2262 = tpu.memref_slice %arg10[%dma_start3A_2260, %dma_start3A_2261] : memref<10008x16xf32, #tpu.memory_space<vmem_shared>> -> memref<10008x16xf32, #tpu.memory_space<vmem_shared>>
        %dma_start3A_2263 = tpu.memref_slice %arg9[%dma_start3A_2256] : memref<4x!tpu.dma_semaphore, #tpu.memory_space<semaphore_mem>> -> memref<1x!tpu.dma_semaphore, #tpu.memory_space<semaphore_mem>>
        %dma_start3A_2264 = tpu.memref_squeeze %dma_start3A_2263 : memref<1x!tpu.dma_semaphore, #tpu.memory_space<semaphore_mem>> -> memref<!tpu.dma_semaphore, #tpu.memory_space<semaphore_mem>>
        tpu.enqueue_indirect_dma source(%arg7 : memref<128x16xf32, #tpu.memory_space<vmem>>) target(%dma_start3A_2262 : memref<10008x16xf32, #tpu.memory_space<vmem_shared>>) offsets(%dma_start3A_2259 : memref<128xi32, #tpu.memory_space<vmem>>) semaphore(%dma_start3A_2264 : memref<!tpu.dma_semaphore, #tpu.memory_space<semaphore_mem>>) {add = true}
        %dma_wait3A_2265 = arith.constant 3 : i32
        %dma_wait3A_2266 = arith.constant 3 : i32
        %dma_wait3A_2267 = arith.constant 0 : i32
        %dma_wait3A_2268 = tpu.memref_slice %arg6[%dma_wait3A_2265, %dma_wait3A_2267] : memref<16x128xi32, #tpu.memory_space<vmem>> -> memref<1x128xi32, #tpu.memory_space<vmem>>
        %dma_wait3A_2269 = tpu.memref_squeeze %dma_wait3A_2268 : memref<1x128xi32, #tpu.memory_space<vmem>> -> memref<128xi32, #tpu.memory_space<vmem>>
        %dma_wait3A_2270 = arith.constant 0 : i32
        %dma_wait3A_2271 = arith.constant 0 : i32
        %dma_wait3A_2272 = tpu.memref_slice %arg10[%dma_wait3A_2270, %dma_wait3A_2271] : memref<10008x16xf32, #tpu.memory_space<vmem_shared>> -> memref<10008x16xf32, #tpu.memory_space<vmem_shared>>
        %dma_wait3A_2273 = tpu.memref_slice %arg9[%dma_wait3A_2266] : memref<4x!tpu.dma_semaphore, #tpu.memory_space<semaphore_mem>> -> memref<1x!tpu.dma_semaphore, #tpu.memory_space<semaphore_mem>>
        %dma_wait3A_2274 = tpu.memref_squeeze %dma_wait3A_2273 : memref<1x!tpu.dma_semaphore, #tpu.memory_space<semaphore_mem>> -> memref<!tpu.dma_semaphore, #tpu.memory_space<semaphore_mem>>
        tpu.wait_indirect_dma semaphore(%dma_wait3A_2274 : memref<!tpu.dma_semaphore, #tpu.memory_space<semaphore_mem>>) src(%arg7 : memref<128x16xf32, #tpu.memory_space<vmem>>) dst(%dma_wait3A_2272 : memref<10008x16xf32, #tpu.memory_space<vmem_shared>>)
        %dma_start3A_2275 = arith.constant 11 : i32
        %dma_start3A_2276 = arith.constant 3 : i32
        %dma_start3A_2277 = arith.constant 0 : i32
        %dma_start3A_2278 = tpu.memref_slice %arg6[%dma_start3A_2275, %dma_start3A_2277] : memref<16x128xi32, #tpu.memory_space<vmem>> -> memref<1x128xi32, #tpu.memory_space<vmem>>
        %dma_start3A_2279 = tpu.memref_squeeze %dma_start3A_2278 : memref<1x128xi32, #tpu.memory_space<vmem>> -> memref<128xi32, #tpu.memory_space<vmem>>
        %dma_start3A_2280 = arith.constant 0 : i32
        %dma_start3A_2281 = arith.constant 0 : i32
        %dma_start3A_2282 = tpu.memref_slice %arg10[%dma_start3A_2280, %dma_start3A_2281] : memref<10008x16xf32, #tpu.memory_space<vmem_shared>> -> memref<10008x16xf32, #tpu.memory_space<vmem_shared>>
        %dma_start3A_2283 = tpu.memref_slice %arg9[%dma_start3A_2276] : memref<4x!tpu.dma_semaphore, #tpu.memory_space<semaphore_mem>> -> memref<1x!tpu.dma_semaphore, #tpu.memory_space<semaphore_mem>>
        %dma_start3A_2284 = tpu.memref_squeeze %dma_start3A_2283 : memref<1x!tpu.dma_semaphore, #tpu.memory_space<semaphore_mem>> -> memref<!tpu.dma_semaphore, #tpu.memory_space<semaphore_mem>>
        tpu.enqueue_indirect_dma source(%arg7 : memref<128x16xf32, #tpu.memory_space<vmem>>) target(%dma_start3A_2282 : memref<10008x16xf32, #tpu.memory_space<vmem_shared>>) offsets(%dma_start3A_2279 : memref<128xi32, #tpu.memory_space<vmem>>) semaphore(%dma_start3A_2284 : memref<!tpu.dma_semaphore, #tpu.memory_space<semaphore_mem>>) {add = true}
        %dma_wait3A_2285 = arith.constant 0 : i32
        %dma_wait3A_2286 = arith.constant 0 : i32
        %dma_wait3A_2287 = arith.constant 0 : i32
        %dma_wait3A_2288 = tpu.memref_slice %arg6[%dma_wait3A_2285, %dma_wait3A_2287] : memref<16x128xi32, #tpu.memory_space<vmem>> -> memref<1x128xi32, #tpu.memory_space<vmem>>
        %dma_wait3A_2289 = tpu.memref_squeeze %dma_wait3A_2288 : memref<1x128xi32, #tpu.memory_space<vmem>> -> memref<128xi32, #tpu.memory_space<vmem>>
        %dma_wait3A_2290 = arith.constant 0 : i32
        %dma_wait3A_2291 = arith.constant 0 : i32
        %dma_wait3A_2292 = tpu.memref_slice %arg10[%dma_wait3A_2290, %dma_wait3A_2291] : memref<10008x16xf32, #tpu.memory_space<vmem_shared>> -> memref<10008x16xf32, #tpu.memory_space<vmem_shared>>
        %dma_wait3A_2293 = tpu.memref_slice %arg9[%dma_wait3A_2286] : memref<4x!tpu.dma_semaphore, #tpu.memory_space<semaphore_mem>> -> memref<1x!tpu.dma_semaphore, #tpu.memory_space<semaphore_mem>>
        %dma_wait3A_2294 = tpu.memref_squeeze %dma_wait3A_2293 : memref<1x!tpu.dma_semaphore, #tpu.memory_space<semaphore_mem>> -> memref<!tpu.dma_semaphore, #tpu.memory_space<semaphore_mem>>
        tpu.wait_indirect_dma semaphore(%dma_wait3A_2294 : memref<!tpu.dma_semaphore, #tpu.memory_space<semaphore_mem>>) src(%arg7 : memref<128x16xf32, #tpu.memory_space<vmem>>) dst(%dma_wait3A_2292 : memref<10008x16xf32, #tpu.memory_space<vmem_shared>>)
        %dma_start3A_2295 = arith.constant 12 : i32
        %dma_start3A_2296 = arith.constant 0 : i32
        %dma_start3A_2297 = arith.constant 0 : i32
        %dma_start3A_2298 = tpu.memref_slice %arg6[%dma_start3A_2295, %dma_start3A_2297] : memref<16x128xi32, #tpu.memory_space<vmem>> -> memref<1x128xi32, #tpu.memory_space<vmem>>
        %dma_start3A_2299 = tpu.memref_squeeze %dma_start3A_2298 : memref<1x128xi32, #tpu.memory_space<vmem>> -> memref<128xi32, #tpu.memory_space<vmem>>
        %dma_start3A_2300 = arith.constant 0 : i32
        %dma_start3A_2301 = arith.constant 0 : i32
        %dma_start3A_2302 = tpu.memref_slice %arg10[%dma_start3A_2300, %dma_start3A_2301] : memref<10008x16xf32, #tpu.memory_space<vmem_shared>> -> memref<10008x16xf32, #tpu.memory_space<vmem_shared>>
        %dma_start3A_2303 = tpu.memref_slice %arg9[%dma_start3A_2296] : memref<4x!tpu.dma_semaphore, #tpu.memory_space<semaphore_mem>> -> memref<1x!tpu.dma_semaphore, #tpu.memory_space<semaphore_mem>>
        %dma_start3A_2304 = tpu.memref_squeeze %dma_start3A_2303 : memref<1x!tpu.dma_semaphore, #tpu.memory_space<semaphore_mem>> -> memref<!tpu.dma_semaphore, #tpu.memory_space<semaphore_mem>>
        tpu.enqueue_indirect_dma source(%arg7 : memref<128x16xf32, #tpu.memory_space<vmem>>) target(%dma_start3A_2302 : memref<10008x16xf32, #tpu.memory_space<vmem_shared>>) offsets(%dma_start3A_2299 : memref<128xi32, #tpu.memory_space<vmem>>) semaphore(%dma_start3A_2304 : memref<!tpu.dma_semaphore, #tpu.memory_space<semaphore_mem>>) {add = true}
        %dma_wait3A_2305 = arith.constant 1 : i32
        %dma_wait3A_2306 = arith.constant 1 : i32
        %dma_wait3A_2307 = arith.constant 0 : i32
        %dma_wait3A_2308 = tpu.memref_slice %arg6[%dma_wait3A_2305, %dma_wait3A_2307] : memref<16x128xi32, #tpu.memory_space<vmem>> -> memref<1x128xi32, #tpu.memory_space<vmem>>
        %dma_wait3A_2309 = tpu.memref_squeeze %dma_wait3A_2308 : memref<1x128xi32, #tpu.memory_space<vmem>> -> memref<128xi32, #tpu.memory_space<vmem>>
        %dma_wait3A_2310 = arith.constant 0 : i32
        %dma_wait3A_2311 = arith.constant 0 : i32
        %dma_wait3A_2312 = tpu.memref_slice %arg10[%dma_wait3A_2310, %dma_wait3A_2311] : memref<10008x16xf32, #tpu.memory_space<vmem_shared>> -> memref<10008x16xf32, #tpu.memory_space<vmem_shared>>
        %dma_wait3A_2313 = tpu.memref_slice %arg9[%dma_wait3A_2306] : memref<4x!tpu.dma_semaphore, #tpu.memory_space<semaphore_mem>> -> memref<1x!tpu.dma_semaphore, #tpu.memory_space<semaphore_mem>>
        %dma_wait3A_2314 = tpu.memref_squeeze %dma_wait3A_2313 : memref<1x!tpu.dma_semaphore, #tpu.memory_space<semaphore_mem>> -> memref<!tpu.dma_semaphore, #tpu.memory_space<semaphore_mem>>
        tpu.wait_indirect_dma semaphore(%dma_wait3A_2314 : memref<!tpu.dma_semaphore, #tpu.memory_space<semaphore_mem>>) src(%arg7 : memref<128x16xf32, #tpu.memory_space<vmem>>) dst(%dma_wait3A_2312 : memref<10008x16xf32, #tpu.memory_space<vmem_shared>>)
        %dma_start3A_2315 = arith.constant 13 : i32
        %dma_start3A_2316 = arith.constant 1 : i32
        %dma_start3A_2317 = arith.constant 0 : i32
        %dma_start3A_2318 = tpu.memref_slice %arg6[%dma_start3A_2315, %dma_start3A_2317] : memref<16x128xi32, #tpu.memory_space<vmem>> -> memref<1x128xi32, #tpu.memory_space<vmem>>
        %dma_start3A_2319 = tpu.memref_squeeze %dma_start3A_2318 : memref<1x128xi32, #tpu.memory_space<vmem>> -> memref<128xi32, #tpu.memory_space<vmem>>
        %dma_start3A_2320 = arith.constant 0 : i32
        %dma_start3A_2321 = arith.constant 0 : i32
        %dma_start3A_2322 = tpu.memref_slice %arg10[%dma_start3A_2320, %dma_start3A_2321] : memref<10008x16xf32, #tpu.memory_space<vmem_shared>> -> memref<10008x16xf32, #tpu.memory_space<vmem_shared>>
        %dma_start3A_2323 = tpu.memref_slice %arg9[%dma_start3A_2316] : memref<4x!tpu.dma_semaphore, #tpu.memory_space<semaphore_mem>> -> memref<1x!tpu.dma_semaphore, #tpu.memory_space<semaphore_mem>>
        %dma_start3A_2324 = tpu.memref_squeeze %dma_start3A_2323 : memref<1x!tpu.dma_semaphore, #tpu.memory_space<semaphore_mem>> -> memref<!tpu.dma_semaphore, #tpu.memory_space<semaphore_mem>>
        tpu.enqueue_indirect_dma source(%arg7 : memref<128x16xf32, #tpu.memory_space<vmem>>) target(%dma_start3A_2322 : memref<10008x16xf32, #tpu.memory_space<vmem_shared>>) offsets(%dma_start3A_2319 : memref<128xi32, #tpu.memory_space<vmem>>) semaphore(%dma_start3A_2324 : memref<!tpu.dma_semaphore, #tpu.memory_space<semaphore_mem>>) {add = true}
        %dma_wait3A_2325 = arith.constant 2 : i32
        %dma_wait3A_2326 = arith.constant 2 : i32
        %dma_wait3A_2327 = arith.constant 0 : i32
        %dma_wait3A_2328 = tpu.memref_slice %arg6[%dma_wait3A_2325, %dma_wait3A_2327] : memref<16x128xi32, #tpu.memory_space<vmem>> -> memref<1x128xi32, #tpu.memory_space<vmem>>
        %dma_wait3A_2329 = tpu.memref_squeeze %dma_wait3A_2328 : memref<1x128xi32, #tpu.memory_space<vmem>> -> memref<128xi32, #tpu.memory_space<vmem>>
        %dma_wait3A_2330 = arith.constant 0 : i32
        %dma_wait3A_2331 = arith.constant 0 : i32
        %dma_wait3A_2332 = tpu.memref_slice %arg10[%dma_wait3A_2330, %dma_wait3A_2331] : memref<10008x16xf32, #tpu.memory_space<vmem_shared>> -> memref<10008x16xf32, #tpu.memory_space<vmem_shared>>
        %dma_wait3A_2333 = tpu.memref_slice %arg9[%dma_wait3A_2326] : memref<4x!tpu.dma_semaphore, #tpu.memory_space<semaphore_mem>> -> memref<1x!tpu.dma_semaphore, #tpu.memory_space<semaphore_mem>>
        %dma_wait3A_2334 = tpu.memref_squeeze %dma_wait3A_2333 : memref<1x!tpu.dma_semaphore, #tpu.memory_space<semaphore_mem>> -> memref<!tpu.dma_semaphore, #tpu.memory_space<semaphore_mem>>
        tpu.wait_indirect_dma semaphore(%dma_wait3A_2334 : memref<!tpu.dma_semaphore, #tpu.memory_space<semaphore_mem>>) src(%arg7 : memref<128x16xf32, #tpu.memory_space<vmem>>) dst(%dma_wait3A_2332 : memref<10008x16xf32, #tpu.memory_space<vmem_shared>>)
        %dma_start3A_2335 = arith.constant 14 : i32
        %dma_start3A_2336 = arith.constant 2 : i32
        %dma_start3A_2337 = arith.constant 0 : i32
        %dma_start3A_2338 = tpu.memref_slice %arg6[%dma_start3A_2335, %dma_start3A_2337] : memref<16x128xi32, #tpu.memory_space<vmem>> -> memref<1x128xi32, #tpu.memory_space<vmem>>
        %dma_start3A_2339 = tpu.memref_squeeze %dma_start3A_2338 : memref<1x128xi32, #tpu.memory_space<vmem>> -> memref<128xi32, #tpu.memory_space<vmem>>
        %dma_start3A_2340 = arith.constant 0 : i32
        %dma_start3A_2341 = arith.constant 0 : i32
        %dma_start3A_2342 = tpu.memref_slice %arg10[%dma_start3A_2340, %dma_start3A_2341] : memref<10008x16xf32, #tpu.memory_space<vmem_shared>> -> memref<10008x16xf32, #tpu.memory_space<vmem_shared>>
        %dma_start3A_2343 = tpu.memref_slice %arg9[%dma_start3A_2336] : memref<4x!tpu.dma_semaphore, #tpu.memory_space<semaphore_mem>> -> memref<1x!tpu.dma_semaphore, #tpu.memory_space<semaphore_mem>>
        %dma_start3A_2344 = tpu.memref_squeeze %dma_start3A_2343 : memref<1x!tpu.dma_semaphore, #tpu.memory_space<semaphore_mem>> -> memref<!tpu.dma_semaphore, #tpu.memory_space<semaphore_mem>>
        tpu.enqueue_indirect_dma source(%arg7 : memref<128x16xf32, #tpu.memory_space<vmem>>) target(%dma_start3A_2342 : memref<10008x16xf32, #tpu.memory_space<vmem_shared>>) offsets(%dma_start3A_2339 : memref<128xi32, #tpu.memory_space<vmem>>) semaphore(%dma_start3A_2344 : memref<!tpu.dma_semaphore, #tpu.memory_space<semaphore_mem>>) {add = true}
        %dma_wait3A_2345 = arith.constant 3 : i32
        %dma_wait3A_2346 = arith.constant 3 : i32
        %dma_wait3A_2347 = arith.constant 0 : i32
        %dma_wait3A_2348 = tpu.memref_slice %arg6[%dma_wait3A_2345, %dma_wait3A_2347] : memref<16x128xi32, #tpu.memory_space<vmem>> -> memref<1x128xi32, #tpu.memory_space<vmem>>
        %dma_wait3A_2349 = tpu.memref_squeeze %dma_wait3A_2348 : memref<1x128xi32, #tpu.memory_space<vmem>> -> memref<128xi32, #tpu.memory_space<vmem>>
        %dma_wait3A_2350 = arith.constant 0 : i32
        %dma_wait3A_2351 = arith.constant 0 : i32
        %dma_wait3A_2352 = tpu.memref_slice %arg10[%dma_wait3A_2350, %dma_wait3A_2351] : memref<10008x16xf32, #tpu.memory_space<vmem_shared>> -> memref<10008x16xf32, #tpu.memory_space<vmem_shared>>
        %dma_wait3A_2353 = tpu.memref_slice %arg9[%dma_wait3A_2346] : memref<4x!tpu.dma_semaphore, #tpu.memory_space<semaphore_mem>> -> memref<1x!tpu.dma_semaphore, #tpu.memory_space<semaphore_mem>>
        %dma_wait3A_2354 = tpu.memref_squeeze %dma_wait3A_2353 : memref<1x!tpu.dma_semaphore, #tpu.memory_space<semaphore_mem>> -> memref<!tpu.dma_semaphore, #tpu.memory_space<semaphore_mem>>
        tpu.wait_indirect_dma semaphore(%dma_wait3A_2354 : memref<!tpu.dma_semaphore, #tpu.memory_space<semaphore_mem>>) src(%arg7 : memref<128x16xf32, #tpu.memory_space<vmem>>) dst(%dma_wait3A_2352 : memref<10008x16xf32, #tpu.memory_space<vmem_shared>>)
        %dma_start3A_2355 = arith.constant 15 : i32
        %dma_start3A_2356 = arith.constant 3 : i32
        %dma_start3A_2357 = arith.constant 0 : i32
        %dma_start3A_2358 = tpu.memref_slice %arg6[%dma_start3A_2355, %dma_start3A_2357] : memref<16x128xi32, #tpu.memory_space<vmem>> -> memref<1x128xi32, #tpu.memory_space<vmem>>
        %dma_start3A_2359 = tpu.memref_squeeze %dma_start3A_2358 : memref<1x128xi32, #tpu.memory_space<vmem>> -> memref<128xi32, #tpu.memory_space<vmem>>
        %dma_start3A_2360 = arith.constant 0 : i32
        %dma_start3A_2361 = arith.constant 0 : i32
        %dma_start3A_2362 = tpu.memref_slice %arg10[%dma_start3A_2360, %dma_start3A_2361] : memref<10008x16xf32, #tpu.memory_space<vmem_shared>> -> memref<10008x16xf32, #tpu.memory_space<vmem_shared>>
        %dma_start3A_2363 = tpu.memref_slice %arg9[%dma_start3A_2356] : memref<4x!tpu.dma_semaphore, #tpu.memory_space<semaphore_mem>> -> memref<1x!tpu.dma_semaphore, #tpu.memory_space<semaphore_mem>>
        %dma_start3A_2364 = tpu.memref_squeeze %dma_start3A_2363 : memref<1x!tpu.dma_semaphore, #tpu.memory_space<semaphore_mem>> -> memref<!tpu.dma_semaphore, #tpu.memory_space<semaphore_mem>>
        tpu.enqueue_indirect_dma source(%arg7 : memref<128x16xf32, #tpu.memory_space<vmem>>) target(%dma_start3A_2362 : memref<10008x16xf32, #tpu.memory_space<vmem_shared>>) offsets(%dma_start3A_2359 : memref<128xi32, #tpu.memory_space<vmem>>) semaphore(%dma_start3A_2364 : memref<!tpu.dma_semaphore, #tpu.memory_space<semaphore_mem>>) {add = true}
        %dma_wait3A_2365 = arith.constant 0 : i32
        %dma_wait3A_2366 = arith.constant 0 : i32
        %dma_wait3A_2367 = arith.constant 0 : i32
        %dma_wait3A_2368 = tpu.memref_slice %arg6[%dma_wait3A_2365, %dma_wait3A_2367] : memref<16x128xi32, #tpu.memory_space<vmem>> -> memref<1x128xi32, #tpu.memory_space<vmem>>
        %dma_wait3A_2369 = tpu.memref_squeeze %dma_wait3A_2368 : memref<1x128xi32, #tpu.memory_space<vmem>> -> memref<128xi32, #tpu.memory_space<vmem>>
        %dma_wait3A_2370 = arith.constant 0 : i32
        %dma_wait3A_2371 = arith.constant 0 : i32
        %dma_wait3A_2372 = tpu.memref_slice %arg10[%dma_wait3A_2370, %dma_wait3A_2371] : memref<10008x16xf32, #tpu.memory_space<vmem_shared>> -> memref<10008x16xf32, #tpu.memory_space<vmem_shared>>
        %dma_wait3A_2373 = tpu.memref_slice %arg9[%dma_wait3A_2366] : memref<4x!tpu.dma_semaphore, #tpu.memory_space<semaphore_mem>> -> memref<1x!tpu.dma_semaphore, #tpu.memory_space<semaphore_mem>>
        %dma_wait3A_2374 = tpu.memref_squeeze %dma_wait3A_2373 : memref<1x!tpu.dma_semaphore, #tpu.memory_space<semaphore_mem>> -> memref<!tpu.dma_semaphore, #tpu.memory_space<semaphore_mem>>
        tpu.wait_indirect_dma semaphore(%dma_wait3A_2374 : memref<!tpu.dma_semaphore, #tpu.memory_space<semaphore_mem>>) src(%arg7 : memref<128x16xf32, #tpu.memory_space<vmem>>) dst(%dma_wait3A_2372 : memref<10008x16xf32, #tpu.memory_space<vmem_shared>>)
        %dma_wait3A_2375 = arith.constant 1 : i32
        %dma_wait3A_2376 = arith.constant 1 : i32
        %dma_wait3A_2377 = arith.constant 0 : i32
        %dma_wait3A_2378 = tpu.memref_slice %arg6[%dma_wait3A_2375, %dma_wait3A_2377] : memref<16x128xi32, #tpu.memory_space<vmem>> -> memref<1x128xi32, #tpu.memory_space<vmem>>
        %dma_wait3A_2379 = tpu.memref_squeeze %dma_wait3A_2378 : memref<1x128xi32, #tpu.memory_space<vmem>> -> memref<128xi32, #tpu.memory_space<vmem>>
        %dma_wait3A_2380 = arith.constant 0 : i32
        %dma_wait3A_2381 = arith.constant 0 : i32
        %dma_wait3A_2382 = tpu.memref_slice %arg10[%dma_wait3A_2380, %dma_wait3A_2381] : memref<10008x16xf32, #tpu.memory_space<vmem_shared>> -> memref<10008x16xf32, #tpu.memory_space<vmem_shared>>
        %dma_wait3A_2383 = tpu.memref_slice %arg9[%dma_wait3A_2376] : memref<4x!tpu.dma_semaphore, #tpu.memory_space<semaphore_mem>> -> memref<1x!tpu.dma_semaphore, #tpu.memory_space<semaphore_mem>>
        %dma_wait3A_2384 = tpu.memref_squeeze %dma_wait3A_2383 : memref<1x!tpu.dma_semaphore, #tpu.memory_space<semaphore_mem>> -> memref<!tpu.dma_semaphore, #tpu.memory_space<semaphore_mem>>
        tpu.wait_indirect_dma semaphore(%dma_wait3A_2384 : memref<!tpu.dma_semaphore, #tpu.memory_space<semaphore_mem>>) src(%arg7 : memref<128x16xf32, #tpu.memory_space<vmem>>) dst(%dma_wait3A_2382 : memref<10008x16xf32, #tpu.memory_space<vmem_shared>>)
        %dma_wait3A_2385 = arith.constant 2 : i32
        %dma_wait3A_2386 = arith.constant 2 : i32
        %dma_wait3A_2387 = arith.constant 0 : i32
        %dma_wait3A_2388 = tpu.memref_slice %arg6[%dma_wait3A_2385, %dma_wait3A_2387] : memref<16x128xi32, #tpu.memory_space<vmem>> -> memref<1x128xi32, #tpu.memory_space<vmem>>
        %dma_wait3A_2389 = tpu.memref_squeeze %dma_wait3A_2388 : memref<1x128xi32, #tpu.memory_space<vmem>> -> memref<128xi32, #tpu.memory_space<vmem>>
        %dma_wait3A_2390 = arith.constant 0 : i32
        %dma_wait3A_2391 = arith.constant 0 : i32
        %dma_wait3A_2392 = tpu.memref_slice %arg10[%dma_wait3A_2390, %dma_wait3A_2391] : memref<10008x16xf32, #tpu.memory_space<vmem_shared>> -> memref<10008x16xf32, #tpu.memory_space<vmem_shared>>
        %dma_wait3A_2393 = tpu.memref_slice %arg9[%dma_wait3A_2386] : memref<4x!tpu.dma_semaphore, #tpu.memory_space<semaphore_mem>> -> memref<1x!tpu.dma_semaphore, #tpu.memory_space<semaphore_mem>>
        %dma_wait3A_2394 = tpu.memref_squeeze %dma_wait3A_2393 : memref<1x!tpu.dma_semaphore, #tpu.memory_space<semaphore_mem>> -> memref<!tpu.dma_semaphore, #tpu.memory_space<semaphore_mem>>
        tpu.wait_indirect_dma semaphore(%dma_wait3A_2394 : memref<!tpu.dma_semaphore, #tpu.memory_space<semaphore_mem>>) src(%arg7 : memref<128x16xf32, #tpu.memory_space<vmem>>) dst(%dma_wait3A_2392 : memref<10008x16xf32, #tpu.memory_space<vmem_shared>>)
        %dma_wait3A_2395 = arith.constant 3 : i32
        %dma_wait3A_2396 = arith.constant 3 : i32
        %dma_wait3A_2397 = arith.constant 0 : i32
        %dma_wait3A_2398 = tpu.memref_slice %arg6[%dma_wait3A_2395, %dma_wait3A_2397] : memref<16x128xi32, #tpu.memory_space<vmem>> -> memref<1x128xi32, #tpu.memory_space<vmem>>
        %dma_wait3A_2399 = tpu.memref_squeeze %dma_wait3A_2398 : memref<1x128xi32, #tpu.memory_space<vmem>> -> memref<128xi32, #tpu.memory_space<vmem>>
        %dma_wait3A_2400 = arith.constant 0 : i32
        %dma_wait3A_2401 = arith.constant 0 : i32
        %dma_wait3A_2402 = tpu.memref_slice %arg10[%dma_wait3A_2400, %dma_wait3A_2401] : memref<10008x16xf32, #tpu.memory_space<vmem_shared>> -> memref<10008x16xf32, #tpu.memory_space<vmem_shared>>
        %dma_wait3A_2403 = tpu.memref_slice %arg9[%dma_wait3A_2396] : memref<4x!tpu.dma_semaphore, #tpu.memory_space<semaphore_mem>> -> memref<1x!tpu.dma_semaphore, #tpu.memory_space<semaphore_mem>>
        %dma_wait3A_2404 = tpu.memref_squeeze %dma_wait3A_2403 : memref<1x!tpu.dma_semaphore, #tpu.memory_space<semaphore_mem>> -> memref<!tpu.dma_semaphore, #tpu.memory_space<semaphore_mem>>
        tpu.wait_indirect_dma semaphore(%dma_wait3A_2404 : memref<!tpu.dma_semaphore, #tpu.memory_space<semaphore_mem>>) src(%arg7 : memref<128x16xf32, #tpu.memory_space<vmem>>) dst(%dma_wait3A_2402 : memref<10008x16xf32, #tpu.memory_space<vmem_shared>>)
      }
      %scan3A_2072 = arith.constant 10 : i32
      %barrier3A_2073 = arith.constant 0 : index
      tpu.barrier barrier_id(%barrier3A_2073)
      %mul3A_2074 = arith.constant 624 : i32
      %mul3A_2075 = arith.muli %arg1, %mul3A_2074 : i32
      "tpu.region"() ({
        %run_scoped3A = tpu.sem_alloc : memref<!tpu.dma_semaphore, #tpu.memory_space<semaphore_mem>>
        %dma_start3A = arith.constant 0 : i32
        %dma_start3A_2081 = tpu.memref_slice %arg5[%mul3A_2075, %dma_start3A] : memref<10000x16xf32, #tpu.memory_space<hbm>> -> memref<624x16xf32, #tpu.memory_space<hbm>>
        %dma_start3A_2082 = arith.constant 0 : i32
        %dma_start3A_2083 = tpu.memref_slice %arg10[%mul3A_2075, %dma_start3A_2082] : memref<10008x16xf32, #tpu.memory_space<vmem_shared>> -> memref<624x16xf32, #tpu.memory_space<vmem_shared>>
        tpu.enqueue_dma source(%dma_start3A_2083 : memref<624x16xf32, #tpu.memory_space<vmem_shared>>) target(%dma_start3A_2081 : memref<624x16xf32, #tpu.memory_space<hbm>>) target_semaphore(%run_scoped3A : memref<!tpu.dma_semaphore, #tpu.memory_space<semaphore_mem>>)
        %dma_wait3A = arith.constant 0 : i32
        %dma_wait3A_2084 = tpu.memref_slice %arg5[%mul3A_2075, %dma_wait3A] : memref<10000x16xf32, #tpu.memory_space<hbm>> -> memref<624x16xf32, #tpu.memory_space<hbm>>
        %dma_wait3A_2085 = arith.constant 0 : i32
        %dma_wait3A_2086 = tpu.memref_slice %arg10[%mul3A_2075, %dma_wait3A_2085] : memref<10008x16xf32, #tpu.memory_space<vmem_shared>> -> memref<624x16xf32, #tpu.memory_space<vmem_shared>>
        tpu.wait_dma2 semaphore(%run_scoped3A : memref<!tpu.dma_semaphore, #tpu.memory_space<semaphore_mem>>) src(%dma_wait3A_2086 : memref<624x16xf32, #tpu.memory_space<vmem_shared>>) dst(%dma_wait3A_2084 : memref<624x16xf32, #tpu.memory_space<hbm>>)
        tpu.yield
      }) : () -> ()
      %eq3A_2076 = arith.constant 15 : i32
      %eq3A_2077 = arith.cmpi eq, %arg1, %eq3A_2076 : i32
      %convert_element_type3A_2078 = arith.extui %eq3A_2077 : i1 to i32
      %cond3A_2079 = arith.constant 0 : i32
      %cond3A_2080 = arith.cmpi ne, %convert_element_type3A_2078, %cond3A_2079 : i32
      scf.if %cond3A_2080 {
        "tpu.region"() ({
          %run_scoped3A = tpu.sem_alloc : memref<!tpu.dma_semaphore, #tpu.memory_space<semaphore_mem>>
          %dma_start3A = arith.constant 9984 : i32
          %dma_start3A_2081 = arith.constant 0 : i32
          %dma_start3A_2082 = tpu.memref_slice %arg5[%dma_start3A, %dma_start3A_2081] : memref<10000x16xf32, #tpu.memory_space<hbm>> -> memref<16x16xf32, #tpu.memory_space<hbm>>
          %dma_start3A_2083 = arith.constant 9984 : i32
          %dma_start3A_2084 = arith.constant 0 : i32
          %dma_start3A_2085 = tpu.memref_slice %arg10[%dma_start3A_2083, %dma_start3A_2084] : memref<10008x16xf32, #tpu.memory_space<vmem_shared>> -> memref<16x16xf32, #tpu.memory_space<vmem_shared>>
          tpu.enqueue_dma source(%dma_start3A_2085 : memref<16x16xf32, #tpu.memory_space<vmem_shared>>) target(%dma_start3A_2082 : memref<16x16xf32, #tpu.memory_space<hbm>>) target_semaphore(%run_scoped3A : memref<!tpu.dma_semaphore, #tpu.memory_space<semaphore_mem>>)
          %dma_wait3A = arith.constant 9984 : i32
          %dma_wait3A_2086 = arith.constant 0 : i32
          %dma_wait3A_2087 = tpu.memref_slice %arg5[%dma_wait3A, %dma_wait3A_2086] : memref<10000x16xf32, #tpu.memory_space<hbm>> -> memref<16x16xf32, #tpu.memory_space<hbm>>
          %dma_wait3A_2088 = arith.constant 9984 : i32
          %dma_wait3A_2089 = arith.constant 0 : i32
          %dma_wait3A_2090 = tpu.memref_slice %arg10[%dma_wait3A_2088, %dma_wait3A_2089] : memref<10008x16xf32, #tpu.memory_space<vmem_shared>> -> memref<16x16xf32, #tpu.memory_space<vmem_shared>>
          tpu.wait_dma2 semaphore(%run_scoped3A : memref<!tpu.dma_semaphore, #tpu.memory_space<semaphore_mem>>) src(%dma_wait3A_2090 : memref<16x16xf32, #tpu.memory_space<vmem_shared>>) dst(%dma_wait3A_2087 : memref<16x16xf32, #tpu.memory_space<hbm>>)
          tpu.yield
        }) : () -> ()
      } else {
      }
    } else {
    }
    return
  }
}

</mosaic_0001>

<sc_bundles>
// kernel: _sc_deg.3.cloned.1.call-start
scs
__scs_entry_jumppad:
0x0: {  	(pc) =	sbr.rel $0x88, $3  }
0x1: {  	(tag) =	ssettag $0x0;
	lr =	simm.s32 $0x1  }
0x2: {  	[smem:$0x3F9F] =	sst lr;
	_ =	strace $0xD0000000  }
0x3: {  	_ = 	snop  }
0x4: {  	_ = 	snop  }
0x5: {  	_ = 	snop  }
0x6: {  	_ = 	snop  }
0x7: {  	_ = 	snop  }
__scs_overlays_trampoline_lowered:
0x8: {  	[smem:$0x3FAE] =	sst s0  }
0x9: {  	[smem:$0x3FAF] =	sst s1  }
0xa: {  	[smem:$0x3FB0] =	sst s2  }
0xb: {  	[smem:$0x3FB1] =	sst s3  }
0xc: {  	[smem:$0x3FB2] =	sst s4  }
0xd: {  	[smem:$0x3FB3] =	sst s5  }
0xe: {  	[smem:$0x3FB4] =	sst s6  }
0xf: {  	[smem:$0x3FB5] =	sst s7  }
0x10: {  	[smem:$0x3FB6] =	sst s8  }
0x11: {  	[smem:$0x3FB7] =	sst s9;
	s0 =	simm.s32 @!p0 $0x0  }
0x12: {  	s1 =	sld [smem:$0x3F9D];
	s0 =	simm.s32 @p0 $0x1  }
0x13: {  	[smem:$0x3FB8] =	sst s0;
	s0 =	simm.s32 @!p1 $0x0  }
0x14: {  	s2 =	sld [smem:$0x3F9C];
	s0 =	simm.s32 @p1 $0x1  }
0x15: {  	[smem:$0x3FB9] =	sst s0;
	s0 =	simm.s32 @!p2 $0x0  }
0x16: {  	s3 =	sld [smem:$0x3FDB];
	s0 =	simm.s32 @p2 $0x1  }
0x17: {  	s4 =	simm.s32 $0x1BF5;
	[smem:$0x3FBB] =	sst s0  }
0x18: {  	s0 =	sld [smem:$0x3F9E];
	_ =	swait.ge [sflag:s4], $0x0  }
0x19: {  	s7 =	sld [smem:$0x3F9F]  }
0x1a: {  	s8 =	sadd.s32 $0xFFFFE003, lr  }
0x1b: {  	s9 =	sadd.s32 $0xFFFFFEF7, lr;
	s5 =	simm.s32 $0xFFFFFFFF;
	p2 =	slt.u32 s8, $0xFFFFF086  }
0x1c: {  	p1 =	slt.u32 s9, $0xF7A;
	s5 =	simm.s32 @!p2 $0x0  }
0x1d: {  	s5 =	simm.s32 @p1 $0x1;
	p0 =	seq.s32 s7, s2  }
0x1e: {  	s7 =	smul.u32 @!p0 $0xF7A, s2;
	p2 =	seq.s32 @!p0 s5, $0x0  }
0x1f: {  	s9 =	smul.u32 $0xF7A, s1;
	s8 =	simm.s32 @!p0 $0x1BF5;
	p2 =	por !p2, p0  }
0x20: {  	[sflag:s8] =	ssyncset.s32 @!p0 $0xFFFFF086;
	s6 =	sadd.s32 @!p0 s3, s7;
	s7 =	simm.s32 @!p0 $0x108  }
0x21: {  	s3 =	sadd.s32 s3, s9;
	s6 =	sadd.s32 @!p0 $0x88, s6;
	s7 =	simm.s32 @p2 $0x1082  }
0x22: {  	[simem:s7], [sflag:s8] =	dma.local @!p0 [hbm:s6], $0xF7A  }
0x23: {  	s9 =	sor.u32 $0xD0000000, s2;
	s6 =	simm.s32 $0x108;
	_ =	swait.ge @!p0 [sflag:s8], $0x0  }
0x24: {  	s3 =	sadd.s32 $0x88, s3;
	s6 =	simm.s32 @!p1 $0x1082;
	[sflag:s4] =	ssyncset.s32 $0xFFFFF086  }
0x25: {  	[simem:s6], [sflag:s4] =	dma.local [hbm:s3], $0xF7A  }
0x26: {  	[smem:$0x3F9F] =	sst s1;
	(tag) =	ssettag s2;
	_ =	strace s9  }
0x27: {  	s1 =	sld [smem:$0x3FAF]  }
0x28: {  	s2 =	sld [smem:$0x3FB0]  }
0x29: {  	s4 =	sld [smem:$0x3FB2]  }
0x2a: {  	p0 =	seq.s32 s5, $0x0;
	s5 =	sld [smem:$0x3FB3]  }
0x2b: {  	s6 =	sld [smem:$0x3FB4]  }
0x2c: {  	s7 =	sld [smem:$0x3FB5]  }
0x2d: {  	s3 =	simm.s32 $0x108;
	s8 =	sld [smem:$0x3FB6]  }
0x2e: {  	s3 =	simm.s32 @!p0 $0x1082;
	s9 =	sld [smem:$0x3FB7]  }
0x2f: {  	lr =	sadd.s32 s0, s3;
	s0 =	sld [smem:$0x3FAE]  }
0x30: {  	s3 =	sld [smem:$0x3FB1]  }
0x31: {  	[smem:$0x3FBA] =	sst s10  }
0x32: {  	s10 =	sld [smem:$0x3FB8];
	_ =	sdelay $0x3  }
0x33: {  	p0 =	seq.s32 s10, $0x1;
	s10 =	sld [smem:$0x3FBA];
	_ =	sdelay $0x3  }
0x34: {  	[smem:$0x3FBA] =	sst s10  }
0x35: {  	s10 =	sld [smem:$0x3FB9];
	_ =	sdelay $0x3  }
0x36: {  	p1 =	seq.s32 s10, $0x1;
	s10 =	sld [smem:$0x3FBA];
	_ =	sdelay $0x3  }
0x37: {  	[smem:$0x3FBA] =	sst s10  }
0x38: {  	s10 =	sld [smem:$0x3FBB]  }
0x39: {  	_ = 	snop;
	(pc) =	sbr.ind lr, $3  }
0x3a: {  	_ = 	snop  }
0x3b: {  	_ = 	snop  }
0x3c: {  	p2 =	seq.s32 s10, $0x1;
	s10 =	sld [smem:$0x3FBA]  }
0x3d: {  	_ =	shalt  }
0x3e: {  	_ =	shalt  }
0x3f: {  	_ =	shalt  }
0x40: {  	_ =	shalt  }
0x41: {  	_ =	shalt  }
0x42: {  	_ =	shalt  }
0x43: {  	_ =	shalt  }
0x44: {  	_ =	shalt  }
0x45: {  	_ =	shalt  }
0x46: {  	_ =	shalt  }
0x47: {  	_ =	shalt  }
0x48: {  	_ =	shalt  }
0x49: {  	_ =	shalt  }
0x4a: {  	_ =	shalt  }
0x4b: {  	_ =	shalt  }
0x4c: {  	_ =	shalt  }
0x4d: {  	_ =	shalt  }
0x4e: {  	_ =	shalt  }
0x4f: {  	_ =	shalt  }
0x50: {  	_ =	shalt  }
0x51: {  	_ =	shalt  }
0x52: {  	_ =	shalt  }
0x53: {  	_ =	shalt  }
0x54: {  	_ =	shalt  }
0x55: {  	_ =	shalt  }
0x56: {  	_ =	shalt  }
0x57: {  	_ =	shalt  }
0x58: {  	_ =	shalt  }
0x59: {  	_ =	shalt  }
0x5a: {  	_ =	shalt  }
0x5b: {  	_ =	shalt  }
0x5c: {  	_ =	shalt  }
0x5d: {  	_ =	shalt  }
0x5e: {  	_ =	shalt  }
0x5f: {  	_ =	shalt  }
0x60: {  	_ =	shalt  }
0x61: {  	_ =	shalt  }
0x62: {  	_ =	shalt  }
0x63: {  	_ =	shalt  }
0x64: {  	_ =	shalt  }
0x65: {  	_ =	shalt  }
0x66: {  	_ =	shalt  }
0x67: {  	_ =	shalt  }
0x68: {  	_ =	shalt  }
0x69: {  	_ =	shalt  }
0x6a: {  	_ =	shalt  }
0x6b: {  	_ =	shalt  }
0x6c: {  	_ =	shalt  }
0x6d: {  	_ =	shalt  }
0x6e: {  	_ =	shalt  }
0x6f: {  	_ =	shalt  }
0x70: {  	_ =	shalt  }
0x71: {  	_ =	shalt  }
0x72: {  	_ =	shalt  }
0x73: {  	_ =	shalt  }
0x74: {  	_ =	shalt  }
0x75: {  	_ =	shalt  }
0x76: {  	_ =	shalt  }
0x77: {  	_ =	shalt  }
0x78: {  	_ =	shalt  }
0x79: {  	_ =	shalt  }
0x7a: {  	_ =	shalt  }
0x7b: {  	_ =	shalt  }
0x7c: {  	_ =	shalt  }
0x7d: {  	_ =	shalt  }
0x7e: {  	_ =	shalt  }
0x7f: {  	_ =	shalt  }
0x80: {  	_ =	shalt  }
0x81: {  	_ =	shalt  }
0x82: {  	_ =	shalt  }
0x83: {  	_ =	shalt  }
0x84: {  	_ =	shalt  }
0x85: {  	_ =	shalt  }
0x86: {  	_ =	shalt  }
0x87: {  	_ =	shalt  }
.Lfunc_end0:
.L_simem_size_0:
called_computation_lowered:
.L_overlay_start_0:
0x88: {  	s2 =	sld [smem:$0x3FD9]  }
0x89: {  	s3 =	sld [smem:$0x3FFE];
	_ =	sdelay $0x1  }
0x8a: {  	s1 =	srdreg.scid  }
0x8b: {  	s0 =	sand.u32 $0x1, s1  }
0x8c: {  	s17 =	sshll.u32 s0, $0xA;
	s2 =	sadd.s32 s3, s2  }
0x8d: {  	s2 =	sadd.s32 s2, s17  }
0x8e: {  	[smem:$0x3FC6] =	sst s2  }
0x8f: {  	_ = 	snop  }
0x90: {  	s2 =	sld [smem:$0x3FC9]  }
0x91: {  	s18 =	sld [smem:$0x3FC8];
	(tm) =	ssettm $0x1  }
0x92: {  	s4 =	sld [smem:$0x3FFB];
	_ =	sdelay $0x3  }
0x93: {  	_ =	strace s4  }
0x94: {  	s4 =	sld [smem:$0x3FFC];
	_ =	sdelay $0x3  }
0x95: {  	_ =	strace s4  }
0x96: {  	s4 =	sld [smem:$0x3FFD];
	_ =	sdelay $0x3  }
0x97: {  	_ =	strace s4  }
0x98: {  	_ =	strace $0x8FFFFFFF  }
0x99: {  	s19 =	sld [smem:$0x3FDB];
	_ =	sdelay $0x1  }
0x9a: {  	s5 =	simm.s32 $_scs_section_size  }
0x9b: {  	s6 =	simm.s32 $_size__tile_overlayer_lowered;
	s7 =	simm.s32 $_tile_overlayer_lowered  }
0x9c: {  	s22 =	simm.s32 $0x1BFF;
	s21 =	sshll.u32 s7, $0x1;
	s4 =	sadd.s32 s5, s19  }
0x9d: {  	s8 =	simm.s32 $0x0;
	s20 =	sshll.u32 s6, $0x1;
	s6 =	sadd.s32 s21, s4  }
0x9e: {  	[timem:s8], [sflag:s22] =	dma.local [hbm:s6], s20  }
0x9f: {  	_ =	swait.ge [sflag:s22], s20  }
0xa0: {  	s5 =	ssub.s32 $0x0, s20;
	[sflag:s22] =	ssyncset.done $0x0  }
0xa1: {  	[sflag:s22] =	ssyncadd.s32 s5;
	_ =	sdelay $0x1  }
0xa2: {  	s23 =	simm.s32 $0x1B8B  }
0xa3: {  	_ =	swait.ge [sflag:s23], $0x1  }
0xa4: {  	[sflag:s23] =	ssyncset.done $0x0  }
0xa5: {  	s25 =	simm.s32 $0x1B8E;
	s24 =	sld [smem:$0x3FFE];
	[sflag:s23] =	ssyncadd.s32 $0xFFFFFFFF  }
0xa6: {  	s26 =	simm.s32 $execute0_lowered;
	[smem:$0x3FD2] =	sst s25  }
0xa7: {  	s6 =	sshll.u32 s26, $0x1;
	_ =	strace $0x80000046;
	[dreg:$0x1] =	wrdreg $0xFFFFFFFF  }
0xa8: {  	s28 =	simm.s32 $_size_execute0_lowered;
	s4 =	sadd.s32 s4, s6;
	[dreg:$0x0] =	wrdreg $0x0  }
0xa9: {  	s6 =	sshll.u32 s28, $0x1;
	[dreg:$0x2] =	wrdreg s4  }
0xaa: {  	[dreg:$0x3] =	wrdreg s6  }
0xab: {  	[dreg:$0x4] =	wrdreg $0xC0  }
0xac: {  	_ =	task [dreg:s8], $0x5FFFF  }
0xad: {  	[dreg:$0x1] =	wrdreg $0xFFFFFFFF  }
0xae: {  	[dreg:$0x0] =	wrdreg $0x60  }
0xaf: {  	[dreg:$0x2] =	wrdreg s2  }
0xb0: {  	[dreg:$0x3] =	wrdreg s18  }
0xb1: {  	[dreg:$0x4] =	wrdreg s24  }
0xb2: {  	[dreg:$0x5] =	wrdreg $0x88000  }
0xb3: {  	[dreg:$0x6] =	wrdreg $0x9  }
0xb4: {  	_ =	task.clear_ibuf [dreg:s8], $0x7FFFF;
	_ =	strace $0x90000046  }
0xb5: {  	s29 =	simm.s32 $0x9;
	_ =	strace $0x80000048  }
0xb6: {  	_ =	swait.ge [sflag:s29], $0x1  }
0xb7: {  	[sflag:s29] =	ssyncadd.s32 $0xFFFFFFFF  }
0xb8: {  	_ =	strace $0x90000048  }
0xb9: {  	_ =	sfence  }
0xba: {  	s30 =	sld [smem:$0x0];
	_ =	sdelay $0x2  }
0xbb: {  	s31 =	sshll.u32 s1, $0xD;
	s1 =	sshrl.u32 s1, $0x2  }
0xbc: {  	s3 =	sand.u32 $0x4000, s31;
	s1 =	sadd.s32 s1, s30  }
0xbd: {  	s0 =	sor.u32 s3, s0;
	s1 =	sshll.u32 s1, $0x11  }
0xbe: {  	s0 =	sor.u32 s1, s0  }
0xbf: {  	s0 =	sadd.s32 $0x8F2B, s0  }
0xc0: {  	[sflag:s0] =	ssyncadd.remote.s32 $0x1  }
0xc1: {  	_ =	sfence.sel $0xFFFF  }
0xc2: {  	[dreg:$0x0] =	wrdreg $0xFFFFFFFF;
	(pc) =	sbr.abs _section_cstart, $3  }
0xc3: {  	[dreg:$0x1] =	wrdreg $0xFFFFFFFF  }
0xc4: {  	_ =	task.clear_ibuf [dreg:s8], $0x2FFFF;
	_ =	strace $0x9FFFFFFF  }
0xc5: {  	(tm) =	ssettm $0x7FFFFFFF  }
tec
execute0_lowered:
.L_overlay_start_1:
0x0: {  	(tag) =	ssettag $0x1  }
0x1: {  	s0 =	rddreg [dreg:$0x0]  }
0x2: {  	s1 =	rddreg [dreg:$0x1]  }
0x3: {  	s4 =	rddreg [dreg:$0x2]  }
0x4: {  	s2 =	rddreg [dreg:$0x3];
	s3 =	simm.s32 $0x0;
	s8 =	stileid.u32  }
0x5: {  	s5 =	srdreg.scid;
	s18 =	simm.s32 $0x5;
	s28 =	simm.s32 $0x3  }
0x6: {  	s29 =	simm.s32 $0x300;
	s30 =	simm.s32 $0x4;
	s31 =	simm.s32 $0x380  }
0x7: {  	s12 =	simm.s32 $0x480;
	s13 =	simm.s32 $0x500;
	[smem:$0x7FF] =	sst s3  }
0x8: {  	s6 =	smul.u32 $0x4E000, s8;
	s5 =	sand.u32 $0x1, s5;
	s9 =	sadd.s32 $0xA00, s4  }
0x9: {  	s10 =	sadd.s32 $0x27C00, s4;
	s23 =	smul.u32 $0x2700, s8;
	s24 =	sadd.s32 $0x138000, s2  }
0xa: {  	s25 =	smul.u32 $0xA00, s8;
	p1 =	sne.s32 s8, $0xF;
	p2 =	seq.s32 s8, $0xF  }
0xb: {  	s8 =	simm.s32 $0x780;
	_ =	strace $0x80000047;
	[dreg:$0xb] =	wrdreg s24  }
0xc: {  	s7 =	ssub.s32 $0x2, s5;
	p0 =	seq.s32 s5, $0x1;
	[dreg:$0x5] =	wrdreg s9  }
0xd: {  	[dreg:$0x6] =	wrdreg s10;
	s24 =	simm.s32 $0x200;
	s6 =	sshrl.u32 s6, $0x2  }
0xe: {  	s19 =	sshrl.u32 s7, $0x1;
	s26 =	sadd.s32 s9, s23;
	s5 =	sadd.s32 s10, s23  }
0xf: {  	s15 =	sadd.s32 s25, s0;
	s16 =	sadd.s32 s25, s1;
	s23 =	simm.s32 $0x1  }
0x10: {  	s25 =	simm.s32 $0x2;
	s0 =	simm.s32 $0x400;
	s1 =	simm.s32 $0x680  }
0x11: {  	s9 =	simm.s32 $0x0;
	s14 =	sadd.s32 s6, s2;
	[dreg:$0xc] =	wrdreg s26  }
0x12: {  	s4 =	ssub.s32 s7, s19;
	[dreg:$0xd] =	wrdreg s5;
	s20 =	sadd.s32 $0x4000, s14  }
0x13: {  	s19 =	simm.s32 $0x80;
	s21 =	sadd.s32 $0x8000, s14;
	[dreg:$0x7] =	wrdreg s20  }
.Ltmp0:
0x14: {  	s22 =	sadd.s32 $0xC000, s14;
	[dreg:$0x8] =	wrdreg s21;
	(pc) =	sbr.rel .LBB2_1-.Ltmp0, $4  }
0x15: {  	s26 =	simm.s32 $0x280;
	s6 =	sadd.s32 $0x10000, s14;
	[dreg:$0x9] =	wrdreg s22  }
0x16: {  	s5 =	simm.s32 $0x600;
	s4 =	smax.u32 s4, $0x1;
	[dreg:$0xa] =	wrdreg s6  }
0x17: {  	s7 =	simm.s32 $0x700;
	[dreg:$0xe] =	wrdreg s4;
	s20 =	simm.s32 $0x800  }
0x18: {  	v0 =	vimm.f32 $1.000000000e+00;
	v1 =	vimm.f32 $0.0e+00;
	s21 =	simm.s32 $0x100;
	s22 =	simm.s32 $0x180;
	s4 =	simm.s32 $0x580  }
.LBB2_8:
0x19: {  	s17 =	rddreg [dreg:$0xb]  }
0x1a: {  	s6 =	sadd.s32 $0x27000, s11;
	s11 =	sshrl.u32 s17, $0x3  }
0x1b: {  	[hbm:s6], [sflag:s10] =	dma.local [spmem:s11], $0x100  }
0x1c: {  	_ =	swait.ge [sflag:s18], $0x100  }
0x1d: {  	[sflag:s18] =	ssyncset.done $0x0  }
0x1e: {  	[sflag:s18] =	ssyncadd.s32 $0xFFFFFF00  }
.LBB2_9:
0x1f: {  	s9 =	sadd.s32 $0x1, s9;
	s6 =	rddreg [dreg:$0xe]  }
0x20: {  	p3 =	sne.s32 s9, s6  }
.Ltmp1:
0x21: {  	_ = 	snop;
	(pc) =	sbr.rel @!p3 .LBB2_10-.Ltmp1, $1  }
0x22: {  	_ =	sdelay $0x3  }
.LBB2_1:
0x23: {  	[tilespmem:$0x800] =	vst v0  }
0x24: {  	[tilespmem:$0x880] =	vst v0  }
0x25: {  	[tilespmem:$0x900] =	vst v0  }
0x26: {  	[tilespmem:$0x980] =	vst v0  }
0x27: {  	[tilespmem:$0xA00] =	vst v0  }
0x28: {  	[tilespmem:$0xA80] =	vst v0  }
0x29: {  	[tilespmem:$0xB00] =	vst v0  }
0x2a: {  	[tilespmem:$0xB80] =	vst v0  }
0x2b: {  	[tilespmem:$0xC00] =	vst v0  }
0x2c: {  	[tilespmem:$0xC80] =	vst v0  }
0x2d: {  	[tilespmem:$0xD00] =	vst v0  }
0x2e: {  	[tilespmem:$0xD80] =	vst v0  }
0x2f: {  	[tilespmem:$0xE00] =	vst v0  }
0x30: {  	[tilespmem:$0xE80] =	vst v0  }
0x31: {  	[tilespmem:$0xF00] =	vst v0  }
0x32: {  	[tilespmem:$0xF80] =	vst v0  }
0x33: {  	[tilespmem:$0x1000] =	vst v0  }
0x34: {  	[tilespmem:$0x1080] =	vst v0  }
0x35: {  	[tilespmem:$0x1100] =	vst v0  }
0x36: {  	[tilespmem:$0x1180] =	vst v0  }
0x37: {  	[tilespmem:$0x1200] =	vst v0  }
0x38: {  	[tilespmem:$0x1280] =	vst v0  }
0x39: {  	[tilespmem:$0x1300] =	vst v0  }
0x3a: {  	[tilespmem:$0x1380] =	vst v0  }
0x3b: {  	[tilespmem:$0x1400] =	vst v0  }
0x3c: {  	[tilespmem:$0x1480] =	vst v0  }
0x3d: {  	[tilespmem:$0x1500] =	vst v0  }
0x3e: {  	[tilespmem:$0x1580] =	vst v0  }
0x3f: {  	[tilespmem:$0x1600] =	vst v0  }
0x40: {  	[tilespmem:$0x1680] =	vst v0  }
0x41: {  	[tilespmem:$0x1700] =	vst v0  }
0x42: {  	[tilespmem:$0x1780] =	vst v0  }
0x43: {  	[tilespmem:$0x1800] =	vst v0  }
0x44: {  	[tilespmem:$0x1880] =	vst v0  }
0x45: {  	[tilespmem:$0x1900] =	vst v0  }
0x46: {  	[tilespmem:$0x1980] =	vst v0  }
0x47: {  	[tilespmem:$0x1A00] =	vst v0  }
0x48: {  	[tilespmem:$0x1A80] =	vst v0  }
0x49: {  	[tilespmem:$0x1B00] =	vst v0  }
0x4a: {  	[tilespmem:$0x1B80] =	vst v0  }
0x4b: {  	[tilespmem:$0x1C00] =	vst v0  }
0x4c: {  	[tilespmem:$0x1C80] =	vst v0  }
0x4d: {  	[tilespmem:$0x1D00] =	vst v0  }
0x4e: {  	[tilespmem:$0x1D80] =	vst v0  }
0x4f: {  	[tilespmem:$0x1E00] =	vst v0  }
0x50: {  	[tilespmem:$0x1E80] =	vst v0  }
0x51: {  	[tilespmem:$0x1F00] =	vst v0  }
0x52: {  	[tilespmem:$0x1F80] =	vst v0  }
0x53: {  	[tilespmem:$0x2000] =	vst v0  }
0x54: {  	[tilespmem:$0x2080] =	vst v0  }
0x55: {  	[tilespmem:$0x2100] =	vst v0  }
0x56: {  	[tilespmem:$0x2180] =	vst v0  }
0x57: {  	[tilespmem:$0x2200] =	vst v0  }
0x58: {  	[tilespmem:$0x2280] =	vst v0  }
0x59: {  	[tilespmem:$0x2300] =	vst v0  }
0x5a: {  	[tilespmem:$0x2380] =	vst v0  }
0x5b: {  	[tilespmem:$0x2400] =	vst v0  }
0x5c: {  	[tilespmem:$0x2480] =	vst v0  }
0x5d: {  	[tilespmem:$0x2500] =	vst v0  }
0x5e: {  	[tilespmem:$0x2580] =	vst v0  }
0x5f: {  	[tilespmem:$0x2600] =	vst v0  }
0x60: {  	[tilespmem:$0x2680] =	vst v0  }
0x61: {  	[tilespmem:$0x2700] =	vst v0  }
0x62: {  	[tilespmem:$0x2780] =	vst v0  }
0x63: {  	[tilespmem:$0x2800] =	vst v0  }
0x64: {  	[tilespmem:$0x2880] =	vst v0  }
0x65: {  	[tilespmem:$0x2900] =	vst v0  }
0x66: {  	[tilespmem:$0x2980] =	vst v0  }
0x67: {  	[tilespmem:$0x2A00] =	vst v0  }
0x68: {  	[tilespmem:$0x2A80] =	vst v0  }
0x69: {  	[tilespmem:$0x2B00] =	vst v0  }
0x6a: {  	[tilespmem:$0x2B80] =	vst v0  }
0x6b: {  	[tilespmem:$0x2C00] =	vst v0  }
0x6c: {  	[tilespmem:$0x2C80] =	vst v0  }
0x6d: {  	[tilespmem:$0x2D00] =	vst v0  }
0x6e: {  	[tilespmem:$0x2D80] =	vst v0  }
0x6f: {  	[tilespmem:$0x2E00] =	vst v0  }
0x70: {  	[tilespmem:$0x2E80] =	vst v0  }
0x71: {  	[tilespmem:$0x2F00] =	vst v0  }
0x72: {  	[tilespmem:$0x2F80] =	vst v0  }
0x73: {  	[tilespmem:$0x3000] =	vst v0  }
0x74: {  	[tilespmem:$0x3080] =	vst v0  }
0x75: {  	[tilespmem:$0x3100] =	vst v0  }
0x76: {  	[tilespmem:$0x3180] =	vst v0  }
0x77: {  	[tilespmem:$0x3200] =	vst v0  }
0x78: {  	[tilespmem:$0x3280] =	vst v0  }
0x79: {  	[tilespmem:$0x3300] =	vst v0  }
0x7a: {  	[tilespmem:$0x3380] =	vst v0  }
0x7b: {  	[tilespmem:$0x3400] =	vst v0  }
0x7c: {  	[tilespmem:$0x3480] =	vst v0  }
0x7d: {  	[tilespmem:$0x3500] =	vst v0  }
0x7e: {  	[tilespmem:$0x3580] =	vst v0  }
0x7f: {  	[tilespmem:$0x3600] =	vst v0  }
0x80: {  	[tilespmem:$0x3680] =	vst v0  }
0x81: {  	[tilespmem:$0x3700] =	vst v0  }
0x82: {  	[tilespmem:$0x3780] =	vst v0  }
0x83: {  	[tilespmem:$0x3800] =	vst v0  }
0x84: {  	[tilespmem:$0x3880] =	vst v0  }
0x85: {  	[tilespmem:$0x3900] =	vst v0  }
0x86: {  	[tilespmem:$0x3980] =	vst v0  }
0x87: {  	[tilespmem:$0x3A00] =	vst v0  }
0x88: {  	[tilespmem:$0x3A80] =	vst v0  }
0x89: {  	[tilespmem:$0x3B00] =	vst v0  }
0x8a: {  	[tilespmem:$0x3B80] =	vst v0  }
0x8b: {  	[tilespmem:$0x3C00] =	vst v0  }
0x8c: {  	[tilespmem:$0x3C80] =	vst v0  }
0x8d: {  	[tilespmem:$0x3D00] =	vst v0  }
0x8e: {  	[tilespmem:$0x3D80] =	vst v0  }
0x8f: {  	[tilespmem:$0x3E00] =	vst v0  }
0x90: {  	[tilespmem:$0x3E80] =	vst v0  }
0x91: {  	[tilespmem:$0x3F00] =	vst v0  }
0x92: {  	[tilespmem:$0x3F80] =	vst v0  }
0x93: {  	[tilespmem:$0x4000] =	vst v0  }
0x94: {  	[tilespmem:$0x4080] =	vst v0  }
0x95: {  	[tilespmem:$0x4100] =	vst v0  }
0x96: {  	[tilespmem:$0x4180] =	vst v0  }
0x97: {  	[tilespmem:$0x4200] =	vst v0  }
0x98: {  	[tilespmem:$0x4280] =	vst v0  }
0x99: {  	[tilespmem:$0x4300] =	vst v0  }
0x9a: {  	[tilespmem:$0x4380] =	vst v0  }
0x9b: {  	[tilespmem:$0x4400] =	vst v0  }
0x9c: {  	[tilespmem:$0x4480] =	vst v0  }
0x9d: {  	[tilespmem:$0x4500] =	vst v0  }
0x9e: {  	[tilespmem:$0x4580] =	vst v0  }
0x9f: {  	[tilespmem:$0x4600] =	vst v0  }
0xa0: {  	[tilespmem:$0x4680] =	vst v0  }
0xa1: {  	[tilespmem:$0x4700] =	vst v0  }
0xa2: {  	[tilespmem:$0x4780] =	vst v0  }
0xa3: {  	[tilespmem:$0x4800] =	vst v1  }
0xa4: {  	[tilespmem:$0x4880] =	vst v1  }
0xa5: {  	[tilespmem:$0x4900] =	vst v1  }
0xa6: {  	[tilespmem:$0x4980] =	vst v1  }
0xa7: {  	[tilespmem:$0x4A00] =	vst v1  }
0xa8: {  	[tilespmem:$0x4A80] =	vst v1  }
0xa9: {  	[tilespmem:$0x4B00] =	vst v1  }
0xaa: {  	[tilespmem:$0x4B80] =	vst v1  }
0xab: {  	[tilespmem:$0x4C00] =	vst v1  }
0xac: {  	[tilespmem:$0x4C80] =	vst v1  }
0xad: {  	[tilespmem:$0x4D00] =	vst v1  }
0xae: {  	[tilespmem:$0x4D80] =	vst v1  }
0xaf: {  	[tilespmem:$0x4E00] =	vst v1  }
0xb0: {  	[tilespmem:$0x4E80] =	vst v1  }
0xb1: {  	[tilespmem:$0x4F00] =	vst v1  }
0xb2: {  	[tilespmem:$0x4F80] =	vst v1  }
0xb3: {  	[tilespmem:$0x5000] =	vst v1  }
0xb4: {  	[tilespmem:$0x5080] =	vst v1  }
0xb5: {  	[tilespmem:$0x5100] =	vst v1  }
0xb6: {  	[tilespmem:$0x5180] =	vst v1  }
0xb7: {  	[tilespmem:$0x5200] =	vst v1  }
0xb8: {  	[tilespmem:$0x5280] =	vst v1  }
0xb9: {  	[tilespmem:$0x5300] =	vst v1  }
0xba: {  	[tilespmem:$0x5380] =	vst v1  }
0xbb: {  	[tilespmem:$0x5400] =	vst v1  }
0xbc: {  	[tilespmem:$0x5480] =	vst v1  }
0xbd: {  	[tilespmem:$0x5500] =	vst v1  }
0xbe: {  	[tilespmem:$0x5580] =	vst v1  }
0xbf: {  	[tilespmem:$0x5600] =	vst v1  }
0xc0: {  	[tilespmem:$0x5680] =	vst v1  }
0xc1: {  	[tilespmem:$0x5700] =	vst v1  }
0xc2: {  	[tilespmem:$0x5780] =	vst v1  }
0xc3: {  	[tilespmem:$0x5800] =	vst v1  }
0xc4: {  	[tilespmem:$0x5880] =	vst v1  }
0xc5: {  	[tilespmem:$0x5900] =	vst v1  }
0xc6: {  	[tilespmem:$0x5980] =	vst v1  }
0xc7: {  	[tilespmem:$0x5A00] =	vst v1  }
0xc8: {  	[tilespmem:$0x5A80] =	vst v1  }
0xc9: {  	[tilespmem:$0x5B00] =	vst v1  }
0xca: {  	[tilespmem:$0x5B80] =	vst v1  }
0xcb: {  	[tilespmem:$0x5C00] =	vst v1  }
0xcc: {  	[tilespmem:$0x5C80] =	vst v1  }
0xcd: {  	[tilespmem:$0x5D00] =	vst v1  }
0xce: {  	[tilespmem:$0x5D80] =	vst v1  }
0xcf: {  	[tilespmem:$0x5E00] =	vst v1  }
0xd0: {  	[tilespmem:$0x5E80] =	vst v1  }
0xd1: {  	[tilespmem:$0x5F00] =	vst v1  }
0xd2: {  	[tilespmem:$0x5F80] =	vst v1  }
0xd3: {  	[tilespmem:$0x6000] =	vst v1  }
0xd4: {  	[tilespmem:$0x6080] =	vst v1  }
0xd5: {  	[tilespmem:$0x6100] =	vst v1  }
0xd6: {  	[tilespmem:$0x6180] =	vst v1  }
0xd7: {  	[tilespmem:$0x6200] =	vst v1  }
0xd8: {  	[tilespmem:$0x6280] =	vst v1  }
0xd9: {  	[tilespmem:$0x6300] =	vst v1  }
0xda: {  	[tilespmem:$0x6380] =	vst v1  }
0xdb: {  	[tilespmem:$0x6400] =	vst v1  }
0xdc: {  	[tilespmem:$0x6480] =	vst v1  }
0xdd: {  	[tilespmem:$0x6500] =	vst v1  }
0xde: {  	[tilespmem:$0x6580] =	vst v1  }
0xdf: {  	[tilespmem:$0x6600] =	vst v1  }
0xe0: {  	[tilespmem:$0x6680] =	vst v1  }
0xe1: {  	[tilespmem:$0x6700] =	vst v1  }
0xe2: {  	[tilespmem:$0x6780] =	vst v1  }
0xe3: {  	[tilespmem:$0x6800] =	vst v1  }
0xe4: {  	[tilespmem:$0x6880] =	vst v1  }
0xe5: {  	[tilespmem:$0x6900] =	vst v1  }
0xe6: {  	[tilespmem:$0x6980] =	vst v1  }
0xe7: {  	[tilespmem:$0x6A00] =	vst v1  }
0xe8: {  	[tilespmem:$0x6A80] =	vst v1  }
0xe9: {  	[tilespmem:$0x6B00] =	vst v1  }
0xea: {  	[tilespmem:$0x6B80] =	vst v1  }
0xeb: {  	[tilespmem:$0x6C00] =	vst v1  }
0xec: {  	[tilespmem:$0x6C80] =	vst v1  }
0xed: {  	[tilespmem:$0x6D00] =	vst v1  }
0xee: {  	[tilespmem:$0x6D80] =	vst v1  }
0xef: {  	[tilespmem:$0x6E00] =	vst v1  }
0xf0: {  	[tilespmem:$0x6E80] =	vst v1  }
0xf1: {  	[tilespmem:$0x6F00] =	vst v1  }
0xf2: {  	[tilespmem:$0x6F80] =	vst v1  }
0xf3: {  	[tilespmem:$0x7000] =	vst v1  }
0xf4: {  	[tilespmem:$0x7080] =	vst v1  }
0xf5: {  	[tilespmem:$0x7100] =	vst v1  }
0xf6: {  	[tilespmem:$0x7180] =	vst v1  }
0xf7: {  	[tilespmem:$0x7200] =	vst v1  }
0xf8: {  	[tilespmem:$0x7280] =	vst v1  }
0xf9: {  	[tilespmem:$0x7300] =	vst v1  }
0xfa: {  	[tilespmem:$0x7380] =	vst v1  }
0xfb: {  	[tilespmem:$0x7400] =	vst v1  }
0xfc: {  	[tilespmem:$0x7480] =	vst v1  }
0xfd: {  	[tilespmem:$0x7500] =	vst v1  }
0xfe: {  	[tilespmem:$0x7580] =	vst v1  }
0xff: {  	[tilespmem:$0x7600] =	vst v1  }
0x100: {  	[tilespmem:$0x7680] =	vst v1  }
0x101: {  	[tilespmem:$0x7700] =	vst v1  }
0x102: {  	[tilespmem:$0x7780] =	vst v1  }
0x103: {  	[tilespmem:$0x7800] =	vst v1  }
0x104: {  	[tilespmem:$0x7880] =	vst v1  }
0x105: {  	[tilespmem:$0x7900] =	vst v1  }
0x106: {  	[tilespmem:$0x7980] =	vst v1  }
0x107: {  	[tilespmem:$0x7A00] =	vst v1  }
0x108: {  	[tilespmem:$0x7A80] =	vst v1  }
0x109: {  	[tilespmem:$0x7B00] =	vst v1  }
0x10a: {  	[tilespmem:$0x7B80] =	vst v1  }
0x10b: {  	[tilespmem:$0x7C00] =	vst v1  }
0x10c: {  	[tilespmem:$0x7C80] =	vst v1  }
0x10d: {  	[tilespmem:$0x7D00] =	vst v1  }
0x10e: {  	[tilespmem:$0x7D80] =	vst v1  }
0x10f: {  	[tilespmem:$0x7E00] =	vst v1  }
0x110: {  	[tilespmem:$0x7E80] =	vst v1  }
0x111: {  	[tilespmem:$0x7F00] =	vst v1  }
0x112: {  	[tilespmem:$0x7F80] =	vst v1  }
0x113: {  	[tilespmem:$0x8000] =	vst v1  }
0x114: {  	[tilespmem:$0x8080] =	vst v1  }
0x115: {  	[tilespmem:$0x8100] =	vst v1  }
0x116: {  	[tilespmem:$0x8180] =	vst v1  }
0x117: {  	[tilespmem:$0x8200] =	vst v1  }
0x118: {  	[tilespmem:$0x8280] =	vst v1  }
0x119: {  	[tilespmem:$0x8300] =	vst v1  }
0x11a: {  	[tilespmem:$0x8380] =	vst v1  }
0x11b: {  	[tilespmem:$0x8400] =	vst v1  }
0x11c: {  	[tilespmem:$0x8480] =	vst v1  }
0x11d: {  	[tilespmem:$0x8500] =	vst v1  }
0x11e: {  	[tilespmem:$0x8580] =	vst v1  }
0x11f: {  	[tilespmem:$0x8600] =	vst v1  }
0x120: {  	[tilespmem:$0x8680] =	vst v1  }
0x121: {  	[tilespmem:$0x8700] =	vst v1  }
0x122: {  	[tilespmem:$0x8780] =	vst v1;
	s10 =	simm.s32 $0x4800  }
0x123: {  	[spmem:s14] =	stream.linear.scatter [tilespmem:s10], [sflag:$0x5], $0x4000, $0x38;
	[tilespmem:$0xAF18] =	vst v63  }
0x124: {  	_ =	swait.ge [sflag:s18], $0x4000  }
0x125: {  	[sflag:s18] =	ssyncset.done $0x0  }
0x126: {  	s6 =	rddreg [dreg:$0x7];
	[sflag:s18] =	ssyncadd.s32 $0xFFFFC000  }
0x127: {  	[spmem:s6] =	stream.linear.scatter [tilespmem:s10], [sflag:$0x5], $0x4000, $0x38;
	[tilespmem:$0xAF18] =	vst v63  }
0x128: {  	_ =	swait.ge [sflag:s18], $0x4000  }
0x129: {  	[sflag:s18] =	ssyncset.done $0x0  }
0x12a: {  	s17 =	smov.u32 s14;
	s14 =	rddreg [dreg:$0x8];
	[sflag:s18] =	ssyncadd.s32 $0xFFFFC000  }
0x12b: {  	[spmem:s14] =	stream.linear.scatter [tilespmem:s10], [sflag:$0x5], $0x4000, $0x38;
	[tilespmem:$0xAF18] =	vst v63  }
0x12c: {  	_ =	swait.ge [sflag:s18], $0x4000  }
0x12d: {  	[sflag:s18] =	ssyncset.done $0x0  }
0x12e: {  	s11 =	rddreg [dreg:$0x9];
	[sflag:s18] =	ssyncadd.s32 $0xFFFFC000  }
0x12f: {  	[spmem:s11] =	stream.linear.scatter [tilespmem:s10], [sflag:$0x5], $0x4000, $0x38;
	[tilespmem:$0xAF18] =	vst v63  }
0x130: {  	_ =	swait.ge [sflag:s18], $0x4000  }
0x131: {  	[sflag:s18] =	ssyncset.done $0x0  }
.Ltmp2:
0x132: {  	s14 =	rddreg [dreg:$0xa];
	[sflag:s18] =	ssyncadd.s32 $0xFFFFC000;
	(pc) =	sbr.rel @!p0 .LBB2_2-.Ltmp2, $4  }
0x133: {  	[spmem:s14] =	stream.linear.scatter [tilespmem:s10], [sflag:$0x5], $0x3800, $0x38;
	[tilespmem:$0xAF18] =	vst v63  }
0x134: {  	_ =	swait.ge [sflag:s18], $0x3800  }
0x135: {  	[sflag:s18] =	ssyncset.done $0x0  }
0x136: {  	[sflag:s18] =	ssyncadd.s32 $0xFFFFC800  }
0x137: {  	s6 =	simm.s32 @!p1 $0x4800;
	s10 =	rddreg [dreg:$0xb]  }
0x138: {  	[spmem:s10] =	stream.linear.scatter @!p1 [tilespmem:s6], [sflag:$0x5], $0xC00, $0x38;
	[tilespmem:$0xAF18] =	vst v63  }
0x139: {  	s6 =	simm.s32 @!p1 $0x5  }
0x13a: {  	_ =	swait.ge @!p1 [sflag:s6], $0xC00  }
0x13b: {  	[sflag:s6] =	ssyncset.done @!p1 $0x0  }
0x13c: {  	[sflag:s6] =	ssyncadd.s32 @!p1 $0xFFFFF400  }
0x13d: {  	s14 =	sadd.s32 $0x0, s16;
	[bflag:$0x0] =	sbarrier.arrive $0xFFFF  }
0x13e: {  	[tilespmem:s3], [sflag:$0x5] =	stream.linear.gather [hbm4b:s14+s3], $0x800, $0x38;
	[tilespmem:$0xAF18] =	vst v63  }
0x13f: {  	_ =	swait.ge [sflag:s18], $0x800  }
0x140: {  	[sflag:s18] =	ssyncset.done $0x0  }
0x141: {  	[sflag:s18] =	ssyncadd.s32 $0xFFFFF800  }
0x142: {  	[spmem:s2] =	stream.indirect.scatter.add.f32 [tilespmem:s20], [sflag:$0x1], $0x10, s3, s19, $0xb8;
	[tilespmem:$0xAF18] =	vst v63  }
0x143: {  	_ = 	snop  }
0x144: {  	[spmem:s2] =	stream.indirect.scatter.add.f32 [tilespmem:s20], [sflag:$0x2], $0x10, s19, s19, $0xb8;
	[tilespmem:$0xAF18] =	vst v63  }
0x145: {  	_ = 	snop  }
0x146: {  	[spmem:s2] =	stream.indirect.scatter.add.f32 [tilespmem:s20], [sflag:$0x3], $0x10, s21, s19, $0xb8;
	[tilespmem:$0xAF18] =	vst v63  }
0x147: {  	_ = 	snop  }
0x148: {  	[spmem:s2] =	stream.indirect.scatter.add.f32 [tilespmem:s20], [sflag:$0x4], $0x10, s22, s19, $0xb8;
	[tilespmem:$0xAF18] =	vst v63  }
0x149: {  	_ =	swait.ge [sflag:s23], $0x800  }
0x14a: {  	[sflag:s23] =	ssyncset.done $0x0  }
0x14b: {  	[sflag:s23] =	ssyncadd.s32 $0xFFFFF800  }
0x14c: {  	[spmem:s2] =	stream.indirect.scatter.add.f32 [tilespmem:s20], [sflag:$0x1], $0x10, s24, s19, $0xb8;
	[tilespmem:$0xAF18] =	vst v63  }
0x14d: {  	_ =	swait.ge [sflag:s25], $0x800  }
0x14e: {  	[sflag:s25] =	ssyncset.done $0x0  }
0x14f: {  	[sflag:s25] =	ssyncadd.s32 $0xFFFFF800  }
0x150: {  	[spmem:s2] =	stream.indirect.scatter.add.f32 [tilespmem:s20], [sflag:$0x2], $0x10, s26, s19, $0xb8;
	[tilespmem:$0xAF18] =	vst v63  }
0x151: {  	_ =	swait.ge [sflag:s28], $0x800  }
0x152: {  	[sflag:s28] =	ssyncset.done $0x0  }
0x153: {  	[sflag:s28] =	ssyncadd.s32 $0xFFFFF800  }
0x154: {  	[spmem:s2] =	stream.indirect.scatter.add.f32 [tilespmem:s20], [sflag:$0x3], $0x10, s29, s19, $0xb8;
	[tilespmem:$0xAF18] =	vst v63  }
0x155: {  	_ =	swait.ge [sflag:s30], $0x800  }
0x156: {  	[sflag:s30] =	ssyncset.done $0x0  }
0x157: {  	[sflag:s30] =	ssyncadd.s32 $0xFFFFF800  }
0x158: {  	[spmem:s2] =	stream.indirect.scatter.add.f32 [tilespmem:s20], [sflag:$0x4], $0x10, s31, s19, $0xb8;
	[tilespmem:$0xAF18] =	vst v63  }
0x159: {  	_ =	swait.ge [sflag:s23], $0x800  }
0x15a: {  	[sflag:s23] =	ssyncset.done $0x0  }
0x15b: {  	[sflag:s23] =	ssyncadd.s32 $0xFFFFF800  }
0x15c: {  	[spmem:s2] =	stream.indirect.scatter.add.f32 [tilespmem:s20], [sflag:$0x1], $0x10, s0, s19, $0xb8;
	[tilespmem:$0xAF18] =	vst v63  }
0x15d: {  	_ =	swait.ge [sflag:s25], $0x800  }
0x15e: {  	[sflag:s25] =	ssyncset.done $0x0  }
0x15f: {  	[sflag:s25] =	ssyncadd.s32 $0xFFFFF800  }
0x160: {  	[spmem:s2] =	stream.indirect.scatter.add.f32 [tilespmem:s20], [sflag:$0x2], $0x10, s12, s19, $0xb8;
	[tilespmem:$0xAF18] =	vst v63  }
0x161: {  	_ =	swait.ge [sflag:s28], $0x800  }
0x162: {  	[sflag:s28] =	ssyncset.done $0x0  }
0x163: {  	[sflag:s28] =	ssyncadd.s32 $0xFFFFF800  }
0x164: {  	[spmem:s2] =	stream.indirect.scatter.add.f32 [tilespmem:s20], [sflag:$0x3], $0x10, s13, s19, $0xb8;
	[tilespmem:$0xAF18] =	vst v63  }
0x165: {  	_ =	swait.ge [sflag:s30], $0x800  }
0x166: {  	[sflag:s30] =	ssyncset.done $0x0  }
0x167: {  	[sflag:s30] =	ssyncadd.s32 $0xFFFFF800  }
0x168: {  	[spmem:s2] =	stream.indirect.scatter.add.f32 [tilespmem:s20], [sflag:$0x4], $0x10, s4, s19, $0xb8;
	[tilespmem:$0xAF18] =	vst v63  }
0x169: {  	_ =	swait.ge [sflag:s23], $0x800  }
0x16a: {  	[sflag:s23] =	ssyncset.done $0x0  }
0x16b: {  	[sflag:s23] =	ssyncadd.s32 $0xFFFFF800  }
0x16c: {  	[spmem:s2] =	stream.indirect.scatter.add.f32 [tilespmem:s20], [sflag:$0x1], $0x10, s5, s19, $0xb8;
	[tilespmem:$0xAF18] =	vst v63  }
0x16d: {  	_ =	swait.ge [sflag:s25], $0x800  }
0x16e: {  	[sflag:s25] =	ssyncset.done $0x0  }
0x16f: {  	[sflag:s25] =	ssyncadd.s32 $0xFFFFF800  }
0x170: {  	[spmem:s2] =	stream.indirect.scatter.add.f32 [tilespmem:s20], [sflag:$0x2], $0x10, s1, s19, $0xb8;
	[tilespmem:$0xAF18] =	vst v63  }
0x171: {  	_ =	swait.ge [sflag:s28], $0x800  }
0x172: {  	[sflag:s28] =	ssyncset.done $0x0  }
0x173: {  	[sflag:s28] =	ssyncadd.s32 $0xFFFFF800  }
0x174: {  	[spmem:s2] =	stream.indirect.scatter.add.f32 [tilespmem:s20], [sflag:$0x3], $0x10, s7, s19, $0xb8;
	[tilespmem:$0xAF18] =	vst v63  }
0x175: {  	_ =	swait.ge [sflag:s30], $0x800  }
0x176: {  	[sflag:s30] =	ssyncset.done $0x0  }
0x177: {  	[sflag:s30] =	ssyncadd.s32 $0xFFFFF800  }
0x178: {  	[spmem:s2] =	stream.indirect.scatter.add.f32 [tilespmem:s20], [sflag:$0x4], $0x10, s8, s19, $0xb8;
	[tilespmem:$0xAF18] =	vst v63  }
0x179: {  	_ =	swait.ge [sflag:s23], $0x800  }
0x17a: {  	[sflag:s23] =	ssyncset.done $0x0  }
0x17b: {  	[sflag:s23] =	ssyncadd.s32 $0xFFFFF800  }
0x17c: {  	_ =	swait.ge [sflag:s25], $0x800  }
0x17d: {  	[sflag:s25] =	ssyncset.done $0x0  }
0x17e: {  	[sflag:s25] =	ssyncadd.s32 $0xFFFFF800  }
0x17f: {  	_ =	swait.ge [sflag:s28], $0x800  }
0x180: {  	[sflag:s28] =	ssyncset.done $0x0  }
0x181: {  	[sflag:s28] =	ssyncadd.s32 $0xFFFFF800  }
0x182: {  	_ =	swait.ge [sflag:s30], $0x800  }
0x183: {  	s11 =	simm.s32 $0x200;
	s10 =	simm.s32 $0x100;
	[sflag:s30] =	ssyncset.done $0x0  }
.LBB2_6:
0x184: {  	s6 =	sadd.s32 s10, s16  }
0x185: {  	[sflag:s30] =	ssyncadd.s32 $0xFFFFF800;
	s10 =	smov.u32 s11;
	s14 =	sadd.s32 $0x100, s11  }
0x186: {  	[tilespmem:s3], [sflag:$0x5] =	stream.linear.gather [hbm4b:s6+s3], $0x800, $0x38;
	[tilespmem:$0xAF18] =	vst v63  }
0x187: {  	p3 =	sne.s32 s11, $0x900;
	_ =	swait.ge [sflag:s18], $0x800  }
0x188: {  	[sflag:s18] =	ssyncset.done $0x0  }
0x189: {  	[sflag:s18] =	ssyncadd.s32 $0xFFFFF800  }
0x18a: {  	[spmem:s2] =	stream.indirect.scatter.add.f32 [tilespmem:s20], [sflag:$0x1], $0x10, s3, s19, $0xb8;
	[tilespmem:$0xAF18] =	vst v63  }
0x18b: {  	_ = 	snop  }
0x18c: {  	[spmem:s2] =	stream.indirect.scatter.add.f32 [tilespmem:s20], [sflag:$0x2], $0x10, s19, s19, $0xb8;
	[tilespmem:$0xAF18] =	vst v63  }
0x18d: {  	_ = 	snop  }
0x18e: {  	[spmem:s2] =	stream.indirect.scatter.add.f32 [tilespmem:s20], [sflag:$0x3], $0x10, s21, s19, $0xb8;
	[tilespmem:$0xAF18] =	vst v63  }
0x18f: {  	_ = 	snop  }
0x190: {  	[spmem:s2] =	stream.indirect.scatter.add.f32 [tilespmem:s20], [sflag:$0x4], $0x10, s22, s19, $0xb8;
	[tilespmem:$0xAF18] =	vst v63  }
0x191: {  	_ =	swait.ge [sflag:s23], $0x800  }
0x192: {  	[sflag:s23] =	ssyncset.done $0x0  }
0x193: {  	[sflag:s23] =	ssyncadd.s32 $0xFFFFF800  }
0x194: {  	[spmem:s2] =	stream.indirect.scatter.add.f32 [tilespmem:s20], [sflag:$0x1], $0x10, s24, s19, $0xb8;
	[tilespmem:$0xAF18] =	vst v63  }
0x195: {  	_ =	swait.ge [sflag:s25], $0x800  }
0x196: {  	[sflag:s25] =	ssyncset.done $0x0  }
0x197: {  	[sflag:s25] =	ssyncadd.s32 $0xFFFFF800  }
0x198: {  	[spmem:s2] =	stream.indirect.scatter.add.f32 [tilespmem:s20], [sflag:$0x2], $0x10, s26, s19, $0xb8;
	[tilespmem:$0xAF18] =	vst v63  }
0x199: {  	_ =	swait.ge [sflag:s28], $0x800  }
0x19a: {  	[sflag:s28] =	ssyncset.done $0x0  }
0x19b: {  	[sflag:s28] =	ssyncadd.s32 $0xFFFFF800  }
0x19c: {  	[spmem:s2] =	stream.indirect.scatter.add.f32 [tilespmem:s20], [sflag:$0x3], $0x10, s29, s19, $0xb8;
	[tilespmem:$0xAF18] =	vst v63  }
0x19d: {  	_ =	swait.ge [sflag:s30], $0x800  }
0x19e: {  	[sflag:s30] =	ssyncset.done $0x0  }
0x19f: {  	[sflag:s30] =	ssyncadd.s32 $0xFFFFF800  }
0x1a0: {  	[spmem:s2] =	stream.indirect.scatter.add.f32 [tilespmem:s20], [sflag:$0x4], $0x10, s31, s19, $0xb8;
	[tilespmem:$0xAF18] =	vst v63  }
0x1a1: {  	_ =	swait.ge [sflag:s23], $0x800  }
0x1a2: {  	[sflag:s23] =	ssyncset.done $0x0  }
0x1a3: {  	[sflag:s23] =	ssyncadd.s32 $0xFFFFF800  }
0x1a4: {  	[spmem:s2] =	stream.indirect.scatter.add.f32 [tilespmem:s20], [sflag:$0x1], $0x10, s0, s19, $0xb8;
	[tilespmem:$0xAF18] =	vst v63  }
0x1a5: {  	_ =	swait.ge [sflag:s25], $0x800  }
0x1a6: {  	[sflag:s25] =	ssyncset.done $0x0  }
0x1a7: {  	[sflag:s25] =	ssyncadd.s32 $0xFFFFF800  }
0x1a8: {  	[spmem:s2] =	stream.indirect.scatter.add.f32 [tilespmem:s20], [sflag:$0x2], $0x10, s12, s19, $0xb8;
	[tilespmem:$0xAF18] =	vst v63  }
0x1a9: {  	_ =	swait.ge [sflag:s28], $0x800  }
0x1aa: {  	[sflag:s28] =	ssyncset.done $0x0  }
0x1ab: {  	[sflag:s28] =	ssyncadd.s32 $0xFFFFF800  }
0x1ac: {  	[spmem:s2] =	stream.indirect.scatter.add.f32 [tilespmem:s20], [sflag:$0x3], $0x10, s13, s19, $0xb8;
	[tilespmem:$0xAF18] =	vst v63  }
0x1ad: {  	_ =	swait.ge [sflag:s30], $0x800  }
0x1ae: {  	[sflag:s30] =	ssyncset.done $0x0  }
0x1af: {  	[sflag:s30] =	ssyncadd.s32 $0xFFFFF800  }
0x1b0: {  	[spmem:s2] =	stream.indirect.scatter.add.f32 [tilespmem:s20], [sflag:$0x4], $0x10, s4, s19, $0xb8;
	[tilespmem:$0xAF18] =	vst v63  }
0x1b1: {  	_ =	swait.ge [sflag:s23], $0x800  }
0x1b2: {  	[sflag:s23] =	ssyncset.done $0x0  }
0x1b3: {  	[sflag:s23] =	ssyncadd.s32 $0xFFFFF800  }
0x1b4: {  	[spmem:s2] =	stream.indirect.scatter.add.f32 [tilespmem:s20], [sflag:$0x1], $0x10, s5, s19, $0xb8;
	[tilespmem:$0xAF18] =	vst v63  }
0x1b5: {  	_ =	swait.ge [sflag:s25], $0x800  }
0x1b6: {  	[sflag:s25] =	ssyncset.done $0x0  }
0x1b7: {  	[sflag:s25] =	ssyncadd.s32 $0xFFFFF800  }
0x1b8: {  	[spmem:s2] =	stream.indirect.scatter.add.f32 [tilespmem:s20], [sflag:$0x2], $0x10, s1, s19, $0xb8;
	[tilespmem:$0xAF18] =	vst v63  }
0x1b9: {  	_ =	swait.ge [sflag:s28], $0x800  }
0x1ba: {  	[sflag:s28] =	ssyncset.done $0x0  }
0x1bb: {  	[sflag:s28] =	ssyncadd.s32 $0xFFFFF800  }
0x1bc: {  	[spmem:s2] =	stream.indirect.scatter.add.f32 [tilespmem:s20], [sflag:$0x3], $0x10, s7, s19, $0xb8;
	[tilespmem:$0xAF18] =	vst v63  }
0x1bd: {  	_ =	swait.ge [sflag:s30], $0x800  }
0x1be: {  	[sflag:s30] =	ssyncset.done $0x0  }
0x1bf: {  	[sflag:s30] =	ssyncadd.s32 $0xFFFFF800  }
0x1c0: {  	[spmem:s2] =	stream.indirect.scatter.add.f32 [tilespmem:s20], [sflag:$0x4], $0x10, s8, s19, $0xb8;
	[tilespmem:$0xAF18] =	vst v63  }
0x1c1: {  	_ =	swait.ge [sflag:s23], $0x800  }
0x1c2: {  	[sflag:s23] =	ssyncset.done $0x0  }
0x1c3: {  	[sflag:s23] =	ssyncadd.s32 $0xFFFFF800  }
0x1c4: {  	_ =	swait.ge [sflag:s25], $0x800  }
0x1c5: {  	[sflag:s25] =	ssyncset.done $0x0  }
0x1c6: {  	[sflag:s25] =	ssyncadd.s32 $0xFFFFF800  }
.Ltmp3:
0x1c7: {  	_ =	swait.ge [sflag:s28], $0x800;
	(pc) =	sbr.rel @p3 .LBB2_6-.Ltmp3, $4  }
0x1c8: {  	[sflag:s28] =	ssyncset.done $0x0  }
0x1c9: {  	[sflag:s28] =	ssyncadd.s32 $0xFFFFF800  }
0x1ca: {  	_ =	swait.ge [sflag:s30], $0x800  }
0x1cb: {  	s11 =	smov.u32 s14;
	[sflag:s30] =	ssyncset.done $0x0  }
0x1cc: {  	s6 =	sadd.s32 s10, s16;
	[sflag:s30] =	ssyncadd.s32 $0xFFFFF800  }
0x1cd: {  	[tilespmem:s3], [sflag:$0x5] =	stream.linear.gather [hbm4b:s6+s3], $0x800, $0x38;
	[tilespmem:$0xAF18] =	vst v63  }
0x1ce: {  	_ =	swait.ge [sflag:s18], $0x800  }
0x1cf: {  	[sflag:s18] =	ssyncset.done $0x0  }
0x1d0: {  	[sflag:s18] =	ssyncadd.s32 $0xFFFFF800  }
0x1d1: {  	[spmem:s2] =	stream.indirect.scatter.add.f32 [tilespmem:s20], [sflag:$0x1], $0x10, s3, s19, $0xb8;
	[tilespmem:$0xAF18] =	vst v63  }
0x1d2: {  	_ = 	snop  }
0x1d3: {  	[spmem:s2] =	stream.indirect.scatter.add.f32 [tilespmem:s20], [sflag:$0x2], $0x10, s19, s19, $0xb8;
	[tilespmem:$0xAF18] =	vst v63  }
0x1d4: {  	_ = 	snop  }
0x1d5: {  	[spmem:s2] =	stream.indirect.scatter.add.f32 [tilespmem:s20], [sflag:$0x3], $0x10, s21, s19, $0xb8;
	[tilespmem:$0xAF18] =	vst v63  }
0x1d6: {  	_ = 	snop  }
0x1d7: {  	[spmem:s2] =	stream.indirect.scatter.add.f32 [tilespmem:s20], [sflag:$0x4], $0x10, s22, s19, $0xb8;
	[tilespmem:$0xAF18] =	vst v63  }
0x1d8: {  	_ =	swait.ge [sflag:s23], $0x800  }
0x1d9: {  	[sflag:s23] =	ssyncset.done $0x0  }
0x1da: {  	[sflag:s23] =	ssyncadd.s32 $0xFFFFF800  }
0x1db: {  	[spmem:s2] =	stream.indirect.scatter.add.f32 [tilespmem:s20], [sflag:$0x1], $0x10, s24, s19, $0xb8;
	[tilespmem:$0xAF18] =	vst v63  }
0x1dc: {  	_ =	swait.ge [sflag:s25], $0x800  }
0x1dd: {  	[sflag:s25] =	ssyncset.done $0x0  }
0x1de: {  	[sflag:s25] =	ssyncadd.s32 $0xFFFFF800  }
0x1df: {  	[spmem:s2] =	stream.indirect.scatter.add.f32 [tilespmem:s20], [sflag:$0x2], $0x10, s26, s19, $0xb8;
	[tilespmem:$0xAF18] =	vst v63  }
0x1e0: {  	_ =	swait.ge [sflag:s28], $0x800  }
0x1e1: {  	[sflag:s28] =	ssyncset.done $0x0  }
0x1e2: {  	[sflag:s28] =	ssyncadd.s32 $0xFFFFF800  }
0x1e3: {  	[spmem:s2] =	stream.indirect.scatter.add.f32 [tilespmem:s20], [sflag:$0x3], $0x10, s29, s19, $0xb8;
	[tilespmem:$0xAF18] =	vst v63  }
0x1e4: {  	_ =	swait.ge [sflag:s30], $0x800  }
0x1e5: {  	[sflag:s30] =	ssyncset.done $0x0  }
0x1e6: {  	[sflag:s30] =	ssyncadd.s32 $0xFFFFF800  }
0x1e7: {  	[spmem:s2] =	stream.indirect.scatter.add.f32 [tilespmem:s20], [sflag:$0x4], $0x10, s31, s19, $0xb8;
	[tilespmem:$0xAF18] =	vst v63  }
0x1e8: {  	_ =	swait.ge [sflag:s23], $0x800  }
0x1e9: {  	[sflag:s23] =	ssyncset.done $0x0  }
0x1ea: {  	[sflag:s23] =	ssyncadd.s32 $0xFFFFF800  }
0x1eb: {  	[spmem:s2] =	stream.indirect.scatter.add.f32 [tilespmem:s20], [sflag:$0x1], $0x10, s0, s19, $0xb8;
	[tilespmem:$0xAF18] =	vst v63  }
0x1ec: {  	_ =	swait.ge [sflag:s25], $0x800  }
0x1ed: {  	[sflag:s25] =	ssyncset.done $0x0  }
0x1ee: {  	[sflag:s25] =	ssyncadd.s32 $0xFFFFF800  }
0x1ef: {  	[spmem:s2] =	stream.indirect.scatter.add.f32 [tilespmem:s20], [sflag:$0x2], $0x10, s12, s19, $0xb8;
	[tilespmem:$0xAF18] =	vst v63  }
0x1f0: {  	_ =	swait.ge [sflag:s28], $0x800  }
0x1f1: {  	[sflag:s28] =	ssyncset.done $0x0  }
0x1f2: {  	[sflag:s28] =	ssyncadd.s32 $0xFFFFF800  }
0x1f3: {  	[spmem:s2] =	stream.indirect.scatter.add.f32 [tilespmem:s20], [sflag:$0x3], $0x10, s13, s19, $0xb8;
	[tilespmem:$0xAF18] =	vst v63  }
0x1f4: {  	_ =	swait.ge [sflag:s30], $0x800  }
0x1f5: {  	[sflag:s30] =	ssyncset.done $0x0  }
0x1f6: {  	[sflag:s30] =	ssyncadd.s32 $0xFFFFF800  }
0x1f7: {  	[spmem:s2] =	stream.indirect.scatter.add.f32 [tilespmem:s20], [sflag:$0x4], $0x10, s4, s19, $0xb8;
	[tilespmem:$0xAF18] =	vst v63  }
0x1f8: {  	_ =	swait.ge [sflag:s23], $0x800  }
0x1f9: {  	[sflag:s23] =	ssyncset.done $0x0  }
0x1fa: {  	[sflag:s23] =	ssyncadd.s32 $0xFFFFF800  }
0x1fb: {  	[spmem:s2] =	stream.indirect.scatter.add.f32 [tilespmem:s20], [sflag:$0x1], $0x10, s5, s19, $0xb8;
	[tilespmem:$0xAF18] =	vst v63  }
0x1fc: {  	_ =	swait.ge [sflag:s25], $0x800  }
0x1fd: {  	[sflag:s25] =	ssyncset.done $0x0  }
0x1fe: {  	[sflag:s25] =	ssyncadd.s32 $0xFFFFF800  }
0x1ff: {  	[spmem:s2] =	stream.indirect.scatter.add.f32 [tilespmem:s20], [sflag:$0x2], $0x10, s1, s19, $0xb8;
	[tilespmem:$0xAF18] =	vst v63  }
0x200: {  	_ =	swait.ge [sflag:s28], $0x800  }
0x201: {  	[sflag:s28] =	ssyncset.done $0x0  }
0x202: {  	[sflag:s28] =	ssyncadd.s32 $0xFFFFF800  }
0x203: {  	[spmem:s2] =	stream.indirect.scatter.add.f32 [tilespmem:s20], [sflag:$0x3], $0x10, s7, s19, $0xb8;
	[tilespmem:$0xAF18] =	vst v63  }
0x204: {  	_ =	swait.ge [sflag:s30], $0x800  }
0x205: {  	[sflag:s30] =	ssyncset.done $0x0  }
0x206: {  	[sflag:s30] =	ssyncadd.s32 $0xFFFFF800  }
0x207: {  	[spmem:s2] =	stream.indirect.scatter.add.f32 [tilespmem:s20], [sflag:$0x4], $0x10, s8, s19, $0xb8;
	[tilespmem:$0xAF18] =	vst v63  }
0x208: {  	_ =	swait.ge [sflag:s23], $0x800  }
0x209: {  	[sflag:s23] =	ssyncset.done $0x0  }
0x20a: {  	[sflag:s23] =	ssyncadd.s32 $0xFFFFF800  }
0x20b: {  	_ =	swait.ge [sflag:s25], $0x800  }
0x20c: {  	[sflag:s25] =	ssyncset.done $0x0  }
0x20d: {  	[sflag:s25] =	ssyncadd.s32 $0xFFFFF800  }
0x20e: {  	_ =	swait.ge [sflag:s28], $0x800  }
0x20f: {  	[sflag:s28] =	ssyncset.done $0x0  }
0x210: {  	[sflag:s28] =	ssyncadd.s32 $0xFFFFF800  }
0x211: {  	_ =	swait.ge [sflag:s30], $0x800  }
0x212: {  	[sflag:s30] =	ssyncset.done $0x0  }
0x213: {  	s14 =	stileid.u32;
	[sflag:s30] =	ssyncadd.s32 $0xFFFFF800  }
0x214: {  	s6 =	sshll.u32 s14, $0x6;
	s14 =	smov.u32 s17;
	[bflag:$0x0] =	sbarrier.arrive $0xFFFF  }
0x215: {  	s17 =	sshrl.u32 s17, $0x3;
	s10 =	sor.u32 $0x1C05, s6;
	s11 =	rddreg [dreg:$0xd]  }
0x216: {  	[hbm:s11], [sflag:s10] =	dma.local [spmem:s17], $0x2700  }
.Ltmp4:
0x217: {  	_ = 	snop;
	(pc) =	sbr.rel @p1 .LBB2_9-.Ltmp4, $4  }
.Ltmp5:
0x218: {  	_ = 	snop;
	(pc) =	sbr.rel @!p1 .LBB2_8-.Ltmp5, $4  }
0x219: {  	_ =	swait.ge [sflag:s18], $0x2700  }
0x21a: {  	[sflag:s18] =	ssyncset.done $0x0  }
0x21b: {  	s11 =	rddreg [dreg:$0x6];
	[sflag:s18] =	ssyncadd.s32 $0xFFFFD900  }
0x21c: {  	_ = 	snop  }
.LBB2_2:
0x21d: {  	s10 =	simm.s32 @!p1 $0x4800;
	s6 =	rddreg [dreg:$0xb]  }
0x21e: {  	[spmem:s6] =	stream.linear.scatter @!p1 [tilespmem:s10], [sflag:$0x5], $0xC00, $0x38;
	[tilespmem:$0xAF18] =	vst v63  }
0x21f: {  	s10 =	simm.s32 @!p1 $0x5  }
0x220: {  	_ =	swait.ge @!p1 [sflag:s10], $0xC00  }
0x221: {  	[sflag:s10] =	ssyncset.done @!p1 $0x0  }
0x222: {  	[sflag:s10] =	ssyncadd.s32 @!p1 $0xFFFFF400  }
0x223: {  	s14 =	sadd.s32 $0x0, s15;
	[bflag:$0x0] =	sbarrier.arrive $0xFFFF  }
0x224: {  	[tilespmem:s3], [sflag:$0x5] =	stream.linear.gather [hbm4b:s14+s3], $0x800, $0x38;
	[tilespmem:$0xAF18] =	vst v63  }
0x225: {  	_ =	swait.ge [sflag:s18], $0x800  }
0x226: {  	[sflag:s18] =	ssyncset.done $0x0  }
0x227: {  	[sflag:s18] =	ssyncadd.s32 $0xFFFFF800  }
0x228: {  	[spmem:s2] =	stream.indirect.scatter.add.f32 [tilespmem:s20], [sflag:$0x1], $0x10, s3, s19, $0xb8;
	[tilespmem:$0xAF18] =	vst v63  }
0x229: {  	_ = 	snop  }
0x22a: {  	[spmem:s2] =	stream.indirect.scatter.add.f32 [tilespmem:s20], [sflag:$0x2], $0x10, s19, s19, $0xb8;
	[tilespmem:$0xAF18] =	vst v63  }
0x22b: {  	_ = 	snop  }
0x22c: {  	[spmem:s2] =	stream.indirect.scatter.add.f32 [tilespmem:s20], [sflag:$0x3], $0x10, s21, s19, $0xb8;
	[tilespmem:$0xAF18] =	vst v63  }
0x22d: {  	_ = 	snop  }
0x22e: {  	[spmem:s2] =	stream.indirect.scatter.add.f32 [tilespmem:s20], [sflag:$0x4], $0x10, s22, s19, $0xb8;
	[tilespmem:$0xAF18] =	vst v63  }
0x22f: {  	_ =	swait.ge [sflag:s23], $0x800  }
0x230: {  	[sflag:s23] =	ssyncset.done $0x0  }
0x231: {  	[sflag:s23] =	ssyncadd.s32 $0xFFFFF800  }
0x232: {  	[spmem:s2] =	stream.indirect.scatter.add.f32 [tilespmem:s20], [sflag:$0x1], $0x10, s24, s19, $0xb8;
	[tilespmem:$0xAF18] =	vst v63  }
0x233: {  	_ =	swait.ge [sflag:s25], $0x800  }
0x234: {  	[sflag:s25] =	ssyncset.done $0x0  }
0x235: {  	[sflag:s25] =	ssyncadd.s32 $0xFFFFF800  }
0x236: {  	[spmem:s2] =	stream.indirect.scatter.add.f32 [tilespmem:s20], [sflag:$0x2], $0x10, s26, s19, $0xb8;
	[tilespmem:$0xAF18] =	vst v63  }
0x237: {  	_ =	swait.ge [sflag:s28], $0x800  }
0x238: {  	[sflag:s28] =	ssyncset.done $0x0  }
0x239: {  	[sflag:s28] =	ssyncadd.s32 $0xFFFFF800  }
0x23a: {  	[spmem:s2] =	stream.indirect.scatter.add.f32 [tilespmem:s20], [sflag:$0x3], $0x10, s29, s19, $0xb8;
	[tilespmem:$0xAF18] =	vst v63  }
0x23b: {  	_ =	swait.ge [sflag:s30], $0x800  }
0x23c: {  	[sflag:s30] =	ssyncset.done $0x0  }
0x23d: {  	[sflag:s30] =	ssyncadd.s32 $0xFFFFF800  }
0x23e: {  	[spmem:s2] =	stream.indirect.scatter.add.f32 [tilespmem:s20], [sflag:$0x4], $0x10, s31, s19, $0xb8;
	[tilespmem:$0xAF18] =	vst v63  }
0x23f: {  	_ =	swait.ge [sflag:s23], $0x800  }
0x240: {  	[sflag:s23] =	ssyncset.done $0x0  }
0x241: {  	[sflag:s23] =	ssyncadd.s32 $0xFFFFF800  }
0x242: {  	[spmem:s2] =	stream.indirect.scatter.add.f32 [tilespmem:s20], [sflag:$0x1], $0x10, s0, s19, $0xb8;
	[tilespmem:$0xAF18] =	vst v63  }
0x243: {  	_ =	swait.ge [sflag:s25], $0x800  }
0x244: {  	[sflag:s25] =	ssyncset.done $0x0  }
0x245: {  	[sflag:s25] =	ssyncadd.s32 $0xFFFFF800  }
0x246: {  	[spmem:s2] =	stream.indirect.scatter.add.f32 [tilespmem:s20], [sflag:$0x2], $0x10, s12, s19, $0xb8;
	[tilespmem:$0xAF18] =	vst v63  }
0x247: {  	_ =	swait.ge [sflag:s28], $0x800  }
0x248: {  	[sflag:s28] =	ssyncset.done $0x0  }
0x249: {  	[sflag:s28] =	ssyncadd.s32 $0xFFFFF800  }
0x24a: {  	[spmem:s2] =	stream.indirect.scatter.add.f32 [tilespmem:s20], [sflag:$0x3], $0x10, s13, s19, $0xb8;
	[tilespmem:$0xAF18] =	vst v63  }
0x24b: {  	_ =	swait.ge [sflag:s30], $0x800  }
0x24c: {  	[sflag:s30] =	ssyncset.done $0x0  }
0x24d: {  	[sflag:s30] =	ssyncadd.s32 $0xFFFFF800  }
0x24e: {  	[spmem:s2] =	stream.indirect.scatter.add.f32 [tilespmem:s20], [sflag:$0x4], $0x10, s4, s19, $0xb8;
	[tilespmem:$0xAF18] =	vst v63  }
0x24f: {  	_ =	swait.ge [sflag:s23], $0x800  }
0x250: {  	[sflag:s23] =	ssyncset.done $0x0  }
0x251: {  	[sflag:s23] =	ssyncadd.s32 $0xFFFFF800  }
0x252: {  	[spmem:s2] =	stream.indirect.scatter.add.f32 [tilespmem:s20], [sflag:$0x1], $0x10, s5, s19, $0xb8;
	[tilespmem:$0xAF18] =	vst v63  }
0x253: {  	_ =	swait.ge [sflag:s25], $0x800  }
0x254: {  	[sflag:s25] =	ssyncset.done $0x0  }
0x255: {  	[sflag:s25] =	ssyncadd.s32 $0xFFFFF800  }
0x256: {  	[spmem:s2] =	stream.indirect.scatter.add.f32 [tilespmem:s20], [sflag:$0x2], $0x10, s1, s19, $0xb8;
	[tilespmem:$0xAF18] =	vst v63  }
0x257: {  	_ =	swait.ge [sflag:s28], $0x800  }
0x258: {  	[sflag:s28] =	ssyncset.done $0x0  }
0x259: {  	[sflag:s28] =	ssyncadd.s32 $0xFFFFF800  }
0x25a: {  	[spmem:s2] =	stream.indirect.scatter.add.f32 [tilespmem:s20], [sflag:$0x3], $0x10, s7, s19, $0xb8;
	[tilespmem:$0xAF18] =	vst v63  }
0x25b: {  	_ =	swait.ge [sflag:s30], $0x800  }
0x25c: {  	[sflag:s30] =	ssyncset.done $0x0  }
0x25d: {  	[sflag:s30] =	ssyncadd.s32 $0xFFFFF800  }
0x25e: {  	[spmem:s2] =	stream.indirect.scatter.add.f32 [tilespmem:s20], [sflag:$0x4], $0x10, s8, s19, $0xb8;
	[tilespmem:$0xAF18] =	vst v63  }
0x25f: {  	_ =	swait.ge [sflag:s23], $0x800  }
0x260: {  	[sflag:s23] =	ssyncset.done $0x0  }
0x261: {  	[sflag:s23] =	ssyncadd.s32 $0xFFFFF800  }
0x262: {  	_ =	swait.ge [sflag:s25], $0x800  }
0x263: {  	[sflag:s25] =	ssyncset.done $0x0  }
0x264: {  	[sflag:s25] =	ssyncadd.s32 $0xFFFFF800  }
0x265: {  	_ =	swait.ge [sflag:s28], $0x800  }
0x266: {  	[sflag:s28] =	ssyncset.done $0x0  }
0x267: {  	[sflag:s28] =	ssyncadd.s32 $0xFFFFF800  }
0x268: {  	_ =	swait.ge [sflag:s30], $0x800  }
0x269: {  	s10 =	simm.s32 $0x100;
	s14 =	simm.s32 $0x200;
	[sflag:s30] =	ssyncset.done $0x0  }
.LBB2_3:
0x26a: {  	s6 =	sadd.s32 s10, s15  }
0x26b: {  	[sflag:s30] =	ssyncadd.s32 $0xFFFFF800;
	s10 =	smov.u32 s14;
	s11 =	sadd.s32 $0x100, s14  }
0x26c: {  	[tilespmem:s3], [sflag:$0x5] =	stream.linear.gather [hbm4b:s6+s3], $0x800, $0x38;
	[tilespmem:$0xAF18] =	vst v63  }
0x26d: {  	p3 =	sne.s32 s14, $0x900;
	_ =	swait.ge [sflag:s18], $0x800  }
0x26e: {  	[sflag:s18] =	ssyncset.done $0x0  }
0x26f: {  	[sflag:s18] =	ssyncadd.s32 $0xFFFFF800  }
0x270: {  	[spmem:s2] =	stream.indirect.scatter.add.f32 [tilespmem:s20], [sflag:$0x1], $0x10, s3, s19, $0xb8;
	[tilespmem:$0xAF18] =	vst v63  }
0x271: {  	_ = 	snop  }
0x272: {  	[spmem:s2] =	stream.indirect.scatter.add.f32 [tilespmem:s20], [sflag:$0x2], $0x10, s19, s19, $0xb8;
	[tilespmem:$0xAF18] =	vst v63  }
0x273: {  	_ = 	snop  }
0x274: {  	[spmem:s2] =	stream.indirect.scatter.add.f32 [tilespmem:s20], [sflag:$0x3], $0x10, s21, s19, $0xb8;
	[tilespmem:$0xAF18] =	vst v63  }
0x275: {  	_ = 	snop  }
0x276: {  	[spmem:s2] =	stream.indirect.scatter.add.f32 [tilespmem:s20], [sflag:$0x4], $0x10, s22, s19, $0xb8;
	[tilespmem:$0xAF18] =	vst v63  }
0x277: {  	_ =	swait.ge [sflag:s23], $0x800  }
0x278: {  	[sflag:s23] =	ssyncset.done $0x0  }
0x279: {  	[sflag:s23] =	ssyncadd.s32 $0xFFFFF800  }
0x27a: {  	[spmem:s2] =	stream.indirect.scatter.add.f32 [tilespmem:s20], [sflag:$0x1], $0x10, s24, s19, $0xb8;
	[tilespmem:$0xAF18] =	vst v63  }
0x27b: {  	_ =	swait.ge [sflag:s25], $0x800  }
0x27c: {  	[sflag:s25] =	ssyncset.done $0x0  }
0x27d: {  	[sflag:s25] =	ssyncadd.s32 $0xFFFFF800  }
0x27e: {  	[spmem:s2] =	stream.indirect.scatter.add.f32 [tilespmem:s20], [sflag:$0x2], $0x10, s26, s19, $0xb8;
	[tilespmem:$0xAF18] =	vst v63  }
0x27f: {  	_ =	swait.ge [sflag:s28], $0x800  }
0x280: {  	[sflag:s28] =	ssyncset.done $0x0  }
0x281: {  	[sflag:s28] =	ssyncadd.s32 $0xFFFFF800  }
0x282: {  	[spmem:s2] =	stream.indirect.scatter.add.f32 [tilespmem:s20], [sflag:$0x3], $0x10, s29, s19, $0xb8;
	[tilespmem:$0xAF18] =	vst v63  }
0x283: {  	_ =	swait.ge [sflag:s30], $0x800  }
0x284: {  	[sflag:s30] =	ssyncset.done $0x0  }
0x285: {  	[sflag:s30] =	ssyncadd.s32 $0xFFFFF800  }
0x286: {  	[spmem:s2] =	stream.indirect.scatter.add.f32 [tilespmem:s20], [sflag:$0x4], $0x10, s31, s19, $0xb8;
	[tilespmem:$0xAF18] =	vst v63  }
0x287: {  	_ =	swait.ge [sflag:s23], $0x800  }
0x288: {  	[sflag:s23] =	ssyncset.done $0x0  }
0x289: {  	[sflag:s23] =	ssyncadd.s32 $0xFFFFF800  }
0x28a: {  	[spmem:s2] =	stream.indirect.scatter.add.f32 [tilespmem:s20], [sflag:$0x1], $0x10, s0, s19, $0xb8;
	[tilespmem:$0xAF18] =	vst v63  }
0x28b: {  	_ =	swait.ge [sflag:s25], $0x800  }
0x28c: {  	[sflag:s25] =	ssyncset.done $0x0  }
0x28d: {  	[sflag:s25] =	ssyncadd.s32 $0xFFFFF800  }
0x28e: {  	[spmem:s2] =	stream.indirect.scatter.add.f32 [tilespmem:s20], [sflag:$0x2], $0x10, s12, s19, $0xb8;
	[tilespmem:$0xAF18] =	vst v63  }
0x28f: {  	_ =	swait.ge [sflag:s28], $0x800  }
0x290: {  	[sflag:s28] =	ssyncset.done $0x0  }
0x291: {  	[sflag:s28] =	ssyncadd.s32 $0xFFFFF800  }
0x292: {  	[spmem:s2] =	stream.indirect.scatter.add.f32 [tilespmem:s20], [sflag:$0x3], $0x10, s13, s19, $0xb8;
	[tilespmem:$0xAF18] =	vst v63  }
0x293: {  	_ =	swait.ge [sflag:s30], $0x800  }
0x294: {  	[sflag:s30] =	ssyncset.done $0x0  }
0x295: {  	[sflag:s30] =	ssyncadd.s32 $0xFFFFF800  }
0x296: {  	[spmem:s2] =	stream.indirect.scatter.add.f32 [tilespmem:s20], [sflag:$0x4], $0x10, s4, s19, $0xb8;
	[tilespmem:$0xAF18] =	vst v63  }
0x297: {  	_ =	swait.ge [sflag:s23], $0x800  }
0x298: {  	[sflag:s23] =	ssyncset.done $0x0  }
0x299: {  	[sflag:s23] =	ssyncadd.s32 $0xFFFFF800  }
0x29a: {  	[spmem:s2] =	stream.indirect.scatter.add.f32 [tilespmem:s20], [sflag:$0x1], $0x10, s5, s19, $0xb8;
	[tilespmem:$0xAF18] =	vst v63  }
0x29b: {  	_ =	swait.ge [sflag:s25], $0x800  }
0x29c: {  	[sflag:s25] =	ssyncset.done $0x0  }
0x29d: {  	[sflag:s25] =	ssyncadd.s32 $0xFFFFF800  }
0x29e: {  	[spmem:s2] =	stream.indirect.scatter.add.f32 [tilespmem:s20], [sflag:$0x2], $0x10, s1, s19, $0xb8;
	[tilespmem:$0xAF18] =	vst v63  }
0x29f: {  	_ =	swait.ge [sflag:s28], $0x800  }
0x2a0: {  	[sflag:s28] =	ssyncset.done $0x0  }
0x2a1: {  	[sflag:s28] =	ssyncadd.s32 $0xFFFFF800  }
0x2a2: {  	[spmem:s2] =	stream.indirect.scatter.add.f32 [tilespmem:s20], [sflag:$0x3], $0x10, s7, s19, $0xb8;
	[tilespmem:$0xAF18] =	vst v63  }
0x2a3: {  	_ =	swait.ge [sflag:s30], $0x800  }
0x2a4: {  	[sflag:s30] =	ssyncset.done $0x0  }
0x2a5: {  	[sflag:s30] =	ssyncadd.s32 $0xFFFFF800  }
0x2a6: {  	[spmem:s2] =	stream.indirect.scatter.add.f32 [tilespmem:s20], [sflag:$0x4], $0x10, s8, s19, $0xb8;
	[tilespmem:$0xAF18] =	vst v63  }
0x2a7: {  	_ =	swait.ge [sflag:s23], $0x800  }
0x2a8: {  	[sflag:s23] =	ssyncset.done $0x0  }
0x2a9: {  	[sflag:s23] =	ssyncadd.s32 $0xFFFFF800  }
0x2aa: {  	_ =	swait.ge [sflag:s25], $0x800  }
0x2ab: {  	[sflag:s25] =	ssyncset.done $0x0  }
0x2ac: {  	[sflag:s25] =	ssyncadd.s32 $0xFFFFF800  }
.Ltmp6:
0x2ad: {  	_ =	swait.ge [sflag:s28], $0x800;
	(pc) =	sbr.rel @p3 .LBB2_3-.Ltmp6, $4  }
0x2ae: {  	[sflag:s28] =	ssyncset.done $0x0  }
0x2af: {  	[sflag:s28] =	ssyncadd.s32 $0xFFFFF800  }
0x2b0: {  	_ =	swait.ge [sflag:s30], $0x800  }
0x2b1: {  	s14 =	smov.u32 s11;
	[sflag:s30] =	ssyncset.done $0x0  }
0x2b2: {  	s6 =	sadd.s32 s10, s15;
	[sflag:s30] =	ssyncadd.s32 $0xFFFFF800  }
0x2b3: {  	[tilespmem:s3], [sflag:$0x5] =	stream.linear.gather [hbm4b:s6+s3], $0x800, $0x38;
	[tilespmem:$0xAF18] =	vst v63  }
0x2b4: {  	_ =	swait.ge [sflag:s18], $0x800  }
0x2b5: {  	[sflag:s18] =	ssyncset.done $0x0  }
0x2b6: {  	[sflag:s18] =	ssyncadd.s32 $0xFFFFF800  }
0x2b7: {  	[spmem:s2] =	stream.indirect.scatter.add.f32 [tilespmem:s20], [sflag:$0x1], $0x10, s3, s19, $0xb8;
	[tilespmem:$0xAF18] =	vst v63  }
0x2b8: {  	_ = 	snop  }
0x2b9: {  	[spmem:s2] =	stream.indirect.scatter.add.f32 [tilespmem:s20], [sflag:$0x2], $0x10, s19, s19, $0xb8;
	[tilespmem:$0xAF18] =	vst v63  }
0x2ba: {  	_ = 	snop  }
0x2bb: {  	[spmem:s2] =	stream.indirect.scatter.add.f32 [tilespmem:s20], [sflag:$0x3], $0x10, s21, s19, $0xb8;
	[tilespmem:$0xAF18] =	vst v63  }
0x2bc: {  	_ = 	snop  }
0x2bd: {  	[spmem:s2] =	stream.indirect.scatter.add.f32 [tilespmem:s20], [sflag:$0x4], $0x10, s22, s19, $0xb8;
	[tilespmem:$0xAF18] =	vst v63  }
0x2be: {  	_ =	swait.ge [sflag:s23], $0x800  }
0x2bf: {  	[sflag:s23] =	ssyncset.done $0x0  }
0x2c0: {  	[sflag:s23] =	ssyncadd.s32 $0xFFFFF800  }
0x2c1: {  	[spmem:s2] =	stream.indirect.scatter.add.f32 [tilespmem:s20], [sflag:$0x1], $0x10, s24, s19, $0xb8;
	[tilespmem:$0xAF18] =	vst v63  }
0x2c2: {  	_ =	swait.ge [sflag:s25], $0x800  }
0x2c3: {  	[sflag:s25] =	ssyncset.done $0x0  }
0x2c4: {  	[sflag:s25] =	ssyncadd.s32 $0xFFFFF800  }
0x2c5: {  	[spmem:s2] =	stream.indirect.scatter.add.f32 [tilespmem:s20], [sflag:$0x2], $0x10, s26, s19, $0xb8;
	[tilespmem:$0xAF18] =	vst v63  }
0x2c6: {  	_ =	swait.ge [sflag:s28], $0x800  }
0x2c7: {  	[sflag:s28] =	ssyncset.done $0x0  }
0x2c8: {  	[sflag:s28] =	ssyncadd.s32 $0xFFFFF800  }
0x2c9: {  	[spmem:s2] =	stream.indirect.scatter.add.f32 [tilespmem:s20], [sflag:$0x3], $0x10, s29, s19, $0xb8;
	[tilespmem:$0xAF18] =	vst v63  }
0x2ca: {  	_ =	swait.ge [sflag:s30], $0x800  }
0x2cb: {  	[sflag:s30] =	ssyncset.done $0x0  }
0x2cc: {  	[sflag:s30] =	ssyncadd.s32 $0xFFFFF800  }
0x2cd: {  	[spmem:s2] =	stream.indirect.scatter.add.f32 [tilespmem:s20], [sflag:$0x4], $0x10, s31, s19, $0xb8;
	[tilespmem:$0xAF18] =	vst v63  }
0x2ce: {  	_ =	swait.ge [sflag:s23], $0x800  }
0x2cf: {  	[sflag:s23] =	ssyncset.done $0x0  }
0x2d0: {  	[sflag:s23] =	ssyncadd.s32 $0xFFFFF800  }
0x2d1: {  	[spmem:s2] =	stream.indirect.scatter.add.f32 [tilespmem:s20], [sflag:$0x1], $0x10, s0, s19, $0xb8;
	[tilespmem:$0xAF18] =	vst v63  }
0x2d2: {  	_ =	swait.ge [sflag:s25], $0x800  }
0x2d3: {  	[sflag:s25] =	ssyncset.done $0x0  }
0x2d4: {  	[sflag:s25] =	ssyncadd.s32 $0xFFFFF800  }
0x2d5: {  	[spmem:s2] =	stream.indirect.scatter.add.f32 [tilespmem:s20], [sflag:$0x2], $0x10, s12, s19, $0xb8;
	[tilespmem:$0xAF18] =	vst v63  }
0x2d6: {  	_ =	swait.ge [sflag:s28], $0x800  }
0x2d7: {  	[sflag:s28] =	ssyncset.done $0x0  }
0x2d8: {  	[sflag:s28] =	ssyncadd.s32 $0xFFFFF800  }
0x2d9: {  	[spmem:s2] =	stream.indirect.scatter.add.f32 [tilespmem:s20], [sflag:$0x3], $0x10, s13, s19, $0xb8;
	[tilespmem:$0xAF18] =	vst v63  }
0x2da: {  	_ =	swait.ge [sflag:s30], $0x800  }
0x2db: {  	[sflag:s30] =	ssyncset.done $0x0  }
0x2dc: {  	[sflag:s30] =	ssyncadd.s32 $0xFFFFF800  }
0x2dd: {  	[spmem:s2] =	stream.indirect.scatter.add.f32 [tilespmem:s20], [sflag:$0x4], $0x10, s4, s19, $0xb8;
	[tilespmem:$0xAF18] =	vst v63  }
0x2de: {  	_ =	swait.ge [sflag:s23], $0x800  }
0x2df: {  	[sflag:s23] =	ssyncset.done $0x0  }
0x2e0: {  	[sflag:s23] =	ssyncadd.s32 $0xFFFFF800  }
0x2e1: {  	[spmem:s2] =	stream.indirect.scatter.add.f32 [tilespmem:s20], [sflag:$0x1], $0x10, s5, s19, $0xb8;
	[tilespmem:$0xAF18] =	vst v63  }
0x2e2: {  	_ =	swait.ge [sflag:s25], $0x800  }
0x2e3: {  	[sflag:s25] =	ssyncset.done $0x0  }
0x2e4: {  	[sflag:s25] =	ssyncadd.s32 $0xFFFFF800  }
0x2e5: {  	[spmem:s2] =	stream.indirect.scatter.add.f32 [tilespmem:s20], [sflag:$0x2], $0x10, s1, s19, $0xb8;
	[tilespmem:$0xAF18] =	vst v63  }
0x2e6: {  	_ =	swait.ge [sflag:s28], $0x800  }
0x2e7: {  	[sflag:s28] =	ssyncset.done $0x0  }
0x2e8: {  	[sflag:s28] =	ssyncadd.s32 $0xFFFFF800  }
0x2e9: {  	[spmem:s2] =	stream.indirect.scatter.add.f32 [tilespmem:s20], [sflag:$0x3], $0x10, s7, s19, $0xb8;
	[tilespmem:$0xAF18] =	vst v63  }
0x2ea: {  	_ =	swait.ge [sflag:s30], $0x800  }
0x2eb: {  	[sflag:s30] =	ssyncset.done $0x0  }
0x2ec: {  	[sflag:s30] =	ssyncadd.s32 $0xFFFFF800  }
0x2ed: {  	[spmem:s2] =	stream.indirect.scatter.add.f32 [tilespmem:s20], [sflag:$0x4], $0x10, s8, s19, $0xb8;
	[tilespmem:$0xAF18] =	vst v63  }
0x2ee: {  	_ =	swait.ge [sflag:s23], $0x800  }
0x2ef: {  	[sflag:s23] =	ssyncset.done $0x0  }
0x2f0: {  	[sflag:s23] =	ssyncadd.s32 $0xFFFFF800  }
0x2f1: {  	_ =	swait.ge [sflag:s25], $0x800  }
0x2f2: {  	[sflag:s25] =	ssyncset.done $0x0  }
0x2f3: {  	[sflag:s25] =	ssyncadd.s32 $0xFFFFF800  }
0x2f4: {  	_ =	swait.ge [sflag:s28], $0x800  }
0x2f5: {  	[sflag:s28] =	ssyncset.done $0x0  }
0x2f6: {  	[sflag:s28] =	ssyncadd.s32 $0xFFFFF800  }
0x2f7: {  	_ =	swait.ge [sflag:s30], $0x800  }
0x2f8: {  	[sflag:s30] =	ssyncset.done $0x0  }
0x2f9: {  	s14 =	stileid.u32;
	[sflag:s30] =	ssyncadd.s32 $0xFFFFF800  }
0x2fa: {  	s6 =	sshll.u32 s14, $0x6;
	s14 =	smov.u32 s17;
	[bflag:$0x0] =	sbarrier.arrive $0xFFFF  }
0x2fb: {  	s17 =	sshrl.u32 s17, $0x3;
	s10 =	sor.u32 $0x1C05, s6;
	s11 =	rddreg [dreg:$0xc]  }
0x2fc: {  	[hbm:s11], [sflag:s10] =	dma.local [spmem:s17], $0x2700  }
.Ltmp7:
0x2fd: {  	_ = 	snop;
	(pc) =	sbr.rel @p2 .LBB2_8-.Ltmp7, $4  }
.Ltmp8:
0x2fe: {  	_ = 	snop;
	(pc) =	sbr.rel @!p2 .LBB2_9-.Ltmp8, $4  }
0x2ff: {  	_ =	swait.ge [sflag:s18], $0x2700  }
0x300: {  	[sflag:s18] =	ssyncset.done $0x0  }
0x301: {  	s11 =	rddreg [dreg:$0x5];
	[sflag:s18] =	ssyncadd.s32 $0xFFFFD900  }
0x302: {  	_ = 	snop  }
.LBB2_10:
0x303: {  	_ =	sfence.sel $0x180000  }
0x304: {  	[bflag:$0x0] =	sbarrier.arrive $0xFFFF  }
0x305: {  	_ =	strace $0x90000047  }
0x306: {  	s0 =	stileid.u32;
	[bflag:$0x2] =	sbarrier.arrive $0xFFFF  }
0x307: {  	p0 =	sne.s32 s0, $0x0;
	s0 =	rddreg [dreg:$0x4]  }
0x308: {  	s0 =	sadd.s32 @!p0 $0x100000, s0  }
0x309: {  	[sflag:s0] =	ssyncadd.tile.s32 @!p0 $0x1;
	_ =	shalt  }
.Lfunc_end2:
_tile_overlayer_lowered:
.L_overlay_start_2:
0x30a: {  	(tag) =	ssettag $0x2  }
0x30b: {  	s0 =	rddreg [dreg:$0x0];
	s2 =	stileid.u32  }
0x30c: {  	s1 =	rddreg [dreg:$0x1];
	p0 =	sne.s32 s2, $0x0  }
0x30d: {  	s3 =	rddreg [dreg:$0x2];
	[bflag:$0x3] =	sbarrier.arrive $0xFFFF;
	s2 =	simm.s32 @!p0 $0x1C05  }
0x30e: {  	[timem:s3], [sflag:s2] =	dma.local @!p0 [hbm:s0], s1  }
0x30f: {  	s0 =	simm.s32 @!p0 $0x5  }
0x310: {  	_ =	swait.ge @!p0 [sflag:s0], s1  }
0x311: {  	s1 =	ssub.s32 @!p0 $0x0, s1;
	[sflag:s0] =	ssyncset.done @!p0 $0x0  }
0x312: {  	[sflag:s0] =	ssyncadd.s32 @!p0 s1  }
0x313: {  	[bflag:$0x3] =	sbarrier.arrive $0xFFFF  }
0x314: {  	_ =	shalt  }

</sc_bundles>
